<compile_context>
chip_gen: v7x
topology: tpu7x:2x2x1
jax: 0.10.2.dev20260603
libtpu: 0.0.44.dev20260713+nightly
codegen_flags: <defaults>
</compile_context>

<pallas_src>
import jax
import jax.numpy as jnp
from jax import lax
from jax.experimental import pallas as pl
from jax.experimental.pallas import tpu as pltpu
from jax.experimental.pallas import tpu_sc as plsc

DIM = 32
NROW = 4096
NCOL = 200

_info = plsc.get_sparse_core_info()
NC = _info.num_cores
NS = _info.num_subcores
NW = NC * NS

RT = NCOL // 8
CT = NROW // 128
ST = DIM // 8

CHUNK = 1024
TPC = CHUNK // 128
NCH = (RT * 8 * 128) // CHUNK


def _gather_body(idxp_hbm, table_hbm, out_hbm,
                 idx_v, rows_v, outt_v, gsem, ssem0, ssem1):
    ct = lax.axis_index("s") * NC + lax.axis_index("c")
    ssem = (ssem0, ssem1)

    pltpu.sync_copy(idxp_hbm.at[:, ct], idx_v)

    lane = lax.iota(jnp.int32, 16)

    def start_gather(c, b):
        pltpu.make_async_copy(
            table_hbm.at[idx_v.at[c]],
            rows_v.at[pl.ds(pl.multiple_of(b * CHUNK, 8), CHUNK), :],
            gsem,
        ).start()

    def wait_gather():
        pltpu.make_async_copy(
            table_hbm.at[idx_v.at[0]],
            rows_v.at[pl.ds(0, CHUNK), :],
            gsem,
        ).wait()

    def start_store(t, o):
        for st in range(ST):
            pltpu.make_async_copy(
                outt_v.at[pl.ds(pl.multiple_of(o * (DIM * 128) + st * 1024, 8),
                                1024)],
                out_hbm.at[t, st, ct],
                ssem[o],
            ).start()

    def wait_store(o):
        for st in range(ST):
            pltpu.make_async_copy(
                outt_v.at[pl.ds(st * 1024, 1024)],
                out_hbm.at[0, st, ct],
                ssem[o],
            ).wait()

    W = 4

    def transpose(row0, obase):
        off = pl.multiple_of(obase, 8)
        dst = outt_v.at[pl.ds(off, DIM * 128)]

        def block(i0, carry):
            for h in range(2):
                sv = lane + h * 16
                sv128 = sv * 128 + i0

                def rot(j):
                    return (lane + j) & 15

                def load(j):
                    return plsc.load_gather(rows_v, [row0 + i0 + rot(j), sv])

                xs = [load(j) for j in range(W)]
                for j in range(16):
                    if j + W < 16:
                        xs.append(load(j + W))
                    plsc.store_scatter(dst, [sv128 + rot(j)], xs[j])
            return carry

        lax.fori_loop(0, 128 // 16, lambda i, c: block(i * 16, c), 0)

    start_gather(0, 0)

    def chunk(c, carry):
        b = lax.rem(c, 2)
        wait_gather()
        start_gather(lax.rem(c + 1, NCH), lax.rem(c + 1, 2))

        def tile(ts, carry2):
            t = c * TPC + ts
            o = lax.rem(t, 2)

            @pl.when(t >= 2)
            def _():
                @pl.when(o == 0)
                def _():
                    wait_store(0)

                @pl.when(o == 1)
                def _():
                    wait_store(1)

            transpose(b * CHUNK + ts * 128, o * (DIM * 128))

            @pl.when(o == 0)
            def _():
                start_store(t, 0)

            @pl.when(o == 1)
            def _():
                start_store(t, 1)

            return carry2

        lax.fori_loop(0, TPC, tile, 0)
        return carry

    lax.fori_loop(0, NCH, chunk, 0)

    wait_gather()
    wait_store(0)
    wait_store(1)


_mesh = plsc.VectorSubcoreMesh(core_axis_name="c", subcore_axis_name="s")

NTC = 1000000 // 128
TAIL = 1000000 - NTC * 128


def _detile_body(tabt_hbm, t2_hbm, a_v, b_v, at_v, bt_v, isem, osem0, osem1):
    w = lax.axis_index("s") * NC + lax.axis_index("c")
    osem = (osem0, osem1)
    start = w * 244 + lax.min(w, 4)
    n = 244 + jnp.where(w < 4, 1, 0)

    lane = lax.iota(jnp.int32, 16)

    def start_read(c):
        col = lax.min(start + c, start + n - 1) * 128
        pltpu.make_async_copy(
            tabt_hbm.at[:, pl.ds(pl.multiple_of(col, 128), 128)],
            a_v.at[lax.rem(c, 2)], isem,
        ).start()

    def wait_read():
        pltpu.make_async_copy(
            tabt_hbm.at[:, pl.ds(0, 128)], a_v.at[0], isem
        ).wait()

    rots = [(lane + j) & 15 for j in range(16)]
    rotd4 = [lax.shift_right_logical(r, 2) for r in rots]
    colb = [lax.shift_left(r & 3, 5) for r in rots]

    def transpose_col(b):
        src = a_v.at[b]
        dst = b_v.at[b]

        def block(blk, carry):
            cc0 = blk * 16
            cq = blk * 4
            for h in range(2):
                sv = lane + h * 16
                xs = [plsc.load_gather(src, [sv, cc0 + rots[j]])
                      for j in range(4)]
                for j in range(16):
                    if j + 4 < 16:
                        xs.append(
                            plsc.load_gather(src, [sv, cc0 + rots[j + 4]]))
                    plsc.store_scatter(
                        dst, [cq + rotd4[j], colb[j] + sv], xs[j])
            return carry

        lax.fori_loop(0, 8, block, 0)

    start_read(0)

    def col_loop(c, carry):
        b = lax.rem(c, 2)
        wait_read()
        start_read(c + 1)
        transpose_col(b)
        sj = (start + c) * 32

        @pl.when(c >= 2)
        def _():
            @pl.when(b == 0)
            def _():
                pltpu.make_async_copy(
                    b_v.at[0], t2_hbm.at[pl.ds(0, 32), :], osem0
                ).wait()

            @pl.when(b == 1)
            def _():
                pltpu.make_async_copy(
                    b_v.at[1], t2_hbm.at[pl.ds(0, 32), :], osem1
                ).wait()

        @pl.when(b == 0)
        def _():
            pltpu.make_async_copy(
                b_v.at[0],
                t2_hbm.at[pl.ds(pl.multiple_of(sj, 8), 32), :], osem0
            ).start()

        @pl.when(b == 1)
        def _():
            pltpu.make_async_copy(
                b_v.at[1],
                t2_hbm.at[pl.ds(pl.multiple_of(sj, 8), 32), :], osem1
            ).start()

        return carry

    lax.fori_loop(0, n, col_loop, 0)
    wait_read()
    pltpu.make_async_copy(b_v.at[0], t2_hbm.at[pl.ds(0, 32), :], osem0).wait()
    pltpu.make_async_copy(b_v.at[1], t2_hbm.at[pl.ds(0, 32), :], osem1).wait()

    @pl.when(w == NW - 1)
    def _():
        pltpu.sync_copy(tabt_hbm.at[:, pl.ds(NTC * 128, TAIL)], at_v)

        def tblock(blk, carry):
            cc0 = blk * 16
            for h in range(2):
                sv = lane + h * 16
                for j in range(16):
                    rot = (lane + j) & 15
                    x = plsc.load_gather(at_v, [sv, cc0 + rot])
                    t = cc0 + rot
                    plsc.store_scatter(
                        bt_v, [lax.shift_right_logical(t, 2),
                               lax.shift_left(t & 3, 5) + sv], x)
            return carry

        lax.fori_loop(0, TAIL // 16, tblock, 0)
        pltpu.sync_copy(bt_v, t2_hbm.at[pl.ds(250000 - TAIL // 4, TAIL // 4), :])


_detile = pl.kernel(
    _detile_body,
    out_type=jax.ShapeDtypeStruct((250000, 128), jnp.float32),
    mesh=_mesh,
    scratch_types=[
        pltpu.VMEM((2, 32, 128), jnp.float32),
        pltpu.VMEM((2, 32, 128), jnp.float32),
        pltpu.VMEM((32, TAIL), jnp.float32),
        pltpu.VMEM((TAIL // 4, 128), jnp.float32),
        pltpu.SemaphoreType.DMA,
        pltpu.SemaphoreType.DMA,
        pltpu.SemaphoreType.DMA,
    ],
    compiler_params=pltpu.CompilerParams(
        use_tc_tiling_on_sc=True, needs_layout_passes=False
    ),
)

_gather = pl.kernel(
    _gather_body,
    out_type=jax.ShapeDtypeStruct((NCOL, ST, CT, 1024), jnp.float32),
    mesh=_mesh,
    scratch_types=[
        pltpu.VMEM((RT, CHUNK), jnp.int32),
        pltpu.VMEM((2 * CHUNK, DIM), jnp.float32),
        pltpu.VMEM((2 * DIM * 128,), jnp.float32),
        pltpu.SemaphoreType.DMA,
        pltpu.SemaphoreType.DMA,
        pltpu.SemaphoreType.DMA,
    ],
    compiler_params=pltpu.CompilerParams(
        use_tc_tiling_on_sc=False, needs_layout_passes=False
    ),
)


@jax.jit
def kernel(data, table):
    dataP = data.T.reshape(RT, 8, CT, 128).transpose(0, 2, 1, 3).reshape(RT, CT, 1024)
    t2 = _detile(table.T)
    table_lin = t2.reshape(1000000, DIM)
    o4 = _gather(dataP.astype(jnp.int32), table_lin)
    o5 = o4.reshape(NCOL, ST, CT, 8, 128)
    out = o5.transpose(2, 4, 0, 1, 3).reshape(NROW, NCOL, DIM)
    return out

# --- scband reference (transcript-rebuilt; emitter-appended) ---
"""Pipeline reference for scband-embeder-9517647528303 (READ-ONLY COPY).

The authoritative reference and input builder live on the scoring server;
editing this copy changes nothing except your own understanding.
"""

import jax, jax.numpy as jnp
import numpy as np

NUM_EMB = 1000000
EMB_DIM = 32
PADDING_IDX = 0

def setup_inputs(seed: int = 0) -> dict:
    key = jax.random.key(seed)
    k_idx, k_tab = jax.random.split(key)
    data = jax.random.randint(k_idx, (4096, 200), 0, NUM_EMB, dtype=jnp.int64 if jax.config.jax_enable_x64 else jnp.int32)
    table = jax.random.normal(k_tab, (NUM_EMB, EMB_DIM), dtype=jnp.float32)
    # nn.Embedding with padding_idx initializes the padding row to zeros
    table = table.at[PADDING_IDX].set(0.0)
    return {"data": data, "table": table}

def reference(data, table):
    # Faithful translation of nn.Embedding forward: row gather from the table.
    embedding = jnp.take(table, data, axis=0)
    return embedding

if __name__ == "__main__":
    import jax
    _d = setup_inputs()
    print(jax.jit(kernel)(*tuple(_d.values())))

</pallas_src>

<mosaic_0001>
#map = affine_map<(d0, d1) -> (0, 0, 0)>
#map1 = affine_map<(d0, d1) -> (0, 0)>
#map2 = affine_map<(d0, d1) -> (0, 0, 0, 0)>
module attributes {stable_mosaic.version = 14 : i64} {
  func.func @_gather_body(%arg0: i32, %arg1: i32, %arg2: memref<25x32x1024xi32, #tpu.memory_space<hbm>>, %arg3: memref<1000000x32xf32, #tpu.memory_space<hbm>>, %arg4: memref<200x4x32x1024xf32, #tpu.memory_space<hbm>>, %arg5: memref<25x1024xi32, #tpu.memory_space<vmem>>, %arg6: memref<2048x32xf32, #tpu.memory_space<vmem>>, %arg7: memref<8192xf32, #tpu.memory_space<vmem>>, %arg8: memref<!tpu.dma_semaphore, #tpu.memory_space<semaphore_mem>>, %arg9: memref<!tpu.dma_semaphore, #tpu.memory_space<semaphore_mem>>, %arg10: memref<!tpu.dma_semaphore, #tpu.memory_space<semaphore_mem>>) attributes {dimension_semantics = [#tpu.dimension_semantics<core_parallel>, #tpu.dimension_semantics<subcore_parallel>], iteration_bounds = array<i64: 2, 16>, scalar_prefetch = 0 : i64, scratch_operands = 6 : i64, tpu.core_type = #tpu.core_type<sc_vector_subcore>, window_params = [{transform_indices = #map}, {transform_indices = #map1}, {transform_indices = #map2}]} {
    %mul3A = arith.constant 2 : i32
    %mul3A_0 = arith.muli %arg1, %mul3A : i32
    %add3A = arith.addi %mul3A_0, %arg0 : i32
    "tpu.region"() ({
      %run_scoped3A = tpu.sem_alloc : memref<!tpu.dma_semaphore, #tpu.memory_space<semaphore_mem>>
      %dma_start3A_120 = arith.constant 0 : i32
      %dma_start3A_121 = arith.constant 0 : i32
      %dma_start3A_122 = tpu.memref_slice %arg2[%dma_start3A_120, %add3A, %dma_start3A_121] : memref<25x32x1024xi32, #tpu.memory_space<hbm>> -> memref<25x1x1024xi32, #tpu.memory_space<hbm>>
      %dma_start3A_123 = tpu.memref_squeeze %dma_start3A_122 : memref<25x1x1024xi32, #tpu.memory_space<hbm>> -> memref<25x1024xi32, #tpu.memory_space<hbm>>
      %dma_start3A_124 = arith.constant 0 : i32
      %dma_start3A_125 = arith.constant 0 : i32
      %dma_start3A_126 = tpu.memref_slice %arg2[%dma_start3A_124, %add3A, %dma_start3A_125] : memref<25x32x1024xi32, #tpu.memory_space<hbm>> -> memref<25x1x1024xi32, #tpu.memory_space<hbm>>
      %dma_start3A_127 = tpu.memref_squeeze %dma_start3A_126 : memref<25x1x1024xi32, #tpu.memory_space<hbm>> -> memref<25x1024xi32, #tpu.memory_space<hbm>>
      tpu.enqueue_dma source(%dma_start3A_127 : memref<25x1024xi32, #tpu.memory_space<hbm>>) target(%arg5 : memref<25x1024xi32, #tpu.memory_space<vmem>>) target_semaphore(%run_scoped3A : memref<!tpu.dma_semaphore, #tpu.memory_space<semaphore_mem>>)
      %dma_wait3A_128 = arith.constant 0 : i32
      %dma_wait3A_129 = arith.constant 0 : i32
      %dma_wait3A_130 = tpu.memref_slice %arg2[%dma_wait3A_128, %add3A, %dma_wait3A_129] : memref<25x32x1024xi32, #tpu.memory_space<hbm>> -> memref<25x1x1024xi32, #tpu.memory_space<hbm>>
      %dma_wait3A_131 = tpu.memref_squeeze %dma_wait3A_130 : memref<25x1x1024xi32, #tpu.memory_space<hbm>> -> memref<25x1024xi32, #tpu.memory_space<hbm>>
      %dma_wait3A_132 = arith.constant 0 : i32
      %dma_wait3A_133 = arith.constant 0 : i32
      %dma_wait3A_134 = tpu.memref_slice %arg2[%dma_wait3A_132, %add3A, %dma_wait3A_133] : memref<25x32x1024xi32, #tpu.memory_space<hbm>> -> memref<25x1x1024xi32, #tpu.memory_space<hbm>>
      %dma_wait3A_135 = tpu.memref_squeeze %dma_wait3A_134 : memref<25x1x1024xi32, #tpu.memory_space<hbm>> -> memref<25x1024xi32, #tpu.memory_space<hbm>>
      tpu.wait_dma2 semaphore(%run_scoped3A : memref<!tpu.dma_semaphore, #tpu.memory_space<semaphore_mem>>) src(%dma_wait3A_135 : memref<25x1024xi32, #tpu.memory_space<hbm>>) dst(%arg5 : memref<25x1024xi32, #tpu.memory_space<vmem>>)
      tpu.yield
    }) : () -> ()
    %iota3A = tpu.iota {dimensions = array<i32: 0>} : vector<16xi32>
    %multiple_of3A = arith.constant 0 : i32
    %multiple_of3A_1 = tpu.assume_multiple %multiple_of3A, 8 : i32
    %dma_start3A = arith.constant 0 : i32
    %dma_start3A_2 = arith.constant 0 : i32
    %dma_start3A_3 = tpu.memref_slice %arg6[%multiple_of3A_1, %dma_start3A_2] : memref<2048x32xf32, #tpu.memory_space<vmem>> -> memref<1024x32xf32, #tpu.memory_space<vmem>>
    %dma_start3A_4 = arith.constant 0 : i32
    %dma_start3A_5 = tpu.memref_slice %arg5[%dma_start3A, %dma_start3A_4] : memref<25x1024xi32, #tpu.memory_space<vmem>> -> memref<1x1024xi32, #tpu.memory_space<vmem>>
    %dma_start3A_6 = tpu.memref_squeeze %dma_start3A_5 : memref<1x1024xi32, #tpu.memory_space<vmem>> -> memref<1024xi32, #tpu.memory_space<vmem>>
    %dma_start3A_7 = arith.constant 0 : i32
    %dma_start3A_8 = arith.constant 0 : i32
    %dma_start3A_9 = tpu.memref_slice %arg3[%dma_start3A_7, %dma_start3A_8] : memref<1000000x32xf32, #tpu.memory_space<hbm>> -> memref<1000000x32xf32, #tpu.memory_space<hbm>>
    tpu.enqueue_indirect_dma source(%dma_start3A_9 : memref<1000000x32xf32, #tpu.memory_space<hbm>>) target(%dma_start3A_3 : memref<1024x32xf32, #tpu.memory_space<vmem>>) offsets(%dma_start3A_6 : memref<1024xi32, #tpu.memory_space<vmem>>) semaphore(%arg8 : memref<!tpu.dma_semaphore, #tpu.memory_space<semaphore_mem>>)
    %scan3A = arith.constant 0 : i32
    %scan3A_10 = arith.constant 0 : i32
    %scan3A_11 = arith.constant 25 : i32
    %scan3A_12 = arith.addi %scan3A_10, %scan3A_11 : i32
    %scan3A_13 = arith.constant 1 : i32
    scf.for %scan3A_120 = %scan3A_10 to %scan3A_12 step %scan3A_13  : i32 {
      %rem3A = arith.constant 2 : i32
      %rem3A_121 = arith.remsi %scan3A_120, %rem3A : i32
      %dma_wait3A_122 = arith.constant 0 : i32
      %dma_wait3A_123 = arith.constant 0 : i32
      %dma_wait3A_124 = arith.constant 0 : i32
      %dma_wait3A_125 = tpu.memref_slice %arg6[%dma_wait3A_123, %dma_wait3A_124] : memref<2048x32xf32, #tpu.memory_space<vmem>> -> memref<1024x32xf32, #tpu.memory_space<vmem>>
      %dma_wait3A_126 = arith.constant 0 : i32
      %dma_wait3A_127 = tpu.memref_slice %arg5[%dma_wait3A_122, %dma_wait3A_126] : memref<25x1024xi32, #tpu.memory_space<vmem>> -> memref<1x1024xi32, #tpu.memory_space<vmem>>
      %dma_wait3A_128 = tpu.memref_squeeze %dma_wait3A_127 : memref<1x1024xi32, #tpu.memory_space<vmem>> -> memref<1024xi32, #tpu.memory_space<vmem>>
      %dma_wait3A_129 = arith.constant 0 : i32
      %dma_wait3A_130 = arith.constant 0 : i32
      %dma_wait3A_131 = tpu.memref_slice %arg3[%dma_wait3A_129, %dma_wait3A_130] : memref<1000000x32xf32, #tpu.memory_space<hbm>> -> memref<1000000x32xf32, #tpu.memory_space<hbm>>
      tpu.wait_indirect_dma semaphore(%arg8 : memref<!tpu.dma_semaphore, #tpu.memory_space<semaphore_mem>>) src(%dma_wait3A_131 : memref<1000000x32xf32, #tpu.memory_space<hbm>>) dst(%dma_wait3A_125 : memref<1024x32xf32, #tpu.memory_space<vmem>>)
      %add3A_132 = arith.constant 1 : i32
      %add3A_133 = arith.addi %scan3A_120, %add3A_132 : i32
      %rem3A_134 = arith.constant 25 : i32
      %rem3A_135 = arith.remsi %add3A_133, %rem3A_134 : i32
      %add3A_136 = arith.constant 1 : i32
      %add3A_137 = arith.addi %scan3A_120, %add3A_136 : i32
      %rem3A_138 = arith.constant 2 : i32
      %rem3A_139 = arith.remsi %add3A_137, %rem3A_138 : i32
      %mul3A_140 = arith.constant 1024 : i32
      %mul3A_141 = arith.muli %rem3A_139, %mul3A_140 : i32
      %multiple_of3A_142 = tpu.assume_multiple %mul3A_141, 8 : i32
      %dma_start3A_143 = arith.constant 0 : i32
      %dma_start3A_144 = tpu.memref_slice %arg6[%multiple_of3A_142, %dma_start3A_143] : memref<2048x32xf32, #tpu.memory_space<vmem>> -> memref<1024x32xf32, #tpu.memory_space<vmem>>
      %dma_start3A_145 = arith.constant 0 : i32
      %dma_start3A_146 = tpu.memref_slice %arg5[%rem3A_135, %dma_start3A_145] : memref<25x1024xi32, #tpu.memory_space<vmem>> -> memref<1x1024xi32, #tpu.memory_space<vmem>>
      %dma_start3A_147 = tpu.memref_squeeze %dma_start3A_146 : memref<1x1024xi32, #tpu.memory_space<vmem>> -> memref<1024xi32, #tpu.memory_space<vmem>>
      %dma_start3A_148 = arith.constant 0 : i32
      %dma_start3A_149 = arith.constant 0 : i32
      %dma_start3A_150 = tpu.memref_slice %arg3[%dma_start3A_148, %dma_start3A_149] : memref<1000000x32xf32, #tpu.memory_space<hbm>> -> memref<1000000x32xf32, #tpu.memory_space<hbm>>
      tpu.enqueue_indirect_dma source(%dma_start3A_150 : memref<1000000x32xf32, #tpu.memory_space<hbm>>) target(%dma_start3A_144 : memref<1024x32xf32, #tpu.memory_space<vmem>>) offsets(%dma_start3A_147 : memref<1024xi32, #tpu.memory_space<vmem>>) semaphore(%arg8 : memref<!tpu.dma_semaphore, #tpu.memory_space<semaphore_mem>>)
      %scan3A_151 = arith.constant 0 : i32
      %scan3A_152 = arith.constant 0 : i32
      %scan3A_153 = arith.constant 8 : i32
      %scan3A_154 = arith.addi %scan3A_152, %scan3A_153 : i32
      %scan3A_155 = arith.constant 1 : i32
      scf.for %scan3A_157 = %scan3A_152 to %scan3A_154 step %scan3A_155  : i32 {
        %mul3A_158 = arith.constant 8 : i32
        %mul3A_159 = arith.muli %scan3A_120, %mul3A_158 : i32
        %add3A_160 = arith.addi %mul3A_159, %scan3A_157 : i32
        %rem3A_161 = arith.constant 2 : i32
        %rem3A_162 = arith.remsi %add3A_160, %rem3A_161 : i32
        %ge3A = arith.constant 2 : i32
        %ge3A_163 = arith.cmpi sge, %add3A_160, %ge3A : i32
        %convert_element_type3A = arith.extui %ge3A_163 : i1 to i32
        %cond3A = arith.constant 0 : i32
        %cond3A_164 = arith.cmpi ne, %convert_element_type3A, %cond3A : i32
        scf.if %cond3A_164 {
          %eq3A_188 = arith.constant 0 : i32
          %eq3A_189 = arith.cmpi eq, %rem3A_162, %eq3A_188 : i32
          %convert_element_type3A_190 = arith.extui %eq3A_189 : i1 to i32
          %cond3A_191 = arith.constant 0 : i32
          %cond3A_192 = arith.cmpi ne, %convert_element_type3A_190, %cond3A_191 : i32
          scf.if %cond3A_192 {
            %dma_wait3A_198 = arith.constant 0 : i32
            %dma_wait3A_199 = arith.constant 0 : i32
            %dma_wait3A_200 = arith.constant 0 : i32
            %dma_wait3A_201 = tpu.memref_slice %arg7[%dma_wait3A_200] : memref<8192xf32, #tpu.memory_space<vmem>> -> memref<1024xf32, #tpu.memory_space<vmem>>
            %dma_wait3A_202 = arith.constant 0 : i32
            %dma_wait3A_203 = tpu.memref_slice %arg4[%dma_wait3A_198, %dma_wait3A_199, %add3A, %dma_wait3A_202] : memref<200x4x32x1024xf32, #tpu.memory_space<hbm>> -> memref<1x1x1x1024xf32, #tpu.memory_space<hbm>>
            %dma_wait3A_204 = tpu.memref_squeeze %dma_wait3A_203 : memref<1x1x1x1024xf32, #tpu.memory_space<hbm>> -> memref<1024xf32, #tpu.memory_space<hbm>>
            %dma_wait3A_205 = arith.constant 0 : i32
            %dma_wait3A_206 = tpu.memref_slice %arg4[%dma_wait3A_198, %dma_wait3A_199, %add3A, %dma_wait3A_205] : memref<200x4x32x1024xf32, #tpu.memory_space<hbm>> -> memref<1x1x1x1024xf32, #tpu.memory_space<hbm>>
            %dma_wait3A_207 = tpu.memref_squeeze %dma_wait3A_206 : memref<1x1x1x1024xf32, #tpu.memory_space<hbm>> -> memref<1024xf32, #tpu.memory_space<hbm>>
            %dma_wait3A_208 = arith.constant 0 : i32
            %dma_wait3A_209 = tpu.memref_slice %arg7[%dma_wait3A_208] : memref<8192xf32, #tpu.memory_space<vmem>> -> memref<1024xf32, #tpu.memory_space<vmem>>
            tpu.wait_dma2 semaphore(%arg9 : memref<!tpu.dma_semaphore, #tpu.memory_space<semaphore_mem>>) src(%dma_wait3A_209 : memref<1024xf32, #tpu.memory_space<vmem>>) dst(%dma_wait3A_207 : memref<1024xf32, #tpu.memory_space<hbm>>)
            %dma_wait3A_210 = arith.constant 0 : i32
            %dma_wait3A_211 = arith.constant 1 : i32
            %dma_wait3A_212 = arith.constant 1024 : i32
            %dma_wait3A_213 = tpu.memref_slice %arg7[%dma_wait3A_212] : memref<8192xf32, #tpu.memory_space<vmem>> -> memref<1024xf32, #tpu.memory_space<vmem>>
            %dma_wait3A_214 = arith.constant 0 : i32
            %dma_wait3A_215 = tpu.memref_slice %arg4[%dma_wait3A_210, %dma_wait3A_211, %add3A, %dma_wait3A_214] : memref<200x4x32x1024xf32, #tpu.memory_space<hbm>> -> memref<1x1x1x1024xf32, #tpu.memory_space<hbm>>
            %dma_wait3A_216 = tpu.memref_squeeze %dma_wait3A_215 : memref<1x1x1x1024xf32, #tpu.memory_space<hbm>> -> memref<1024xf32, #tpu.memory_space<hbm>>
            %dma_wait3A_217 = arith.constant 0 : i32
            %dma_wait3A_218 = tpu.memref_slice %arg4[%dma_wait3A_210, %dma_wait3A_211, %add3A, %dma_wait3A_217] : memref<200x4x32x1024xf32, #tpu.memory_space<hbm>> -> memref<1x1x1x1024xf32, #tpu.memory_space<hbm>>
            %dma_wait3A_219 = tpu.memref_squeeze %dma_wait3A_218 : memref<1x1x1x1024xf32, #tpu.memory_space<hbm>> -> memref<1024xf32, #tpu.memory_space<hbm>>
            %dma_wait3A_220 = arith.constant 1024 : i32
            %dma_wait3A_221 = tpu.memref_slice %arg7[%dma_wait3A_220] : memref<8192xf32, #tpu.memory_space<vmem>> -> memref<1024xf32, #tpu.memory_space<vmem>>
            tpu.wait_dma2 semaphore(%arg9 : memref<!tpu.dma_semaphore, #tpu.memory_space<semaphore_mem>>) src(%dma_wait3A_221 : memref<1024xf32, #tpu.memory_space<vmem>>) dst(%dma_wait3A_219 : memref<1024xf32, #tpu.memory_space<hbm>>)
            %dma_wait3A_222 = arith.constant 0 : i32
            %dma_wait3A_223 = arith.constant 2 : i32
            %dma_wait3A_224 = arith.constant 2048 : i32
            %dma_wait3A_225 = tpu.memref_slice %arg7[%dma_wait3A_224] : memref<8192xf32, #tpu.memory_space<vmem>> -> memref<1024xf32, #tpu.memory_space<vmem>>
            %dma_wait3A_226 = arith.constant 0 : i32
            %dma_wait3A_227 = tpu.memref_slice %arg4[%dma_wait3A_222, %dma_wait3A_223, %add3A, %dma_wait3A_226] : memref<200x4x32x1024xf32, #tpu.memory_space<hbm>> -> memref<1x1x1x1024xf32, #tpu.memory_space<hbm>>
            %dma_wait3A_228 = tpu.memref_squeeze %dma_wait3A_227 : memref<1x1x1x1024xf32, #tpu.memory_space<hbm>> -> memref<1024xf32, #tpu.memory_space<hbm>>
            %dma_wait3A_229 = arith.constant 0 : i32
            %dma_wait3A_230 = tpu.memref_slice %arg4[%dma_wait3A_222, %dma_wait3A_223, %add3A, %dma_wait3A_229] : memref<200x4x32x1024xf32, #tpu.memory_space<hbm>> -> memref<1x1x1x1024xf32, #tpu.memory_space<hbm>>
            %dma_wait3A_231 = tpu.memref_squeeze %dma_wait3A_230 : memref<1x1x1x1024xf32, #tpu.memory_space<hbm>> -> memref<1024xf32, #tpu.memory_space<hbm>>
            %dma_wait3A_232 = arith.constant 2048 : i32
            %dma_wait3A_233 = tpu.memref_slice %arg7[%dma_wait3A_232] : memref<8192xf32, #tpu.memory_space<vmem>> -> memref<1024xf32, #tpu.memory_space<vmem>>
            tpu.wait_dma2 semaphore(%arg9 : memref<!tpu.dma_semaphore, #tpu.memory_space<semaphore_mem>>) src(%dma_wait3A_233 : memref<1024xf32, #tpu.memory_space<vmem>>) dst(%dma_wait3A_231 : memref<1024xf32, #tpu.memory_space<hbm>>)
            %dma_wait3A_234 = arith.constant 0 : i32
            %dma_wait3A_235 = arith.constant 3 : i32
            %dma_wait3A_236 = arith.constant 3072 : i32
            %dma_wait3A_237 = tpu.memref_slice %arg7[%dma_wait3A_236] : memref<8192xf32, #tpu.memory_space<vmem>> -> memref<1024xf32, #tpu.memory_space<vmem>>
            %dma_wait3A_238 = arith.constant 0 : i32
            %dma_wait3A_239 = tpu.memref_slice %arg4[%dma_wait3A_234, %dma_wait3A_235, %add3A, %dma_wait3A_238] : memref<200x4x32x1024xf32, #tpu.memory_space<hbm>> -> memref<1x1x1x1024xf32, #tpu.memory_space<hbm>>
            %dma_wait3A_240 = tpu.memref_squeeze %dma_wait3A_239 : memref<1x1x1x1024xf32, #tpu.memory_space<hbm>> -> memref<1024xf32, #tpu.memory_space<hbm>>
            %dma_wait3A_241 = arith.constant 0 : i32
            %dma_wait3A_242 = tpu.memref_slice %arg4[%dma_wait3A_234, %dma_wait3A_235, %add3A, %dma_wait3A_241] : memref<200x4x32x1024xf32, #tpu.memory_space<hbm>> -> memref<1x1x1x1024xf32, #tpu.memory_space<hbm>>
            %dma_wait3A_243 = tpu.memref_squeeze %dma_wait3A_242 : memref<1x1x1x1024xf32, #tpu.memory_space<hbm>> -> memref<1024xf32, #tpu.memory_space<hbm>>
            %dma_wait3A_244 = arith.constant 3072 : i32
            %dma_wait3A_245 = tpu.memref_slice %arg7[%dma_wait3A_244] : memref<8192xf32, #tpu.memory_space<vmem>> -> memref<1024xf32, #tpu.memory_space<vmem>>
            tpu.wait_dma2 semaphore(%arg9 : memref<!tpu.dma_semaphore, #tpu.memory_space<semaphore_mem>>) src(%dma_wait3A_245 : memref<1024xf32, #tpu.memory_space<vmem>>) dst(%dma_wait3A_243 : memref<1024xf32, #tpu.memory_space<hbm>>)
          } else {
          }
          %eq3A_193 = arith.constant 1 : i32
          %eq3A_194 = arith.cmpi eq, %rem3A_162, %eq3A_193 : i32
          %convert_element_type3A_195 = arith.extui %eq3A_194 : i1 to i32
          %cond3A_196 = arith.constant 0 : i32
          %cond3A_197 = arith.cmpi ne, %convert_element_type3A_195, %cond3A_196 : i32
          scf.if %cond3A_197 {
            %dma_wait3A_198 = arith.constant 0 : i32
            %dma_wait3A_199 = arith.constant 0 : i32
            %dma_wait3A_200 = arith.constant 0 : i32
            %dma_wait3A_201 = tpu.memref_slice %arg7[%dma_wait3A_200] : memref<8192xf32, #tpu.memory_space<vmem>> -> memref<1024xf32, #tpu.memory_space<vmem>>
            %dma_wait3A_202 = arith.constant 0 : i32
            %dma_wait3A_203 = tpu.memref_slice %arg4[%dma_wait3A_198, %dma_wait3A_199, %add3A, %dma_wait3A_202] : memref<200x4x32x1024xf32, #tpu.memory_space<hbm>> -> memref<1x1x1x1024xf32, #tpu.memory_space<hbm>>
            %dma_wait3A_204 = tpu.memref_squeeze %dma_wait3A_203 : memref<1x1x1x1024xf32, #tpu.memory_space<hbm>> -> memref<1024xf32, #tpu.memory_space<hbm>>
            %dma_wait3A_205 = arith.constant 0 : i32
            %dma_wait3A_206 = tpu.memref_slice %arg4[%dma_wait3A_198, %dma_wait3A_199, %add3A, %dma_wait3A_205] : memref<200x4x32x1024xf32, #tpu.memory_space<hbm>> -> memref<1x1x1x1024xf32, #tpu.memory_space<hbm>>
            %dma_wait3A_207 = tpu.memref_squeeze %dma_wait3A_206 : memref<1x1x1x1024xf32, #tpu.memory_space<hbm>> -> memref<1024xf32, #tpu.memory_space<hbm>>
            %dma_wait3A_208 = arith.constant 0 : i32
            %dma_wait3A_209 = tpu.memref_slice %arg7[%dma_wait3A_208] : memref<8192xf32, #tpu.memory_space<vmem>> -> memref<1024xf32, #tpu.memory_space<vmem>>
            tpu.wait_dma2 semaphore(%arg10 : memref<!tpu.dma_semaphore, #tpu.memory_space<semaphore_mem>>) src(%dma_wait3A_209 : memref<1024xf32, #tpu.memory_space<vmem>>) dst(%dma_wait3A_207 : memref<1024xf32, #tpu.memory_space<hbm>>)
            %dma_wait3A_210 = arith.constant 0 : i32
            %dma_wait3A_211 = arith.constant 1 : i32
            %dma_wait3A_212 = arith.constant 1024 : i32
            %dma_wait3A_213 = tpu.memref_slice %arg7[%dma_wait3A_212] : memref<8192xf32, #tpu.memory_space<vmem>> -> memref<1024xf32, #tpu.memory_space<vmem>>
            %dma_wait3A_214 = arith.constant 0 : i32
            %dma_wait3A_215 = tpu.memref_slice %arg4[%dma_wait3A_210, %dma_wait3A_211, %add3A, %dma_wait3A_214] : memref<200x4x32x1024xf32, #tpu.memory_space<hbm>> -> memref<1x1x1x1024xf32, #tpu.memory_space<hbm>>
            %dma_wait3A_216 = tpu.memref_squeeze %dma_wait3A_215 : memref<1x1x1x1024xf32, #tpu.memory_space<hbm>> -> memref<1024xf32, #tpu.memory_space<hbm>>
            %dma_wait3A_217 = arith.constant 0 : i32
            %dma_wait3A_218 = tpu.memref_slice %arg4[%dma_wait3A_210, %dma_wait3A_211, %add3A, %dma_wait3A_217] : memref<200x4x32x1024xf32, #tpu.memory_space<hbm>> -> memref<1x1x1x1024xf32, #tpu.memory_space<hbm>>
            %dma_wait3A_219 = tpu.memref_squeeze %dma_wait3A_218 : memref<1x1x1x1024xf32, #tpu.memory_space<hbm>> -> memref<1024xf32, #tpu.memory_space<hbm>>
            %dma_wait3A_220 = arith.constant 1024 : i32
            %dma_wait3A_221 = tpu.memref_slice %arg7[%dma_wait3A_220] : memref<8192xf32, #tpu.memory_space<vmem>> -> memref<1024xf32, #tpu.memory_space<vmem>>
            tpu.wait_dma2 semaphore(%arg10 : memref<!tpu.dma_semaphore, #tpu.memory_space<semaphore_mem>>) src(%dma_wait3A_221 : memref<1024xf32, #tpu.memory_space<vmem>>) dst(%dma_wait3A_219 : memref<1024xf32, #tpu.memory_space<hbm>>)
            %dma_wait3A_222 = arith.constant 0 : i32
            %dma_wait3A_223 = arith.constant 2 : i32
            %dma_wait3A_224 = arith.constant 2048 : i32
            %dma_wait3A_225 = tpu.memref_slice %arg7[%dma_wait3A_224] : memref<8192xf32, #tpu.memory_space<vmem>> -> memref<1024xf32, #tpu.memory_space<vmem>>
            %dma_wait3A_226 = arith.constant 0 : i32
            %dma_wait3A_227 = tpu.memref_slice %arg4[%dma_wait3A_222, %dma_wait3A_223, %add3A, %dma_wait3A_226] : memref<200x4x32x1024xf32, #tpu.memory_space<hbm>> -> memref<1x1x1x1024xf32, #tpu.memory_space<hbm>>
            %dma_wait3A_228 = tpu.memref_squeeze %dma_wait3A_227 : memref<1x1x1x1024xf32, #tpu.memory_space<hbm>> -> memref<1024xf32, #tpu.memory_space<hbm>>
            %dma_wait3A_229 = arith.constant 0 : i32
            %dma_wait3A_230 = tpu.memref_slice %arg4[%dma_wait3A_222, %dma_wait3A_223, %add3A, %dma_wait3A_229] : memref<200x4x32x1024xf32, #tpu.memory_space<hbm>> -> memref<1x1x1x1024xf32, #tpu.memory_space<hbm>>
            %dma_wait3A_231 = tpu.memref_squeeze %dma_wait3A_230 : memref<1x1x1x1024xf32, #tpu.memory_space<hbm>> -> memref<1024xf32, #tpu.memory_space<hbm>>
            %dma_wait3A_232 = arith.constant 2048 : i32
            %dma_wait3A_233 = tpu.memref_slice %arg7[%dma_wait3A_232] : memref<8192xf32, #tpu.memory_space<vmem>> -> memref<1024xf32, #tpu.memory_space<vmem>>
            tpu.wait_dma2 semaphore(%arg10 : memref<!tpu.dma_semaphore, #tpu.memory_space<semaphore_mem>>) src(%dma_wait3A_233 : memref<1024xf32, #tpu.memory_space<vmem>>) dst(%dma_wait3A_231 : memref<1024xf32, #tpu.memory_space<hbm>>)
            %dma_wait3A_234 = arith.constant 0 : i32
            %dma_wait3A_235 = arith.constant 3 : i32
            %dma_wait3A_236 = arith.constant 3072 : i32
            %dma_wait3A_237 = tpu.memref_slice %arg7[%dma_wait3A_236] : memref<8192xf32, #tpu.memory_space<vmem>> -> memref<1024xf32, #tpu.memory_space<vmem>>
            %dma_wait3A_238 = arith.constant 0 : i32
            %dma_wait3A_239 = tpu.memref_slice %arg4[%dma_wait3A_234, %dma_wait3A_235, %add3A, %dma_wait3A_238] : memref<200x4x32x1024xf32, #tpu.memory_space<hbm>> -> memref<1x1x1x1024xf32, #tpu.memory_space<hbm>>
            %dma_wait3A_240 = tpu.memref_squeeze %dma_wait3A_239 : memref<1x1x1x1024xf32, #tpu.memory_space<hbm>> -> memref<1024xf32, #tpu.memory_space<hbm>>
            %dma_wait3A_241 = arith.constant 0 : i32
            %dma_wait3A_242 = tpu.memref_slice %arg4[%dma_wait3A_234, %dma_wait3A_235, %add3A, %dma_wait3A_241] : memref<200x4x32x1024xf32, #tpu.memory_space<hbm>> -> memref<1x1x1x1024xf32, #tpu.memory_space<hbm>>
            %dma_wait3A_243 = tpu.memref_squeeze %dma_wait3A_242 : memref<1x1x1x1024xf32, #tpu.memory_space<hbm>> -> memref<1024xf32, #tpu.memory_space<hbm>>
            %dma_wait3A_244 = arith.constant 3072 : i32
            %dma_wait3A_245 = tpu.memref_slice %arg7[%dma_wait3A_244] : memref<8192xf32, #tpu.memory_space<vmem>> -> memref<1024xf32, #tpu.memory_space<vmem>>
            tpu.wait_dma2 semaphore(%arg10 : memref<!tpu.dma_semaphore, #tpu.memory_space<semaphore_mem>>) src(%dma_wait3A_245 : memref<1024xf32, #tpu.memory_space<vmem>>) dst(%dma_wait3A_243 : memref<1024xf32, #tpu.memory_space<hbm>>)
          } else {
          }
        } else {
        }
        %mul3A_165 = arith.constant 1024 : i32
        %mul3A_166 = arith.muli %rem3A_121, %mul3A_165 : i32
        %mul3A_167 = arith.constant 128 : i32
        %mul3A_168 = arith.muli %scan3A_157, %mul3A_167 : i32
        %add3A_169 = arith.addi %mul3A_166, %mul3A_168 : i32
        %mul3A_170 = arith.constant 4096 : i32
        %mul3A_171 = arith.muli %rem3A_162, %mul3A_170 : i32
        %multiple_of3A_172 = tpu.assume_multiple %mul3A_171, 8 : i32
        %scan3A_173 = arith.constant 0 : i32
        %scan3A_174 = arith.constant 0 : i32
        %scan3A_175 = arith.constant 8 : i32
        %scan3A_176 = arith.addi %scan3A_174, %scan3A_175 : i32
        %scan3A_177 = arith.constant 1 : i32
        scf.for %scan3A_188 = %scan3A_174 to %scan3A_176 step %scan3A_177  : i32 {
          %mul3A_189 = arith.constant 16 : i32
          %mul3A_190 = arith.muli %scan3A_188, %mul3A_189 : i32
          %add3A_191 = arith.constant 0 : i32
          %add3A_192 = vector.broadcast %add3A_191 : i32 to vector<16xi32>
          %add3A_193 = arith.addi %iota3A, %add3A_192 : vector<16xi32>
          %mul3A_194 = arith.constant 128 : i32
          %mul3A_195 = vector.broadcast %mul3A_194 : i32 to vector<16xi32>
          %mul3A_196 = arith.muli %add3A_193, %mul3A_195 : vector<16xi32>
          %add3A_197 = vector.broadcast %mul3A_190 : i32 to vector<16xi32>
          %add3A_198 = arith.addi %mul3A_196, %add3A_197 : vector<16xi32>
          %add3A_199 = arith.addi %add3A_169, %mul3A_190 : i32
          %add3A_200 = arith.constant 0 : i32
          %add3A_201 = vector.broadcast %add3A_200 : i32 to vector<16xi32>
          %add3A_202 = arith.addi %iota3A, %add3A_201 : vector<16xi32>
          %and3A = arith.constant 15 : i32
          %and3A_203 = vector.broadcast %and3A : i32 to vector<16xi32>
          %and3A_204 = arith.andi %add3A_202, %and3A_203 : vector<16xi32>
          %add3A_205 = vector.broadcast %add3A_199 : i32 to vector<16xi32>
          %add3A_206 = arith.addi %add3A_205, %and3A_204 : vector<16xi32>
          %gather3A = tpu.vector_load_idx %arg6[%add3A_206, %add3A_193] : memref<2048x32xf32, #tpu.memory_space<vmem>>[vector<16xi32>, vector<16xi32>], vector<16xf32>,
          %add3A_207 = arith.addi %add3A_169, %mul3A_190 : i32
          %add3A_208 = arith.constant 1 : i32
          %add3A_209 = vector.broadcast %add3A_208 : i32 to vector<16xi32>
          %add3A_210 = arith.addi %iota3A, %add3A_209 : vector<16xi32>
          %and3A_211 = arith.constant 15 : i32
          %and3A_212 = vector.broadcast %and3A_211 : i32 to vector<16xi32>
          %and3A_213 = arith.andi %add3A_210, %and3A_212 : vector<16xi32>
          %add3A_214 = vector.broadcast %add3A_207 : i32 to vector<16xi32>
          %add3A_215 = arith.addi %add3A_214, %and3A_213 : vector<16xi32>
          %gather3A_216 = tpu.vector_load_idx %arg6[%add3A_215, %add3A_193] : memref<2048x32xf32, #tpu.memory_space<vmem>>[vector<16xi32>, vector<16xi32>], vector<16xf32>,
          %add3A_217 = arith.addi %add3A_169, %mul3A_190 : i32
          %add3A_218 = arith.constant 2 : i32
          %add3A_219 = vector.broadcast %add3A_218 : i32 to vector<16xi32>
          %add3A_220 = arith.addi %iota3A, %add3A_219 : vector<16xi32>
          %and3A_221 = arith.constant 15 : i32
          %and3A_222 = vector.broadcast %and3A_221 : i32 to vector<16xi32>
          %and3A_223 = arith.andi %add3A_220, %and3A_222 : vector<16xi32>
          %add3A_224 = vector.broadcast %add3A_217 : i32 to vector<16xi32>
          %add3A_225 = arith.addi %add3A_224, %and3A_223 : vector<16xi32>
          %gather3A_226 = tpu.vector_load_idx %arg6[%add3A_225, %add3A_193] : memref<2048x32xf32, #tpu.memory_space<vmem>>[vector<16xi32>, vector<16xi32>], vector<16xf32>,
          %add3A_227 = arith.addi %add3A_169, %mul3A_190 : i32
          %add3A_228 = arith.constant 3 : i32
          %add3A_229 = vector.broadcast %add3A_228 : i32 to vector<16xi32>
          %add3A_230 = arith.addi %iota3A, %add3A_229 : vector<16xi32>
          %and3A_231 = arith.constant 15 : i32
          %and3A_232 = vector.broadcast %and3A_231 : i32 to vector<16xi32>
          %and3A_233 = arith.andi %add3A_230, %and3A_232 : vector<16xi32>
          %add3A_234 = vector.broadcast %add3A_227 : i32 to vector<16xi32>
          %add3A_235 = arith.addi %add3A_234, %and3A_233 : vector<16xi32>
          %gather3A_236 = tpu.vector_load_idx %arg6[%add3A_235, %add3A_193] : memref<2048x32xf32, #tpu.memory_space<vmem>>[vector<16xi32>, vector<16xi32>], vector<16xf32>,
          %add3A_237 = arith.addi %add3A_169, %mul3A_190 : i32
          %add3A_238 = arith.constant 4 : i32
          %add3A_239 = vector.broadcast %add3A_238 : i32 to vector<16xi32>
          %add3A_240 = arith.addi %iota3A, %add3A_239 : vector<16xi32>
          %and3A_241 = arith.constant 15 : i32
          %and3A_242 = vector.broadcast %and3A_241 : i32 to vector<16xi32>
          %and3A_243 = arith.andi %add3A_240, %and3A_242 : vector<16xi32>
          %add3A_244 = vector.broadcast %add3A_237 : i32 to vector<16xi32>
          %add3A_245 = arith.addi %add3A_244, %and3A_243 : vector<16xi32>
          %gather3A_246 = tpu.vector_load_idx %arg6[%add3A_245, %add3A_193] : memref<2048x32xf32, #tpu.memory_space<vmem>>[vector<16xi32>, vector<16xi32>], vector<16xf32>,
          %add3A_247 = arith.constant 0 : i32
          %add3A_248 = vector.broadcast %add3A_247 : i32 to vector<16xi32>
          %add3A_249 = arith.addi %iota3A, %add3A_248 : vector<16xi32>
          %and3A_250 = arith.constant 15 : i32
          %and3A_251 = vector.broadcast %and3A_250 : i32 to vector<16xi32>
          %and3A_252 = arith.andi %add3A_249, %and3A_251 : vector<16xi32>
          %add3A_253 = arith.addi %add3A_198, %and3A_252 : vector<16xi32>
          %scatter3A = tpu.memref_slice %arg7[%multiple_of3A_172] : memref<8192xf32, #tpu.memory_space<vmem>> -> memref<4096xf32, #tpu.memory_space<vmem>>
          tpu.vector_store_idx %scatter3A[%add3A_253], %gather3A : memref<4096xf32, #tpu.memory_space<vmem>>[vector<16xi32>], vector<16xf32>,
          %add3A_254 = arith.addi %add3A_169, %mul3A_190 : i32
          %add3A_255 = arith.constant 5 : i32
          %add3A_256 = vector.broadcast %add3A_255 : i32 to vector<16xi32>
          %add3A_257 = arith.addi %iota3A, %add3A_256 : vector<16xi32>
          %and3A_258 = arith.constant 15 : i32
          %and3A_259 = vector.broadcast %and3A_258 : i32 to vector<16xi32>
          %and3A_260 = arith.andi %add3A_257, %and3A_259 : vector<16xi32>
          %add3A_261 = vector.broadcast %add3A_254 : i32 to vector<16xi32>
          %add3A_262 = arith.addi %add3A_261, %and3A_260 : vector<16xi32>
          %gather3A_263 = tpu.vector_load_idx %arg6[%add3A_262, %add3A_193] : memref<2048x32xf32, #tpu.memory_space<vmem>>[vector<16xi32>, vector<16xi32>], vector<16xf32>,
          %add3A_264 = arith.constant 1 : i32
          %add3A_265 = vector.broadcast %add3A_264 : i32 to vector<16xi32>
          %add3A_266 = arith.addi %iota3A, %add3A_265 : vector<16xi32>
          %and3A_267 = arith.constant 15 : i32
          %and3A_268 = vector.broadcast %and3A_267 : i32 to vector<16xi32>
          %and3A_269 = arith.andi %add3A_266, %and3A_268 : vector<16xi32>
          %add3A_270 = arith.addi %add3A_198, %and3A_269 : vector<16xi32>
          %scatter3A_271 = tpu.memref_slice %arg7[%multiple_of3A_172] : memref<8192xf32, #tpu.memory_space<vmem>> -> memref<4096xf32, #tpu.memory_space<vmem>>
          tpu.vector_store_idx %scatter3A_271[%add3A_270], %gather3A_216 : memref<4096xf32, #tpu.memory_space<vmem>>[vector<16xi32>], vector<16xf32>,
          %add3A_272 = arith.addi %add3A_169, %mul3A_190 : i32
          %add3A_273 = arith.constant 6 : i32
          %add3A_274 = vector.broadcast %add3A_273 : i32 to vector<16xi32>
          %add3A_275 = arith.addi %iota3A, %add3A_274 : vector<16xi32>
          %and3A_276 = arith.constant 15 : i32
          %and3A_277 = vector.broadcast %and3A_276 : i32 to vector<16xi32>
          %and3A_278 = arith.andi %add3A_275, %and3A_277 : vector<16xi32>
          %add3A_279 = vector.broadcast %add3A_272 : i32 to vector<16xi32>
          %add3A_280 = arith.addi %add3A_279, %and3A_278 : vector<16xi32>
          %gather3A_281 = tpu.vector_load_idx %arg6[%add3A_280, %add3A_193] : memref<2048x32xf32, #tpu.memory_space<vmem>>[vector<16xi32>, vector<16xi32>], vector<16xf32>,
          %add3A_282 = arith.constant 2 : i32
          %add3A_283 = vector.broadcast %add3A_282 : i32 to vector<16xi32>
          %add3A_284 = arith.addi %iota3A, %add3A_283 : vector<16xi32>
          %and3A_285 = arith.constant 15 : i32
          %and3A_286 = vector.broadcast %and3A_285 : i32 to vector<16xi32>
          %and3A_287 = arith.andi %add3A_284, %and3A_286 : vector<16xi32>
          %add3A_288 = arith.addi %add3A_198, %and3A_287 : vector<16xi32>
          %scatter3A_289 = tpu.memref_slice %arg7[%multiple_of3A_172] : memref<8192xf32, #tpu.memory_space<vmem>> -> memref<4096xf32, #tpu.memory_space<vmem>>
          tpu.vector_store_idx %scatter3A_289[%add3A_288], %gather3A_226 : memref<4096xf32, #tpu.memory_space<vmem>>[vector<16xi32>], vector<16xf32>,
          %add3A_290 = arith.addi %add3A_169, %mul3A_190 : i32
          %add3A_291 = arith.constant 7 : i32
          %add3A_292 = vector.broadcast %add3A_291 : i32 to vector<16xi32>
          %add3A_293 = arith.addi %iota3A, %add3A_292 : vector<16xi32>
          %and3A_294 = arith.constant 15 : i32
          %and3A_295 = vector.broadcast %and3A_294 : i32 to vector<16xi32>
          %and3A_296 = arith.andi %add3A_293, %and3A_295 : vector<16xi32>
          %add3A_297 = vector.broadcast %add3A_290 : i32 to vector<16xi32>
          %add3A_298 = arith.addi %add3A_297, %and3A_296 : vector<16xi32>
          %gather3A_299 = tpu.vector_load_idx %arg6[%add3A_298, %add3A_193] : memref<2048x32xf32, #tpu.memory_space<vmem>>[vector<16xi32>, vector<16xi32>], vector<16xf32>,
          %add3A_300 = arith.constant 3 : i32
          %add3A_301 = vector.broadcast %add3A_300 : i32 to vector<16xi32>
          %add3A_302 = arith.addi %iota3A, %add3A_301 : vector<16xi32>
          %and3A_303 = arith.constant 15 : i32
          %and3A_304 = vector.broadcast %and3A_303 : i32 to vector<16xi32>
          %and3A_305 = arith.andi %add3A_302, %and3A_304 : vector<16xi32>
          %add3A_306 = arith.addi %add3A_198, %and3A_305 : vector<16xi32>
          %scatter3A_307 = tpu.memref_slice %arg7[%multiple_of3A_172] : memref<8192xf32, #tpu.memory_space<vmem>> -> memref<4096xf32, #tpu.memory_space<vmem>>
          tpu.vector_store_idx %scatter3A_307[%add3A_306], %gather3A_236 : memref<4096xf32, #tpu.memory_space<vmem>>[vector<16xi32>], vector<16xf32>,
          %add3A_308 = arith.addi %add3A_169, %mul3A_190 : i32
          %add3A_309 = arith.constant 8 : i32
          %add3A_310 = vector.broadcast %add3A_309 : i32 to vector<16xi32>
          %add3A_311 = arith.addi %iota3A, %add3A_310 : vector<16xi32>
          %and3A_312 = arith.constant 15 : i32
          %and3A_313 = vector.broadcast %and3A_312 : i32 to vector<16xi32>
          %and3A_314 = arith.andi %add3A_311, %and3A_313 : vector<16xi32>
          %add3A_315 = vector.broadcast %add3A_308 : i32 to vector<16xi32>
          %add3A_316 = arith.addi %add3A_315, %and3A_314 : vector<16xi32>
          %gather3A_317 = tpu.vector_load_idx %arg6[%add3A_316, %add3A_193] : memref<2048x32xf32, #tpu.memory_space<vmem>>[vector<16xi32>, vector<16xi32>], vector<16xf32>,
          %add3A_318 = arith.constant 4 : i32
          %add3A_319 = vector.broadcast %add3A_318 : i32 to vector<16xi32>
          %add3A_320 = arith.addi %iota3A, %add3A_319 : vector<16xi32>
          %and3A_321 = arith.constant 15 : i32
          %and3A_322 = vector.broadcast %and3A_321 : i32 to vector<16xi32>
          %and3A_323 = arith.andi %add3A_320, %and3A_322 : vector<16xi32>
          %add3A_324 = arith.addi %add3A_198, %and3A_323 : vector<16xi32>
          %scatter3A_325 = tpu.memref_slice %arg7[%multiple_of3A_172] : memref<8192xf32, #tpu.memory_space<vmem>> -> memref<4096xf32, #tpu.memory_space<vmem>>
          tpu.vector_store_idx %scatter3A_325[%add3A_324], %gather3A_246 : memref<4096xf32, #tpu.memory_space<vmem>>[vector<16xi32>], vector<16xf32>,
          %add3A_326 = arith.addi %add3A_169, %mul3A_190 : i32
          %add3A_327 = arith.constant 9 : i32
          %add3A_328 = vector.broadcast %add3A_327 : i32 to vector<16xi32>
          %add3A_329 = arith.addi %iota3A, %add3A_328 : vector<16xi32>
          %and3A_330 = arith.constant 15 : i32
          %and3A_331 = vector.broadcast %and3A_330 : i32 to vector<16xi32>
          %and3A_332 = arith.andi %add3A_329, %and3A_331 : vector<16xi32>
          %add3A_333 = vector.broadcast %add3A_326 : i32 to vector<16xi32>
          %add3A_334 = arith.addi %add3A_333, %and3A_332 : vector<16xi32>
          %gather3A_335 = tpu.vector_load_idx %arg6[%add3A_334, %add3A_193] : memref<2048x32xf32, #tpu.memory_space<vmem>>[vector<16xi32>, vector<16xi32>], vector<16xf32>,
          %add3A_336 = arith.constant 5 : i32
          %add3A_337 = vector.broadcast %add3A_336 : i32 to vector<16xi32>
          %add3A_338 = arith.addi %iota3A, %add3A_337 : vector<16xi32>
          %and3A_339 = arith.constant 15 : i32
          %and3A_340 = vector.broadcast %and3A_339 : i32 to vector<16xi32>
          %and3A_341 = arith.andi %add3A_338, %and3A_340 : vector<16xi32>
          %add3A_342 = arith.addi %add3A_198, %and3A_341 : vector<16xi32>
          %scatter3A_343 = tpu.memref_slice %arg7[%multiple_of3A_172] : memref<8192xf32, #tpu.memory_space<vmem>> -> memref<4096xf32, #tpu.memory_space<vmem>>
          tpu.vector_store_idx %scatter3A_343[%add3A_342], %gather3A_263 : memref<4096xf32, #tpu.memory_space<vmem>>[vector<16xi32>], vector<16xf32>,
          %add3A_344 = arith.addi %add3A_169, %mul3A_190 : i32
          %add3A_345 = arith.constant 10 : i32
          %add3A_346 = vector.broadcast %add3A_345 : i32 to vector<16xi32>
          %add3A_347 = arith.addi %iota3A, %add3A_346 : vector<16xi32>
          %and3A_348 = arith.constant 15 : i32
          %and3A_349 = vector.broadcast %and3A_348 : i32 to vector<16xi32>
          %and3A_350 = arith.andi %add3A_347, %and3A_349 : vector<16xi32>
          %add3A_351 = vector.broadcast %add3A_344 : i32 to vector<16xi32>
          %add3A_352 = arith.addi %add3A_351, %and3A_350 : vector<16xi32>
          %gather3A_353 = tpu.vector_load_idx %arg6[%add3A_352, %add3A_193] : memref<2048x32xf32, #tpu.memory_space<vmem>>[vector<16xi32>, vector<16xi32>], vector<16xf32>,
          %add3A_354 = arith.constant 6 : i32
          %add3A_355 = vector.broadcast %add3A_354 : i32 to vector<16xi32>
          %add3A_356 = arith.addi %iota3A, %add3A_355 : vector<16xi32>
          %and3A_357 = arith.constant 15 : i32
          %and3A_358 = vector.broadcast %and3A_357 : i32 to vector<16xi32>
          %and3A_359 = arith.andi %add3A_356, %and3A_358 : vector<16xi32>
          %add3A_360 = arith.addi %add3A_198, %and3A_359 : vector<16xi32>
          %scatter3A_361 = tpu.memref_slice %arg7[%multiple_of3A_172] : memref<8192xf32, #tpu.memory_space<vmem>> -> memref<4096xf32, #tpu.memory_space<vmem>>
          tpu.vector_store_idx %scatter3A_361[%add3A_360], %gather3A_281 : memref<4096xf32, #tpu.memory_space<vmem>>[vector<16xi32>], vector<16xf32>,
          %add3A_362 = arith.addi %add3A_169, %mul3A_190 : i32
          %add3A_363 = arith.constant 11 : i32
          %add3A_364 = vector.broadcast %add3A_363 : i32 to vector<16xi32>
          %add3A_365 = arith.addi %iota3A, %add3A_364 : vector<16xi32>
          %and3A_366 = arith.constant 15 : i32
          %and3A_367 = vector.broadcast %and3A_366 : i32 to vector<16xi32>
          %and3A_368 = arith.andi %add3A_365, %and3A_367 : vector<16xi32>
          %add3A_369 = vector.broadcast %add3A_362 : i32 to vector<16xi32>
          %add3A_370 = arith.addi %add3A_369, %and3A_368 : vector<16xi32>
          %gather3A_371 = tpu.vector_load_idx %arg6[%add3A_370, %add3A_193] : memref<2048x32xf32, #tpu.memory_space<vmem>>[vector<16xi32>, vector<16xi32>], vector<16xf32>,
          %add3A_372 = arith.constant 7 : i32
          %add3A_373 = vector.broadcast %add3A_372 : i32 to vector<16xi32>
          %add3A_374 = arith.addi %iota3A, %add3A_373 : vector<16xi32>
          %and3A_375 = arith.constant 15 : i32
          %and3A_376 = vector.broadcast %and3A_375 : i32 to vector<16xi32>
          %and3A_377 = arith.andi %add3A_374, %and3A_376 : vector<16xi32>
          %add3A_378 = arith.addi %add3A_198, %and3A_377 : vector<16xi32>
          %scatter3A_379 = tpu.memref_slice %arg7[%multiple_of3A_172] : memref<8192xf32, #tpu.memory_space<vmem>> -> memref<4096xf32, #tpu.memory_space<vmem>>
          tpu.vector_store_idx %scatter3A_379[%add3A_378], %gather3A_299 : memref<4096xf32, #tpu.memory_space<vmem>>[vector<16xi32>], vector<16xf32>,
          %add3A_380 = arith.addi %add3A_169, %mul3A_190 : i32
          %add3A_381 = arith.constant 12 : i32
          %add3A_382 = vector.broadcast %add3A_381 : i32 to vector<16xi32>
          %add3A_383 = arith.addi %iota3A, %add3A_382 : vector<16xi32>
          %and3A_384 = arith.constant 15 : i32
          %and3A_385 = vector.broadcast %and3A_384 : i32 to vector<16xi32>
          %and3A_386 = arith.andi %add3A_383, %and3A_385 : vector<16xi32>
          %add3A_387 = vector.broadcast %add3A_380 : i32 to vector<16xi32>
          %add3A_388 = arith.addi %add3A_387, %and3A_386 : vector<16xi32>
          %gather3A_389 = tpu.vector_load_idx %arg6[%add3A_388, %add3A_193] : memref<2048x32xf32, #tpu.memory_space<vmem>>[vector<16xi32>, vector<16xi32>], vector<16xf32>,
          %add3A_390 = arith.constant 8 : i32
          %add3A_391 = vector.broadcast %add3A_390 : i32 to vector<16xi32>
          %add3A_392 = arith.addi %iota3A, %add3A_391 : vector<16xi32>
          %and3A_393 = arith.constant 15 : i32
          %and3A_394 = vector.broadcast %and3A_393 : i32 to vector<16xi32>
          %and3A_395 = arith.andi %add3A_392, %and3A_394 : vector<16xi32>
          %add3A_396 = arith.addi %add3A_198, %and3A_395 : vector<16xi32>
          %scatter3A_397 = tpu.memref_slice %arg7[%multiple_of3A_172] : memref<8192xf32, #tpu.memory_space<vmem>> -> memref<4096xf32, #tpu.memory_space<vmem>>
          tpu.vector_store_idx %scatter3A_397[%add3A_396], %gather3A_317 : memref<4096xf32, #tpu.memory_space<vmem>>[vector<16xi32>], vector<16xf32>,
          %add3A_398 = arith.addi %add3A_169, %mul3A_190 : i32
          %add3A_399 = arith.constant 13 : i32
          %add3A_400 = vector.broadcast %add3A_399 : i32 to vector<16xi32>
          %add3A_401 = arith.addi %iota3A, %add3A_400 : vector<16xi32>
          %and3A_402 = arith.constant 15 : i32
          %and3A_403 = vector.broadcast %and3A_402 : i32 to vector<16xi32>
          %and3A_404 = arith.andi %add3A_401, %and3A_403 : vector<16xi32>
          %add3A_405 = vector.broadcast %add3A_398 : i32 to vector<16xi32>
          %add3A_406 = arith.addi %add3A_405, %and3A_404 : vector<16xi32>
          %gather3A_407 = tpu.vector_load_idx %arg6[%add3A_406, %add3A_193] : memref<2048x32xf32, #tpu.memory_space<vmem>>[vector<16xi32>, vector<16xi32>], vector<16xf32>,
          %add3A_408 = arith.constant 9 : i32
          %add3A_409 = vector.broadcast %add3A_408 : i32 to vector<16xi32>
          %add3A_410 = arith.addi %iota3A, %add3A_409 : vector<16xi32>
          %and3A_411 = arith.constant 15 : i32
          %and3A_412 = vector.broadcast %and3A_411 : i32 to vector<16xi32>
          %and3A_413 = arith.andi %add3A_410, %and3A_412 : vector<16xi32>
          %add3A_414 = arith.addi %add3A_198, %and3A_413 : vector<16xi32>
          %scatter3A_415 = tpu.memref_slice %arg7[%multiple_of3A_172] : memref<8192xf32, #tpu.memory_space<vmem>> -> memref<4096xf32, #tpu.memory_space<vmem>>
          tpu.vector_store_idx %scatter3A_415[%add3A_414], %gather3A_335 : memref<4096xf32, #tpu.memory_space<vmem>>[vector<16xi32>], vector<16xf32>,
          %add3A_416 = arith.addi %add3A_169, %mul3A_190 : i32
          %add3A_417 = arith.constant 14 : i32
          %add3A_418 = vector.broadcast %add3A_417 : i32 to vector<16xi32>
          %add3A_419 = arith.addi %iota3A, %add3A_418 : vector<16xi32>
          %and3A_420 = arith.constant 15 : i32
          %and3A_421 = vector.broadcast %and3A_420 : i32 to vector<16xi32>
          %and3A_422 = arith.andi %add3A_419, %and3A_421 : vector<16xi32>
          %add3A_423 = vector.broadcast %add3A_416 : i32 to vector<16xi32>
          %add3A_424 = arith.addi %add3A_423, %and3A_422 : vector<16xi32>
          %gather3A_425 = tpu.vector_load_idx %arg6[%add3A_424, %add3A_193] : memref<2048x32xf32, #tpu.memory_space<vmem>>[vector<16xi32>, vector<16xi32>], vector<16xf32>,
          %add3A_426 = arith.constant 10 : i32
          %add3A_427 = vector.broadcast %add3A_426 : i32 to vector<16xi32>
          %add3A_428 = arith.addi %iota3A, %add3A_427 : vector<16xi32>
          %and3A_429 = arith.constant 15 : i32
          %and3A_430 = vector.broadcast %and3A_429 : i32 to vector<16xi32>
          %and3A_431 = arith.andi %add3A_428, %and3A_430 : vector<16xi32>
          %add3A_432 = arith.addi %add3A_198, %and3A_431 : vector<16xi32>
          %scatter3A_433 = tpu.memref_slice %arg7[%multiple_of3A_172] : memref<8192xf32, #tpu.memory_space<vmem>> -> memref<4096xf32, #tpu.memory_space<vmem>>
          tpu.vector_store_idx %scatter3A_433[%add3A_432], %gather3A_353 : memref<4096xf32, #tpu.memory_space<vmem>>[vector<16xi32>], vector<16xf32>,
          %add3A_434 = arith.addi %add3A_169, %mul3A_190 : i32
          %add3A_435 = arith.constant 15 : i32
          %add3A_436 = vector.broadcast %add3A_435 : i32 to vector<16xi32>
          %add3A_437 = arith.addi %iota3A, %add3A_436 : vector<16xi32>
          %and3A_438 = arith.constant 15 : i32
          %and3A_439 = vector.broadcast %and3A_438 : i32 to vector<16xi32>
          %and3A_440 = arith.andi %add3A_437, %and3A_439 : vector<16xi32>
          %add3A_441 = vector.broadcast %add3A_434 : i32 to vector<16xi32>
          %add3A_442 = arith.addi %add3A_441, %and3A_440 : vector<16xi32>
          %gather3A_443 = tpu.vector_load_idx %arg6[%add3A_442, %add3A_193] : memref<2048x32xf32, #tpu.memory_space<vmem>>[vector<16xi32>, vector<16xi32>], vector<16xf32>,
          %add3A_444 = arith.constant 11 : i32
          %add3A_445 = vector.broadcast %add3A_444 : i32 to vector<16xi32>
          %add3A_446 = arith.addi %iota3A, %add3A_445 : vector<16xi32>
          %and3A_447 = arith.constant 15 : i32
          %and3A_448 = vector.broadcast %and3A_447 : i32 to vector<16xi32>
          %and3A_449 = arith.andi %add3A_446, %and3A_448 : vector<16xi32>
          %add3A_450 = arith.addi %add3A_198, %and3A_449 : vector<16xi32>
          %scatter3A_451 = tpu.memref_slice %arg7[%multiple_of3A_172] : memref<8192xf32, #tpu.memory_space<vmem>> -> memref<4096xf32, #tpu.memory_space<vmem>>
          tpu.vector_store_idx %scatter3A_451[%add3A_450], %gather3A_371 : memref<4096xf32, #tpu.memory_space<vmem>>[vector<16xi32>], vector<16xf32>,
          %add3A_452 = arith.constant 12 : i32
          %add3A_453 = vector.broadcast %add3A_452 : i32 to vector<16xi32>
          %add3A_454 = arith.addi %iota3A, %add3A_453 : vector<16xi32>
          %and3A_455 = arith.constant 15 : i32
          %and3A_456 = vector.broadcast %and3A_455 : i32 to vector<16xi32>
          %and3A_457 = arith.andi %add3A_454, %and3A_456 : vector<16xi32>
          %add3A_458 = arith.addi %add3A_198, %and3A_457 : vector<16xi32>
          %scatter3A_459 = tpu.memref_slice %arg7[%multiple_of3A_172] : memref<8192xf32, #tpu.memory_space<vmem>> -> memref<4096xf32, #tpu.memory_space<vmem>>
          tpu.vector_store_idx %scatter3A_459[%add3A_458], %gather3A_389 : memref<4096xf32, #tpu.memory_space<vmem>>[vector<16xi32>], vector<16xf32>,
          %add3A_460 = arith.constant 13 : i32
          %add3A_461 = vector.broadcast %add3A_460 : i32 to vector<16xi32>
          %add3A_462 = arith.addi %iota3A, %add3A_461 : vector<16xi32>
          %and3A_463 = arith.constant 15 : i32
          %and3A_464 = vector.broadcast %and3A_463 : i32 to vector<16xi32>
          %and3A_465 = arith.andi %add3A_462, %and3A_464 : vector<16xi32>
          %add3A_466 = arith.addi %add3A_198, %and3A_465 : vector<16xi32>
          %scatter3A_467 = tpu.memref_slice %arg7[%multiple_of3A_172] : memref<8192xf32, #tpu.memory_space<vmem>> -> memref<4096xf32, #tpu.memory_space<vmem>>
          tpu.vector_store_idx %scatter3A_467[%add3A_466], %gather3A_407 : memref<4096xf32, #tpu.memory_space<vmem>>[vector<16xi32>], vector<16xf32>,
          %add3A_468 = arith.constant 14 : i32
          %add3A_469 = vector.broadcast %add3A_468 : i32 to vector<16xi32>
          %add3A_470 = arith.addi %iota3A, %add3A_469 : vector<16xi32>
          %and3A_471 = arith.constant 15 : i32
          %and3A_472 = vector.broadcast %and3A_471 : i32 to vector<16xi32>
          %and3A_473 = arith.andi %add3A_470, %and3A_472 : vector<16xi32>
          %add3A_474 = arith.addi %add3A_198, %and3A_473 : vector<16xi32>
          %scatter3A_475 = tpu.memref_slice %arg7[%multiple_of3A_172] : memref<8192xf32, #tpu.memory_space<vmem>> -> memref<4096xf32, #tpu.memory_space<vmem>>
          tpu.vector_store_idx %scatter3A_475[%add3A_474], %gather3A_425 : memref<4096xf32, #tpu.memory_space<vmem>>[vector<16xi32>], vector<16xf32>,
          %add3A_476 = arith.constant 15 : i32
          %add3A_477 = vector.broadcast %add3A_476 : i32 to vector<16xi32>
          %add3A_478 = arith.addi %iota3A, %add3A_477 : vector<16xi32>
          %and3A_479 = arith.constant 15 : i32
          %and3A_480 = vector.broadcast %and3A_479 : i32 to vector<16xi32>
          %and3A_481 = arith.andi %add3A_478, %and3A_480 : vector<16xi32>
          %add3A_482 = arith.addi %add3A_198, %and3A_481 : vector<16xi32>
          %scatter3A_483 = tpu.memref_slice %arg7[%multiple_of3A_172] : memref<8192xf32, #tpu.memory_space<vmem>> -> memref<4096xf32, #tpu.memory_space<vmem>>
          tpu.vector_store_idx %scatter3A_483[%add3A_482], %gather3A_443 : memref<4096xf32, #tpu.memory_space<vmem>>[vector<16xi32>], vector<16xf32>,
          %add3A_484 = arith.constant 16 : i32
          %add3A_485 = vector.broadcast %add3A_484 : i32 to vector<16xi32>
          %add3A_486 = arith.addi %iota3A, %add3A_485 : vector<16xi32>
          %mul3A_487 = arith.constant 128 : i32
          %mul3A_488 = vector.broadcast %mul3A_487 : i32 to vector<16xi32>
          %mul3A_489 = arith.muli %add3A_486, %mul3A_488 : vector<16xi32>
          %add3A_490 = vector.broadcast %mul3A_190 : i32 to vector<16xi32>
          %add3A_491 = arith.addi %mul3A_489, %add3A_490 : vector<16xi32>
          %add3A_492 = arith.addi %add3A_169, %mul3A_190 : i32
          %add3A_493 = arith.constant 0 : i32
          %add3A_494 = vector.broadcast %add3A_493 : i32 to vector<16xi32>
          %add3A_495 = arith.addi %iota3A, %add3A_494 : vector<16xi32>
          %and3A_496 = arith.constant 15 : i32
          %and3A_497 = vector.broadcast %and3A_496 : i32 to vector<16xi32>
          %and3A_498 = arith.andi %add3A_495, %and3A_497 : vector<16xi32>
          %add3A_499 = vector.broadcast %add3A_492 : i32 to vector<16xi32>
          %add3A_500 = arith.addi %add3A_499, %and3A_498 : vector<16xi32>
          %gather3A_501 = tpu.vector_load_idx %arg6[%add3A_500, %add3A_486] : memref<2048x32xf32, #tpu.memory_space<vmem>>[vector<16xi32>, vector<16xi32>], vector<16xf32>,
          %add3A_502 = arith.addi %add3A_169, %mul3A_190 : i32
          %add3A_503 = arith.constant 1 : i32
          %add3A_504 = vector.broadcast %add3A_503 : i32 to vector<16xi32>
          %add3A_505 = arith.addi %iota3A, %add3A_504 : vector<16xi32>
          %and3A_506 = arith.constant 15 : i32
          %and3A_507 = vector.broadcast %and3A_506 : i32 to vector<16xi32>
          %and3A_508 = arith.andi %add3A_505, %and3A_507 : vector<16xi32>
          %add3A_509 = vector.broadcast %add3A_502 : i32 to vector<16xi32>
          %add3A_510 = arith.addi %add3A_509, %and3A_508 : vector<16xi32>
          %gather3A_511 = tpu.vector_load_idx %arg6[%add3A_510, %add3A_486] : memref<2048x32xf32, #tpu.memory_space<vmem>>[vector<16xi32>, vector<16xi32>], vector<16xf32>,
          %add3A_512 = arith.addi %add3A_169, %mul3A_190 : i32
          %add3A_513 = arith.constant 2 : i32
          %add3A_514 = vector.broadcast %add3A_513 : i32 to vector<16xi32>
          %add3A_515 = arith.addi %iota3A, %add3A_514 : vector<16xi32>
          %and3A_516 = arith.constant 15 : i32
          %and3A_517 = vector.broadcast %and3A_516 : i32 to vector<16xi32>
          %and3A_518 = arith.andi %add3A_515, %and3A_517 : vector<16xi32>
          %add3A_519 = vector.broadcast %add3A_512 : i32 to vector<16xi32>
          %add3A_520 = arith.addi %add3A_519, %and3A_518 : vector<16xi32>
          %gather3A_521 = tpu.vector_load_idx %arg6[%add3A_520, %add3A_486] : memref<2048x32xf32, #tpu.memory_space<vmem>>[vector<16xi32>, vector<16xi32>], vector<16xf32>,
          %add3A_522 = arith.addi %add3A_169, %mul3A_190 : i32
          %add3A_523 = arith.constant 3 : i32
          %add3A_524 = vector.broadcast %add3A_523 : i32 to vector<16xi32>
          %add3A_525 = arith.addi %iota3A, %add3A_524 : vector<16xi32>
          %and3A_526 = arith.constant 15 : i32
          %and3A_527 = vector.broadcast %and3A_526 : i32 to vector<16xi32>
          %and3A_528 = arith.andi %add3A_525, %and3A_527 : vector<16xi32>
          %add3A_529 = vector.broadcast %add3A_522 : i32 to vector<16xi32>
          %add3A_530 = arith.addi %add3A_529, %and3A_528 : vector<16xi32>
          %gather3A_531 = tpu.vector_load_idx %arg6[%add3A_530, %add3A_486] : memref<2048x32xf32, #tpu.memory_space<vmem>>[vector<16xi32>, vector<16xi32>], vector<16xf32>,
          %add3A_532 = arith.addi %add3A_169, %mul3A_190 : i32
          %add3A_533 = arith.constant 4 : i32
          %add3A_534 = vector.broadcast %add3A_533 : i32 to vector<16xi32>
          %add3A_535 = arith.addi %iota3A, %add3A_534 : vector<16xi32>
          %and3A_536 = arith.constant 15 : i32
          %and3A_537 = vector.broadcast %and3A_536 : i32 to vector<16xi32>
          %and3A_538 = arith.andi %add3A_535, %and3A_537 : vector<16xi32>
          %add3A_539 = vector.broadcast %add3A_532 : i32 to vector<16xi32>
          %add3A_540 = arith.addi %add3A_539, %and3A_538 : vector<16xi32>
          %gather3A_541 = tpu.vector_load_idx %arg6[%add3A_540, %add3A_486] : memref<2048x32xf32, #tpu.memory_space<vmem>>[vector<16xi32>, vector<16xi32>], vector<16xf32>,
          %add3A_542 = arith.constant 0 : i32
          %add3A_543 = vector.broadcast %add3A_542 : i32 to vector<16xi32>
          %add3A_544 = arith.addi %iota3A, %add3A_543 : vector<16xi32>
          %and3A_545 = arith.constant 15 : i32
          %and3A_546 = vector.broadcast %and3A_545 : i32 to vector<16xi32>
          %and3A_547 = arith.andi %add3A_544, %and3A_546 : vector<16xi32>
          %add3A_548 = arith.addi %add3A_491, %and3A_547 : vector<16xi32>
          %scatter3A_549 = tpu.memref_slice %arg7[%multiple_of3A_172] : memref<8192xf32, #tpu.memory_space<vmem>> -> memref<4096xf32, #tpu.memory_space<vmem>>
          tpu.vector_store_idx %scatter3A_549[%add3A_548], %gather3A_501 : memref<4096xf32, #tpu.memory_space<vmem>>[vector<16xi32>], vector<16xf32>,
          %add3A_550 = arith.addi %add3A_169, %mul3A_190 : i32
          %add3A_551 = arith.constant 5 : i32
          %add3A_552 = vector.broadcast %add3A_551 : i32 to vector<16xi32>
          %add3A_553 = arith.addi %iota3A, %add3A_552 : vector<16xi32>
          %and3A_554 = arith.constant 15 : i32
          %and3A_555 = vector.broadcast %and3A_554 : i32 to vector<16xi32>
          %and3A_556 = arith.andi %add3A_553, %and3A_555 : vector<16xi32>
          %add3A_557 = vector.broadcast %add3A_550 : i32 to vector<16xi32>
          %add3A_558 = arith.addi %add3A_557, %and3A_556 : vector<16xi32>
          %gather3A_559 = tpu.vector_load_idx %arg6[%add3A_558, %add3A_486] : memref<2048x32xf32, #tpu.memory_space<vmem>>[vector<16xi32>, vector<16xi32>], vector<16xf32>,
          %add3A_560 = arith.constant 1 : i32
          %add3A_561 = vector.broadcast %add3A_560 : i32 to vector<16xi32>
          %add3A_562 = arith.addi %iota3A, %add3A_561 : vector<16xi32>
          %and3A_563 = arith.constant 15 : i32
          %and3A_564 = vector.broadcast %and3A_563 : i32 to vector<16xi32>
          %and3A_565 = arith.andi %add3A_562, %and3A_564 : vector<16xi32>
          %add3A_566 = arith.addi %add3A_491, %and3A_565 : vector<16xi32>
          %scatter3A_567 = tpu.memref_slice %arg7[%multiple_of3A_172] : memref<8192xf32, #tpu.memory_space<vmem>> -> memref<4096xf32, #tpu.memory_space<vmem>>
          tpu.vector_store_idx %scatter3A_567[%add3A_566], %gather3A_511 : memref<4096xf32, #tpu.memory_space<vmem>>[vector<16xi32>], vector<16xf32>,
          %add3A_568 = arith.addi %add3A_169, %mul3A_190 : i32
          %add3A_569 = arith.constant 6 : i32
          %add3A_570 = vector.broadcast %add3A_569 : i32 to vector<16xi32>
          %add3A_571 = arith.addi %iota3A, %add3A_570 : vector<16xi32>
          %and3A_572 = arith.constant 15 : i32
          %and3A_573 = vector.broadcast %and3A_572 : i32 to vector<16xi32>
          %and3A_574 = arith.andi %add3A_571, %and3A_573 : vector<16xi32>
          %add3A_575 = vector.broadcast %add3A_568 : i32 to vector<16xi32>
          %add3A_576 = arith.addi %add3A_575, %and3A_574 : vector<16xi32>
          %gather3A_577 = tpu.vector_load_idx %arg6[%add3A_576, %add3A_486] : memref<2048x32xf32, #tpu.memory_space<vmem>>[vector<16xi32>, vector<16xi32>], vector<16xf32>,
          %add3A_578 = arith.constant 2 : i32
          %add3A_579 = vector.broadcast %add3A_578 : i32 to vector<16xi32>
          %add3A_580 = arith.addi %iota3A, %add3A_579 : vector<16xi32>
          %and3A_581 = arith.constant 15 : i32
          %and3A_582 = vector.broadcast %and3A_581 : i32 to vector<16xi32>
          %and3A_583 = arith.andi %add3A_580, %and3A_582 : vector<16xi32>
          %add3A_584 = arith.addi %add3A_491, %and3A_583 : vector<16xi32>
          %scatter3A_585 = tpu.memref_slice %arg7[%multiple_of3A_172] : memref<8192xf32, #tpu.memory_space<vmem>> -> memref<4096xf32, #tpu.memory_space<vmem>>
          tpu.vector_store_idx %scatter3A_585[%add3A_584], %gather3A_521 : memref<4096xf32, #tpu.memory_space<vmem>>[vector<16xi32>], vector<16xf32>,
          %add3A_586 = arith.addi %add3A_169, %mul3A_190 : i32
          %add3A_587 = arith.constant 7 : i32
          %add3A_588 = vector.broadcast %add3A_587 : i32 to vector<16xi32>
          %add3A_589 = arith.addi %iota3A, %add3A_588 : vector<16xi32>
          %and3A_590 = arith.constant 15 : i32
          %and3A_591 = vector.broadcast %and3A_590 : i32 to vector<16xi32>
          %and3A_592 = arith.andi %add3A_589, %and3A_591 : vector<16xi32>
          %add3A_593 = vector.broadcast %add3A_586 : i32 to vector<16xi32>
          %add3A_594 = arith.addi %add3A_593, %and3A_592 : vector<16xi32>
          %gather3A_595 = tpu.vector_load_idx %arg6[%add3A_594, %add3A_486] : memref<2048x32xf32, #tpu.memory_space<vmem>>[vector<16xi32>, vector<16xi32>], vector<16xf32>,
          %add3A_596 = arith.constant 3 : i32
          %add3A_597 = vector.broadcast %add3A_596 : i32 to vector<16xi32>
          %add3A_598 = arith.addi %iota3A, %add3A_597 : vector<16xi32>
          %and3A_599 = arith.constant 15 : i32
          %and3A_600 = vector.broadcast %and3A_599 : i32 to vector<16xi32>
          %and3A_601 = arith.andi %add3A_598, %and3A_600 : vector<16xi32>
          %add3A_602 = arith.addi %add3A_491, %and3A_601 : vector<16xi32>
          %scatter3A_603 = tpu.memref_slice %arg7[%multiple_of3A_172] : memref<8192xf32, #tpu.memory_space<vmem>> -> memref<4096xf32, #tpu.memory_space<vmem>>
          tpu.vector_store_idx %scatter3A_603[%add3A_602], %gather3A_531 : memref<4096xf32, #tpu.memory_space<vmem>>[vector<16xi32>], vector<16xf32>,
          %add3A_604 = arith.addi %add3A_169, %mul3A_190 : i32
          %add3A_605 = arith.constant 8 : i32
          %add3A_606 = vector.broadcast %add3A_605 : i32 to vector<16xi32>
          %add3A_607 = arith.addi %iota3A, %add3A_606 : vector<16xi32>
          %and3A_608 = arith.constant 15 : i32
          %and3A_609 = vector.broadcast %and3A_608 : i32 to vector<16xi32>
          %and3A_610 = arith.andi %add3A_607, %and3A_609 : vector<16xi32>
          %add3A_611 = vector.broadcast %add3A_604 : i32 to vector<16xi32>
          %add3A_612 = arith.addi %add3A_611, %and3A_610 : vector<16xi32>
          %gather3A_613 = tpu.vector_load_idx %arg6[%add3A_612, %add3A_486] : memref<2048x32xf32, #tpu.memory_space<vmem>>[vector<16xi32>, vector<16xi32>], vector<16xf32>,
          %add3A_614 = arith.constant 4 : i32
          %add3A_615 = vector.broadcast %add3A_614 : i32 to vector<16xi32>
          %add3A_616 = arith.addi %iota3A, %add3A_615 : vector<16xi32>
          %and3A_617 = arith.constant 15 : i32
          %and3A_618 = vector.broadcast %and3A_617 : i32 to vector<16xi32>
          %and3A_619 = arith.andi %add3A_616, %and3A_618 : vector<16xi32>
          %add3A_620 = arith.addi %add3A_491, %and3A_619 : vector<16xi32>
          %scatter3A_621 = tpu.memref_slice %arg7[%multiple_of3A_172] : memref<8192xf32, #tpu.memory_space<vmem>> -> memref<4096xf32, #tpu.memory_space<vmem>>
          tpu.vector_store_idx %scatter3A_621[%add3A_620], %gather3A_541 : memref<4096xf32, #tpu.memory_space<vmem>>[vector<16xi32>], vector<16xf32>,
          %add3A_622 = arith.addi %add3A_169, %mul3A_190 : i32
          %add3A_623 = arith.constant 9 : i32
          %add3A_624 = vector.broadcast %add3A_623 : i32 to vector<16xi32>
          %add3A_625 = arith.addi %iota3A, %add3A_624 : vector<16xi32>
          %and3A_626 = arith.constant 15 : i32
          %and3A_627 = vector.broadcast %and3A_626 : i32 to vector<16xi32>
          %and3A_628 = arith.andi %add3A_625, %and3A_627 : vector<16xi32>
          %add3A_629 = vector.broadcast %add3A_622 : i32 to vector<16xi32>
          %add3A_630 = arith.addi %add3A_629, %and3A_628 : vector<16xi32>
          %gather3A_631 = tpu.vector_load_idx %arg6[%add3A_630, %add3A_486] : memref<2048x32xf32, #tpu.memory_space<vmem>>[vector<16xi32>, vector<16xi32>], vector<16xf32>,
          %add3A_632 = arith.constant 5 : i32
          %add3A_633 = vector.broadcast %add3A_632 : i32 to vector<16xi32>
          %add3A_634 = arith.addi %iota3A, %add3A_633 : vector<16xi32>
          %and3A_635 = arith.constant 15 : i32
          %and3A_636 = vector.broadcast %and3A_635 : i32 to vector<16xi32>
          %and3A_637 = arith.andi %add3A_634, %and3A_636 : vector<16xi32>
          %add3A_638 = arith.addi %add3A_491, %and3A_637 : vector<16xi32>
          %scatter3A_639 = tpu.memref_slice %arg7[%multiple_of3A_172] : memref<8192xf32, #tpu.memory_space<vmem>> -> memref<4096xf32, #tpu.memory_space<vmem>>
          tpu.vector_store_idx %scatter3A_639[%add3A_638], %gather3A_559 : memref<4096xf32, #tpu.memory_space<vmem>>[vector<16xi32>], vector<16xf32>,
          %add3A_640 = arith.addi %add3A_169, %mul3A_190 : i32
          %add3A_641 = arith.constant 10 : i32
          %add3A_642 = vector.broadcast %add3A_641 : i32 to vector<16xi32>
          %add3A_643 = arith.addi %iota3A, %add3A_642 : vector<16xi32>
          %and3A_644 = arith.constant 15 : i32
          %and3A_645 = vector.broadcast %and3A_644 : i32 to vector<16xi32>
          %and3A_646 = arith.andi %add3A_643, %and3A_645 : vector<16xi32>
          %add3A_647 = vector.broadcast %add3A_640 : i32 to vector<16xi32>
          %add3A_648 = arith.addi %add3A_647, %and3A_646 : vector<16xi32>
          %gather3A_649 = tpu.vector_load_idx %arg6[%add3A_648, %add3A_486] : memref<2048x32xf32, #tpu.memory_space<vmem>>[vector<16xi32>, vector<16xi32>], vector<16xf32>,
          %add3A_650 = arith.constant 6 : i32
          %add3A_651 = vector.broadcast %add3A_650 : i32 to vector<16xi32>
          %add3A_652 = arith.addi %iota3A, %add3A_651 : vector<16xi32>
          %and3A_653 = arith.constant 15 : i32
          %and3A_654 = vector.broadcast %and3A_653 : i32 to vector<16xi32>
          %and3A_655 = arith.andi %add3A_652, %and3A_654 : vector<16xi32>
          %add3A_656 = arith.addi %add3A_491, %and3A_655 : vector<16xi32>
          %scatter3A_657 = tpu.memref_slice %arg7[%multiple_of3A_172] : memref<8192xf32, #tpu.memory_space<vmem>> -> memref<4096xf32, #tpu.memory_space<vmem>>
          tpu.vector_store_idx %scatter3A_657[%add3A_656], %gather3A_577 : memref<4096xf32, #tpu.memory_space<vmem>>[vector<16xi32>], vector<16xf32>,
          %add3A_658 = arith.addi %add3A_169, %mul3A_190 : i32
          %add3A_659 = arith.constant 11 : i32
          %add3A_660 = vector.broadcast %add3A_659 : i32 to vector<16xi32>
          %add3A_661 = arith.addi %iota3A, %add3A_660 : vector<16xi32>
          %and3A_662 = arith.constant 15 : i32
          %and3A_663 = vector.broadcast %and3A_662 : i32 to vector<16xi32>
          %and3A_664 = arith.andi %add3A_661, %and3A_663 : vector<16xi32>
          %add3A_665 = vector.broadcast %add3A_658 : i32 to vector<16xi32>
          %add3A_666 = arith.addi %add3A_665, %and3A_664 : vector<16xi32>
          %gather3A_667 = tpu.vector_load_idx %arg6[%add3A_666, %add3A_486] : memref<2048x32xf32, #tpu.memory_space<vmem>>[vector<16xi32>, vector<16xi32>], vector<16xf32>,
          %add3A_668 = arith.constant 7 : i32
          %add3A_669 = vector.broadcast %add3A_668 : i32 to vector<16xi32>
          %add3A_670 = arith.addi %iota3A, %add3A_669 : vector<16xi32>
          %and3A_671 = arith.constant 15 : i32
          %and3A_672 = vector.broadcast %and3A_671 : i32 to vector<16xi32>
          %and3A_673 = arith.andi %add3A_670, %and3A_672 : vector<16xi32>
          %add3A_674 = arith.addi %add3A_491, %and3A_673 : vector<16xi32>
          %scatter3A_675 = tpu.memref_slice %arg7[%multiple_of3A_172] : memref<8192xf32, #tpu.memory_space<vmem>> -> memref<4096xf32, #tpu.memory_space<vmem>>
          tpu.vector_store_idx %scatter3A_675[%add3A_674], %gather3A_595 : memref<4096xf32, #tpu.memory_space<vmem>>[vector<16xi32>], vector<16xf32>,
          %add3A_676 = arith.addi %add3A_169, %mul3A_190 : i32
          %add3A_677 = arith.constant 12 : i32
          %add3A_678 = vector.broadcast %add3A_677 : i32 to vector<16xi32>
          %add3A_679 = arith.addi %iota3A, %add3A_678 : vector<16xi32>
          %and3A_680 = arith.constant 15 : i32
          %and3A_681 = vector.broadcast %and3A_680 : i32 to vector<16xi32>
          %and3A_682 = arith.andi %add3A_679, %and3A_681 : vector<16xi32>
          %add3A_683 = vector.broadcast %add3A_676 : i32 to vector<16xi32>
          %add3A_684 = arith.addi %add3A_683, %and3A_682 : vector<16xi32>
          %gather3A_685 = tpu.vector_load_idx %arg6[%add3A_684, %add3A_486] : memref<2048x32xf32, #tpu.memory_space<vmem>>[vector<16xi32>, vector<16xi32>], vector<16xf32>,
          %add3A_686 = arith.constant 8 : i32
          %add3A_687 = vector.broadcast %add3A_686 : i32 to vector<16xi32>
          %add3A_688 = arith.addi %iota3A, %add3A_687 : vector<16xi32>
          %and3A_689 = arith.constant 15 : i32
          %and3A_690 = vector.broadcast %and3A_689 : i32 to vector<16xi32>
          %and3A_691 = arith.andi %add3A_688, %and3A_690 : vector<16xi32>
          %add3A_692 = arith.addi %add3A_491, %and3A_691 : vector<16xi32>
          %scatter3A_693 = tpu.memref_slice %arg7[%multiple_of3A_172] : memref<8192xf32, #tpu.memory_space<vmem>> -> memref<4096xf32, #tpu.memory_space<vmem>>
          tpu.vector_store_idx %scatter3A_693[%add3A_692], %gather3A_613 : memref<4096xf32, #tpu.memory_space<vmem>>[vector<16xi32>], vector<16xf32>,
          %add3A_694 = arith.addi %add3A_169, %mul3A_190 : i32
          %add3A_695 = arith.constant 13 : i32
          %add3A_696 = vector.broadcast %add3A_695 : i32 to vector<16xi32>
          %add3A_697 = arith.addi %iota3A, %add3A_696 : vector<16xi32>
          %and3A_698 = arith.constant 15 : i32
          %and3A_699 = vector.broadcast %and3A_698 : i32 to vector<16xi32>
          %and3A_700 = arith.andi %add3A_697, %and3A_699 : vector<16xi32>
          %add3A_701 = vector.broadcast %add3A_694 : i32 to vector<16xi32>
          %add3A_702 = arith.addi %add3A_701, %and3A_700 : vector<16xi32>
          %gather3A_703 = tpu.vector_load_idx %arg6[%add3A_702, %add3A_486] : memref<2048x32xf32, #tpu.memory_space<vmem>>[vector<16xi32>, vector<16xi32>], vector<16xf32>,
          %add3A_704 = arith.constant 9 : i32
          %add3A_705 = vector.broadcast %add3A_704 : i32 to vector<16xi32>
          %add3A_706 = arith.addi %iota3A, %add3A_705 : vector<16xi32>
          %and3A_707 = arith.constant 15 : i32
          %and3A_708 = vector.broadcast %and3A_707 : i32 to vector<16xi32>
          %and3A_709 = arith.andi %add3A_706, %and3A_708 : vector<16xi32>
          %add3A_710 = arith.addi %add3A_491, %and3A_709 : vector<16xi32>
          %scatter3A_711 = tpu.memref_slice %arg7[%multiple_of3A_172] : memref<8192xf32, #tpu.memory_space<vmem>> -> memref<4096xf32, #tpu.memory_space<vmem>>
          tpu.vector_store_idx %scatter3A_711[%add3A_710], %gather3A_631 : memref<4096xf32, #tpu.memory_space<vmem>>[vector<16xi32>], vector<16xf32>,
          %add3A_712 = arith.addi %add3A_169, %mul3A_190 : i32
          %add3A_713 = arith.constant 14 : i32
          %add3A_714 = vector.broadcast %add3A_713 : i32 to vector<16xi32>
          %add3A_715 = arith.addi %iota3A, %add3A_714 : vector<16xi32>
          %and3A_716 = arith.constant 15 : i32
          %and3A_717 = vector.broadcast %and3A_716 : i32 to vector<16xi32>
          %and3A_718 = arith.andi %add3A_715, %and3A_717 : vector<16xi32>
          %add3A_719 = vector.broadcast %add3A_712 : i32 to vector<16xi32>
          %add3A_720 = arith.addi %add3A_719, %and3A_718 : vector<16xi32>
          %gather3A_721 = tpu.vector_load_idx %arg6[%add3A_720, %add3A_486] : memref<2048x32xf32, #tpu.memory_space<vmem>>[vector<16xi32>, vector<16xi32>], vector<16xf32>,
          %add3A_722 = arith.constant 10 : i32
          %add3A_723 = vector.broadcast %add3A_722 : i32 to vector<16xi32>
          %add3A_724 = arith.addi %iota3A, %add3A_723 : vector<16xi32>
          %and3A_725 = arith.constant 15 : i32
          %and3A_726 = vector.broadcast %and3A_725 : i32 to vector<16xi32>
          %and3A_727 = arith.andi %add3A_724, %and3A_726 : vector<16xi32>
          %add3A_728 = arith.addi %add3A_491, %and3A_727 : vector<16xi32>
          %scatter3A_729 = tpu.memref_slice %arg7[%multiple_of3A_172] : memref<8192xf32, #tpu.memory_space<vmem>> -> memref<4096xf32, #tpu.memory_space<vmem>>
          tpu.vector_store_idx %scatter3A_729[%add3A_728], %gather3A_649 : memref<4096xf32, #tpu.memory_space<vmem>>[vector<16xi32>], vector<16xf32>,
          %add3A_730 = arith.addi %add3A_169, %mul3A_190 : i32
          %add3A_731 = arith.constant 15 : i32
          %add3A_732 = vector.broadcast %add3A_731 : i32 to vector<16xi32>
          %add3A_733 = arith.addi %iota3A, %add3A_732 : vector<16xi32>
          %and3A_734 = arith.constant 15 : i32
          %and3A_735 = vector.broadcast %and3A_734 : i32 to vector<16xi32>
          %and3A_736 = arith.andi %add3A_733, %and3A_735 : vector<16xi32>
          %add3A_737 = vector.broadcast %add3A_730 : i32 to vector<16xi32>
          %add3A_738 = arith.addi %add3A_737, %and3A_736 : vector<16xi32>
          %gather3A_739 = tpu.vector_load_idx %arg6[%add3A_738, %add3A_486] : memref<2048x32xf32, #tpu.memory_space<vmem>>[vector<16xi32>, vector<16xi32>], vector<16xf32>,
          %add3A_740 = arith.constant 11 : i32
          %add3A_741 = vector.broadcast %add3A_740 : i32 to vector<16xi32>
          %add3A_742 = arith.addi %iota3A, %add3A_741 : vector<16xi32>
          %and3A_743 = arith.constant 15 : i32
          %and3A_744 = vector.broadcast %and3A_743 : i32 to vector<16xi32>
          %and3A_745 = arith.andi %add3A_742, %and3A_744 : vector<16xi32>
          %add3A_746 = arith.addi %add3A_491, %and3A_745 : vector<16xi32>
          %scatter3A_747 = tpu.memref_slice %arg7[%multiple_of3A_172] : memref<8192xf32, #tpu.memory_space<vmem>> -> memref<4096xf32, #tpu.memory_space<vmem>>
          tpu.vector_store_idx %scatter3A_747[%add3A_746], %gather3A_667 : memref<4096xf32, #tpu.memory_space<vmem>>[vector<16xi32>], vector<16xf32>,
          %add3A_748 = arith.constant 12 : i32
          %add3A_749 = vector.broadcast %add3A_748 : i32 to vector<16xi32>
          %add3A_750 = arith.addi %iota3A, %add3A_749 : vector<16xi32>
          %and3A_751 = arith.constant 15 : i32
          %and3A_752 = vector.broadcast %and3A_751 : i32 to vector<16xi32>
          %and3A_753 = arith.andi %add3A_750, %and3A_752 : vector<16xi32>
          %add3A_754 = arith.addi %add3A_491, %and3A_753 : vector<16xi32>
          %scatter3A_755 = tpu.memref_slice %arg7[%multiple_of3A_172] : memref<8192xf32, #tpu.memory_space<vmem>> -> memref<4096xf32, #tpu.memory_space<vmem>>
          tpu.vector_store_idx %scatter3A_755[%add3A_754], %gather3A_685 : memref<4096xf32, #tpu.memory_space<vmem>>[vector<16xi32>], vector<16xf32>,
          %add3A_756 = arith.constant 13 : i32
          %add3A_757 = vector.broadcast %add3A_756 : i32 to vector<16xi32>
          %add3A_758 = arith.addi %iota3A, %add3A_757 : vector<16xi32>
          %and3A_759 = arith.constant 15 : i32
          %and3A_760 = vector.broadcast %and3A_759 : i32 to vector<16xi32>
          %and3A_761 = arith.andi %add3A_758, %and3A_760 : vector<16xi32>
          %add3A_762 = arith.addi %add3A_491, %and3A_761 : vector<16xi32>
          %scatter3A_763 = tpu.memref_slice %arg7[%multiple_of3A_172] : memref<8192xf32, #tpu.memory_space<vmem>> -> memref<4096xf32, #tpu.memory_space<vmem>>
          tpu.vector_store_idx %scatter3A_763[%add3A_762], %gather3A_703 : memref<4096xf32, #tpu.memory_space<vmem>>[vector<16xi32>], vector<16xf32>,
          %add3A_764 = arith.constant 14 : i32
          %add3A_765 = vector.broadcast %add3A_764 : i32 to vector<16xi32>
          %add3A_766 = arith.addi %iota3A, %add3A_765 : vector<16xi32>
          %and3A_767 = arith.constant 15 : i32
          %and3A_768 = vector.broadcast %and3A_767 : i32 to vector<16xi32>
          %and3A_769 = arith.andi %add3A_766, %and3A_768 : vector<16xi32>
          %add3A_770 = arith.addi %add3A_491, %and3A_769 : vector<16xi32>
          %scatter3A_771 = tpu.memref_slice %arg7[%multiple_of3A_172] : memref<8192xf32, #tpu.memory_space<vmem>> -> memref<4096xf32, #tpu.memory_space<vmem>>
          tpu.vector_store_idx %scatter3A_771[%add3A_770], %gather3A_721 : memref<4096xf32, #tpu.memory_space<vmem>>[vector<16xi32>], vector<16xf32>,
          %add3A_772 = arith.constant 15 : i32
          %add3A_773 = vector.broadcast %add3A_772 : i32 to vector<16xi32>
          %add3A_774 = arith.addi %iota3A, %add3A_773 : vector<16xi32>
          %and3A_775 = arith.constant 15 : i32
          %and3A_776 = vector.broadcast %and3A_775 : i32 to vector<16xi32>
          %and3A_777 = arith.andi %add3A_774, %and3A_776 : vector<16xi32>
          %add3A_778 = arith.addi %add3A_491, %and3A_777 : vector<16xi32>
          %scatter3A_779 = tpu.memref_slice %arg7[%multiple_of3A_172] : memref<8192xf32, #tpu.memory_space<vmem>> -> memref<4096xf32, #tpu.memory_space<vmem>>
          tpu.vector_store_idx %scatter3A_779[%add3A_778], %gather3A_739 : memref<4096xf32, #tpu.memory_space<vmem>>[vector<16xi32>], vector<16xf32>,
        }
        %scan3A_178 = arith.constant 8 : i32
        %eq3A = arith.constant 0 : i32
        %eq3A_179 = arith.cmpi eq, %rem3A_162, %eq3A : i32
        %convert_element_type3A_180 = arith.extui %eq3A_179 : i1 to i32
        %cond3A_181 = arith.constant 0 : i32
        %cond3A_182 = arith.cmpi ne, %convert_element_type3A_180, %cond3A_181 : i32
        scf.if %cond3A_182 {
          %multiple_of3A_188 = arith.constant 0 : i32
          %multiple_of3A_189 = tpu.assume_multiple %multiple_of3A_188, 8 : i32
          %dma_start3A_190 = arith.constant 0 : i32
          %dma_start3A_191 = tpu.memref_slice %arg7[%multiple_of3A_189] : memref<8192xf32, #tpu.memory_space<vmem>> -> memref<1024xf32, #tpu.memory_space<vmem>>
          %dma_start3A_192 = arith.constant 0 : i32
          %dma_start3A_193 = tpu.memref_slice %arg4[%add3A_160, %dma_start3A_190, %add3A, %dma_start3A_192] : memref<200x4x32x1024xf32, #tpu.memory_space<hbm>> -> memref<1x1x1x1024xf32, #tpu.memory_space<hbm>>
          %dma_start3A_194 = tpu.memref_squeeze %dma_start3A_193 : memref<1x1x1x1024xf32, #tpu.memory_space<hbm>> -> memref<1024xf32, #tpu.memory_space<hbm>>
          %dma_start3A_195 = arith.constant 0 : i32
          %dma_start3A_196 = tpu.memref_slice %arg4[%add3A_160, %dma_start3A_190, %add3A, %dma_start3A_195] : memref<200x4x32x1024xf32, #tpu.memory_space<hbm>> -> memref<1x1x1x1024xf32, #tpu.memory_space<hbm>>
          %dma_start3A_197 = tpu.memref_squeeze %dma_start3A_196 : memref<1x1x1x1024xf32, #tpu.memory_space<hbm>> -> memref<1024xf32, #tpu.memory_space<hbm>>
          %dma_start3A_198 = tpu.memref_slice %arg7[%multiple_of3A_189] : memref<8192xf32, #tpu.memory_space<vmem>> -> memref<1024xf32, #tpu.memory_space<vmem>>
          tpu.enqueue_dma source(%dma_start3A_198 : memref<1024xf32, #tpu.memory_space<vmem>>) target(%dma_start3A_197 : memref<1024xf32, #tpu.memory_space<hbm>>) target_semaphore(%arg9 : memref<!tpu.dma_semaphore, #tpu.memory_space<semaphore_mem>>)
          %multiple_of3A_199 = arith.constant 1024 : i32
          %multiple_of3A_200 = tpu.assume_multiple %multiple_of3A_199, 8 : i32
          %dma_start3A_201 = arith.constant 1 : i32
          %dma_start3A_202 = tpu.memref_slice %arg7[%multiple_of3A_200] : memref<8192xf32, #tpu.memory_space<vmem>> -> memref<1024xf32, #tpu.memory_space<vmem>>
          %dma_start3A_203 = arith.constant 0 : i32
          %dma_start3A_204 = tpu.memref_slice %arg4[%add3A_160, %dma_start3A_201, %add3A, %dma_start3A_203] : memref<200x4x32x1024xf32, #tpu.memory_space<hbm>> -> memref<1x1x1x1024xf32, #tpu.memory_space<hbm>>
          %dma_start3A_205 = tpu.memref_squeeze %dma_start3A_204 : memref<1x1x1x1024xf32, #tpu.memory_space<hbm>> -> memref<1024xf32, #tpu.memory_space<hbm>>
          %dma_start3A_206 = arith.constant 0 : i32
          %dma_start3A_207 = tpu.memref_slice %arg4[%add3A_160, %dma_start3A_201, %add3A, %dma_start3A_206] : memref<200x4x32x1024xf32, #tpu.memory_space<hbm>> -> memref<1x1x1x1024xf32, #tpu.memory_space<hbm>>
          %dma_start3A_208 = tpu.memref_squeeze %dma_start3A_207 : memref<1x1x1x1024xf32, #tpu.memory_space<hbm>> -> memref<1024xf32, #tpu.memory_space<hbm>>
          %dma_start3A_209 = tpu.memref_slice %arg7[%multiple_of3A_200] : memref<8192xf32, #tpu.memory_space<vmem>> -> memref<1024xf32, #tpu.memory_space<vmem>>
          tpu.enqueue_dma source(%dma_start3A_209 : memref<1024xf32, #tpu.memory_space<vmem>>) target(%dma_start3A_208 : memref<1024xf32, #tpu.memory_space<hbm>>) target_semaphore(%arg9 : memref<!tpu.dma_semaphore, #tpu.memory_space<semaphore_mem>>)
          %multiple_of3A_210 = arith.constant 2048 : i32
          %multiple_of3A_211 = tpu.assume_multiple %multiple_of3A_210, 8 : i32
          %dma_start3A_212 = arith.constant 2 : i32
          %dma_start3A_213 = tpu.memref_slice %arg7[%multiple_of3A_211] : memref<8192xf32, #tpu.memory_space<vmem>> -> memref<1024xf32, #tpu.memory_space<vmem>>
          %dma_start3A_214 = arith.constant 0 : i32
          %dma_start3A_215 = tpu.memref_slice %arg4[%add3A_160, %dma_start3A_212, %add3A, %dma_start3A_214] : memref<200x4x32x1024xf32, #tpu.memory_space<hbm>> -> memref<1x1x1x1024xf32, #tpu.memory_space<hbm>>
          %dma_start3A_216 = tpu.memref_squeeze %dma_start3A_215 : memref<1x1x1x1024xf32, #tpu.memory_space<hbm>> -> memref<1024xf32, #tpu.memory_space<hbm>>
          %dma_start3A_217 = arith.constant 0 : i32
          %dma_start3A_218 = tpu.memref_slice %arg4[%add3A_160, %dma_start3A_212, %add3A, %dma_start3A_217] : memref<200x4x32x1024xf32, #tpu.memory_space<hbm>> -> memref<1x1x1x1024xf32, #tpu.memory_space<hbm>>
          %dma_start3A_219 = tpu.memref_squeeze %dma_start3A_218 : memref<1x1x1x1024xf32, #tpu.memory_space<hbm>> -> memref<1024xf32, #tpu.memory_space<hbm>>
          %dma_start3A_220 = tpu.memref_slice %arg7[%multiple_of3A_211] : memref<8192xf32, #tpu.memory_space<vmem>> -> memref<1024xf32, #tpu.memory_space<vmem>>
          tpu.enqueue_dma source(%dma_start3A_220 : memref<1024xf32, #tpu.memory_space<vmem>>) target(%dma_start3A_219 : memref<1024xf32, #tpu.memory_space<hbm>>) target_semaphore(%arg9 : memref<!tpu.dma_semaphore, #tpu.memory_space<semaphore_mem>>)
          %multiple_of3A_221 = arith.constant 3072 : i32
          %multiple_of3A_222 = tpu.assume_multiple %multiple_of3A_221, 8 : i32
          %dma_start3A_223 = arith.constant 3 : i32
          %dma_start3A_224 = tpu.memref_slice %arg7[%multiple_of3A_222] : memref<8192xf32, #tpu.memory_space<vmem>> -> memref<1024xf32, #tpu.memory_space<vmem>>
          %dma_start3A_225 = arith.constant 0 : i32
          %dma_start3A_226 = tpu.memref_slice %arg4[%add3A_160, %dma_start3A_223, %add3A, %dma_start3A_225] : memref<200x4x32x1024xf32, #tpu.memory_space<hbm>> -> memref<1x1x1x1024xf32, #tpu.memory_space<hbm>>
          %dma_start3A_227 = tpu.memref_squeeze %dma_start3A_226 : memref<1x1x1x1024xf32, #tpu.memory_space<hbm>> -> memref<1024xf32, #tpu.memory_space<hbm>>
          %dma_start3A_228 = arith.constant 0 : i32
          %dma_start3A_229 = tpu.memref_slice %arg4[%add3A_160, %dma_start3A_223, %add3A, %dma_start3A_228] : memref<200x4x32x1024xf32, #tpu.memory_space<hbm>> -> memref<1x1x1x1024xf32, #tpu.memory_space<hbm>>
          %dma_start3A_230 = tpu.memref_squeeze %dma_start3A_229 : memref<1x1x1x1024xf32, #tpu.memory_space<hbm>> -> memref<1024xf32, #tpu.memory_space<hbm>>
          %dma_start3A_231 = tpu.memref_slice %arg7[%multiple_of3A_222] : memref<8192xf32, #tpu.memory_space<vmem>> -> memref<1024xf32, #tpu.memory_space<vmem>>
          tpu.enqueue_dma source(%dma_start3A_231 : memref<1024xf32, #tpu.memory_space<vmem>>) target(%dma_start3A_230 : memref<1024xf32, #tpu.memory_space<hbm>>) target_semaphore(%arg9 : memref<!tpu.dma_semaphore, #tpu.memory_space<semaphore_mem>>)
        } else {
        }
        %eq3A_183 = arith.constant 1 : i32
        %eq3A_184 = arith.cmpi eq, %rem3A_162, %eq3A_183 : i32
        %convert_element_type3A_185 = arith.extui %eq3A_184 : i1 to i32
        %cond3A_186 = arith.constant 0 : i32
        %cond3A_187 = arith.cmpi ne, %convert_element_type3A_185, %cond3A_186 : i32
        scf.if %cond3A_187 {
          %multiple_of3A_188 = arith.constant 4096 : i32
          %multiple_of3A_189 = tpu.assume_multiple %multiple_of3A_188, 8 : i32
          %dma_start3A_190 = arith.constant 0 : i32
          %dma_start3A_191 = tpu.memref_slice %arg7[%multiple_of3A_189] : memref<8192xf32, #tpu.memory_space<vmem>> -> memref<1024xf32, #tpu.memory_space<vmem>>
          %dma_start3A_192 = arith.constant 0 : i32
          %dma_start3A_193 = tpu.memref_slice %arg4[%add3A_160, %dma_start3A_190, %add3A, %dma_start3A_192] : memref<200x4x32x1024xf32, #tpu.memory_space<hbm>> -> memref<1x1x1x1024xf32, #tpu.memory_space<hbm>>
          %dma_start3A_194 = tpu.memref_squeeze %dma_start3A_193 : memref<1x1x1x1024xf32, #tpu.memory_space<hbm>> -> memref<1024xf32, #tpu.memory_space<hbm>>
          %dma_start3A_195 = arith.constant 0 : i32
          %dma_start3A_196 = tpu.memref_slice %arg4[%add3A_160, %dma_start3A_190, %add3A, %dma_start3A_195] : memref<200x4x32x1024xf32, #tpu.memory_space<hbm>> -> memref<1x1x1x1024xf32, #tpu.memory_space<hbm>>
          %dma_start3A_197 = tpu.memref_squeeze %dma_start3A_196 : memref<1x1x1x1024xf32, #tpu.memory_space<hbm>> -> memref<1024xf32, #tpu.memory_space<hbm>>
          %dma_start3A_198 = tpu.memref_slice %arg7[%multiple_of3A_189] : memref<8192xf32, #tpu.memory_space<vmem>> -> memref<1024xf32, #tpu.memory_space<vmem>>
          tpu.enqueue_dma source(%dma_start3A_198 : memref<1024xf32, #tpu.memory_space<vmem>>) target(%dma_start3A_197 : memref<1024xf32, #tpu.memory_space<hbm>>) target_semaphore(%arg10 : memref<!tpu.dma_semaphore, #tpu.memory_space<semaphore_mem>>)
          %multiple_of3A_199 = arith.constant 5120 : i32
          %multiple_of3A_200 = tpu.assume_multiple %multiple_of3A_199, 8 : i32
          %dma_start3A_201 = arith.constant 1 : i32
          %dma_start3A_202 = tpu.memref_slice %arg7[%multiple_of3A_200] : memref<8192xf32, #tpu.memory_space<vmem>> -> memref<1024xf32, #tpu.memory_space<vmem>>
          %dma_start3A_203 = arith.constant 0 : i32
          %dma_start3A_204 = tpu.memref_slice %arg4[%add3A_160, %dma_start3A_201, %add3A, %dma_start3A_203] : memref<200x4x32x1024xf32, #tpu.memory_space<hbm>> -> memref<1x1x1x1024xf32, #tpu.memory_space<hbm>>
          %dma_start3A_205 = tpu.memref_squeeze %dma_start3A_204 : memref<1x1x1x1024xf32, #tpu.memory_space<hbm>> -> memref<1024xf32, #tpu.memory_space<hbm>>
          %dma_start3A_206 = arith.constant 0 : i32
          %dma_start3A_207 = tpu.memref_slice %arg4[%add3A_160, %dma_start3A_201, %add3A, %dma_start3A_206] : memref<200x4x32x1024xf32, #tpu.memory_space<hbm>> -> memref<1x1x1x1024xf32, #tpu.memory_space<hbm>>
          %dma_start3A_208 = tpu.memref_squeeze %dma_start3A_207 : memref<1x1x1x1024xf32, #tpu.memory_space<hbm>> -> memref<1024xf32, #tpu.memory_space<hbm>>
          %dma_start3A_209 = tpu.memref_slice %arg7[%multiple_of3A_200] : memref<8192xf32, #tpu.memory_space<vmem>> -> memref<1024xf32, #tpu.memory_space<vmem>>
          tpu.enqueue_dma source(%dma_start3A_209 : memref<1024xf32, #tpu.memory_space<vmem>>) target(%dma_start3A_208 : memref<1024xf32, #tpu.memory_space<hbm>>) target_semaphore(%arg10 : memref<!tpu.dma_semaphore, #tpu.memory_space<semaphore_mem>>)
          %multiple_of3A_210 = arith.constant 6144 : i32
          %multiple_of3A_211 = tpu.assume_multiple %multiple_of3A_210, 8 : i32
          %dma_start3A_212 = arith.constant 2 : i32
          %dma_start3A_213 = tpu.memref_slice %arg7[%multiple_of3A_211] : memref<8192xf32, #tpu.memory_space<vmem>> -> memref<1024xf32, #tpu.memory_space<vmem>>
          %dma_start3A_214 = arith.constant 0 : i32
          %dma_start3A_215 = tpu.memref_slice %arg4[%add3A_160, %dma_start3A_212, %add3A, %dma_start3A_214] : memref<200x4x32x1024xf32, #tpu.memory_space<hbm>> -> memref<1x1x1x1024xf32, #tpu.memory_space<hbm>>
          %dma_start3A_216 = tpu.memref_squeeze %dma_start3A_215 : memref<1x1x1x1024xf32, #tpu.memory_space<hbm>> -> memref<1024xf32, #tpu.memory_space<hbm>>
          %dma_start3A_217 = arith.constant 0 : i32
          %dma_start3A_218 = tpu.memref_slice %arg4[%add3A_160, %dma_start3A_212, %add3A, %dma_start3A_217] : memref<200x4x32x1024xf32, #tpu.memory_space<hbm>> -> memref<1x1x1x1024xf32, #tpu.memory_space<hbm>>
          %dma_start3A_219 = tpu.memref_squeeze %dma_start3A_218 : memref<1x1x1x1024xf32, #tpu.memory_space<hbm>> -> memref<1024xf32, #tpu.memory_space<hbm>>
          %dma_start3A_220 = tpu.memref_slice %arg7[%multiple_of3A_211] : memref<8192xf32, #tpu.memory_space<vmem>> -> memref<1024xf32, #tpu.memory_space<vmem>>
          tpu.enqueue_dma source(%dma_start3A_220 : memref<1024xf32, #tpu.memory_space<vmem>>) target(%dma_start3A_219 : memref<1024xf32, #tpu.memory_space<hbm>>) target_semaphore(%arg10 : memref<!tpu.dma_semaphore, #tpu.memory_space<semaphore_mem>>)
          %multiple_of3A_221 = arith.constant 7168 : i32
          %multiple_of3A_222 = tpu.assume_multiple %multiple_of3A_221, 8 : i32
          %dma_start3A_223 = arith.constant 3 : i32
          %dma_start3A_224 = tpu.memref_slice %arg7[%multiple_of3A_222] : memref<8192xf32, #tpu.memory_space<vmem>> -> memref<1024xf32, #tpu.memory_space<vmem>>
          %dma_start3A_225 = arith.constant 0 : i32
          %dma_start3A_226 = tpu.memref_slice %arg4[%add3A_160, %dma_start3A_223, %add3A, %dma_start3A_225] : memref<200x4x32x1024xf32, #tpu.memory_space<hbm>> -> memref<1x1x1x1024xf32, #tpu.memory_space<hbm>>
          %dma_start3A_227 = tpu.memref_squeeze %dma_start3A_226 : memref<1x1x1x1024xf32, #tpu.memory_space<hbm>> -> memref<1024xf32, #tpu.memory_space<hbm>>
          %dma_start3A_228 = arith.constant 0 : i32
          %dma_start3A_229 = tpu.memref_slice %arg4[%add3A_160, %dma_start3A_223, %add3A, %dma_start3A_228] : memref<200x4x32x1024xf32, #tpu.memory_space<hbm>> -> memref<1x1x1x1024xf32, #tpu.memory_space<hbm>>
          %dma_start3A_230 = tpu.memref_squeeze %dma_start3A_229 : memref<1x1x1x1024xf32, #tpu.memory_space<hbm>> -> memref<1024xf32, #tpu.memory_space<hbm>>
          %dma_start3A_231 = tpu.memref_slice %arg7[%multiple_of3A_222] : memref<8192xf32, #tpu.memory_space<vmem>> -> memref<1024xf32, #tpu.memory_space<vmem>>
          tpu.enqueue_dma source(%dma_start3A_231 : memref<1024xf32, #tpu.memory_space<vmem>>) target(%dma_start3A_230 : memref<1024xf32, #tpu.memory_space<hbm>>) target_semaphore(%arg10 : memref<!tpu.dma_semaphore, #tpu.memory_space<semaphore_mem>>)
        } else {
        }
      }
      %scan3A_156 = arith.constant 8 : i32
    }
    %scan3A_14 = arith.constant 25 : i32
    %dma_wait3A = arith.constant 0 : i32
    %dma_wait3A_15 = arith.constant 0 : i32
    %dma_wait3A_16 = arith.constant 0 : i32
    %dma_wait3A_17 = tpu.memref_slice %arg6[%dma_wait3A_15, %dma_wait3A_16] : memref<2048x32xf32, #tpu.memory_space<vmem>> -> memref<1024x32xf32, #tpu.memory_space<vmem>>
    %dma_wait3A_18 = arith.constant 0 : i32
    %dma_wait3A_19 = tpu.memref_slice %arg5[%dma_wait3A, %dma_wait3A_18] : memref<25x1024xi32, #tpu.memory_space<vmem>> -> memref<1x1024xi32, #tpu.memory_space<vmem>>
    %dma_wait3A_20 = tpu.memref_squeeze %dma_wait3A_19 : memref<1x1024xi32, #tpu.memory_space<vmem>> -> memref<1024xi32, #tpu.memory_space<vmem>>
    %dma_wait3A_21 = arith.constant 0 : i32
    %dma_wait3A_22 = arith.constant 0 : i32
    %dma_wait3A_23 = tpu.memref_slice %arg3[%dma_wait3A_21, %dma_wait3A_22] : memref<1000000x32xf32, #tpu.memory_space<hbm>> -> memref<1000000x32xf32, #tpu.memory_space<hbm>>
    tpu.wait_indirect_dma semaphore(%arg8 : memref<!tpu.dma_semaphore, #tpu.memory_space<semaphore_mem>>) src(%dma_wait3A_23 : memref<1000000x32xf32, #tpu.memory_space<hbm>>) dst(%dma_wait3A_17 : memref<1024x32xf32, #tpu.memory_space<vmem>>)
    %dma_wait3A_24 = arith.constant 0 : i32
    %dma_wait3A_25 = arith.constant 0 : i32
    %dma_wait3A_26 = arith.constant 0 : i32
    %dma_wait3A_27 = tpu.memref_slice %arg7[%dma_wait3A_26] : memref<8192xf32, #tpu.memory_space<vmem>> -> memref<1024xf32, #tpu.memory_space<vmem>>
    %dma_wait3A_28 = arith.constant 0 : i32
    %dma_wait3A_29 = tpu.memref_slice %arg4[%dma_wait3A_24, %dma_wait3A_25, %add3A, %dma_wait3A_28] : memref<200x4x32x1024xf32, #tpu.memory_space<hbm>> -> memref<1x1x1x1024xf32, #tpu.memory_space<hbm>>
    %dma_wait3A_30 = tpu.memref_squeeze %dma_wait3A_29 : memref<1x1x1x1024xf32, #tpu.memory_space<hbm>> -> memref<1024xf32, #tpu.memory_space<hbm>>
    %dma_wait3A_31 = arith.constant 0 : i32
    %dma_wait3A_32 = tpu.memref_slice %arg4[%dma_wait3A_24, %dma_wait3A_25, %add3A, %dma_wait3A_31] : memref<200x4x32x1024xf32, #tpu.memory_space<hbm>> -> memref<1x1x1x1024xf32, #tpu.memory_space<hbm>>
    %dma_wait3A_33 = tpu.memref_squeeze %dma_wait3A_32 : memref<1x1x1x1024xf32, #tpu.memory_space<hbm>> -> memref<1024xf32, #tpu.memory_space<hbm>>
    %dma_wait3A_34 = arith.constant 0 : i32
    %dma_wait3A_35 = tpu.memref_slice %arg7[%dma_wait3A_34] : memref<8192xf32, #tpu.memory_space<vmem>> -> memref<1024xf32, #tpu.memory_space<vmem>>
    tpu.wait_dma2 semaphore(%arg9 : memref<!tpu.dma_semaphore, #tpu.memory_space<semaphore_mem>>) src(%dma_wait3A_35 : memref<1024xf32, #tpu.memory_space<vmem>>) dst(%dma_wait3A_33 : memref<1024xf32, #tpu.memory_space<hbm>>)
    %dma_wait3A_36 = arith.constant 0 : i32
    %dma_wait3A_37 = arith.constant 1 : i32
    %dma_wait3A_38 = arith.constant 1024 : i32
    %dma_wait3A_39 = tpu.memref_slice %arg7[%dma_wait3A_38] : memref<8192xf32, #tpu.memory_space<vmem>> -> memref<1024xf32, #tpu.memory_space<vmem>>
    %dma_wait3A_40 = arith.constant 0 : i32
    %dma_wait3A_41 = tpu.memref_slice %arg4[%dma_wait3A_36, %dma_wait3A_37, %add3A, %dma_wait3A_40] : memref<200x4x32x1024xf32, #tpu.memory_space<hbm>> -> memref<1x1x1x1024xf32, #tpu.memory_space<hbm>>
    %dma_wait3A_42 = tpu.memref_squeeze %dma_wait3A_41 : memref<1x1x1x1024xf32, #tpu.memory_space<hbm>> -> memref<1024xf32, #tpu.memory_space<hbm>>
    %dma_wait3A_43 = arith.constant 0 : i32
    %dma_wait3A_44 = tpu.memref_slice %arg4[%dma_wait3A_36, %dma_wait3A_37, %add3A, %dma_wait3A_43] : memref<200x4x32x1024xf32, #tpu.memory_space<hbm>> -> memref<1x1x1x1024xf32, #tpu.memory_space<hbm>>
    %dma_wait3A_45 = tpu.memref_squeeze %dma_wait3A_44 : memref<1x1x1x1024xf32, #tpu.memory_space<hbm>> -> memref<1024xf32, #tpu.memory_space<hbm>>
    %dma_wait3A_46 = arith.constant 1024 : i32
    %dma_wait3A_47 = tpu.memref_slice %arg7[%dma_wait3A_46] : memref<8192xf32, #tpu.memory_space<vmem>> -> memref<1024xf32, #tpu.memory_space<vmem>>
    tpu.wait_dma2 semaphore(%arg9 : memref<!tpu.dma_semaphore, #tpu.memory_space<semaphore_mem>>) src(%dma_wait3A_47 : memref<1024xf32, #tpu.memory_space<vmem>>) dst(%dma_wait3A_45 : memref<1024xf32, #tpu.memory_space<hbm>>)
    %dma_wait3A_48 = arith.constant 0 : i32
    %dma_wait3A_49 = arith.constant 2 : i32
    %dma_wait3A_50 = arith.constant 2048 : i32
    %dma_wait3A_51 = tpu.memref_slice %arg7[%dma_wait3A_50] : memref<8192xf32, #tpu.memory_space<vmem>> -> memref<1024xf32, #tpu.memory_space<vmem>>
    %dma_wait3A_52 = arith.constant 0 : i32
    %dma_wait3A_53 = tpu.memref_slice %arg4[%dma_wait3A_48, %dma_wait3A_49, %add3A, %dma_wait3A_52] : memref<200x4x32x1024xf32, #tpu.memory_space<hbm>> -> memref<1x1x1x1024xf32, #tpu.memory_space<hbm>>
    %dma_wait3A_54 = tpu.memref_squeeze %dma_wait3A_53 : memref<1x1x1x1024xf32, #tpu.memory_space<hbm>> -> memref<1024xf32, #tpu.memory_space<hbm>>
    %dma_wait3A_55 = arith.constant 0 : i32
    %dma_wait3A_56 = tpu.memref_slice %arg4[%dma_wait3A_48, %dma_wait3A_49, %add3A, %dma_wait3A_55] : memref<200x4x32x1024xf32, #tpu.memory_space<hbm>> -> memref<1x1x1x1024xf32, #tpu.memory_space<hbm>>
    %dma_wait3A_57 = tpu.memref_squeeze %dma_wait3A_56 : memref<1x1x1x1024xf32, #tpu.memory_space<hbm>> -> memref<1024xf32, #tpu.memory_space<hbm>>
    %dma_wait3A_58 = arith.constant 2048 : i32
    %dma_wait3A_59 = tpu.memref_slice %arg7[%dma_wait3A_58] : memref<8192xf32, #tpu.memory_space<vmem>> -> memref<1024xf32, #tpu.memory_space<vmem>>
    tpu.wait_dma2 semaphore(%arg9 : memref<!tpu.dma_semaphore, #tpu.memory_space<semaphore_mem>>) src(%dma_wait3A_59 : memref<1024xf32, #tpu.memory_space<vmem>>) dst(%dma_wait3A_57 : memref<1024xf32, #tpu.memory_space<hbm>>)
    %dma_wait3A_60 = arith.constant 0 : i32
    %dma_wait3A_61 = arith.constant 3 : i32
    %dma_wait3A_62 = arith.constant 3072 : i32
    %dma_wait3A_63 = tpu.memref_slice %arg7[%dma_wait3A_62] : memref<8192xf32, #tpu.memory_space<vmem>> -> memref<1024xf32, #tpu.memory_space<vmem>>
    %dma_wait3A_64 = arith.constant 0 : i32
    %dma_wait3A_65 = tpu.memref_slice %arg4[%dma_wait3A_60, %dma_wait3A_61, %add3A, %dma_wait3A_64] : memref<200x4x32x1024xf32, #tpu.memory_space<hbm>> -> memref<1x1x1x1024xf32, #tpu.memory_space<hbm>>
    %dma_wait3A_66 = tpu.memref_squeeze %dma_wait3A_65 : memref<1x1x1x1024xf32, #tpu.memory_space<hbm>> -> memref<1024xf32, #tpu.memory_space<hbm>>
    %dma_wait3A_67 = arith.constant 0 : i32
    %dma_wait3A_68 = tpu.memref_slice %arg4[%dma_wait3A_60, %dma_wait3A_61, %add3A, %dma_wait3A_67] : memref<200x4x32x1024xf32, #tpu.memory_space<hbm>> -> memref<1x1x1x1024xf32, #tpu.memory_space<hbm>>
    %dma_wait3A_69 = tpu.memref_squeeze %dma_wait3A_68 : memref<1x1x1x1024xf32, #tpu.memory_space<hbm>> -> memref<1024xf32, #tpu.memory_space<hbm>>
    %dma_wait3A_70 = arith.constant 3072 : i32
    %dma_wait3A_71 = tpu.memref_slice %arg7[%dma_wait3A_70] : memref<8192xf32, #tpu.memory_space<vmem>> -> memref<1024xf32, #tpu.memory_space<vmem>>
    tpu.wait_dma2 semaphore(%arg9 : memref<!tpu.dma_semaphore, #tpu.memory_space<semaphore_mem>>) src(%dma_wait3A_71 : memref<1024xf32, #tpu.memory_space<vmem>>) dst(%dma_wait3A_69 : memref<1024xf32, #tpu.memory_space<hbm>>)
    %dma_wait3A_72 = arith.constant 0 : i32
    %dma_wait3A_73 = arith.constant 0 : i32
    %dma_wait3A_74 = arith.constant 0 : i32
    %dma_wait3A_75 = tpu.memref_slice %arg7[%dma_wait3A_74] : memref<8192xf32, #tpu.memory_space<vmem>> -> memref<1024xf32, #tpu.memory_space<vmem>>
    %dma_wait3A_76 = arith.constant 0 : i32
    %dma_wait3A_77 = tpu.memref_slice %arg4[%dma_wait3A_72, %dma_wait3A_73, %add3A, %dma_wait3A_76] : memref<200x4x32x1024xf32, #tpu.memory_space<hbm>> -> memref<1x1x1x1024xf32, #tpu.memory_space<hbm>>
    %dma_wait3A_78 = tpu.memref_squeeze %dma_wait3A_77 : memref<1x1x1x1024xf32, #tpu.memory_space<hbm>> -> memref<1024xf32, #tpu.memory_space<hbm>>
    %dma_wait3A_79 = arith.constant 0 : i32
    %dma_wait3A_80 = tpu.memref_slice %arg4[%dma_wait3A_72, %dma_wait3A_73, %add3A, %dma_wait3A_79] : memref<200x4x32x1024xf32, #tpu.memory_space<hbm>> -> memref<1x1x1x1024xf32, #tpu.memory_space<hbm>>
    %dma_wait3A_81 = tpu.memref_squeeze %dma_wait3A_80 : memref<1x1x1x1024xf32, #tpu.memory_space<hbm>> -> memref<1024xf32, #tpu.memory_space<hbm>>
    %dma_wait3A_82 = arith.constant 0 : i32
    %dma_wait3A_83 = tpu.memref_slice %arg7[%dma_wait3A_82] : memref<8192xf32, #tpu.memory_space<vmem>> -> memref<1024xf32, #tpu.memory_space<vmem>>
    tpu.wait_dma2 semaphore(%arg10 : memref<!tpu.dma_semaphore, #tpu.memory_space<semaphore_mem>>) src(%dma_wait3A_83 : memref<1024xf32, #tpu.memory_space<vmem>>) dst(%dma_wait3A_81 : memref<1024xf32, #tpu.memory_space<hbm>>)
    %dma_wait3A_84 = arith.constant 0 : i32
    %dma_wait3A_85 = arith.constant 1 : i32
    %dma_wait3A_86 = arith.constant 1024 : i32
    %dma_wait3A_87 = tpu.memref_slice %arg7[%dma_wait3A_86] : memref<8192xf32, #tpu.memory_space<vmem>> -> memref<1024xf32, #tpu.memory_space<vmem>>
    %dma_wait3A_88 = arith.constant 0 : i32
    %dma_wait3A_89 = tpu.memref_slice %arg4[%dma_wait3A_84, %dma_wait3A_85, %add3A, %dma_wait3A_88] : memref<200x4x32x1024xf32, #tpu.memory_space<hbm>> -> memref<1x1x1x1024xf32, #tpu.memory_space<hbm>>
    %dma_wait3A_90 = tpu.memref_squeeze %dma_wait3A_89 : memref<1x1x1x1024xf32, #tpu.memory_space<hbm>> -> memref<1024xf32, #tpu.memory_space<hbm>>
    %dma_wait3A_91 = arith.constant 0 : i32
    %dma_wait3A_92 = tpu.memref_slice %arg4[%dma_wait3A_84, %dma_wait3A_85, %add3A, %dma_wait3A_91] : memref<200x4x32x1024xf32, #tpu.memory_space<hbm>> -> memref<1x1x1x1024xf32, #tpu.memory_space<hbm>>
    %dma_wait3A_93 = tpu.memref_squeeze %dma_wait3A_92 : memref<1x1x1x1024xf32, #tpu.memory_space<hbm>> -> memref<1024xf32, #tpu.memory_space<hbm>>
    %dma_wait3A_94 = arith.constant 1024 : i32
    %dma_wait3A_95 = tpu.memref_slice %arg7[%dma_wait3A_94] : memref<8192xf32, #tpu.memory_space<vmem>> -> memref<1024xf32, #tpu.memory_space<vmem>>
    tpu.wait_dma2 semaphore(%arg10 : memref<!tpu.dma_semaphore, #tpu.memory_space<semaphore_mem>>) src(%dma_wait3A_95 : memref<1024xf32, #tpu.memory_space<vmem>>) dst(%dma_wait3A_93 : memref<1024xf32, #tpu.memory_space<hbm>>)
    %dma_wait3A_96 = arith.constant 0 : i32
    %dma_wait3A_97 = arith.constant 2 : i32
    %dma_wait3A_98 = arith.constant 2048 : i32
    %dma_wait3A_99 = tpu.memref_slice %arg7[%dma_wait3A_98] : memref<8192xf32, #tpu.memory_space<vmem>> -> memref<1024xf32, #tpu.memory_space<vmem>>
    %dma_wait3A_100 = arith.constant 0 : i32
    %dma_wait3A_101 = tpu.memref_slice %arg4[%dma_wait3A_96, %dma_wait3A_97, %add3A, %dma_wait3A_100] : memref<200x4x32x1024xf32, #tpu.memory_space<hbm>> -> memref<1x1x1x1024xf32, #tpu.memory_space<hbm>>
    %dma_wait3A_102 = tpu.memref_squeeze %dma_wait3A_101 : memref<1x1x1x1024xf32, #tpu.memory_space<hbm>> -> memref<1024xf32, #tpu.memory_space<hbm>>
    %dma_wait3A_103 = arith.constant 0 : i32
    %dma_wait3A_104 = tpu.memref_slice %arg4[%dma_wait3A_96, %dma_wait3A_97, %add3A, %dma_wait3A_103] : memref<200x4x32x1024xf32, #tpu.memory_space<hbm>> -> memref<1x1x1x1024xf32, #tpu.memory_space<hbm>>
    %dma_wait3A_105 = tpu.memref_squeeze %dma_wait3A_104 : memref<1x1x1x1024xf32, #tpu.memory_space<hbm>> -> memref<1024xf32, #tpu.memory_space<hbm>>
    %dma_wait3A_106 = arith.constant 2048 : i32
    %dma_wait3A_107 = tpu.memref_slice %arg7[%dma_wait3A_106] : memref<8192xf32, #tpu.memory_space<vmem>> -> memref<1024xf32, #tpu.memory_space<vmem>>
    tpu.wait_dma2 semaphore(%arg10 : memref<!tpu.dma_semaphore, #tpu.memory_space<semaphore_mem>>) src(%dma_wait3A_107 : memref<1024xf32, #tpu.memory_space<vmem>>) dst(%dma_wait3A_105 : memref<1024xf32, #tpu.memory_space<hbm>>)
    %dma_wait3A_108 = arith.constant 0 : i32
    %dma_wait3A_109 = arith.constant 3 : i32
    %dma_wait3A_110 = arith.constant 3072 : i32
    %dma_wait3A_111 = tpu.memref_slice %arg7[%dma_wait3A_110] : memref<8192xf32, #tpu.memory_space<vmem>> -> memref<1024xf32, #tpu.memory_space<vmem>>
    %dma_wait3A_112 = arith.constant 0 : i32
    %dma_wait3A_113 = tpu.memref_slice %arg4[%dma_wait3A_108, %dma_wait3A_109, %add3A, %dma_wait3A_112] : memref<200x4x32x1024xf32, #tpu.memory_space<hbm>> -> memref<1x1x1x1024xf32, #tpu.memory_space<hbm>>
    %dma_wait3A_114 = tpu.memref_squeeze %dma_wait3A_113 : memref<1x1x1x1024xf32, #tpu.memory_space<hbm>> -> memref<1024xf32, #tpu.memory_space<hbm>>
    %dma_wait3A_115 = arith.constant 0 : i32
    %dma_wait3A_116 = tpu.memref_slice %arg4[%dma_wait3A_108, %dma_wait3A_109, %add3A, %dma_wait3A_115] : memref<200x4x32x1024xf32, #tpu.memory_space<hbm>> -> memref<1x1x1x1024xf32, #tpu.memory_space<hbm>>
    %dma_wait3A_117 = tpu.memref_squeeze %dma_wait3A_116 : memref<1x1x1x1024xf32, #tpu.memory_space<hbm>> -> memref<1024xf32, #tpu.memory_space<hbm>>
    %dma_wait3A_118 = arith.constant 3072 : i32
    %dma_wait3A_119 = tpu.memref_slice %arg7[%dma_wait3A_118] : memref<8192xf32, #tpu.memory_space<vmem>> -> memref<1024xf32, #tpu.memory_space<vmem>>
    tpu.wait_dma2 semaphore(%arg10 : memref<!tpu.dma_semaphore, #tpu.memory_space<semaphore_mem>>) src(%dma_wait3A_119 : memref<1024xf32, #tpu.memory_space<vmem>>) dst(%dma_wait3A_117 : memref<1024xf32, #tpu.memory_space<hbm>>)
    return
  }
}

#map = affine_map<(d0, d1) -> (0, 0)>
module attributes {stable_mosaic.version = 14 : i64} {
  func.func @_detile_body(%arg0: i32, %arg1: i32, %arg2: memref<32x1000000xf32, #tpu.memory_space<hbm>>, %arg3: memref<250000x128xf32, #tpu.memory_space<hbm>>, %arg4: memref<2x32x128xf32, #tpu.memory_space<vmem>>, %arg5: memref<2x32x128xf32, #tpu.memory_space<vmem>>, %arg6: memref<32x64xf32, #tpu.memory_space<vmem>>, %arg7: memref<16x128xf32, #tpu.memory_space<vmem>>, %arg8: memref<!tpu.dma_semaphore, #tpu.memory_space<semaphore_mem>>, %arg9: memref<!tpu.dma_semaphore, #tpu.memory_space<semaphore_mem>>, %arg10: memref<!tpu.dma_semaphore, #tpu.memory_space<semaphore_mem>>) attributes {dimension_semantics = [#tpu.dimension_semantics<core_parallel>, #tpu.dimension_semantics<subcore_parallel>], iteration_bounds = array<i64: 2, 16>, scalar_prefetch = 0 : i64, scratch_operands = 7 : i64, tpu.core_type = #tpu.core_type<sc_vector_subcore>, window_params = [{transform_indices = #map}, {transform_indices = #map}]} {
    %mul3A = arith.constant 2 : i32
    %mul3A_0 = arith.muli %arg1, %mul3A : i32
    %add3A = arith.addi %mul3A_0, %arg0 : i32
    %mul3A_1 = arith.constant 244 : i32
    %mul3A_2 = arith.muli %add3A, %mul3A_1 : i32
    %min3A = arith.constant 4 : i32
    %min3A_3 = arith.minsi %add3A, %min3A : i32
    %add3A_4 = arith.addi %mul3A_2, %min3A_3 : i32
    %lt3A = arith.constant 4 : i32
    %lt3A_5 = arith.cmpi slt, %add3A, %lt3A : i32
    %jit3A = arith.constant 1 : i32
    %jit3A_6 = arith.constant 0 : i32
    %select_n3A = arith.select %lt3A_5, %jit3A, %jit3A_6 : i32
    %add3A_7 = arith.constant 244 : i32
    %add3A_8 = arith.addi %add3A_7, %select_n3A : i32
    %iota3A = tpu.iota {dimensions = array<i32: 0>} : vector<16xi32>
    %add3A_9 = arith.constant 0 : i32
    %add3A_10 = vector.broadcast %add3A_9 : i32 to vector<16xi32>
    %add3A_11 = arith.addi %iota3A, %add3A_10 : vector<16xi32>
    %and3A = arith.constant 15 : i32
    %and3A_12 = vector.broadcast %and3A : i32 to vector<16xi32>
    %and3A_13 = arith.andi %add3A_11, %and3A_12 : vector<16xi32>
    %add3A_14 = arith.constant 1 : i32
    %add3A_15 = vector.broadcast %add3A_14 : i32 to vector<16xi32>
    %add3A_16 = arith.addi %iota3A, %add3A_15 : vector<16xi32>
    %and3A_17 = arith.constant 15 : i32
    %and3A_18 = vector.broadcast %and3A_17 : i32 to vector<16xi32>
    %and3A_19 = arith.andi %add3A_16, %and3A_18 : vector<16xi32>
    %add3A_20 = arith.constant 2 : i32
    %add3A_21 = vector.broadcast %add3A_20 : i32 to vector<16xi32>
    %add3A_22 = arith.addi %iota3A, %add3A_21 : vector<16xi32>
    %and3A_23 = arith.constant 15 : i32
    %and3A_24 = vector.broadcast %and3A_23 : i32 to vector<16xi32>
    %and3A_25 = arith.andi %add3A_22, %and3A_24 : vector<16xi32>
    %add3A_26 = arith.constant 3 : i32
    %add3A_27 = vector.broadcast %add3A_26 : i32 to vector<16xi32>
    %add3A_28 = arith.addi %iota3A, %add3A_27 : vector<16xi32>
    %and3A_29 = arith.constant 15 : i32
    %and3A_30 = vector.broadcast %and3A_29 : i32 to vector<16xi32>
    %and3A_31 = arith.andi %add3A_28, %and3A_30 : vector<16xi32>
    %add3A_32 = arith.constant 4 : i32
    %add3A_33 = vector.broadcast %add3A_32 : i32 to vector<16xi32>
    %add3A_34 = arith.addi %iota3A, %add3A_33 : vector<16xi32>
    %and3A_35 = arith.constant 15 : i32
    %and3A_36 = vector.broadcast %and3A_35 : i32 to vector<16xi32>
    %and3A_37 = arith.andi %add3A_34, %and3A_36 : vector<16xi32>
    %add3A_38 = arith.constant 5 : i32
    %add3A_39 = vector.broadcast %add3A_38 : i32 to vector<16xi32>
    %add3A_40 = arith.addi %iota3A, %add3A_39 : vector<16xi32>
    %and3A_41 = arith.constant 15 : i32
    %and3A_42 = vector.broadcast %and3A_41 : i32 to vector<16xi32>
    %and3A_43 = arith.andi %add3A_40, %and3A_42 : vector<16xi32>
    %add3A_44 = arith.constant 6 : i32
    %add3A_45 = vector.broadcast %add3A_44 : i32 to vector<16xi32>
    %add3A_46 = arith.addi %iota3A, %add3A_45 : vector<16xi32>
    %and3A_47 = arith.constant 15 : i32
    %and3A_48 = vector.broadcast %and3A_47 : i32 to vector<16xi32>
    %and3A_49 = arith.andi %add3A_46, %and3A_48 : vector<16xi32>
    %add3A_50 = arith.constant 7 : i32
    %add3A_51 = vector.broadcast %add3A_50 : i32 to vector<16xi32>
    %add3A_52 = arith.addi %iota3A, %add3A_51 : vector<16xi32>
    %and3A_53 = arith.constant 15 : i32
    %and3A_54 = vector.broadcast %and3A_53 : i32 to vector<16xi32>
    %and3A_55 = arith.andi %add3A_52, %and3A_54 : vector<16xi32>
    %add3A_56 = arith.constant 8 : i32
    %add3A_57 = vector.broadcast %add3A_56 : i32 to vector<16xi32>
    %add3A_58 = arith.addi %iota3A, %add3A_57 : vector<16xi32>
    %and3A_59 = arith.constant 15 : i32
    %and3A_60 = vector.broadcast %and3A_59 : i32 to vector<16xi32>
    %and3A_61 = arith.andi %add3A_58, %and3A_60 : vector<16xi32>
    %add3A_62 = arith.constant 9 : i32
    %add3A_63 = vector.broadcast %add3A_62 : i32 to vector<16xi32>
    %add3A_64 = arith.addi %iota3A, %add3A_63 : vector<16xi32>
    %and3A_65 = arith.constant 15 : i32
    %and3A_66 = vector.broadcast %and3A_65 : i32 to vector<16xi32>
    %and3A_67 = arith.andi %add3A_64, %and3A_66 : vector<16xi32>
    %add3A_68 = arith.constant 10 : i32
    %add3A_69 = vector.broadcast %add3A_68 : i32 to vector<16xi32>
    %add3A_70 = arith.addi %iota3A, %add3A_69 : vector<16xi32>
    %and3A_71 = arith.constant 15 : i32
    %and3A_72 = vector.broadcast %and3A_71 : i32 to vector<16xi32>
    %and3A_73 = arith.andi %add3A_70, %and3A_72 : vector<16xi32>
    %add3A_74 = arith.constant 11 : i32
    %add3A_75 = vector.broadcast %add3A_74 : i32 to vector<16xi32>
    %add3A_76 = arith.addi %iota3A, %add3A_75 : vector<16xi32>
    %and3A_77 = arith.constant 15 : i32
    %and3A_78 = vector.broadcast %and3A_77 : i32 to vector<16xi32>
    %and3A_79 = arith.andi %add3A_76, %and3A_78 : vector<16xi32>
    %add3A_80 = arith.constant 12 : i32
    %add3A_81 = vector.broadcast %add3A_80 : i32 to vector<16xi32>
    %add3A_82 = arith.addi %iota3A, %add3A_81 : vector<16xi32>
    %and3A_83 = arith.constant 15 : i32
    %and3A_84 = vector.broadcast %and3A_83 : i32 to vector<16xi32>
    %and3A_85 = arith.andi %add3A_82, %and3A_84 : vector<16xi32>
    %add3A_86 = arith.constant 13 : i32
    %add3A_87 = vector.broadcast %add3A_86 : i32 to vector<16xi32>
    %add3A_88 = arith.addi %iota3A, %add3A_87 : vector<16xi32>
    %and3A_89 = arith.constant 15 : i32
    %and3A_90 = vector.broadcast %and3A_89 : i32 to vector<16xi32>
    %and3A_91 = arith.andi %add3A_88, %and3A_90 : vector<16xi32>
    %add3A_92 = arith.constant 14 : i32
    %add3A_93 = vector.broadcast %add3A_92 : i32 to vector<16xi32>
    %add3A_94 = arith.addi %iota3A, %add3A_93 : vector<16xi32>
    %and3A_95 = arith.constant 15 : i32
    %and3A_96 = vector.broadcast %and3A_95 : i32 to vector<16xi32>
    %and3A_97 = arith.andi %add3A_94, %and3A_96 : vector<16xi32>
    %add3A_98 = arith.constant 15 : i32
    %add3A_99 = vector.broadcast %add3A_98 : i32 to vector<16xi32>
    %add3A_100 = arith.addi %iota3A, %add3A_99 : vector<16xi32>
    %and3A_101 = arith.constant 15 : i32
    %and3A_102 = vector.broadcast %and3A_101 : i32 to vector<16xi32>
    %and3A_103 = arith.andi %add3A_100, %and3A_102 : vector<16xi32>
    %shift_right_logical3A = arith.constant 2 : i32
    %shift_right_logical3A_104 = vector.broadcast %shift_right_logical3A : i32 to vector<16xi32>
    %shift_right_logical3A_105 = arith.shrui %and3A_13, %shift_right_logical3A_104 : vector<16xi32>
    %shift_right_logical3A_106 = arith.constant 2 : i32
    %shift_right_logical3A_107 = vector.broadcast %shift_right_logical3A_106 : i32 to vector<16xi32>
    %shift_right_logical3A_108 = arith.shrui %and3A_19, %shift_right_logical3A_107 : vector<16xi32>
    %shift_right_logical3A_109 = arith.constant 2 : i32
    %shift_right_logical3A_110 = vector.broadcast %shift_right_logical3A_109 : i32 to vector<16xi32>
    %shift_right_logical3A_111 = arith.shrui %and3A_25, %shift_right_logical3A_110 : vector<16xi32>
    %shift_right_logical3A_112 = arith.constant 2 : i32
    %shift_right_logical3A_113 = vector.broadcast %shift_right_logical3A_112 : i32 to vector<16xi32>
    %shift_right_logical3A_114 = arith.shrui %and3A_31, %shift_right_logical3A_113 : vector<16xi32>
    %shift_right_logical3A_115 = arith.constant 2 : i32
    %shift_right_logical3A_116 = vector.broadcast %shift_right_logical3A_115 : i32 to vector<16xi32>
    %shift_right_logical3A_117 = arith.shrui %and3A_37, %shift_right_logical3A_116 : vector<16xi32>
    %shift_right_logical3A_118 = arith.constant 2 : i32
    %shift_right_logical3A_119 = vector.broadcast %shift_right_logical3A_118 : i32 to vector<16xi32>
    %shift_right_logical3A_120 = arith.shrui %and3A_43, %shift_right_logical3A_119 : vector<16xi32>
    %shift_right_logical3A_121 = arith.constant 2 : i32
    %shift_right_logical3A_122 = vector.broadcast %shift_right_logical3A_121 : i32 to vector<16xi32>
    %shift_right_logical3A_123 = arith.shrui %and3A_49, %shift_right_logical3A_122 : vector<16xi32>
    %shift_right_logical3A_124 = arith.constant 2 : i32
    %shift_right_logical3A_125 = vector.broadcast %shift_right_logical3A_124 : i32 to vector<16xi32>
    %shift_right_logical3A_126 = arith.shrui %and3A_55, %shift_right_logical3A_125 : vector<16xi32>
    %shift_right_logical3A_127 = arith.constant 2 : i32
    %shift_right_logical3A_128 = vector.broadcast %shift_right_logical3A_127 : i32 to vector<16xi32>
    %shift_right_logical3A_129 = arith.shrui %and3A_61, %shift_right_logical3A_128 : vector<16xi32>
    %shift_right_logical3A_130 = arith.constant 2 : i32
    %shift_right_logical3A_131 = vector.broadcast %shift_right_logical3A_130 : i32 to vector<16xi32>
    %shift_right_logical3A_132 = arith.shrui %and3A_67, %shift_right_logical3A_131 : vector<16xi32>
    %shift_right_logical3A_133 = arith.constant 2 : i32
    %shift_right_logical3A_134 = vector.broadcast %shift_right_logical3A_133 : i32 to vector<16xi32>
    %shift_right_logical3A_135 = arith.shrui %and3A_73, %shift_right_logical3A_134 : vector<16xi32>
    %shift_right_logical3A_136 = arith.constant 2 : i32
    %shift_right_logical3A_137 = vector.broadcast %shift_right_logical3A_136 : i32 to vector<16xi32>
    %shift_right_logical3A_138 = arith.shrui %and3A_79, %shift_right_logical3A_137 : vector<16xi32>
    %shift_right_logical3A_139 = arith.constant 2 : i32
    %shift_right_logical3A_140 = vector.broadcast %shift_right_logical3A_139 : i32 to vector<16xi32>
    %shift_right_logical3A_141 = arith.shrui %and3A_85, %shift_right_logical3A_140 : vector<16xi32>
    %shift_right_logical3A_142 = arith.constant 2 : i32
    %shift_right_logical3A_143 = vector.broadcast %shift_right_logical3A_142 : i32 to vector<16xi32>
    %shift_right_logical3A_144 = arith.shrui %and3A_91, %shift_right_logical3A_143 : vector<16xi32>
    %shift_right_logical3A_145 = arith.constant 2 : i32
    %shift_right_logical3A_146 = vector.broadcast %shift_right_logical3A_145 : i32 to vector<16xi32>
    %shift_right_logical3A_147 = arith.shrui %and3A_97, %shift_right_logical3A_146 : vector<16xi32>
    %shift_right_logical3A_148 = arith.constant 2 : i32
    %shift_right_logical3A_149 = vector.broadcast %shift_right_logical3A_148 : i32 to vector<16xi32>
    %shift_right_logical3A_150 = arith.shrui %and3A_103, %shift_right_logical3A_149 : vector<16xi32>
    %and3A_151 = arith.constant 3 : i32
    %and3A_152 = vector.broadcast %and3A_151 : i32 to vector<16xi32>
    %and3A_153 = arith.andi %and3A_13, %and3A_152 : vector<16xi32>
    %shift_left3A = arith.constant 5 : i32
    %shift_left3A_154 = vector.broadcast %shift_left3A : i32 to vector<16xi32>
    %shift_left3A_155 = arith.shli %and3A_153, %shift_left3A_154 : vector<16xi32>
    %and3A_156 = arith.constant 3 : i32
    %and3A_157 = vector.broadcast %and3A_156 : i32 to vector<16xi32>
    %and3A_158 = arith.andi %and3A_19, %and3A_157 : vector<16xi32>
    %shift_left3A_159 = arith.constant 5 : i32
    %shift_left3A_160 = vector.broadcast %shift_left3A_159 : i32 to vector<16xi32>
    %shift_left3A_161 = arith.shli %and3A_158, %shift_left3A_160 : vector<16xi32>
    %and3A_162 = arith.constant 3 : i32
    %and3A_163 = vector.broadcast %and3A_162 : i32 to vector<16xi32>
    %and3A_164 = arith.andi %and3A_25, %and3A_163 : vector<16xi32>
    %shift_left3A_165 = arith.constant 5 : i32
    %shift_left3A_166 = vector.broadcast %shift_left3A_165 : i32 to vector<16xi32>
    %shift_left3A_167 = arith.shli %and3A_164, %shift_left3A_166 : vector<16xi32>
    %and3A_168 = arith.constant 3 : i32
    %and3A_169 = vector.broadcast %and3A_168 : i32 to vector<16xi32>
    %and3A_170 = arith.andi %and3A_31, %and3A_169 : vector<16xi32>
    %shift_left3A_171 = arith.constant 5 : i32
    %shift_left3A_172 = vector.broadcast %shift_left3A_171 : i32 to vector<16xi32>
    %shift_left3A_173 = arith.shli %and3A_170, %shift_left3A_172 : vector<16xi32>
    %and3A_174 = arith.constant 3 : i32
    %and3A_175 = vector.broadcast %and3A_174 : i32 to vector<16xi32>
    %and3A_176 = arith.andi %and3A_37, %and3A_175 : vector<16xi32>
    %shift_left3A_177 = arith.constant 5 : i32
    %shift_left3A_178 = vector.broadcast %shift_left3A_177 : i32 to vector<16xi32>
    %shift_left3A_179 = arith.shli %and3A_176, %shift_left3A_178 : vector<16xi32>
    %and3A_180 = arith.constant 3 : i32
    %and3A_181 = vector.broadcast %and3A_180 : i32 to vector<16xi32>
    %and3A_182 = arith.andi %and3A_43, %and3A_181 : vector<16xi32>
    %shift_left3A_183 = arith.constant 5 : i32
    %shift_left3A_184 = vector.broadcast %shift_left3A_183 : i32 to vector<16xi32>
    %shift_left3A_185 = arith.shli %and3A_182, %shift_left3A_184 : vector<16xi32>
    %and3A_186 = arith.constant 3 : i32
    %and3A_187 = vector.broadcast %and3A_186 : i32 to vector<16xi32>
    %and3A_188 = arith.andi %and3A_49, %and3A_187 : vector<16xi32>
    %shift_left3A_189 = arith.constant 5 : i32
    %shift_left3A_190 = vector.broadcast %shift_left3A_189 : i32 to vector<16xi32>
    %shift_left3A_191 = arith.shli %and3A_188, %shift_left3A_190 : vector<16xi32>
    %and3A_192 = arith.constant 3 : i32
    %and3A_193 = vector.broadcast %and3A_192 : i32 to vector<16xi32>
    %and3A_194 = arith.andi %and3A_55, %and3A_193 : vector<16xi32>
    %shift_left3A_195 = arith.constant 5 : i32
    %shift_left3A_196 = vector.broadcast %shift_left3A_195 : i32 to vector<16xi32>
    %shift_left3A_197 = arith.shli %and3A_194, %shift_left3A_196 : vector<16xi32>
    %and3A_198 = arith.constant 3 : i32
    %and3A_199 = vector.broadcast %and3A_198 : i32 to vector<16xi32>
    %and3A_200 = arith.andi %and3A_61, %and3A_199 : vector<16xi32>
    %shift_left3A_201 = arith.constant 5 : i32
    %shift_left3A_202 = vector.broadcast %shift_left3A_201 : i32 to vector<16xi32>
    %shift_left3A_203 = arith.shli %and3A_200, %shift_left3A_202 : vector<16xi32>
    %and3A_204 = arith.constant 3 : i32
    %and3A_205 = vector.broadcast %and3A_204 : i32 to vector<16xi32>
    %and3A_206 = arith.andi %and3A_67, %and3A_205 : vector<16xi32>
    %shift_left3A_207 = arith.constant 5 : i32
    %shift_left3A_208 = vector.broadcast %shift_left3A_207 : i32 to vector<16xi32>
    %shift_left3A_209 = arith.shli %and3A_206, %shift_left3A_208 : vector<16xi32>
    %and3A_210 = arith.constant 3 : i32
    %and3A_211 = vector.broadcast %and3A_210 : i32 to vector<16xi32>
    %and3A_212 = arith.andi %and3A_73, %and3A_211 : vector<16xi32>
    %shift_left3A_213 = arith.constant 5 : i32
    %shift_left3A_214 = vector.broadcast %shift_left3A_213 : i32 to vector<16xi32>
    %shift_left3A_215 = arith.shli %and3A_212, %shift_left3A_214 : vector<16xi32>
    %and3A_216 = arith.constant 3 : i32
    %and3A_217 = vector.broadcast %and3A_216 : i32 to vector<16xi32>
    %and3A_218 = arith.andi %and3A_79, %and3A_217 : vector<16xi32>
    %shift_left3A_219 = arith.constant 5 : i32
    %shift_left3A_220 = vector.broadcast %shift_left3A_219 : i32 to vector<16xi32>
    %shift_left3A_221 = arith.shli %and3A_218, %shift_left3A_220 : vector<16xi32>
    %and3A_222 = arith.constant 3 : i32
    %and3A_223 = vector.broadcast %and3A_222 : i32 to vector<16xi32>
    %and3A_224 = arith.andi %and3A_85, %and3A_223 : vector<16xi32>
    %shift_left3A_225 = arith.constant 5 : i32
    %shift_left3A_226 = vector.broadcast %shift_left3A_225 : i32 to vector<16xi32>
    %shift_left3A_227 = arith.shli %and3A_224, %shift_left3A_226 : vector<16xi32>
    %and3A_228 = arith.constant 3 : i32
    %and3A_229 = vector.broadcast %and3A_228 : i32 to vector<16xi32>
    %and3A_230 = arith.andi %and3A_91, %and3A_229 : vector<16xi32>
    %shift_left3A_231 = arith.constant 5 : i32
    %shift_left3A_232 = vector.broadcast %shift_left3A_231 : i32 to vector<16xi32>
    %shift_left3A_233 = arith.shli %and3A_230, %shift_left3A_232 : vector<16xi32>
    %and3A_234 = arith.constant 3 : i32
    %and3A_235 = vector.broadcast %and3A_234 : i32 to vector<16xi32>
    %and3A_236 = arith.andi %and3A_97, %and3A_235 : vector<16xi32>
    %shift_left3A_237 = arith.constant 5 : i32
    %shift_left3A_238 = vector.broadcast %shift_left3A_237 : i32 to vector<16xi32>
    %shift_left3A_239 = arith.shli %and3A_236, %shift_left3A_238 : vector<16xi32>
    %and3A_240 = arith.constant 3 : i32
    %and3A_241 = vector.broadcast %and3A_240 : i32 to vector<16xi32>
    %and3A_242 = arith.andi %and3A_103, %and3A_241 : vector<16xi32>
    %shift_left3A_243 = arith.constant 5 : i32
    %shift_left3A_244 = vector.broadcast %shift_left3A_243 : i32 to vector<16xi32>
    %shift_left3A_245 = arith.shli %and3A_242, %shift_left3A_244 : vector<16xi32>
    %add3A_246 = arith.constant 0 : i32
    %add3A_247 = arith.addi %add3A_4, %add3A_246 : i32
    %add3A_248 = arith.addi %add3A_4, %add3A_8 : i32
    %sub3A = arith.constant 1 : i32
    %sub3A_249 = arith.subi %add3A_248, %sub3A : i32
    %min3A_250 = arith.minsi %add3A_247, %sub3A_249 : i32
    %mul3A_251 = arith.constant 128 : i32
    %mul3A_252 = arith.muli %min3A_250, %mul3A_251 : i32
    %multiple_of3A = tpu.assume_multiple %mul3A_252, 128 : i32
    %rem3A = arith.constant 0 : i32
    %rem3A_253 = arith.constant 2 : i32
    %rem3A_254 = arith.remsi %rem3A, %rem3A_253 : i32
    %dma_start3A = arith.constant 0 : i32
    %dma_start3A_255 = arith.constant 0 : i32
    %dma_start3A_256 = tpu.memref_slice %arg4[%rem3A_254, %dma_start3A, %dma_start3A_255] : memref<2x32x128xf32, #tpu.memory_space<vmem>> -> memref<1x32x128xf32, #tpu.memory_space<vmem>>
    %dma_start3A_257 = tpu.memref_squeeze %dma_start3A_256 : memref<1x32x128xf32, #tpu.memory_space<vmem>> -> memref<32x128xf32, #tpu.memory_space<vmem>>
    %dma_start3A_258 = arith.constant 0 : i32
    %dma_start3A_259 = tpu.memref_slice %arg2[%dma_start3A_258, %multiple_of3A] : memref<32x1000000xf32, #tpu.memory_space<hbm>> -> memref<32x128xf32, #tpu.memory_space<hbm>>
    %dma_start3A_260 = arith.constant 0 : i32
    %dma_start3A_261 = arith.constant 0 : i32
    %dma_start3A_262 = tpu.memref_slice %arg4[%rem3A_254, %dma_start3A_260, %dma_start3A_261] : memref<2x32x128xf32, #tpu.memory_space<vmem>> -> memref<1x32x128xf32, #tpu.memory_space<vmem>>
    %dma_start3A_263 = tpu.memref_squeeze %dma_start3A_262 : memref<1x32x128xf32, #tpu.memory_space<vmem>> -> memref<32x128xf32, #tpu.memory_space<vmem>>
    %dma_start3A_264 = arith.constant 0 : i32
    %dma_start3A_265 = tpu.memref_slice %arg2[%dma_start3A_264, %multiple_of3A] : memref<32x1000000xf32, #tpu.memory_space<hbm>> -> memref<32x128xf32, #tpu.memory_space<hbm>>
    tpu.enqueue_dma source(%dma_start3A_265 : memref<32x128xf32, #tpu.memory_space<hbm>>) target(%dma_start3A_263 : memref<32x128xf32, #tpu.memory_space<vmem>>) target_semaphore(%arg8 : memref<!tpu.dma_semaphore, #tpu.memory_space<semaphore_mem>>)
    %while3A = arith.constant 0 : i32
    %while3A_266 = arith.constant 0 : i32
    %while3A_267 = arith.subi %add3A_8, %while3A_266 : i32
    %while3A_268 = arith.addi %while3A_266, %while3A_267 : i32
    %while3A_269 = arith.constant 1 : i32
    %while3A_270 = arith.divsi %while3A_267, %while3A_269 : i32
    %while3A_271 = arith.muli %while3A_270, %while3A_269 : i32
    %while3A_272 = arith.addi %while3A_266, %while3A_271 : i32
    %while3A_273 = arith.constant 1 : i32
    scf.for %while3A_321 = %while3A_266 to %while3A_272 step %while3A_273  : i32 {
      %rem3A_322 = arith.constant 2 : i32
      %rem3A_323 = arith.remsi %while3A_321, %rem3A_322 : i32
      %dma_wait3A_324 = arith.constant 0 : i32
      %dma_wait3A_325 = arith.constant 0 : i32
      %dma_wait3A_326 = arith.constant 0 : i32
      %dma_wait3A_327 = tpu.memref_slice %arg4[%dma_wait3A_324, %dma_wait3A_325, %dma_wait3A_326] : memref<2x32x128xf32, #tpu.memory_space<vmem>> -> memref<1x32x128xf32, #tpu.memory_space<vmem>>
      %dma_wait3A_328 = tpu.memref_squeeze %dma_wait3A_327 : memref<1x32x128xf32, #tpu.memory_space<vmem>> -> memref<32x128xf32, #tpu.memory_space<vmem>>
      %dma_wait3A_329 = arith.constant 0 : i32
      %dma_wait3A_330 = arith.constant 0 : i32
      %dma_wait3A_331 = tpu.memref_slice %arg2[%dma_wait3A_329, %dma_wait3A_330] : memref<32x1000000xf32, #tpu.memory_space<hbm>> -> memref<32x128xf32, #tpu.memory_space<hbm>>
      %dma_wait3A_332 = arith.constant 0 : i32
      %dma_wait3A_333 = arith.constant 0 : i32
      %dma_wait3A_334 = tpu.memref_slice %arg4[%dma_wait3A_324, %dma_wait3A_332, %dma_wait3A_333] : memref<2x32x128xf32, #tpu.memory_space<vmem>> -> memref<1x32x128xf32, #tpu.memory_space<vmem>>
      %dma_wait3A_335 = tpu.memref_squeeze %dma_wait3A_334 : memref<1x32x128xf32, #tpu.memory_space<vmem>> -> memref<32x128xf32, #tpu.memory_space<vmem>>
      %dma_wait3A_336 = arith.constant 0 : i32
      %dma_wait3A_337 = arith.constant 0 : i32
      %dma_wait3A_338 = tpu.memref_slice %arg2[%dma_wait3A_336, %dma_wait3A_337] : memref<32x1000000xf32, #tpu.memory_space<hbm>> -> memref<32x128xf32, #tpu.memory_space<hbm>>
      tpu.wait_dma2 semaphore(%arg8 : memref<!tpu.dma_semaphore, #tpu.memory_space<semaphore_mem>>) src(%dma_wait3A_338 : memref<32x128xf32, #tpu.memory_space<hbm>>) dst(%dma_wait3A_335 : memref<32x128xf32, #tpu.memory_space<vmem>>)
      %add3A_339 = arith.constant 1 : i32
      %add3A_340 = arith.addi %while3A_321, %add3A_339 : i32
      %add3A_341 = arith.addi %add3A_4, %add3A_340 : i32
      %add3A_342 = arith.addi %add3A_4, %add3A_8 : i32
      %sub3A_343 = arith.constant 1 : i32
      %sub3A_344 = arith.subi %add3A_342, %sub3A_343 : i32
      %min3A_345 = arith.minsi %add3A_341, %sub3A_344 : i32
      %mul3A_346 = arith.constant 128 : i32
      %mul3A_347 = arith.muli %min3A_345, %mul3A_346 : i32
      %multiple_of3A_348 = tpu.assume_multiple %mul3A_347, 128 : i32
      %rem3A_349 = arith.constant 2 : i32
      %rem3A_350 = arith.remsi %add3A_340, %rem3A_349 : i32
      %dma_start3A_351 = arith.constant 0 : i32
      %dma_start3A_352 = arith.constant 0 : i32
      %dma_start3A_353 = tpu.memref_slice %arg4[%rem3A_350, %dma_start3A_351, %dma_start3A_352] : memref<2x32x128xf32, #tpu.memory_space<vmem>> -> memref<1x32x128xf32, #tpu.memory_space<vmem>>
      %dma_start3A_354 = tpu.memref_squeeze %dma_start3A_353 : memref<1x32x128xf32, #tpu.memory_space<vmem>> -> memref<32x128xf32, #tpu.memory_space<vmem>>
      %dma_start3A_355 = arith.constant 0 : i32
      %dma_start3A_356 = tpu.memref_slice %arg2[%dma_start3A_355, %multiple_of3A_348] : memref<32x1000000xf32, #tpu.memory_space<hbm>> -> memref<32x128xf32, #tpu.memory_space<hbm>>
      %dma_start3A_357 = arith.constant 0 : i32
      %dma_start3A_358 = arith.constant 0 : i32
      %dma_start3A_359 = tpu.memref_slice %arg4[%rem3A_350, %dma_start3A_357, %dma_start3A_358] : memref<2x32x128xf32, #tpu.memory_space<vmem>> -> memref<1x32x128xf32, #tpu.memory_space<vmem>>
      %dma_start3A_360 = tpu.memref_squeeze %dma_start3A_359 : memref<1x32x128xf32, #tpu.memory_space<vmem>> -> memref<32x128xf32, #tpu.memory_space<vmem>>
      %dma_start3A_361 = arith.constant 0 : i32
      %dma_start3A_362 = tpu.memref_slice %arg2[%dma_start3A_361, %multiple_of3A_348] : memref<32x1000000xf32, #tpu.memory_space<hbm>> -> memref<32x128xf32, #tpu.memory_space<hbm>>
      tpu.enqueue_dma source(%dma_start3A_362 : memref<32x128xf32, #tpu.memory_space<hbm>>) target(%dma_start3A_360 : memref<32x128xf32, #tpu.memory_space<vmem>>) target_semaphore(%arg8 : memref<!tpu.dma_semaphore, #tpu.memory_space<semaphore_mem>>)
      %scan3A = arith.constant 0 : i32
      %scan3A_363 = arith.constant 0 : i32
      %scan3A_364 = arith.constant 8 : i32
      %scan3A_365 = arith.addi %scan3A_363, %scan3A_364 : i32
      %scan3A_366 = arith.constant 1 : i32
      scf.for %scan3A_385 = %scan3A_363 to %scan3A_365 step %scan3A_366  : i32 {
        %mul3A_386 = arith.constant 16 : i32
        %mul3A_387 = arith.muli %scan3A_385, %mul3A_386 : i32
        %mul3A_388 = arith.constant 4 : i32
        %mul3A_389 = arith.muli %scan3A_385, %mul3A_388 : i32
        %add3A_390 = arith.constant 0 : i32
        %add3A_391 = vector.broadcast %add3A_390 : i32 to vector<16xi32>
        %add3A_392 = arith.addi %iota3A, %add3A_391 : vector<16xi32>
        %add3A_393 = vector.broadcast %mul3A_387 : i32 to vector<16xi32>
        %add3A_394 = arith.addi %add3A_393, %and3A_13 : vector<16xi32>
        %gather3A = arith.constant 0 : i32
        %gather3A_395 = arith.constant 0 : i32
        %gather3A_396 = tpu.memref_slice %arg4[%rem3A_323, %gather3A, %gather3A_395] : memref<2x32x128xf32, #tpu.memory_space<vmem>> -> memref<1x32x128xf32, #tpu.memory_space<vmem>>
        %gather3A_397 = tpu.memref_squeeze %gather3A_396 : memref<1x32x128xf32, #tpu.memory_space<vmem>> -> memref<32x128xf32, #tpu.memory_space<vmem>>
        %gather3A_398 = tpu.vector_load_idx %gather3A_397[%add3A_392, %add3A_394] : memref<32x128xf32, #tpu.memory_space<vmem>>[vector<16xi32>, vector<16xi32>], vector<16xf32>,
        %add3A_399 = vector.broadcast %mul3A_387 : i32 to vector<16xi32>
        %add3A_400 = arith.addi %add3A_399, %and3A_19 : vector<16xi32>
        %gather3A_401 = arith.constant 0 : i32
        %gather3A_402 = arith.constant 0 : i32
        %gather3A_403 = tpu.memref_slice %arg4[%rem3A_323, %gather3A_401, %gather3A_402] : memref<2x32x128xf32, #tpu.memory_space<vmem>> -> memref<1x32x128xf32, #tpu.memory_space<vmem>>
        %gather3A_404 = tpu.memref_squeeze %gather3A_403 : memref<1x32x128xf32, #tpu.memory_space<vmem>> -> memref<32x128xf32, #tpu.memory_space<vmem>>
        %gather3A_405 = tpu.vector_load_idx %gather3A_404[%add3A_392, %add3A_400] : memref<32x128xf32, #tpu.memory_space<vmem>>[vector<16xi32>, vector<16xi32>], vector<16xf32>,
        %add3A_406 = vector.broadcast %mul3A_387 : i32 to vector<16xi32>
        %add3A_407 = arith.addi %add3A_406, %and3A_25 : vector<16xi32>
        %gather3A_408 = arith.constant 0 : i32
        %gather3A_409 = arith.constant 0 : i32
        %gather3A_410 = tpu.memref_slice %arg4[%rem3A_323, %gather3A_408, %gather3A_409] : memref<2x32x128xf32, #tpu.memory_space<vmem>> -> memref<1x32x128xf32, #tpu.memory_space<vmem>>
        %gather3A_411 = tpu.memref_squeeze %gather3A_410 : memref<1x32x128xf32, #tpu.memory_space<vmem>> -> memref<32x128xf32, #tpu.memory_space<vmem>>
        %gather3A_412 = tpu.vector_load_idx %gather3A_411[%add3A_392, %add3A_407] : memref<32x128xf32, #tpu.memory_space<vmem>>[vector<16xi32>, vector<16xi32>], vector<16xf32>,
        %add3A_413 = vector.broadcast %mul3A_387 : i32 to vector<16xi32>
        %add3A_414 = arith.addi %add3A_413, %and3A_31 : vector<16xi32>
        %gather3A_415 = arith.constant 0 : i32
        %gather3A_416 = arith.constant 0 : i32
        %gather3A_417 = tpu.memref_slice %arg4[%rem3A_323, %gather3A_415, %gather3A_416] : memref<2x32x128xf32, #tpu.memory_space<vmem>> -> memref<1x32x128xf32, #tpu.memory_space<vmem>>
        %gather3A_418 = tpu.memref_squeeze %gather3A_417 : memref<1x32x128xf32, #tpu.memory_space<vmem>> -> memref<32x128xf32, #tpu.memory_space<vmem>>
        %gather3A_419 = tpu.vector_load_idx %gather3A_418[%add3A_392, %add3A_414] : memref<32x128xf32, #tpu.memory_space<vmem>>[vector<16xi32>, vector<16xi32>], vector<16xf32>,
        %add3A_420 = vector.broadcast %mul3A_387 : i32 to vector<16xi32>
        %add3A_421 = arith.addi %add3A_420, %and3A_37 : vector<16xi32>
        %gather3A_422 = arith.constant 0 : i32
        %gather3A_423 = arith.constant 0 : i32
        %gather3A_424 = tpu.memref_slice %arg4[%rem3A_323, %gather3A_422, %gather3A_423] : memref<2x32x128xf32, #tpu.memory_space<vmem>> -> memref<1x32x128xf32, #tpu.memory_space<vmem>>
        %gather3A_425 = tpu.memref_squeeze %gather3A_424 : memref<1x32x128xf32, #tpu.memory_space<vmem>> -> memref<32x128xf32, #tpu.memory_space<vmem>>
        %gather3A_426 = tpu.vector_load_idx %gather3A_425[%add3A_392, %add3A_421] : memref<32x128xf32, #tpu.memory_space<vmem>>[vector<16xi32>, vector<16xi32>], vector<16xf32>,
        %add3A_427 = vector.broadcast %mul3A_389 : i32 to vector<16xi32>
        %add3A_428 = arith.addi %add3A_427, %shift_right_logical3A_105 : vector<16xi32>
        %add3A_429 = arith.addi %shift_left3A_155, %add3A_392 : vector<16xi32>
        %scatter3A = arith.constant 0 : i32
        %scatter3A_430 = arith.constant 0 : i32
        %scatter3A_431 = tpu.memref_slice %arg5[%rem3A_323, %scatter3A, %scatter3A_430] : memref<2x32x128xf32, #tpu.memory_space<vmem>> -> memref<1x32x128xf32, #tpu.memory_space<vmem>>
        %scatter3A_432 = tpu.memref_squeeze %scatter3A_431 : memref<1x32x128xf32, #tpu.memory_space<vmem>> -> memref<32x128xf32, #tpu.memory_space<vmem>>
        tpu.vector_store_idx %scatter3A_432[%add3A_428, %add3A_429], %gather3A_398 : memref<32x128xf32, #tpu.memory_space<vmem>>[vector<16xi32>, vector<16xi32>], vector<16xf32>,
        %add3A_433 = vector.broadcast %mul3A_387 : i32 to vector<16xi32>
        %add3A_434 = arith.addi %add3A_433, %and3A_43 : vector<16xi32>
        %gather3A_435 = arith.constant 0 : i32
        %gather3A_436 = arith.constant 0 : i32
        %gather3A_437 = tpu.memref_slice %arg4[%rem3A_323, %gather3A_435, %gather3A_436] : memref<2x32x128xf32, #tpu.memory_space<vmem>> -> memref<1x32x128xf32, #tpu.memory_space<vmem>>
        %gather3A_438 = tpu.memref_squeeze %gather3A_437 : memref<1x32x128xf32, #tpu.memory_space<vmem>> -> memref<32x128xf32, #tpu.memory_space<vmem>>
        %gather3A_439 = tpu.vector_load_idx %gather3A_438[%add3A_392, %add3A_434] : memref<32x128xf32, #tpu.memory_space<vmem>>[vector<16xi32>, vector<16xi32>], vector<16xf32>,
        %add3A_440 = vector.broadcast %mul3A_389 : i32 to vector<16xi32>
        %add3A_441 = arith.addi %add3A_440, %shift_right_logical3A_108 : vector<16xi32>
        %add3A_442 = arith.addi %shift_left3A_161, %add3A_392 : vector<16xi32>
        %scatter3A_443 = arith.constant 0 : i32
        %scatter3A_444 = arith.constant 0 : i32
        %scatter3A_445 = tpu.memref_slice %arg5[%rem3A_323, %scatter3A_443, %scatter3A_444] : memref<2x32x128xf32, #tpu.memory_space<vmem>> -> memref<1x32x128xf32, #tpu.memory_space<vmem>>
        %scatter3A_446 = tpu.memref_squeeze %scatter3A_445 : memref<1x32x128xf32, #tpu.memory_space<vmem>> -> memref<32x128xf32, #tpu.memory_space<vmem>>
        tpu.vector_store_idx %scatter3A_446[%add3A_441, %add3A_442], %gather3A_405 : memref<32x128xf32, #tpu.memory_space<vmem>>[vector<16xi32>, vector<16xi32>], vector<16xf32>,
        %add3A_447 = vector.broadcast %mul3A_387 : i32 to vector<16xi32>
        %add3A_448 = arith.addi %add3A_447, %and3A_49 : vector<16xi32>
        %gather3A_449 = arith.constant 0 : i32
        %gather3A_450 = arith.constant 0 : i32
        %gather3A_451 = tpu.memref_slice %arg4[%rem3A_323, %gather3A_449, %gather3A_450] : memref<2x32x128xf32, #tpu.memory_space<vmem>> -> memref<1x32x128xf32, #tpu.memory_space<vmem>>
        %gather3A_452 = tpu.memref_squeeze %gather3A_451 : memref<1x32x128xf32, #tpu.memory_space<vmem>> -> memref<32x128xf32, #tpu.memory_space<vmem>>
        %gather3A_453 = tpu.vector_load_idx %gather3A_452[%add3A_392, %add3A_448] : memref<32x128xf32, #tpu.memory_space<vmem>>[vector<16xi32>, vector<16xi32>], vector<16xf32>,
        %add3A_454 = vector.broadcast %mul3A_389 : i32 to vector<16xi32>
        %add3A_455 = arith.addi %add3A_454, %shift_right_logical3A_111 : vector<16xi32>
        %add3A_456 = arith.addi %shift_left3A_167, %add3A_392 : vector<16xi32>
        %scatter3A_457 = arith.constant 0 : i32
        %scatter3A_458 = arith.constant 0 : i32
        %scatter3A_459 = tpu.memref_slice %arg5[%rem3A_323, %scatter3A_457, %scatter3A_458] : memref<2x32x128xf32, #tpu.memory_space<vmem>> -> memref<1x32x128xf32, #tpu.memory_space<vmem>>
        %scatter3A_460 = tpu.memref_squeeze %scatter3A_459 : memref<1x32x128xf32, #tpu.memory_space<vmem>> -> memref<32x128xf32, #tpu.memory_space<vmem>>
        tpu.vector_store_idx %scatter3A_460[%add3A_455, %add3A_456], %gather3A_412 : memref<32x128xf32, #tpu.memory_space<vmem>>[vector<16xi32>, vector<16xi32>], vector<16xf32>,
        %add3A_461 = vector.broadcast %mul3A_387 : i32 to vector<16xi32>
        %add3A_462 = arith.addi %add3A_461, %and3A_55 : vector<16xi32>
        %gather3A_463 = arith.constant 0 : i32
        %gather3A_464 = arith.constant 0 : i32
        %gather3A_465 = tpu.memref_slice %arg4[%rem3A_323, %gather3A_463, %gather3A_464] : memref<2x32x128xf32, #tpu.memory_space<vmem>> -> memref<1x32x128xf32, #tpu.memory_space<vmem>>
        %gather3A_466 = tpu.memref_squeeze %gather3A_465 : memref<1x32x128xf32, #tpu.memory_space<vmem>> -> memref<32x128xf32, #tpu.memory_space<vmem>>
        %gather3A_467 = tpu.vector_load_idx %gather3A_466[%add3A_392, %add3A_462] : memref<32x128xf32, #tpu.memory_space<vmem>>[vector<16xi32>, vector<16xi32>], vector<16xf32>,
        %add3A_468 = vector.broadcast %mul3A_389 : i32 to vector<16xi32>
        %add3A_469 = arith.addi %add3A_468, %shift_right_logical3A_114 : vector<16xi32>
        %add3A_470 = arith.addi %shift_left3A_173, %add3A_392 : vector<16xi32>
        %scatter3A_471 = arith.constant 0 : i32
        %scatter3A_472 = arith.constant 0 : i32
        %scatter3A_473 = tpu.memref_slice %arg5[%rem3A_323, %scatter3A_471, %scatter3A_472] : memref<2x32x128xf32, #tpu.memory_space<vmem>> -> memref<1x32x128xf32, #tpu.memory_space<vmem>>
        %scatter3A_474 = tpu.memref_squeeze %scatter3A_473 : memref<1x32x128xf32, #tpu.memory_space<vmem>> -> memref<32x128xf32, #tpu.memory_space<vmem>>
        tpu.vector_store_idx %scatter3A_474[%add3A_469, %add3A_470], %gather3A_419 : memref<32x128xf32, #tpu.memory_space<vmem>>[vector<16xi32>, vector<16xi32>], vector<16xf32>,
        %add3A_475 = vector.broadcast %mul3A_387 : i32 to vector<16xi32>
        %add3A_476 = arith.addi %add3A_475, %and3A_61 : vector<16xi32>
        %gather3A_477 = arith.constant 0 : i32
        %gather3A_478 = arith.constant 0 : i32
        %gather3A_479 = tpu.memref_slice %arg4[%rem3A_323, %gather3A_477, %gather3A_478] : memref<2x32x128xf32, #tpu.memory_space<vmem>> -> memref<1x32x128xf32, #tpu.memory_space<vmem>>
        %gather3A_480 = tpu.memref_squeeze %gather3A_479 : memref<1x32x128xf32, #tpu.memory_space<vmem>> -> memref<32x128xf32, #tpu.memory_space<vmem>>
        %gather3A_481 = tpu.vector_load_idx %gather3A_480[%add3A_392, %add3A_476] : memref<32x128xf32, #tpu.memory_space<vmem>>[vector<16xi32>, vector<16xi32>], vector<16xf32>,
        %add3A_482 = vector.broadcast %mul3A_389 : i32 to vector<16xi32>
        %add3A_483 = arith.addi %add3A_482, %shift_right_logical3A_117 : vector<16xi32>
        %add3A_484 = arith.addi %shift_left3A_179, %add3A_392 : vector<16xi32>
        %scatter3A_485 = arith.constant 0 : i32
        %scatter3A_486 = arith.constant 0 : i32
        %scatter3A_487 = tpu.memref_slice %arg5[%rem3A_323, %scatter3A_485, %scatter3A_486] : memref<2x32x128xf32, #tpu.memory_space<vmem>> -> memref<1x32x128xf32, #tpu.memory_space<vmem>>
        %scatter3A_488 = tpu.memref_squeeze %scatter3A_487 : memref<1x32x128xf32, #tpu.memory_space<vmem>> -> memref<32x128xf32, #tpu.memory_space<vmem>>
        tpu.vector_store_idx %scatter3A_488[%add3A_483, %add3A_484], %gather3A_426 : memref<32x128xf32, #tpu.memory_space<vmem>>[vector<16xi32>, vector<16xi32>], vector<16xf32>,
        %add3A_489 = vector.broadcast %mul3A_387 : i32 to vector<16xi32>
        %add3A_490 = arith.addi %add3A_489, %and3A_67 : vector<16xi32>
        %gather3A_491 = arith.constant 0 : i32
        %gather3A_492 = arith.constant 0 : i32
        %gather3A_493 = tpu.memref_slice %arg4[%rem3A_323, %gather3A_491, %gather3A_492] : memref<2x32x128xf32, #tpu.memory_space<vmem>> -> memref<1x32x128xf32, #tpu.memory_space<vmem>>
        %gather3A_494 = tpu.memref_squeeze %gather3A_493 : memref<1x32x128xf32, #tpu.memory_space<vmem>> -> memref<32x128xf32, #tpu.memory_space<vmem>>
        %gather3A_495 = tpu.vector_load_idx %gather3A_494[%add3A_392, %add3A_490] : memref<32x128xf32, #tpu.memory_space<vmem>>[vector<16xi32>, vector<16xi32>], vector<16xf32>,
        %add3A_496 = vector.broadcast %mul3A_389 : i32 to vector<16xi32>
        %add3A_497 = arith.addi %add3A_496, %shift_right_logical3A_120 : vector<16xi32>
        %add3A_498 = arith.addi %shift_left3A_185, %add3A_392 : vector<16xi32>
        %scatter3A_499 = arith.constant 0 : i32
        %scatter3A_500 = arith.constant 0 : i32
        %scatter3A_501 = tpu.memref_slice %arg5[%rem3A_323, %scatter3A_499, %scatter3A_500] : memref<2x32x128xf32, #tpu.memory_space<vmem>> -> memref<1x32x128xf32, #tpu.memory_space<vmem>>
        %scatter3A_502 = tpu.memref_squeeze %scatter3A_501 : memref<1x32x128xf32, #tpu.memory_space<vmem>> -> memref<32x128xf32, #tpu.memory_space<vmem>>
        tpu.vector_store_idx %scatter3A_502[%add3A_497, %add3A_498], %gather3A_439 : memref<32x128xf32, #tpu.memory_space<vmem>>[vector<16xi32>, vector<16xi32>], vector<16xf32>,
        %add3A_503 = vector.broadcast %mul3A_387 : i32 to vector<16xi32>
        %add3A_504 = arith.addi %add3A_503, %and3A_73 : vector<16xi32>
        %gather3A_505 = arith.constant 0 : i32
        %gather3A_506 = arith.constant 0 : i32
        %gather3A_507 = tpu.memref_slice %arg4[%rem3A_323, %gather3A_505, %gather3A_506] : memref<2x32x128xf32, #tpu.memory_space<vmem>> -> memref<1x32x128xf32, #tpu.memory_space<vmem>>
        %gather3A_508 = tpu.memref_squeeze %gather3A_507 : memref<1x32x128xf32, #tpu.memory_space<vmem>> -> memref<32x128xf32, #tpu.memory_space<vmem>>
        %gather3A_509 = tpu.vector_load_idx %gather3A_508[%add3A_392, %add3A_504] : memref<32x128xf32, #tpu.memory_space<vmem>>[vector<16xi32>, vector<16xi32>], vector<16xf32>,
        %add3A_510 = vector.broadcast %mul3A_389 : i32 to vector<16xi32>
        %add3A_511 = arith.addi %add3A_510, %shift_right_logical3A_123 : vector<16xi32>
        %add3A_512 = arith.addi %shift_left3A_191, %add3A_392 : vector<16xi32>
        %scatter3A_513 = arith.constant 0 : i32
        %scatter3A_514 = arith.constant 0 : i32
        %scatter3A_515 = tpu.memref_slice %arg5[%rem3A_323, %scatter3A_513, %scatter3A_514] : memref<2x32x128xf32, #tpu.memory_space<vmem>> -> memref<1x32x128xf32, #tpu.memory_space<vmem>>
        %scatter3A_516 = tpu.memref_squeeze %scatter3A_515 : memref<1x32x128xf32, #tpu.memory_space<vmem>> -> memref<32x128xf32, #tpu.memory_space<vmem>>
        tpu.vector_store_idx %scatter3A_516[%add3A_511, %add3A_512], %gather3A_453 : memref<32x128xf32, #tpu.memory_space<vmem>>[vector<16xi32>, vector<16xi32>], vector<16xf32>,
        %add3A_517 = vector.broadcast %mul3A_387 : i32 to vector<16xi32>
        %add3A_518 = arith.addi %add3A_517, %and3A_79 : vector<16xi32>
        %gather3A_519 = arith.constant 0 : i32
        %gather3A_520 = arith.constant 0 : i32
        %gather3A_521 = tpu.memref_slice %arg4[%rem3A_323, %gather3A_519, %gather3A_520] : memref<2x32x128xf32, #tpu.memory_space<vmem>> -> memref<1x32x128xf32, #tpu.memory_space<vmem>>
        %gather3A_522 = tpu.memref_squeeze %gather3A_521 : memref<1x32x128xf32, #tpu.memory_space<vmem>> -> memref<32x128xf32, #tpu.memory_space<vmem>>
        %gather3A_523 = tpu.vector_load_idx %gather3A_522[%add3A_392, %add3A_518] : memref<32x128xf32, #tpu.memory_space<vmem>>[vector<16xi32>, vector<16xi32>], vector<16xf32>,
        %add3A_524 = vector.broadcast %mul3A_389 : i32 to vector<16xi32>
        %add3A_525 = arith.addi %add3A_524, %shift_right_logical3A_126 : vector<16xi32>
        %add3A_526 = arith.addi %shift_left3A_197, %add3A_392 : vector<16xi32>
        %scatter3A_527 = arith.constant 0 : i32
        %scatter3A_528 = arith.constant 0 : i32
        %scatter3A_529 = tpu.memref_slice %arg5[%rem3A_323, %scatter3A_527, %scatter3A_528] : memref<2x32x128xf32, #tpu.memory_space<vmem>> -> memref<1x32x128xf32, #tpu.memory_space<vmem>>
        %scatter3A_530 = tpu.memref_squeeze %scatter3A_529 : memref<1x32x128xf32, #tpu.memory_space<vmem>> -> memref<32x128xf32, #tpu.memory_space<vmem>>
        tpu.vector_store_idx %scatter3A_530[%add3A_525, %add3A_526], %gather3A_467 : memref<32x128xf32, #tpu.memory_space<vmem>>[vector<16xi32>, vector<16xi32>], vector<16xf32>,
        %add3A_531 = vector.broadcast %mul3A_387 : i32 to vector<16xi32>
        %add3A_532 = arith.addi %add3A_531, %and3A_85 : vector<16xi32>
        %gather3A_533 = arith.constant 0 : i32
        %gather3A_534 = arith.constant 0 : i32
        %gather3A_535 = tpu.memref_slice %arg4[%rem3A_323, %gather3A_533, %gather3A_534] : memref<2x32x128xf32, #tpu.memory_space<vmem>> -> memref<1x32x128xf32, #tpu.memory_space<vmem>>
        %gather3A_536 = tpu.memref_squeeze %gather3A_535 : memref<1x32x128xf32, #tpu.memory_space<vmem>> -> memref<32x128xf32, #tpu.memory_space<vmem>>
        %gather3A_537 = tpu.vector_load_idx %gather3A_536[%add3A_392, %add3A_532] : memref<32x128xf32, #tpu.memory_space<vmem>>[vector<16xi32>, vector<16xi32>], vector<16xf32>,
        %add3A_538 = vector.broadcast %mul3A_389 : i32 to vector<16xi32>
        %add3A_539 = arith.addi %add3A_538, %shift_right_logical3A_129 : vector<16xi32>
        %add3A_540 = arith.addi %shift_left3A_203, %add3A_392 : vector<16xi32>
        %scatter3A_541 = arith.constant 0 : i32
        %scatter3A_542 = arith.constant 0 : i32
        %scatter3A_543 = tpu.memref_slice %arg5[%rem3A_323, %scatter3A_541, %scatter3A_542] : memref<2x32x128xf32, #tpu.memory_space<vmem>> -> memref<1x32x128xf32, #tpu.memory_space<vmem>>
        %scatter3A_544 = tpu.memref_squeeze %scatter3A_543 : memref<1x32x128xf32, #tpu.memory_space<vmem>> -> memref<32x128xf32, #tpu.memory_space<vmem>>
        tpu.vector_store_idx %scatter3A_544[%add3A_539, %add3A_540], %gather3A_481 : memref<32x128xf32, #tpu.memory_space<vmem>>[vector<16xi32>, vector<16xi32>], vector<16xf32>,
        %add3A_545 = vector.broadcast %mul3A_387 : i32 to vector<16xi32>
        %add3A_546 = arith.addi %add3A_545, %and3A_91 : vector<16xi32>
        %gather3A_547 = arith.constant 0 : i32
        %gather3A_548 = arith.constant 0 : i32
        %gather3A_549 = tpu.memref_slice %arg4[%rem3A_323, %gather3A_547, %gather3A_548] : memref<2x32x128xf32, #tpu.memory_space<vmem>> -> memref<1x32x128xf32, #tpu.memory_space<vmem>>
        %gather3A_550 = tpu.memref_squeeze %gather3A_549 : memref<1x32x128xf32, #tpu.memory_space<vmem>> -> memref<32x128xf32, #tpu.memory_space<vmem>>
        %gather3A_551 = tpu.vector_load_idx %gather3A_550[%add3A_392, %add3A_546] : memref<32x128xf32, #tpu.memory_space<vmem>>[vector<16xi32>, vector<16xi32>], vector<16xf32>,
        %add3A_552 = vector.broadcast %mul3A_389 : i32 to vector<16xi32>
        %add3A_553 = arith.addi %add3A_552, %shift_right_logical3A_132 : vector<16xi32>
        %add3A_554 = arith.addi %shift_left3A_209, %add3A_392 : vector<16xi32>
        %scatter3A_555 = arith.constant 0 : i32
        %scatter3A_556 = arith.constant 0 : i32
        %scatter3A_557 = tpu.memref_slice %arg5[%rem3A_323, %scatter3A_555, %scatter3A_556] : memref<2x32x128xf32, #tpu.memory_space<vmem>> -> memref<1x32x128xf32, #tpu.memory_space<vmem>>
        %scatter3A_558 = tpu.memref_squeeze %scatter3A_557 : memref<1x32x128xf32, #tpu.memory_space<vmem>> -> memref<32x128xf32, #tpu.memory_space<vmem>>
        tpu.vector_store_idx %scatter3A_558[%add3A_553, %add3A_554], %gather3A_495 : memref<32x128xf32, #tpu.memory_space<vmem>>[vector<16xi32>, vector<16xi32>], vector<16xf32>,
        %add3A_559 = vector.broadcast %mul3A_387 : i32 to vector<16xi32>
        %add3A_560 = arith.addi %add3A_559, %and3A_97 : vector<16xi32>
        %gather3A_561 = arith.constant 0 : i32
        %gather3A_562 = arith.constant 0 : i32
        %gather3A_563 = tpu.memref_slice %arg4[%rem3A_323, %gather3A_561, %gather3A_562] : memref<2x32x128xf32, #tpu.memory_space<vmem>> -> memref<1x32x128xf32, #tpu.memory_space<vmem>>
        %gather3A_564 = tpu.memref_squeeze %gather3A_563 : memref<1x32x128xf32, #tpu.memory_space<vmem>> -> memref<32x128xf32, #tpu.memory_space<vmem>>
        %gather3A_565 = tpu.vector_load_idx %gather3A_564[%add3A_392, %add3A_560] : memref<32x128xf32, #tpu.memory_space<vmem>>[vector<16xi32>, vector<16xi32>], vector<16xf32>,
        %add3A_566 = vector.broadcast %mul3A_389 : i32 to vector<16xi32>
        %add3A_567 = arith.addi %add3A_566, %shift_right_logical3A_135 : vector<16xi32>
        %add3A_568 = arith.addi %shift_left3A_215, %add3A_392 : vector<16xi32>
        %scatter3A_569 = arith.constant 0 : i32
        %scatter3A_570 = arith.constant 0 : i32
        %scatter3A_571 = tpu.memref_slice %arg5[%rem3A_323, %scatter3A_569, %scatter3A_570] : memref<2x32x128xf32, #tpu.memory_space<vmem>> -> memref<1x32x128xf32, #tpu.memory_space<vmem>>
        %scatter3A_572 = tpu.memref_squeeze %scatter3A_571 : memref<1x32x128xf32, #tpu.memory_space<vmem>> -> memref<32x128xf32, #tpu.memory_space<vmem>>
        tpu.vector_store_idx %scatter3A_572[%add3A_567, %add3A_568], %gather3A_509 : memref<32x128xf32, #tpu.memory_space<vmem>>[vector<16xi32>, vector<16xi32>], vector<16xf32>,
        %add3A_573 = vector.broadcast %mul3A_387 : i32 to vector<16xi32>
        %add3A_574 = arith.addi %add3A_573, %and3A_103 : vector<16xi32>
        %gather3A_575 = arith.constant 0 : i32
        %gather3A_576 = arith.constant 0 : i32
        %gather3A_577 = tpu.memref_slice %arg4[%rem3A_323, %gather3A_575, %gather3A_576] : memref<2x32x128xf32, #tpu.memory_space<vmem>> -> memref<1x32x128xf32, #tpu.memory_space<vmem>>
        %gather3A_578 = tpu.memref_squeeze %gather3A_577 : memref<1x32x128xf32, #tpu.memory_space<vmem>> -> memref<32x128xf32, #tpu.memory_space<vmem>>
        %gather3A_579 = tpu.vector_load_idx %gather3A_578[%add3A_392, %add3A_574] : memref<32x128xf32, #tpu.memory_space<vmem>>[vector<16xi32>, vector<16xi32>], vector<16xf32>,
        %add3A_580 = vector.broadcast %mul3A_389 : i32 to vector<16xi32>
        %add3A_581 = arith.addi %add3A_580, %shift_right_logical3A_138 : vector<16xi32>
        %add3A_582 = arith.addi %shift_left3A_221, %add3A_392 : vector<16xi32>
        %scatter3A_583 = arith.constant 0 : i32
        %scatter3A_584 = arith.constant 0 : i32
        %scatter3A_585 = tpu.memref_slice %arg5[%rem3A_323, %scatter3A_583, %scatter3A_584] : memref<2x32x128xf32, #tpu.memory_space<vmem>> -> memref<1x32x128xf32, #tpu.memory_space<vmem>>
        %scatter3A_586 = tpu.memref_squeeze %scatter3A_585 : memref<1x32x128xf32, #tpu.memory_space<vmem>> -> memref<32x128xf32, #tpu.memory_space<vmem>>
        tpu.vector_store_idx %scatter3A_586[%add3A_581, %add3A_582], %gather3A_523 : memref<32x128xf32, #tpu.memory_space<vmem>>[vector<16xi32>, vector<16xi32>], vector<16xf32>,
        %add3A_587 = vector.broadcast %mul3A_389 : i32 to vector<16xi32>
        %add3A_588 = arith.addi %add3A_587, %shift_right_logical3A_141 : vector<16xi32>
        %add3A_589 = arith.addi %shift_left3A_227, %add3A_392 : vector<16xi32>
        %scatter3A_590 = arith.constant 0 : i32
        %scatter3A_591 = arith.constant 0 : i32
        %scatter3A_592 = tpu.memref_slice %arg5[%rem3A_323, %scatter3A_590, %scatter3A_591] : memref<2x32x128xf32, #tpu.memory_space<vmem>> -> memref<1x32x128xf32, #tpu.memory_space<vmem>>
        %scatter3A_593 = tpu.memref_squeeze %scatter3A_592 : memref<1x32x128xf32, #tpu.memory_space<vmem>> -> memref<32x128xf32, #tpu.memory_space<vmem>>
        tpu.vector_store_idx %scatter3A_593[%add3A_588, %add3A_589], %gather3A_537 : memref<32x128xf32, #tpu.memory_space<vmem>>[vector<16xi32>, vector<16xi32>], vector<16xf32>,
        %add3A_594 = vector.broadcast %mul3A_389 : i32 to vector<16xi32>
        %add3A_595 = arith.addi %add3A_594, %shift_right_logical3A_144 : vector<16xi32>
        %add3A_596 = arith.addi %shift_left3A_233, %add3A_392 : vector<16xi32>
        %scatter3A_597 = arith.constant 0 : i32
        %scatter3A_598 = arith.constant 0 : i32
        %scatter3A_599 = tpu.memref_slice %arg5[%rem3A_323, %scatter3A_597, %scatter3A_598] : memref<2x32x128xf32, #tpu.memory_space<vmem>> -> memref<1x32x128xf32, #tpu.memory_space<vmem>>
        %scatter3A_600 = tpu.memref_squeeze %scatter3A_599 : memref<1x32x128xf32, #tpu.memory_space<vmem>> -> memref<32x128xf32, #tpu.memory_space<vmem>>
        tpu.vector_store_idx %scatter3A_600[%add3A_595, %add3A_596], %gather3A_551 : memref<32x128xf32, #tpu.memory_space<vmem>>[vector<16xi32>, vector<16xi32>], vector<16xf32>,
        %add3A_601 = vector.broadcast %mul3A_389 : i32 to vector<16xi32>
        %add3A_602 = arith.addi %add3A_601, %shift_right_logical3A_147 : vector<16xi32>
        %add3A_603 = arith.addi %shift_left3A_239, %add3A_392 : vector<16xi32>
        %scatter3A_604 = arith.constant 0 : i32
        %scatter3A_605 = arith.constant 0 : i32
        %scatter3A_606 = tpu.memref_slice %arg5[%rem3A_323, %scatter3A_604, %scatter3A_605] : memref<2x32x128xf32, #tpu.memory_space<vmem>> -> memref<1x32x128xf32, #tpu.memory_space<vmem>>
        %scatter3A_607 = tpu.memref_squeeze %scatter3A_606 : memref<1x32x128xf32, #tpu.memory_space<vmem>> -> memref<32x128xf32, #tpu.memory_space<vmem>>
        tpu.vector_store_idx %scatter3A_607[%add3A_602, %add3A_603], %gather3A_565 : memref<32x128xf32, #tpu.memory_space<vmem>>[vector<16xi32>, vector<16xi32>], vector<16xf32>,
        %add3A_608 = vector.broadcast %mul3A_389 : i32 to vector<16xi32>
        %add3A_609 = arith.addi %add3A_608, %shift_right_logical3A_150 : vector<16xi32>
        %add3A_610 = arith.addi %shift_left3A_245, %add3A_392 : vector<16xi32>
        %scatter3A_611 = arith.constant 0 : i32
        %scatter3A_612 = arith.constant 0 : i32
        %scatter3A_613 = tpu.memref_slice %arg5[%rem3A_323, %scatter3A_611, %scatter3A_612] : memref<2x32x128xf32, #tpu.memory_space<vmem>> -> memref<1x32x128xf32, #tpu.memory_space<vmem>>
        %scatter3A_614 = tpu.memref_squeeze %scatter3A_613 : memref<1x32x128xf32, #tpu.memory_space<vmem>> -> memref<32x128xf32, #tpu.memory_space<vmem>>
        tpu.vector_store_idx %scatter3A_614[%add3A_609, %add3A_610], %gather3A_579 : memref<32x128xf32, #tpu.memory_space<vmem>>[vector<16xi32>, vector<16xi32>], vector<16xf32>,
        %add3A_615 = arith.constant 16 : i32
        %add3A_616 = vector.broadcast %add3A_615 : i32 to vector<16xi32>
        %add3A_617 = arith.addi %iota3A, %add3A_616 : vector<16xi32>
        %add3A_618 = vector.broadcast %mul3A_387 : i32 to vector<16xi32>
        %add3A_619 = arith.addi %add3A_618, %and3A_13 : vector<16xi32>
        %gather3A_620 = arith.constant 0 : i32
        %gather3A_621 = arith.constant 0 : i32
        %gather3A_622 = tpu.memref_slice %arg4[%rem3A_323, %gather3A_620, %gather3A_621] : memref<2x32x128xf32, #tpu.memory_space<vmem>> -> memref<1x32x128xf32, #tpu.memory_space<vmem>>
        %gather3A_623 = tpu.memref_squeeze %gather3A_622 : memref<1x32x128xf32, #tpu.memory_space<vmem>> -> memref<32x128xf32, #tpu.memory_space<vmem>>
        %gather3A_624 = tpu.vector_load_idx %gather3A_623[%add3A_617, %add3A_619] : memref<32x128xf32, #tpu.memory_space<vmem>>[vector<16xi32>, vector<16xi32>], vector<16xf32>,
        %add3A_625 = vector.broadcast %mul3A_387 : i32 to vector<16xi32>
        %add3A_626 = arith.addi %add3A_625, %and3A_19 : vector<16xi32>
        %gather3A_627 = arith.constant 0 : i32
        %gather3A_628 = arith.constant 0 : i32
        %gather3A_629 = tpu.memref_slice %arg4[%rem3A_323, %gather3A_627, %gather3A_628] : memref<2x32x128xf32, #tpu.memory_space<vmem>> -> memref<1x32x128xf32, #tpu.memory_space<vmem>>
        %gather3A_630 = tpu.memref_squeeze %gather3A_629 : memref<1x32x128xf32, #tpu.memory_space<vmem>> -> memref<32x128xf32, #tpu.memory_space<vmem>>
        %gather3A_631 = tpu.vector_load_idx %gather3A_630[%add3A_617, %add3A_626] : memref<32x128xf32, #tpu.memory_space<vmem>>[vector<16xi32>, vector<16xi32>], vector<16xf32>,
        %add3A_632 = vector.broadcast %mul3A_387 : i32 to vector<16xi32>
        %add3A_633 = arith.addi %add3A_632, %and3A_25 : vector<16xi32>
        %gather3A_634 = arith.constant 0 : i32
        %gather3A_635 = arith.constant 0 : i32
        %gather3A_636 = tpu.memref_slice %arg4[%rem3A_323, %gather3A_634, %gather3A_635] : memref<2x32x128xf32, #tpu.memory_space<vmem>> -> memref<1x32x128xf32, #tpu.memory_space<vmem>>
        %gather3A_637 = tpu.memref_squeeze %gather3A_636 : memref<1x32x128xf32, #tpu.memory_space<vmem>> -> memref<32x128xf32, #tpu.memory_space<vmem>>
        %gather3A_638 = tpu.vector_load_idx %gather3A_637[%add3A_617, %add3A_633] : memref<32x128xf32, #tpu.memory_space<vmem>>[vector<16xi32>, vector<16xi32>], vector<16xf32>,
        %add3A_639 = vector.broadcast %mul3A_387 : i32 to vector<16xi32>
        %add3A_640 = arith.addi %add3A_639, %and3A_31 : vector<16xi32>
        %gather3A_641 = arith.constant 0 : i32
        %gather3A_642 = arith.constant 0 : i32
        %gather3A_643 = tpu.memref_slice %arg4[%rem3A_323, %gather3A_641, %gather3A_642] : memref<2x32x128xf32, #tpu.memory_space<vmem>> -> memref<1x32x128xf32, #tpu.memory_space<vmem>>
        %gather3A_644 = tpu.memref_squeeze %gather3A_643 : memref<1x32x128xf32, #tpu.memory_space<vmem>> -> memref<32x128xf32, #tpu.memory_space<vmem>>
        %gather3A_645 = tpu.vector_load_idx %gather3A_644[%add3A_617, %add3A_640] : memref<32x128xf32, #tpu.memory_space<vmem>>[vector<16xi32>, vector<16xi32>], vector<16xf32>,
        %add3A_646 = vector.broadcast %mul3A_387 : i32 to vector<16xi32>
        %add3A_647 = arith.addi %add3A_646, %and3A_37 : vector<16xi32>
        %gather3A_648 = arith.constant 0 : i32
        %gather3A_649 = arith.constant 0 : i32
        %gather3A_650 = tpu.memref_slice %arg4[%rem3A_323, %gather3A_648, %gather3A_649] : memref<2x32x128xf32, #tpu.memory_space<vmem>> -> memref<1x32x128xf32, #tpu.memory_space<vmem>>
        %gather3A_651 = tpu.memref_squeeze %gather3A_650 : memref<1x32x128xf32, #tpu.memory_space<vmem>> -> memref<32x128xf32, #tpu.memory_space<vmem>>
        %gather3A_652 = tpu.vector_load_idx %gather3A_651[%add3A_617, %add3A_647] : memref<32x128xf32, #tpu.memory_space<vmem>>[vector<16xi32>, vector<16xi32>], vector<16xf32>,
        %add3A_653 = vector.broadcast %mul3A_389 : i32 to vector<16xi32>
        %add3A_654 = arith.addi %add3A_653, %shift_right_logical3A_105 : vector<16xi32>
        %add3A_655 = arith.addi %shift_left3A_155, %add3A_617 : vector<16xi32>
        %scatter3A_656 = arith.constant 0 : i32
        %scatter3A_657 = arith.constant 0 : i32
        %scatter3A_658 = tpu.memref_slice %arg5[%rem3A_323, %scatter3A_656, %scatter3A_657] : memref<2x32x128xf32, #tpu.memory_space<vmem>> -> memref<1x32x128xf32, #tpu.memory_space<vmem>>
        %scatter3A_659 = tpu.memref_squeeze %scatter3A_658 : memref<1x32x128xf32, #tpu.memory_space<vmem>> -> memref<32x128xf32, #tpu.memory_space<vmem>>
        tpu.vector_store_idx %scatter3A_659[%add3A_654, %add3A_655], %gather3A_624 : memref<32x128xf32, #tpu.memory_space<vmem>>[vector<16xi32>, vector<16xi32>], vector<16xf32>,
        %add3A_660 = vector.broadcast %mul3A_387 : i32 to vector<16xi32>
        %add3A_661 = arith.addi %add3A_660, %and3A_43 : vector<16xi32>
        %gather3A_662 = arith.constant 0 : i32
        %gather3A_663 = arith.constant 0 : i32
        %gather3A_664 = tpu.memref_slice %arg4[%rem3A_323, %gather3A_662, %gather3A_663] : memref<2x32x128xf32, #tpu.memory_space<vmem>> -> memref<1x32x128xf32, #tpu.memory_space<vmem>>
        %gather3A_665 = tpu.memref_squeeze %gather3A_664 : memref<1x32x128xf32, #tpu.memory_space<vmem>> -> memref<32x128xf32, #tpu.memory_space<vmem>>
        %gather3A_666 = tpu.vector_load_idx %gather3A_665[%add3A_617, %add3A_661] : memref<32x128xf32, #tpu.memory_space<vmem>>[vector<16xi32>, vector<16xi32>], vector<16xf32>,
        %add3A_667 = vector.broadcast %mul3A_389 : i32 to vector<16xi32>
        %add3A_668 = arith.addi %add3A_667, %shift_right_logical3A_108 : vector<16xi32>
        %add3A_669 = arith.addi %shift_left3A_161, %add3A_617 : vector<16xi32>
        %scatter3A_670 = arith.constant 0 : i32
        %scatter3A_671 = arith.constant 0 : i32
        %scatter3A_672 = tpu.memref_slice %arg5[%rem3A_323, %scatter3A_670, %scatter3A_671] : memref<2x32x128xf32, #tpu.memory_space<vmem>> -> memref<1x32x128xf32, #tpu.memory_space<vmem>>
        %scatter3A_673 = tpu.memref_squeeze %scatter3A_672 : memref<1x32x128xf32, #tpu.memory_space<vmem>> -> memref<32x128xf32, #tpu.memory_space<vmem>>
        tpu.vector_store_idx %scatter3A_673[%add3A_668, %add3A_669], %gather3A_631 : memref<32x128xf32, #tpu.memory_space<vmem>>[vector<16xi32>, vector<16xi32>], vector<16xf32>,
        %add3A_674 = vector.broadcast %mul3A_387 : i32 to vector<16xi32>
        %add3A_675 = arith.addi %add3A_674, %and3A_49 : vector<16xi32>
        %gather3A_676 = arith.constant 0 : i32
        %gather3A_677 = arith.constant 0 : i32
        %gather3A_678 = tpu.memref_slice %arg4[%rem3A_323, %gather3A_676, %gather3A_677] : memref<2x32x128xf32, #tpu.memory_space<vmem>> -> memref<1x32x128xf32, #tpu.memory_space<vmem>>
        %gather3A_679 = tpu.memref_squeeze %gather3A_678 : memref<1x32x128xf32, #tpu.memory_space<vmem>> -> memref<32x128xf32, #tpu.memory_space<vmem>>
        %gather3A_680 = tpu.vector_load_idx %gather3A_679[%add3A_617, %add3A_675] : memref<32x128xf32, #tpu.memory_space<vmem>>[vector<16xi32>, vector<16xi32>], vector<16xf32>,
        %add3A_681 = vector.broadcast %mul3A_389 : i32 to vector<16xi32>
        %add3A_682 = arith.addi %add3A_681, %shift_right_logical3A_111 : vector<16xi32>
        %add3A_683 = arith.addi %shift_left3A_167, %add3A_617 : vector<16xi32>
        %scatter3A_684 = arith.constant 0 : i32
        %scatter3A_685 = arith.constant 0 : i32
        %scatter3A_686 = tpu.memref_slice %arg5[%rem3A_323, %scatter3A_684, %scatter3A_685] : memref<2x32x128xf32, #tpu.memory_space<vmem>> -> memref<1x32x128xf32, #tpu.memory_space<vmem>>
        %scatter3A_687 = tpu.memref_squeeze %scatter3A_686 : memref<1x32x128xf32, #tpu.memory_space<vmem>> -> memref<32x128xf32, #tpu.memory_space<vmem>>
        tpu.vector_store_idx %scatter3A_687[%add3A_682, %add3A_683], %gather3A_638 : memref<32x128xf32, #tpu.memory_space<vmem>>[vector<16xi32>, vector<16xi32>], vector<16xf32>,
        %add3A_688 = vector.broadcast %mul3A_387 : i32 to vector<16xi32>
        %add3A_689 = arith.addi %add3A_688, %and3A_55 : vector<16xi32>
        %gather3A_690 = arith.constant 0 : i32
        %gather3A_691 = arith.constant 0 : i32
        %gather3A_692 = tpu.memref_slice %arg4[%rem3A_323, %gather3A_690, %gather3A_691] : memref<2x32x128xf32, #tpu.memory_space<vmem>> -> memref<1x32x128xf32, #tpu.memory_space<vmem>>
        %gather3A_693 = tpu.memref_squeeze %gather3A_692 : memref<1x32x128xf32, #tpu.memory_space<vmem>> -> memref<32x128xf32, #tpu.memory_space<vmem>>
        %gather3A_694 = tpu.vector_load_idx %gather3A_693[%add3A_617, %add3A_689] : memref<32x128xf32, #tpu.memory_space<vmem>>[vector<16xi32>, vector<16xi32>], vector<16xf32>,
        %add3A_695 = vector.broadcast %mul3A_389 : i32 to vector<16xi32>
        %add3A_696 = arith.addi %add3A_695, %shift_right_logical3A_114 : vector<16xi32>
        %add3A_697 = arith.addi %shift_left3A_173, %add3A_617 : vector<16xi32>
        %scatter3A_698 = arith.constant 0 : i32
        %scatter3A_699 = arith.constant 0 : i32
        %scatter3A_700 = tpu.memref_slice %arg5[%rem3A_323, %scatter3A_698, %scatter3A_699] : memref<2x32x128xf32, #tpu.memory_space<vmem>> -> memref<1x32x128xf32, #tpu.memory_space<vmem>>
        %scatter3A_701 = tpu.memref_squeeze %scatter3A_700 : memref<1x32x128xf32, #tpu.memory_space<vmem>> -> memref<32x128xf32, #tpu.memory_space<vmem>>
        tpu.vector_store_idx %scatter3A_701[%add3A_696, %add3A_697], %gather3A_645 : memref<32x128xf32, #tpu.memory_space<vmem>>[vector<16xi32>, vector<16xi32>], vector<16xf32>,
        %add3A_702 = vector.broadcast %mul3A_387 : i32 to vector<16xi32>
        %add3A_703 = arith.addi %add3A_702, %and3A_61 : vector<16xi32>
        %gather3A_704 = arith.constant 0 : i32
        %gather3A_705 = arith.constant 0 : i32
        %gather3A_706 = tpu.memref_slice %arg4[%rem3A_323, %gather3A_704, %gather3A_705] : memref<2x32x128xf32, #tpu.memory_space<vmem>> -> memref<1x32x128xf32, #tpu.memory_space<vmem>>
        %gather3A_707 = tpu.memref_squeeze %gather3A_706 : memref<1x32x128xf32, #tpu.memory_space<vmem>> -> memref<32x128xf32, #tpu.memory_space<vmem>>
        %gather3A_708 = tpu.vector_load_idx %gather3A_707[%add3A_617, %add3A_703] : memref<32x128xf32, #tpu.memory_space<vmem>>[vector<16xi32>, vector<16xi32>], vector<16xf32>,
        %add3A_709 = vector.broadcast %mul3A_389 : i32 to vector<16xi32>
        %add3A_710 = arith.addi %add3A_709, %shift_right_logical3A_117 : vector<16xi32>
        %add3A_711 = arith.addi %shift_left3A_179, %add3A_617 : vector<16xi32>
        %scatter3A_712 = arith.constant 0 : i32
        %scatter3A_713 = arith.constant 0 : i32
        %scatter3A_714 = tpu.memref_slice %arg5[%rem3A_323, %scatter3A_712, %scatter3A_713] : memref<2x32x128xf32, #tpu.memory_space<vmem>> -> memref<1x32x128xf32, #tpu.memory_space<vmem>>
        %scatter3A_715 = tpu.memref_squeeze %scatter3A_714 : memref<1x32x128xf32, #tpu.memory_space<vmem>> -> memref<32x128xf32, #tpu.memory_space<vmem>>
        tpu.vector_store_idx %scatter3A_715[%add3A_710, %add3A_711], %gather3A_652 : memref<32x128xf32, #tpu.memory_space<vmem>>[vector<16xi32>, vector<16xi32>], vector<16xf32>,
        %add3A_716 = vector.broadcast %mul3A_387 : i32 to vector<16xi32>
        %add3A_717 = arith.addi %add3A_716, %and3A_67 : vector<16xi32>
        %gather3A_718 = arith.constant 0 : i32
        %gather3A_719 = arith.constant 0 : i32
        %gather3A_720 = tpu.memref_slice %arg4[%rem3A_323, %gather3A_718, %gather3A_719] : memref<2x32x128xf32, #tpu.memory_space<vmem>> -> memref<1x32x128xf32, #tpu.memory_space<vmem>>
        %gather3A_721 = tpu.memref_squeeze %gather3A_720 : memref<1x32x128xf32, #tpu.memory_space<vmem>> -> memref<32x128xf32, #tpu.memory_space<vmem>>
        %gather3A_722 = tpu.vector_load_idx %gather3A_721[%add3A_617, %add3A_717] : memref<32x128xf32, #tpu.memory_space<vmem>>[vector<16xi32>, vector<16xi32>], vector<16xf32>,
        %add3A_723 = vector.broadcast %mul3A_389 : i32 to vector<16xi32>
        %add3A_724 = arith.addi %add3A_723, %shift_right_logical3A_120 : vector<16xi32>
        %add3A_725 = arith.addi %shift_left3A_185, %add3A_617 : vector<16xi32>
        %scatter3A_726 = arith.constant 0 : i32
        %scatter3A_727 = arith.constant 0 : i32
        %scatter3A_728 = tpu.memref_slice %arg5[%rem3A_323, %scatter3A_726, %scatter3A_727] : memref<2x32x128xf32, #tpu.memory_space<vmem>> -> memref<1x32x128xf32, #tpu.memory_space<vmem>>
        %scatter3A_729 = tpu.memref_squeeze %scatter3A_728 : memref<1x32x128xf32, #tpu.memory_space<vmem>> -> memref<32x128xf32, #tpu.memory_space<vmem>>
        tpu.vector_store_idx %scatter3A_729[%add3A_724, %add3A_725], %gather3A_666 : memref<32x128xf32, #tpu.memory_space<vmem>>[vector<16xi32>, vector<16xi32>], vector<16xf32>,
        %add3A_730 = vector.broadcast %mul3A_387 : i32 to vector<16xi32>
        %add3A_731 = arith.addi %add3A_730, %and3A_73 : vector<16xi32>
        %gather3A_732 = arith.constant 0 : i32
        %gather3A_733 = arith.constant 0 : i32
        %gather3A_734 = tpu.memref_slice %arg4[%rem3A_323, %gather3A_732, %gather3A_733] : memref<2x32x128xf32, #tpu.memory_space<vmem>> -> memref<1x32x128xf32, #tpu.memory_space<vmem>>
        %gather3A_735 = tpu.memref_squeeze %gather3A_734 : memref<1x32x128xf32, #tpu.memory_space<vmem>> -> memref<32x128xf32, #tpu.memory_space<vmem>>
        %gather3A_736 = tpu.vector_load_idx %gather3A_735[%add3A_617, %add3A_731] : memref<32x128xf32, #tpu.memory_space<vmem>>[vector<16xi32>, vector<16xi32>], vector<16xf32>,
        %add3A_737 = vector.broadcast %mul3A_389 : i32 to vector<16xi32>
        %add3A_738 = arith.addi %add3A_737, %shift_right_logical3A_123 : vector<16xi32>
        %add3A_739 = arith.addi %shift_left3A_191, %add3A_617 : vector<16xi32>
        %scatter3A_740 = arith.constant 0 : i32
        %scatter3A_741 = arith.constant 0 : i32
        %scatter3A_742 = tpu.memref_slice %arg5[%rem3A_323, %scatter3A_740, %scatter3A_741] : memref<2x32x128xf32, #tpu.memory_space<vmem>> -> memref<1x32x128xf32, #tpu.memory_space<vmem>>
        %scatter3A_743 = tpu.memref_squeeze %scatter3A_742 : memref<1x32x128xf32, #tpu.memory_space<vmem>> -> memref<32x128xf32, #tpu.memory_space<vmem>>
        tpu.vector_store_idx %scatter3A_743[%add3A_738, %add3A_739], %gather3A_680 : memref<32x128xf32, #tpu.memory_space<vmem>>[vector<16xi32>, vector<16xi32>], vector<16xf32>,
        %add3A_744 = vector.broadcast %mul3A_387 : i32 to vector<16xi32>
        %add3A_745 = arith.addi %add3A_744, %and3A_79 : vector<16xi32>
        %gather3A_746 = arith.constant 0 : i32
        %gather3A_747 = arith.constant 0 : i32
        %gather3A_748 = tpu.memref_slice %arg4[%rem3A_323, %gather3A_746, %gather3A_747] : memref<2x32x128xf32, #tpu.memory_space<vmem>> -> memref<1x32x128xf32, #tpu.memory_space<vmem>>
        %gather3A_749 = tpu.memref_squeeze %gather3A_748 : memref<1x32x128xf32, #tpu.memory_space<vmem>> -> memref<32x128xf32, #tpu.memory_space<vmem>>
        %gather3A_750 = tpu.vector_load_idx %gather3A_749[%add3A_617, %add3A_745] : memref<32x128xf32, #tpu.memory_space<vmem>>[vector<16xi32>, vector<16xi32>], vector<16xf32>,
        %add3A_751 = vector.broadcast %mul3A_389 : i32 to vector<16xi32>
        %add3A_752 = arith.addi %add3A_751, %shift_right_logical3A_126 : vector<16xi32>
        %add3A_753 = arith.addi %shift_left3A_197, %add3A_617 : vector<16xi32>
        %scatter3A_754 = arith.constant 0 : i32
        %scatter3A_755 = arith.constant 0 : i32
        %scatter3A_756 = tpu.memref_slice %arg5[%rem3A_323, %scatter3A_754, %scatter3A_755] : memref<2x32x128xf32, #tpu.memory_space<vmem>> -> memref<1x32x128xf32, #tpu.memory_space<vmem>>
        %scatter3A_757 = tpu.memref_squeeze %scatter3A_756 : memref<1x32x128xf32, #tpu.memory_space<vmem>> -> memref<32x128xf32, #tpu.memory_space<vmem>>
        tpu.vector_store_idx %scatter3A_757[%add3A_752, %add3A_753], %gather3A_694 : memref<32x128xf32, #tpu.memory_space<vmem>>[vector<16xi32>, vector<16xi32>], vector<16xf32>,
        %add3A_758 = vector.broadcast %mul3A_387 : i32 to vector<16xi32>
        %add3A_759 = arith.addi %add3A_758, %and3A_85 : vector<16xi32>
        %gather3A_760 = arith.constant 0 : i32
        %gather3A_761 = arith.constant 0 : i32
        %gather3A_762 = tpu.memref_slice %arg4[%rem3A_323, %gather3A_760, %gather3A_761] : memref<2x32x128xf32, #tpu.memory_space<vmem>> -> memref<1x32x128xf32, #tpu.memory_space<vmem>>
        %gather3A_763 = tpu.memref_squeeze %gather3A_762 : memref<1x32x128xf32, #tpu.memory_space<vmem>> -> memref<32x128xf32, #tpu.memory_space<vmem>>
        %gather3A_764 = tpu.vector_load_idx %gather3A_763[%add3A_617, %add3A_759] : memref<32x128xf32, #tpu.memory_space<vmem>>[vector<16xi32>, vector<16xi32>], vector<16xf32>,
        %add3A_765 = vector.broadcast %mul3A_389 : i32 to vector<16xi32>
        %add3A_766 = arith.addi %add3A_765, %shift_right_logical3A_129 : vector<16xi32>
        %add3A_767 = arith.addi %shift_left3A_203, %add3A_617 : vector<16xi32>
        %scatter3A_768 = arith.constant 0 : i32
        %scatter3A_769 = arith.constant 0 : i32
        %scatter3A_770 = tpu.memref_slice %arg5[%rem3A_323, %scatter3A_768, %scatter3A_769] : memref<2x32x128xf32, #tpu.memory_space<vmem>> -> memref<1x32x128xf32, #tpu.memory_space<vmem>>
        %scatter3A_771 = tpu.memref_squeeze %scatter3A_770 : memref<1x32x128xf32, #tpu.memory_space<vmem>> -> memref<32x128xf32, #tpu.memory_space<vmem>>
        tpu.vector_store_idx %scatter3A_771[%add3A_766, %add3A_767], %gather3A_708 : memref<32x128xf32, #tpu.memory_space<vmem>>[vector<16xi32>, vector<16xi32>], vector<16xf32>,
        %add3A_772 = vector.broadcast %mul3A_387 : i32 to vector<16xi32>
        %add3A_773 = arith.addi %add3A_772, %and3A_91 : vector<16xi32>
        %gather3A_774 = arith.constant 0 : i32
        %gather3A_775 = arith.constant 0 : i32
        %gather3A_776 = tpu.memref_slice %arg4[%rem3A_323, %gather3A_774, %gather3A_775] : memref<2x32x128xf32, #tpu.memory_space<vmem>> -> memref<1x32x128xf32, #tpu.memory_space<vmem>>
        %gather3A_777 = tpu.memref_squeeze %gather3A_776 : memref<1x32x128xf32, #tpu.memory_space<vmem>> -> memref<32x128xf32, #tpu.memory_space<vmem>>
        %gather3A_778 = tpu.vector_load_idx %gather3A_777[%add3A_617, %add3A_773] : memref<32x128xf32, #tpu.memory_space<vmem>>[vector<16xi32>, vector<16xi32>], vector<16xf32>,
        %add3A_779 = vector.broadcast %mul3A_389 : i32 to vector<16xi32>
        %add3A_780 = arith.addi %add3A_779, %shift_right_logical3A_132 : vector<16xi32>
        %add3A_781 = arith.addi %shift_left3A_209, %add3A_617 : vector<16xi32>
        %scatter3A_782 = arith.constant 0 : i32
        %scatter3A_783 = arith.constant 0 : i32
        %scatter3A_784 = tpu.memref_slice %arg5[%rem3A_323, %scatter3A_782, %scatter3A_783] : memref<2x32x128xf32, #tpu.memory_space<vmem>> -> memref<1x32x128xf32, #tpu.memory_space<vmem>>
        %scatter3A_785 = tpu.memref_squeeze %scatter3A_784 : memref<1x32x128xf32, #tpu.memory_space<vmem>> -> memref<32x128xf32, #tpu.memory_space<vmem>>
        tpu.vector_store_idx %scatter3A_785[%add3A_780, %add3A_781], %gather3A_722 : memref<32x128xf32, #tpu.memory_space<vmem>>[vector<16xi32>, vector<16xi32>], vector<16xf32>,
        %add3A_786 = vector.broadcast %mul3A_387 : i32 to vector<16xi32>
        %add3A_787 = arith.addi %add3A_786, %and3A_97 : vector<16xi32>
        %gather3A_788 = arith.constant 0 : i32
        %gather3A_789 = arith.constant 0 : i32
        %gather3A_790 = tpu.memref_slice %arg4[%rem3A_323, %gather3A_788, %gather3A_789] : memref<2x32x128xf32, #tpu.memory_space<vmem>> -> memref<1x32x128xf32, #tpu.memory_space<vmem>>
        %gather3A_791 = tpu.memref_squeeze %gather3A_790 : memref<1x32x128xf32, #tpu.memory_space<vmem>> -> memref<32x128xf32, #tpu.memory_space<vmem>>
        %gather3A_792 = tpu.vector_load_idx %gather3A_791[%add3A_617, %add3A_787] : memref<32x128xf32, #tpu.memory_space<vmem>>[vector<16xi32>, vector<16xi32>], vector<16xf32>,
        %add3A_793 = vector.broadcast %mul3A_389 : i32 to vector<16xi32>
        %add3A_794 = arith.addi %add3A_793, %shift_right_logical3A_135 : vector<16xi32>
        %add3A_795 = arith.addi %shift_left3A_215, %add3A_617 : vector<16xi32>
        %scatter3A_796 = arith.constant 0 : i32
        %scatter3A_797 = arith.constant 0 : i32
        %scatter3A_798 = tpu.memref_slice %arg5[%rem3A_323, %scatter3A_796, %scatter3A_797] : memref<2x32x128xf32, #tpu.memory_space<vmem>> -> memref<1x32x128xf32, #tpu.memory_space<vmem>>
        %scatter3A_799 = tpu.memref_squeeze %scatter3A_798 : memref<1x32x128xf32, #tpu.memory_space<vmem>> -> memref<32x128xf32, #tpu.memory_space<vmem>>
        tpu.vector_store_idx %scatter3A_799[%add3A_794, %add3A_795], %gather3A_736 : memref<32x128xf32, #tpu.memory_space<vmem>>[vector<16xi32>, vector<16xi32>], vector<16xf32>,
        %add3A_800 = vector.broadcast %mul3A_387 : i32 to vector<16xi32>
        %add3A_801 = arith.addi %add3A_800, %and3A_103 : vector<16xi32>
        %gather3A_802 = arith.constant 0 : i32
        %gather3A_803 = arith.constant 0 : i32
        %gather3A_804 = tpu.memref_slice %arg4[%rem3A_323, %gather3A_802, %gather3A_803] : memref<2x32x128xf32, #tpu.memory_space<vmem>> -> memref<1x32x128xf32, #tpu.memory_space<vmem>>
        %gather3A_805 = tpu.memref_squeeze %gather3A_804 : memref<1x32x128xf32, #tpu.memory_space<vmem>> -> memref<32x128xf32, #tpu.memory_space<vmem>>
        %gather3A_806 = tpu.vector_load_idx %gather3A_805[%add3A_617, %add3A_801] : memref<32x128xf32, #tpu.memory_space<vmem>>[vector<16xi32>, vector<16xi32>], vector<16xf32>,
        %add3A_807 = vector.broadcast %mul3A_389 : i32 to vector<16xi32>
        %add3A_808 = arith.addi %add3A_807, %shift_right_logical3A_138 : vector<16xi32>
        %add3A_809 = arith.addi %shift_left3A_221, %add3A_617 : vector<16xi32>
        %scatter3A_810 = arith.constant 0 : i32
        %scatter3A_811 = arith.constant 0 : i32
        %scatter3A_812 = tpu.memref_slice %arg5[%rem3A_323, %scatter3A_810, %scatter3A_811] : memref<2x32x128xf32, #tpu.memory_space<vmem>> -> memref<1x32x128xf32, #tpu.memory_space<vmem>>
        %scatter3A_813 = tpu.memref_squeeze %scatter3A_812 : memref<1x32x128xf32, #tpu.memory_space<vmem>> -> memref<32x128xf32, #tpu.memory_space<vmem>>
        tpu.vector_store_idx %scatter3A_813[%add3A_808, %add3A_809], %gather3A_750 : memref<32x128xf32, #tpu.memory_space<vmem>>[vector<16xi32>, vector<16xi32>], vector<16xf32>,
        %add3A_814 = vector.broadcast %mul3A_389 : i32 to vector<16xi32>
        %add3A_815 = arith.addi %add3A_814, %shift_right_logical3A_141 : vector<16xi32>
        %add3A_816 = arith.addi %shift_left3A_227, %add3A_617 : vector<16xi32>
        %scatter3A_817 = arith.constant 0 : i32
        %scatter3A_818 = arith.constant 0 : i32
        %scatter3A_819 = tpu.memref_slice %arg5[%rem3A_323, %scatter3A_817, %scatter3A_818] : memref<2x32x128xf32, #tpu.memory_space<vmem>> -> memref<1x32x128xf32, #tpu.memory_space<vmem>>
        %scatter3A_820 = tpu.memref_squeeze %scatter3A_819 : memref<1x32x128xf32, #tpu.memory_space<vmem>> -> memref<32x128xf32, #tpu.memory_space<vmem>>
        tpu.vector_store_idx %scatter3A_820[%add3A_815, %add3A_816], %gather3A_764 : memref<32x128xf32, #tpu.memory_space<vmem>>[vector<16xi32>, vector<16xi32>], vector<16xf32>,
        %add3A_821 = vector.broadcast %mul3A_389 : i32 to vector<16xi32>
        %add3A_822 = arith.addi %add3A_821, %shift_right_logical3A_144 : vector<16xi32>
        %add3A_823 = arith.addi %shift_left3A_233, %add3A_617 : vector<16xi32>
        %scatter3A_824 = arith.constant 0 : i32
        %scatter3A_825 = arith.constant 0 : i32
        %scatter3A_826 = tpu.memref_slice %arg5[%rem3A_323, %scatter3A_824, %scatter3A_825] : memref<2x32x128xf32, #tpu.memory_space<vmem>> -> memref<1x32x128xf32, #tpu.memory_space<vmem>>
        %scatter3A_827 = tpu.memref_squeeze %scatter3A_826 : memref<1x32x128xf32, #tpu.memory_space<vmem>> -> memref<32x128xf32, #tpu.memory_space<vmem>>
        tpu.vector_store_idx %scatter3A_827[%add3A_822, %add3A_823], %gather3A_778 : memref<32x128xf32, #tpu.memory_space<vmem>>[vector<16xi32>, vector<16xi32>], vector<16xf32>,
        %add3A_828 = vector.broadcast %mul3A_389 : i32 to vector<16xi32>
        %add3A_829 = arith.addi %add3A_828, %shift_right_logical3A_147 : vector<16xi32>
        %add3A_830 = arith.addi %shift_left3A_239, %add3A_617 : vector<16xi32>
        %scatter3A_831 = arith.constant 0 : i32
        %scatter3A_832 = arith.constant 0 : i32
        %scatter3A_833 = tpu.memref_slice %arg5[%rem3A_323, %scatter3A_831, %scatter3A_832] : memref<2x32x128xf32, #tpu.memory_space<vmem>> -> memref<1x32x128xf32, #tpu.memory_space<vmem>>
        %scatter3A_834 = tpu.memref_squeeze %scatter3A_833 : memref<1x32x128xf32, #tpu.memory_space<vmem>> -> memref<32x128xf32, #tpu.memory_space<vmem>>
        tpu.vector_store_idx %scatter3A_834[%add3A_829, %add3A_830], %gather3A_792 : memref<32x128xf32, #tpu.memory_space<vmem>>[vector<16xi32>, vector<16xi32>], vector<16xf32>,
        %add3A_835 = vector.broadcast %mul3A_389 : i32 to vector<16xi32>
        %add3A_836 = arith.addi %add3A_835, %shift_right_logical3A_150 : vector<16xi32>
        %add3A_837 = arith.addi %shift_left3A_245, %add3A_617 : vector<16xi32>
        %scatter3A_838 = arith.constant 0 : i32
        %scatter3A_839 = arith.constant 0 : i32
        %scatter3A_840 = tpu.memref_slice %arg5[%rem3A_323, %scatter3A_838, %scatter3A_839] : memref<2x32x128xf32, #tpu.memory_space<vmem>> -> memref<1x32x128xf32, #tpu.memory_space<vmem>>
        %scatter3A_841 = tpu.memref_squeeze %scatter3A_840 : memref<1x32x128xf32, #tpu.memory_space<vmem>> -> memref<32x128xf32, #tpu.memory_space<vmem>>
        tpu.vector_store_idx %scatter3A_841[%add3A_836, %add3A_837], %gather3A_806 : memref<32x128xf32, #tpu.memory_space<vmem>>[vector<16xi32>, vector<16xi32>], vector<16xf32>,
      }
      %scan3A_367 = arith.constant 8 : i32
      %add3A_368 = arith.addi %add3A_4, %while3A_321 : i32
      %mul3A_369 = arith.constant 32 : i32
      %mul3A_370 = arith.muli %add3A_368, %mul3A_369 : i32
      %ge3A = arith.constant 2 : i32
      %ge3A_371 = arith.cmpi sge, %while3A_321, %ge3A : i32
      %convert_element_type3A_372 = arith.extui %ge3A_371 : i1 to i32
      %cond3A_373 = arith.constant 0 : i32
      %cond3A_374 = arith.cmpi ne, %convert_element_type3A_372, %cond3A_373 : i32
      scf.if %cond3A_374 {
        %eq3A_385 = arith.constant 0 : i32
        %eq3A_386 = arith.cmpi eq, %rem3A_323, %eq3A_385 : i32
        %convert_element_type3A_387 = arith.extui %eq3A_386 : i1 to i32
        %cond3A_388 = arith.constant 0 : i32
        %cond3A_389 = arith.cmpi ne, %convert_element_type3A_387, %cond3A_388 : i32
        scf.if %cond3A_389 {
          %dma_wait3A_395 = arith.constant 0 : i32
          %dma_wait3A_396 = arith.constant 0 : i32
          %dma_wait3A_397 = arith.constant 0 : i32
          %dma_wait3A_398 = tpu.memref_slice %arg5[%dma_wait3A_395, %dma_wait3A_396, %dma_wait3A_397] : memref<2x32x128xf32, #tpu.memory_space<vmem>> -> memref<1x32x128xf32, #tpu.memory_space<vmem>>
          %dma_wait3A_399 = tpu.memref_squeeze %dma_wait3A_398 : memref<1x32x128xf32, #tpu.memory_space<vmem>> -> memref<32x128xf32, #tpu.memory_space<vmem>>
          %dma_wait3A_400 = arith.constant 0 : i32
          %dma_wait3A_401 = arith.constant 0 : i32
          %dma_wait3A_402 = tpu.memref_slice %arg3[%dma_wait3A_400, %dma_wait3A_401] : memref<250000x128xf32, #tpu.memory_space<hbm>> -> memref<32x128xf32, #tpu.memory_space<hbm>>
          %dma_wait3A_403 = arith.constant 0 : i32
          %dma_wait3A_404 = arith.constant 0 : i32
          %dma_wait3A_405 = tpu.memref_slice %arg3[%dma_wait3A_403, %dma_wait3A_404] : memref<250000x128xf32, #tpu.memory_space<hbm>> -> memref<32x128xf32, #tpu.memory_space<hbm>>
          %dma_wait3A_406 = arith.constant 0 : i32
          %dma_wait3A_407 = arith.constant 0 : i32
          %dma_wait3A_408 = tpu.memref_slice %arg5[%dma_wait3A_395, %dma_wait3A_406, %dma_wait3A_407] : memref<2x32x128xf32, #tpu.memory_space<vmem>> -> memref<1x32x128xf32, #tpu.memory_space<vmem>>
          %dma_wait3A_409 = tpu.memref_squeeze %dma_wait3A_408 : memref<1x32x128xf32, #tpu.memory_space<vmem>> -> memref<32x128xf32, #tpu.memory_space<vmem>>
          tpu.wait_dma2 semaphore(%arg9 : memref<!tpu.dma_semaphore, #tpu.memory_space<semaphore_mem>>) src(%dma_wait3A_409 : memref<32x128xf32, #tpu.memory_space<vmem>>) dst(%dma_wait3A_405 : memref<32x128xf32, #tpu.memory_space<hbm>>)
        } else {
        }
        %eq3A_390 = arith.constant 1 : i32
        %eq3A_391 = arith.cmpi eq, %rem3A_323, %eq3A_390 : i32
        %convert_element_type3A_392 = arith.extui %eq3A_391 : i1 to i32
        %cond3A_393 = arith.constant 0 : i32
        %cond3A_394 = arith.cmpi ne, %convert_element_type3A_392, %cond3A_393 : i32
        scf.if %cond3A_394 {
          %dma_wait3A_395 = arith.constant 1 : i32
          %dma_wait3A_396 = arith.constant 0 : i32
          %dma_wait3A_397 = arith.constant 0 : i32
          %dma_wait3A_398 = tpu.memref_slice %arg5[%dma_wait3A_395, %dma_wait3A_396, %dma_wait3A_397] : memref<2x32x128xf32, #tpu.memory_space<vmem>> -> memref<1x32x128xf32, #tpu.memory_space<vmem>>
          %dma_wait3A_399 = tpu.memref_squeeze %dma_wait3A_398 : memref<1x32x128xf32, #tpu.memory_space<vmem>> -> memref<32x128xf32, #tpu.memory_space<vmem>>
          %dma_wait3A_400 = arith.constant 0 : i32
          %dma_wait3A_401 = arith.constant 0 : i32
          %dma_wait3A_402 = tpu.memref_slice %arg3[%dma_wait3A_400, %dma_wait3A_401] : memref<250000x128xf32, #tpu.memory_space<hbm>> -> memref<32x128xf32, #tpu.memory_space<hbm>>
          %dma_wait3A_403 = arith.constant 0 : i32
          %dma_wait3A_404 = arith.constant 0 : i32
          %dma_wait3A_405 = tpu.memref_slice %arg3[%dma_wait3A_403, %dma_wait3A_404] : memref<250000x128xf32, #tpu.memory_space<hbm>> -> memref<32x128xf32, #tpu.memory_space<hbm>>
          %dma_wait3A_406 = arith.constant 0 : i32
          %dma_wait3A_407 = arith.constant 0 : i32
          %dma_wait3A_408 = tpu.memref_slice %arg5[%dma_wait3A_395, %dma_wait3A_406, %dma_wait3A_407] : memref<2x32x128xf32, #tpu.memory_space<vmem>> -> memref<1x32x128xf32, #tpu.memory_space<vmem>>
          %dma_wait3A_409 = tpu.memref_squeeze %dma_wait3A_408 : memref<1x32x128xf32, #tpu.memory_space<vmem>> -> memref<32x128xf32, #tpu.memory_space<vmem>>
          tpu.wait_dma2 semaphore(%arg10 : memref<!tpu.dma_semaphore, #tpu.memory_space<semaphore_mem>>) src(%dma_wait3A_409 : memref<32x128xf32, #tpu.memory_space<vmem>>) dst(%dma_wait3A_405 : memref<32x128xf32, #tpu.memory_space<hbm>>)
        } else {
        }
      } else {
      }
      %eq3A_375 = arith.constant 0 : i32
      %eq3A_376 = arith.cmpi eq, %rem3A_323, %eq3A_375 : i32
      %convert_element_type3A_377 = arith.extui %eq3A_376 : i1 to i32
      %cond3A_378 = arith.constant 0 : i32
      %cond3A_379 = arith.cmpi ne, %convert_element_type3A_377, %cond3A_378 : i32
      scf.if %cond3A_379 {
        %multiple_of3A_385 = tpu.assume_multiple %mul3A_370, 8 : i32
        %dma_start3A_386 = arith.constant 0 : i32
        %dma_start3A_387 = arith.constant 0 : i32
        %dma_start3A_388 = arith.constant 0 : i32
        %dma_start3A_389 = tpu.memref_slice %arg5[%dma_start3A_386, %dma_start3A_387, %dma_start3A_388] : memref<2x32x128xf32, #tpu.memory_space<vmem>> -> memref<1x32x128xf32, #tpu.memory_space<vmem>>
        %dma_start3A_390 = tpu.memref_squeeze %dma_start3A_389 : memref<1x32x128xf32, #tpu.memory_space<vmem>> -> memref<32x128xf32, #tpu.memory_space<vmem>>
        %dma_start3A_391 = arith.constant 0 : i32
        %dma_start3A_392 = tpu.memref_slice %arg3[%multiple_of3A_385, %dma_start3A_391] : memref<250000x128xf32, #tpu.memory_space<hbm>> -> memref<32x128xf32, #tpu.memory_space<hbm>>
        %dma_start3A_393 = arith.constant 0 : i32
        %dma_start3A_394 = tpu.memref_slice %arg3[%multiple_of3A_385, %dma_start3A_393] : memref<250000x128xf32, #tpu.memory_space<hbm>> -> memref<32x128xf32, #tpu.memory_space<hbm>>
        %dma_start3A_395 = arith.constant 0 : i32
        %dma_start3A_396 = arith.constant 0 : i32
        %dma_start3A_397 = tpu.memref_slice %arg5[%dma_start3A_386, %dma_start3A_395, %dma_start3A_396] : memref<2x32x128xf32, #tpu.memory_space<vmem>> -> memref<1x32x128xf32, #tpu.memory_space<vmem>>
        %dma_start3A_398 = tpu.memref_squeeze %dma_start3A_397 : memref<1x32x128xf32, #tpu.memory_space<vmem>> -> memref<32x128xf32, #tpu.memory_space<vmem>>
        tpu.enqueue_dma source(%dma_start3A_398 : memref<32x128xf32, #tpu.memory_space<vmem>>) target(%dma_start3A_394 : memref<32x128xf32, #tpu.memory_space<hbm>>) target_semaphore(%arg9 : memref<!tpu.dma_semaphore, #tpu.memory_space<semaphore_mem>>)
      } else {
      }
      %eq3A_380 = arith.constant 1 : i32
      %eq3A_381 = arith.cmpi eq, %rem3A_323, %eq3A_380 : i32
      %convert_element_type3A_382 = arith.extui %eq3A_381 : i1 to i32
      %cond3A_383 = arith.constant 0 : i32
      %cond3A_384 = arith.cmpi ne, %convert_element_type3A_382, %cond3A_383 : i32
      scf.if %cond3A_384 {
        %multiple_of3A_385 = tpu.assume_multiple %mul3A_370, 8 : i32
        %dma_start3A_386 = arith.constant 1 : i32
        %dma_start3A_387 = arith.constant 0 : i32
        %dma_start3A_388 = arith.constant 0 : i32
        %dma_start3A_389 = tpu.memref_slice %arg5[%dma_start3A_386, %dma_start3A_387, %dma_start3A_388] : memref<2x32x128xf32, #tpu.memory_space<vmem>> -> memref<1x32x128xf32, #tpu.memory_space<vmem>>
        %dma_start3A_390 = tpu.memref_squeeze %dma_start3A_389 : memref<1x32x128xf32, #tpu.memory_space<vmem>> -> memref<32x128xf32, #tpu.memory_space<vmem>>
        %dma_start3A_391 = arith.constant 0 : i32
        %dma_start3A_392 = tpu.memref_slice %arg3[%multiple_of3A_385, %dma_start3A_391] : memref<250000x128xf32, #tpu.memory_space<hbm>> -> memref<32x128xf32, #tpu.memory_space<hbm>>
        %dma_start3A_393 = arith.constant 0 : i32
        %dma_start3A_394 = tpu.memref_slice %arg3[%multiple_of3A_385, %dma_start3A_393] : memref<250000x128xf32, #tpu.memory_space<hbm>> -> memref<32x128xf32, #tpu.memory_space<hbm>>
        %dma_start3A_395 = arith.constant 0 : i32
        %dma_start3A_396 = arith.constant 0 : i32
        %dma_start3A_397 = tpu.memref_slice %arg5[%dma_start3A_386, %dma_start3A_395, %dma_start3A_396] : memref<2x32x128xf32, #tpu.memory_space<vmem>> -> memref<1x32x128xf32, #tpu.memory_space<vmem>>
        %dma_start3A_398 = tpu.memref_squeeze %dma_start3A_397 : memref<1x32x128xf32, #tpu.memory_space<vmem>> -> memref<32x128xf32, #tpu.memory_space<vmem>>
        tpu.enqueue_dma source(%dma_start3A_398 : memref<32x128xf32, #tpu.memory_space<vmem>>) target(%dma_start3A_394 : memref<32x128xf32, #tpu.memory_space<hbm>>) target_semaphore(%arg10 : memref<!tpu.dma_semaphore, #tpu.memory_space<semaphore_mem>>)
      } else {
      }
    }
    %while3A_274 = arith.constant 1 : i32
    scf.for %while3A_321 = %while3A_272 to %while3A_268 step %while3A_274  : i32 {
      %rem3A_322 = arith.constant 2 : i32
      %rem3A_323 = arith.remsi %while3A_321, %rem3A_322 : i32
      %dma_wait3A_324 = arith.constant 0 : i32
      %dma_wait3A_325 = arith.constant 0 : i32
      %dma_wait3A_326 = arith.constant 0 : i32
      %dma_wait3A_327 = tpu.memref_slice %arg4[%dma_wait3A_324, %dma_wait3A_325, %dma_wait3A_326] : memref<2x32x128xf32, #tpu.memory_space<vmem>> -> memref<1x32x128xf32, #tpu.memory_space<vmem>>
      %dma_wait3A_328 = tpu.memref_squeeze %dma_wait3A_327 : memref<1x32x128xf32, #tpu.memory_space<vmem>> -> memref<32x128xf32, #tpu.memory_space<vmem>>
      %dma_wait3A_329 = arith.constant 0 : i32
      %dma_wait3A_330 = arith.constant 0 : i32
      %dma_wait3A_331 = tpu.memref_slice %arg2[%dma_wait3A_329, %dma_wait3A_330] : memref<32x1000000xf32, #tpu.memory_space<hbm>> -> memref<32x128xf32, #tpu.memory_space<hbm>>
      %dma_wait3A_332 = arith.constant 0 : i32
      %dma_wait3A_333 = arith.constant 0 : i32
      %dma_wait3A_334 = tpu.memref_slice %arg4[%dma_wait3A_324, %dma_wait3A_332, %dma_wait3A_333] : memref<2x32x128xf32, #tpu.memory_space<vmem>> -> memref<1x32x128xf32, #tpu.memory_space<vmem>>
      %dma_wait3A_335 = tpu.memref_squeeze %dma_wait3A_334 : memref<1x32x128xf32, #tpu.memory_space<vmem>> -> memref<32x128xf32, #tpu.memory_space<vmem>>
      %dma_wait3A_336 = arith.constant 0 : i32
      %dma_wait3A_337 = arith.constant 0 : i32
      %dma_wait3A_338 = tpu.memref_slice %arg2[%dma_wait3A_336, %dma_wait3A_337] : memref<32x1000000xf32, #tpu.memory_space<hbm>> -> memref<32x128xf32, #tpu.memory_space<hbm>>
      tpu.wait_dma2 semaphore(%arg8 : memref<!tpu.dma_semaphore, #tpu.memory_space<semaphore_mem>>) src(%dma_wait3A_338 : memref<32x128xf32, #tpu.memory_space<hbm>>) dst(%dma_wait3A_335 : memref<32x128xf32, #tpu.memory_space<vmem>>)
      %add3A_339 = arith.constant 1 : i32
      %add3A_340 = arith.addi %while3A_321, %add3A_339 : i32
      %add3A_341 = arith.addi %add3A_4, %add3A_340 : i32
      %add3A_342 = arith.addi %add3A_4, %add3A_8 : i32
      %sub3A_343 = arith.constant 1 : i32
      %sub3A_344 = arith.subi %add3A_342, %sub3A_343 : i32
      %min3A_345 = arith.minsi %add3A_341, %sub3A_344 : i32
      %mul3A_346 = arith.constant 128 : i32
      %mul3A_347 = arith.muli %min3A_345, %mul3A_346 : i32
      %multiple_of3A_348 = tpu.assume_multiple %mul3A_347, 128 : i32
      %rem3A_349 = arith.constant 2 : i32
      %rem3A_350 = arith.remsi %add3A_340, %rem3A_349 : i32
      %dma_start3A_351 = arith.constant 0 : i32
      %dma_start3A_352 = arith.constant 0 : i32
      %dma_start3A_353 = tpu.memref_slice %arg4[%rem3A_350, %dma_start3A_351, %dma_start3A_352] : memref<2x32x128xf32, #tpu.memory_space<vmem>> -> memref<1x32x128xf32, #tpu.memory_space<vmem>>
      %dma_start3A_354 = tpu.memref_squeeze %dma_start3A_353 : memref<1x32x128xf32, #tpu.memory_space<vmem>> -> memref<32x128xf32, #tpu.memory_space<vmem>>
      %dma_start3A_355 = arith.constant 0 : i32
      %dma_start3A_356 = tpu.memref_slice %arg2[%dma_start3A_355, %multiple_of3A_348] : memref<32x1000000xf32, #tpu.memory_space<hbm>> -> memref<32x128xf32, #tpu.memory_space<hbm>>
      %dma_start3A_357 = arith.constant 0 : i32
      %dma_start3A_358 = arith.constant 0 : i32
      %dma_start3A_359 = tpu.memref_slice %arg4[%rem3A_350, %dma_start3A_357, %dma_start3A_358] : memref<2x32x128xf32, #tpu.memory_space<vmem>> -> memref<1x32x128xf32, #tpu.memory_space<vmem>>
      %dma_start3A_360 = tpu.memref_squeeze %dma_start3A_359 : memref<1x32x128xf32, #tpu.memory_space<vmem>> -> memref<32x128xf32, #tpu.memory_space<vmem>>
      %dma_start3A_361 = arith.constant 0 : i32
      %dma_start3A_362 = tpu.memref_slice %arg2[%dma_start3A_361, %multiple_of3A_348] : memref<32x1000000xf32, #tpu.memory_space<hbm>> -> memref<32x128xf32, #tpu.memory_space<hbm>>
      tpu.enqueue_dma source(%dma_start3A_362 : memref<32x128xf32, #tpu.memory_space<hbm>>) target(%dma_start3A_360 : memref<32x128xf32, #tpu.memory_space<vmem>>) target_semaphore(%arg8 : memref<!tpu.dma_semaphore, #tpu.memory_space<semaphore_mem>>)
      %scan3A = arith.constant 0 : i32
      %scan3A_363 = arith.constant 0 : i32
      %scan3A_364 = arith.constant 8 : i32
      %scan3A_365 = arith.addi %scan3A_363, %scan3A_364 : i32
      %scan3A_366 = arith.constant 1 : i32
      scf.for %scan3A_385 = %scan3A_363 to %scan3A_365 step %scan3A_366  : i32 {
        %mul3A_386 = arith.constant 16 : i32
        %mul3A_387 = arith.muli %scan3A_385, %mul3A_386 : i32
        %mul3A_388 = arith.constant 4 : i32
        %mul3A_389 = arith.muli %scan3A_385, %mul3A_388 : i32
        %add3A_390 = arith.constant 0 : i32
        %add3A_391 = vector.broadcast %add3A_390 : i32 to vector<16xi32>
        %add3A_392 = arith.addi %iota3A, %add3A_391 : vector<16xi32>
        %add3A_393 = vector.broadcast %mul3A_387 : i32 to vector<16xi32>
        %add3A_394 = arith.addi %add3A_393, %and3A_13 : vector<16xi32>
        %gather3A = arith.constant 0 : i32
        %gather3A_395 = arith.constant 0 : i32
        %gather3A_396 = tpu.memref_slice %arg4[%rem3A_323, %gather3A, %gather3A_395] : memref<2x32x128xf32, #tpu.memory_space<vmem>> -> memref<1x32x128xf32, #tpu.memory_space<vmem>>
        %gather3A_397 = tpu.memref_squeeze %gather3A_396 : memref<1x32x128xf32, #tpu.memory_space<vmem>> -> memref<32x128xf32, #tpu.memory_space<vmem>>
        %gather3A_398 = tpu.vector_load_idx %gather3A_397[%add3A_392, %add3A_394] : memref<32x128xf32, #tpu.memory_space<vmem>>[vector<16xi32>, vector<16xi32>], vector<16xf32>,
        %add3A_399 = vector.broadcast %mul3A_387 : i32 to vector<16xi32>
        %add3A_400 = arith.addi %add3A_399, %and3A_19 : vector<16xi32>
        %gather3A_401 = arith.constant 0 : i32
        %gather3A_402 = arith.constant 0 : i32
        %gather3A_403 = tpu.memref_slice %arg4[%rem3A_323, %gather3A_401, %gather3A_402] : memref<2x32x128xf32, #tpu.memory_space<vmem>> -> memref<1x32x128xf32, #tpu.memory_space<vmem>>
        %gather3A_404 = tpu.memref_squeeze %gather3A_403 : memref<1x32x128xf32, #tpu.memory_space<vmem>> -> memref<32x128xf32, #tpu.memory_space<vmem>>
        %gather3A_405 = tpu.vector_load_idx %gather3A_404[%add3A_392, %add3A_400] : memref<32x128xf32, #tpu.memory_space<vmem>>[vector<16xi32>, vector<16xi32>], vector<16xf32>,
        %add3A_406 = vector.broadcast %mul3A_387 : i32 to vector<16xi32>
        %add3A_407 = arith.addi %add3A_406, %and3A_25 : vector<16xi32>
        %gather3A_408 = arith.constant 0 : i32
        %gather3A_409 = arith.constant 0 : i32
        %gather3A_410 = tpu.memref_slice %arg4[%rem3A_323, %gather3A_408, %gather3A_409] : memref<2x32x128xf32, #tpu.memory_space<vmem>> -> memref<1x32x128xf32, #tpu.memory_space<vmem>>
        %gather3A_411 = tpu.memref_squeeze %gather3A_410 : memref<1x32x128xf32, #tpu.memory_space<vmem>> -> memref<32x128xf32, #tpu.memory_space<vmem>>
        %gather3A_412 = tpu.vector_load_idx %gather3A_411[%add3A_392, %add3A_407] : memref<32x128xf32, #tpu.memory_space<vmem>>[vector<16xi32>, vector<16xi32>], vector<16xf32>,
        %add3A_413 = vector.broadcast %mul3A_387 : i32 to vector<16xi32>
        %add3A_414 = arith.addi %add3A_413, %and3A_31 : vector<16xi32>
        %gather3A_415 = arith.constant 0 : i32
        %gather3A_416 = arith.constant 0 : i32
        %gather3A_417 = tpu.memref_slice %arg4[%rem3A_323, %gather3A_415, %gather3A_416] : memref<2x32x128xf32, #tpu.memory_space<vmem>> -> memref<1x32x128xf32, #tpu.memory_space<vmem>>
        %gather3A_418 = tpu.memref_squeeze %gather3A_417 : memref<1x32x128xf32, #tpu.memory_space<vmem>> -> memref<32x128xf32, #tpu.memory_space<vmem>>
        %gather3A_419 = tpu.vector_load_idx %gather3A_418[%add3A_392, %add3A_414] : memref<32x128xf32, #tpu.memory_space<vmem>>[vector<16xi32>, vector<16xi32>], vector<16xf32>,
        %add3A_420 = vector.broadcast %mul3A_387 : i32 to vector<16xi32>
        %add3A_421 = arith.addi %add3A_420, %and3A_37 : vector<16xi32>
        %gather3A_422 = arith.constant 0 : i32
        %gather3A_423 = arith.constant 0 : i32
        %gather3A_424 = tpu.memref_slice %arg4[%rem3A_323, %gather3A_422, %gather3A_423] : memref<2x32x128xf32, #tpu.memory_space<vmem>> -> memref<1x32x128xf32, #tpu.memory_space<vmem>>
        %gather3A_425 = tpu.memref_squeeze %gather3A_424 : memref<1x32x128xf32, #tpu.memory_space<vmem>> -> memref<32x128xf32, #tpu.memory_space<vmem>>
        %gather3A_426 = tpu.vector_load_idx %gather3A_425[%add3A_392, %add3A_421] : memref<32x128xf32, #tpu.memory_space<vmem>>[vector<16xi32>, vector<16xi32>], vector<16xf32>,
        %add3A_427 = vector.broadcast %mul3A_389 : i32 to vector<16xi32>
        %add3A_428 = arith.addi %add3A_427, %shift_right_logical3A_105 : vector<16xi32>
        %add3A_429 = arith.addi %shift_left3A_155, %add3A_392 : vector<16xi32>
        %scatter3A = arith.constant 0 : i32
        %scatter3A_430 = arith.constant 0 : i32
        %scatter3A_431 = tpu.memref_slice %arg5[%rem3A_323, %scatter3A, %scatter3A_430] : memref<2x32x128xf32, #tpu.memory_space<vmem>> -> memref<1x32x128xf32, #tpu.memory_space<vmem>>
        %scatter3A_432 = tpu.memref_squeeze %scatter3A_431 : memref<1x32x128xf32, #tpu.memory_space<vmem>> -> memref<32x128xf32, #tpu.memory_space<vmem>>
        tpu.vector_store_idx %scatter3A_432[%add3A_428, %add3A_429], %gather3A_398 : memref<32x128xf32, #tpu.memory_space<vmem>>[vector<16xi32>, vector<16xi32>], vector<16xf32>,
        %add3A_433 = vector.broadcast %mul3A_387 : i32 to vector<16xi32>
        %add3A_434 = arith.addi %add3A_433, %and3A_43 : vector<16xi32>
        %gather3A_435 = arith.constant 0 : i32
        %gather3A_436 = arith.constant 0 : i32
        %gather3A_437 = tpu.memref_slice %arg4[%rem3A_323, %gather3A_435, %gather3A_436] : memref<2x32x128xf32, #tpu.memory_space<vmem>> -> memref<1x32x128xf32, #tpu.memory_space<vmem>>
        %gather3A_438 = tpu.memref_squeeze %gather3A_437 : memref<1x32x128xf32, #tpu.memory_space<vmem>> -> memref<32x128xf32, #tpu.memory_space<vmem>>
        %gather3A_439 = tpu.vector_load_idx %gather3A_438[%add3A_392, %add3A_434] : memref<32x128xf32, #tpu.memory_space<vmem>>[vector<16xi32>, vector<16xi32>], vector<16xf32>,
        %add3A_440 = vector.broadcast %mul3A_389 : i32 to vector<16xi32>
        %add3A_441 = arith.addi %add3A_440, %shift_right_logical3A_108 : vector<16xi32>
        %add3A_442 = arith.addi %shift_left3A_161, %add3A_392 : vector<16xi32>
        %scatter3A_443 = arith.constant 0 : i32
        %scatter3A_444 = arith.constant 0 : i32
        %scatter3A_445 = tpu.memref_slice %arg5[%rem3A_323, %scatter3A_443, %scatter3A_444] : memref<2x32x128xf32, #tpu.memory_space<vmem>> -> memref<1x32x128xf32, #tpu.memory_space<vmem>>
        %scatter3A_446 = tpu.memref_squeeze %scatter3A_445 : memref<1x32x128xf32, #tpu.memory_space<vmem>> -> memref<32x128xf32, #tpu.memory_space<vmem>>
        tpu.vector_store_idx %scatter3A_446[%add3A_441, %add3A_442], %gather3A_405 : memref<32x128xf32, #tpu.memory_space<vmem>>[vector<16xi32>, vector<16xi32>], vector<16xf32>,
        %add3A_447 = vector.broadcast %mul3A_387 : i32 to vector<16xi32>
        %add3A_448 = arith.addi %add3A_447, %and3A_49 : vector<16xi32>
        %gather3A_449 = arith.constant 0 : i32
        %gather3A_450 = arith.constant 0 : i32
        %gather3A_451 = tpu.memref_slice %arg4[%rem3A_323, %gather3A_449, %gather3A_450] : memref<2x32x128xf32, #tpu.memory_space<vmem>> -> memref<1x32x128xf32, #tpu.memory_space<vmem>>
        %gather3A_452 = tpu.memref_squeeze %gather3A_451 : memref<1x32x128xf32, #tpu.memory_space<vmem>> -> memref<32x128xf32, #tpu.memory_space<vmem>>
        %gather3A_453 = tpu.vector_load_idx %gather3A_452[%add3A_392, %add3A_448] : memref<32x128xf32, #tpu.memory_space<vmem>>[vector<16xi32>, vector<16xi32>], vector<16xf32>,
        %add3A_454 = vector.broadcast %mul3A_389 : i32 to vector<16xi32>
        %add3A_455 = arith.addi %add3A_454, %shift_right_logical3A_111 : vector<16xi32>
        %add3A_456 = arith.addi %shift_left3A_167, %add3A_392 : vector<16xi32>
        %scatter3A_457 = arith.constant 0 : i32
        %scatter3A_458 = arith.constant 0 : i32
        %scatter3A_459 = tpu.memref_slice %arg5[%rem3A_323, %scatter3A_457, %scatter3A_458] : memref<2x32x128xf32, #tpu.memory_space<vmem>> -> memref<1x32x128xf32, #tpu.memory_space<vmem>>
        %scatter3A_460 = tpu.memref_squeeze %scatter3A_459 : memref<1x32x128xf32, #tpu.memory_space<vmem>> -> memref<32x128xf32, #tpu.memory_space<vmem>>
        tpu.vector_store_idx %scatter3A_460[%add3A_455, %add3A_456], %gather3A_412 : memref<32x128xf32, #tpu.memory_space<vmem>>[vector<16xi32>, vector<16xi32>], vector<16xf32>,
        %add3A_461 = vector.broadcast %mul3A_387 : i32 to vector<16xi32>
        %add3A_462 = arith.addi %add3A_461, %and3A_55 : vector<16xi32>
        %gather3A_463 = arith.constant 0 : i32
        %gather3A_464 = arith.constant 0 : i32
        %gather3A_465 = tpu.memref_slice %arg4[%rem3A_323, %gather3A_463, %gather3A_464] : memref<2x32x128xf32, #tpu.memory_space<vmem>> -> memref<1x32x128xf32, #tpu.memory_space<vmem>>
        %gather3A_466 = tpu.memref_squeeze %gather3A_465 : memref<1x32x128xf32, #tpu.memory_space<vmem>> -> memref<32x128xf32, #tpu.memory_space<vmem>>
        %gather3A_467 = tpu.vector_load_idx %gather3A_466[%add3A_392, %add3A_462] : memref<32x128xf32, #tpu.memory_space<vmem>>[vector<16xi32>, vector<16xi32>], vector<16xf32>,
        %add3A_468 = vector.broadcast %mul3A_389 : i32 to vector<16xi32>
        %add3A_469 = arith.addi %add3A_468, %shift_right_logical3A_114 : vector<16xi32>
        %add3A_470 = arith.addi %shift_left3A_173, %add3A_392 : vector<16xi32>
        %scatter3A_471 = arith.constant 0 : i32
        %scatter3A_472 = arith.constant 0 : i32
        %scatter3A_473 = tpu.memref_slice %arg5[%rem3A_323, %scatter3A_471, %scatter3A_472] : memref<2x32x128xf32, #tpu.memory_space<vmem>> -> memref<1x32x128xf32, #tpu.memory_space<vmem>>
        %scatter3A_474 = tpu.memref_squeeze %scatter3A_473 : memref<1x32x128xf32, #tpu.memory_space<vmem>> -> memref<32x128xf32, #tpu.memory_space<vmem>>
        tpu.vector_store_idx %scatter3A_474[%add3A_469, %add3A_470], %gather3A_419 : memref<32x128xf32, #tpu.memory_space<vmem>>[vector<16xi32>, vector<16xi32>], vector<16xf32>,
        %add3A_475 = vector.broadcast %mul3A_387 : i32 to vector<16xi32>
        %add3A_476 = arith.addi %add3A_475, %and3A_61 : vector<16xi32>
        %gather3A_477 = arith.constant 0 : i32
        %gather3A_478 = arith.constant 0 : i32
        %gather3A_479 = tpu.memref_slice %arg4[%rem3A_323, %gather3A_477, %gather3A_478] : memref<2x32x128xf32, #tpu.memory_space<vmem>> -> memref<1x32x128xf32, #tpu.memory_space<vmem>>
        %gather3A_480 = tpu.memref_squeeze %gather3A_479 : memref<1x32x128xf32, #tpu.memory_space<vmem>> -> memref<32x128xf32, #tpu.memory_space<vmem>>
        %gather3A_481 = tpu.vector_load_idx %gather3A_480[%add3A_392, %add3A_476] : memref<32x128xf32, #tpu.memory_space<vmem>>[vector<16xi32>, vector<16xi32>], vector<16xf32>,
        %add3A_482 = vector.broadcast %mul3A_389 : i32 to vector<16xi32>
        %add3A_483 = arith.addi %add3A_482, %shift_right_logical3A_117 : vector<16xi32>
        %add3A_484 = arith.addi %shift_left3A_179, %add3A_392 : vector<16xi32>
        %scatter3A_485 = arith.constant 0 : i32
        %scatter3A_486 = arith.constant 0 : i32
        %scatter3A_487 = tpu.memref_slice %arg5[%rem3A_323, %scatter3A_485, %scatter3A_486] : memref<2x32x128xf32, #tpu.memory_space<vmem>> -> memref<1x32x128xf32, #tpu.memory_space<vmem>>
        %scatter3A_488 = tpu.memref_squeeze %scatter3A_487 : memref<1x32x128xf32, #tpu.memory_space<vmem>> -> memref<32x128xf32, #tpu.memory_space<vmem>>
        tpu.vector_store_idx %scatter3A_488[%add3A_483, %add3A_484], %gather3A_426 : memref<32x128xf32, #tpu.memory_space<vmem>>[vector<16xi32>, vector<16xi32>], vector<16xf32>,
        %add3A_489 = vector.broadcast %mul3A_387 : i32 to vector<16xi32>
        %add3A_490 = arith.addi %add3A_489, %and3A_67 : vector<16xi32>
        %gather3A_491 = arith.constant 0 : i32
        %gather3A_492 = arith.constant 0 : i32
        %gather3A_493 = tpu.memref_slice %arg4[%rem3A_323, %gather3A_491, %gather3A_492] : memref<2x32x128xf32, #tpu.memory_space<vmem>> -> memref<1x32x128xf32, #tpu.memory_space<vmem>>
        %gather3A_494 = tpu.memref_squeeze %gather3A_493 : memref<1x32x128xf32, #tpu.memory_space<vmem>> -> memref<32x128xf32, #tpu.memory_space<vmem>>
        %gather3A_495 = tpu.vector_load_idx %gather3A_494[%add3A_392, %add3A_490] : memref<32x128xf32, #tpu.memory_space<vmem>>[vector<16xi32>, vector<16xi32>], vector<16xf32>,
        %add3A_496 = vector.broadcast %mul3A_389 : i32 to vector<16xi32>
        %add3A_497 = arith.addi %add3A_496, %shift_right_logical3A_120 : vector<16xi32>
        %add3A_498 = arith.addi %shift_left3A_185, %add3A_392 : vector<16xi32>
        %scatter3A_499 = arith.constant 0 : i32
        %scatter3A_500 = arith.constant 0 : i32
        %scatter3A_501 = tpu.memref_slice %arg5[%rem3A_323, %scatter3A_499, %scatter3A_500] : memref<2x32x128xf32, #tpu.memory_space<vmem>> -> memref<1x32x128xf32, #tpu.memory_space<vmem>>
        %scatter3A_502 = tpu.memref_squeeze %scatter3A_501 : memref<1x32x128xf32, #tpu.memory_space<vmem>> -> memref<32x128xf32, #tpu.memory_space<vmem>>
        tpu.vector_store_idx %scatter3A_502[%add3A_497, %add3A_498], %gather3A_439 : memref<32x128xf32, #tpu.memory_space<vmem>>[vector<16xi32>, vector<16xi32>], vector<16xf32>,
        %add3A_503 = vector.broadcast %mul3A_387 : i32 to vector<16xi32>
        %add3A_504 = arith.addi %add3A_503, %and3A_73 : vector<16xi32>
        %gather3A_505 = arith.constant 0 : i32
        %gather3A_506 = arith.constant 0 : i32
        %gather3A_507 = tpu.memref_slice %arg4[%rem3A_323, %gather3A_505, %gather3A_506] : memref<2x32x128xf32, #tpu.memory_space<vmem>> -> memref<1x32x128xf32, #tpu.memory_space<vmem>>
        %gather3A_508 = tpu.memref_squeeze %gather3A_507 : memref<1x32x128xf32, #tpu.memory_space<vmem>> -> memref<32x128xf32, #tpu.memory_space<vmem>>
        %gather3A_509 = tpu.vector_load_idx %gather3A_508[%add3A_392, %add3A_504] : memref<32x128xf32, #tpu.memory_space<vmem>>[vector<16xi32>, vector<16xi32>], vector<16xf32>,
        %add3A_510 = vector.broadcast %mul3A_389 : i32 to vector<16xi32>
        %add3A_511 = arith.addi %add3A_510, %shift_right_logical3A_123 : vector<16xi32>
        %add3A_512 = arith.addi %shift_left3A_191, %add3A_392 : vector<16xi32>
        %scatter3A_513 = arith.constant 0 : i32
        %scatter3A_514 = arith.constant 0 : i32
        %scatter3A_515 = tpu.memref_slice %arg5[%rem3A_323, %scatter3A_513, %scatter3A_514] : memref<2x32x128xf32, #tpu.memory_space<vmem>> -> memref<1x32x128xf32, #tpu.memory_space<vmem>>
        %scatter3A_516 = tpu.memref_squeeze %scatter3A_515 : memref<1x32x128xf32, #tpu.memory_space<vmem>> -> memref<32x128xf32, #tpu.memory_space<vmem>>
        tpu.vector_store_idx %scatter3A_516[%add3A_511, %add3A_512], %gather3A_453 : memref<32x128xf32, #tpu.memory_space<vmem>>[vector<16xi32>, vector<16xi32>], vector<16xf32>,
        %add3A_517 = vector.broadcast %mul3A_387 : i32 to vector<16xi32>
        %add3A_518 = arith.addi %add3A_517, %and3A_79 : vector<16xi32>
        %gather3A_519 = arith.constant 0 : i32
        %gather3A_520 = arith.constant 0 : i32
        %gather3A_521 = tpu.memref_slice %arg4[%rem3A_323, %gather3A_519, %gather3A_520] : memref<2x32x128xf32, #tpu.memory_space<vmem>> -> memref<1x32x128xf32, #tpu.memory_space<vmem>>
        %gather3A_522 = tpu.memref_squeeze %gather3A_521 : memref<1x32x128xf32, #tpu.memory_space<vmem>> -> memref<32x128xf32, #tpu.memory_space<vmem>>
        %gather3A_523 = tpu.vector_load_idx %gather3A_522[%add3A_392, %add3A_518] : memref<32x128xf32, #tpu.memory_space<vmem>>[vector<16xi32>, vector<16xi32>], vector<16xf32>,
        %add3A_524 = vector.broadcast %mul3A_389 : i32 to vector<16xi32>
        %add3A_525 = arith.addi %add3A_524, %shift_right_logical3A_126 : vector<16xi32>
        %add3A_526 = arith.addi %shift_left3A_197, %add3A_392 : vector<16xi32>
        %scatter3A_527 = arith.constant 0 : i32
        %scatter3A_528 = arith.constant 0 : i32
        %scatter3A_529 = tpu.memref_slice %arg5[%rem3A_323, %scatter3A_527, %scatter3A_528] : memref<2x32x128xf32, #tpu.memory_space<vmem>> -> memref<1x32x128xf32, #tpu.memory_space<vmem>>
        %scatter3A_530 = tpu.memref_squeeze %scatter3A_529 : memref<1x32x128xf32, #tpu.memory_space<vmem>> -> memref<32x128xf32, #tpu.memory_space<vmem>>
        tpu.vector_store_idx %scatter3A_530[%add3A_525, %add3A_526], %gather3A_467 : memref<32x128xf32, #tpu.memory_space<vmem>>[vector<16xi32>, vector<16xi32>], vector<16xf32>,
        %add3A_531 = vector.broadcast %mul3A_387 : i32 to vector<16xi32>
        %add3A_532 = arith.addi %add3A_531, %and3A_85 : vector<16xi32>
        %gather3A_533 = arith.constant 0 : i32
        %gather3A_534 = arith.constant 0 : i32
        %gather3A_535 = tpu.memref_slice %arg4[%rem3A_323, %gather3A_533, %gather3A_534] : memref<2x32x128xf32, #tpu.memory_space<vmem>> -> memref<1x32x128xf32, #tpu.memory_space<vmem>>
        %gather3A_536 = tpu.memref_squeeze %gather3A_535 : memref<1x32x128xf32, #tpu.memory_space<vmem>> -> memref<32x128xf32, #tpu.memory_space<vmem>>
        %gather3A_537 = tpu.vector_load_idx %gather3A_536[%add3A_392, %add3A_532] : memref<32x128xf32, #tpu.memory_space<vmem>>[vector<16xi32>, vector<16xi32>], vector<16xf32>,
        %add3A_538 = vector.broadcast %mul3A_389 : i32 to vector<16xi32>
        %add3A_539 = arith.addi %add3A_538, %shift_right_logical3A_129 : vector<16xi32>
        %add3A_540 = arith.addi %shift_left3A_203, %add3A_392 : vector<16xi32>
        %scatter3A_541 = arith.constant 0 : i32
        %scatter3A_542 = arith.constant 0 : i32
        %scatter3A_543 = tpu.memref_slice %arg5[%rem3A_323, %scatter3A_541, %scatter3A_542] : memref<2x32x128xf32, #tpu.memory_space<vmem>> -> memref<1x32x128xf32, #tpu.memory_space<vmem>>
        %scatter3A_544 = tpu.memref_squeeze %scatter3A_543 : memref<1x32x128xf32, #tpu.memory_space<vmem>> -> memref<32x128xf32, #tpu.memory_space<vmem>>
        tpu.vector_store_idx %scatter3A_544[%add3A_539, %add3A_540], %gather3A_481 : memref<32x128xf32, #tpu.memory_space<vmem>>[vector<16xi32>, vector<16xi32>], vector<16xf32>,
        %add3A_545 = vector.broadcast %mul3A_387 : i32 to vector<16xi32>
        %add3A_546 = arith.addi %add3A_545, %and3A_91 : vector<16xi32>
        %gather3A_547 = arith.constant 0 : i32
        %gather3A_548 = arith.constant 0 : i32
        %gather3A_549 = tpu.memref_slice %arg4[%rem3A_323, %gather3A_547, %gather3A_548] : memref<2x32x128xf32, #tpu.memory_space<vmem>> -> memref<1x32x128xf32, #tpu.memory_space<vmem>>
        %gather3A_550 = tpu.memref_squeeze %gather3A_549 : memref<1x32x128xf32, #tpu.memory_space<vmem>> -> memref<32x128xf32, #tpu.memory_space<vmem>>
        %gather3A_551 = tpu.vector_load_idx %gather3A_550[%add3A_392, %add3A_546] : memref<32x128xf32, #tpu.memory_space<vmem>>[vector<16xi32>, vector<16xi32>], vector<16xf32>,
        %add3A_552 = vector.broadcast %mul3A_389 : i32 to vector<16xi32>
        %add3A_553 = arith.addi %add3A_552, %shift_right_logical3A_132 : vector<16xi32>
        %add3A_554 = arith.addi %shift_left3A_209, %add3A_392 : vector<16xi32>
        %scatter3A_555 = arith.constant 0 : i32
        %scatter3A_556 = arith.constant 0 : i32
        %scatter3A_557 = tpu.memref_slice %arg5[%rem3A_323, %scatter3A_555, %scatter3A_556] : memref<2x32x128xf32, #tpu.memory_space<vmem>> -> memref<1x32x128xf32, #tpu.memory_space<vmem>>
        %scatter3A_558 = tpu.memref_squeeze %scatter3A_557 : memref<1x32x128xf32, #tpu.memory_space<vmem>> -> memref<32x128xf32, #tpu.memory_space<vmem>>
        tpu.vector_store_idx %scatter3A_558[%add3A_553, %add3A_554], %gather3A_495 : memref<32x128xf32, #tpu.memory_space<vmem>>[vector<16xi32>, vector<16xi32>], vector<16xf32>,
        %add3A_559 = vector.broadcast %mul3A_387 : i32 to vector<16xi32>
        %add3A_560 = arith.addi %add3A_559, %and3A_97 : vector<16xi32>
        %gather3A_561 = arith.constant 0 : i32
        %gather3A_562 = arith.constant 0 : i32
        %gather3A_563 = tpu.memref_slice %arg4[%rem3A_323, %gather3A_561, %gather3A_562] : memref<2x32x128xf32, #tpu.memory_space<vmem>> -> memref<1x32x128xf32, #tpu.memory_space<vmem>>
        %gather3A_564 = tpu.memref_squeeze %gather3A_563 : memref<1x32x128xf32, #tpu.memory_space<vmem>> -> memref<32x128xf32, #tpu.memory_space<vmem>>
        %gather3A_565 = tpu.vector_load_idx %gather3A_564[%add3A_392, %add3A_560] : memref<32x128xf32, #tpu.memory_space<vmem>>[vector<16xi32>, vector<16xi32>], vector<16xf32>,
        %add3A_566 = vector.broadcast %mul3A_389 : i32 to vector<16xi32>
        %add3A_567 = arith.addi %add3A_566, %shift_right_logical3A_135 : vector<16xi32>
        %add3A_568 = arith.addi %shift_left3A_215, %add3A_392 : vector<16xi32>
        %scatter3A_569 = arith.constant 0 : i32
        %scatter3A_570 = arith.constant 0 : i32
        %scatter3A_571 = tpu.memref_slice %arg5[%rem3A_323, %scatter3A_569, %scatter3A_570] : memref<2x32x128xf32, #tpu.memory_space<vmem>> -> memref<1x32x128xf32, #tpu.memory_space<vmem>>
        %scatter3A_572 = tpu.memref_squeeze %scatter3A_571 : memref<1x32x128xf32, #tpu.memory_space<vmem>> -> memref<32x128xf32, #tpu.memory_space<vmem>>
        tpu.vector_store_idx %scatter3A_572[%add3A_567, %add3A_568], %gather3A_509 : memref<32x128xf32, #tpu.memory_space<vmem>>[vector<16xi32>, vector<16xi32>], vector<16xf32>,
        %add3A_573 = vector.broadcast %mul3A_387 : i32 to vector<16xi32>
        %add3A_574 = arith.addi %add3A_573, %and3A_103 : vector<16xi32>
        %gather3A_575 = arith.constant 0 : i32
        %gather3A_576 = arith.constant 0 : i32
        %gather3A_577 = tpu.memref_slice %arg4[%rem3A_323, %gather3A_575, %gather3A_576] : memref<2x32x128xf32, #tpu.memory_space<vmem>> -> memref<1x32x128xf32, #tpu.memory_space<vmem>>
        %gather3A_578 = tpu.memref_squeeze %gather3A_577 : memref<1x32x128xf32, #tpu.memory_space<vmem>> -> memref<32x128xf32, #tpu.memory_space<vmem>>
        %gather3A_579 = tpu.vector_load_idx %gather3A_578[%add3A_392, %add3A_574] : memref<32x128xf32, #tpu.memory_space<vmem>>[vector<16xi32>, vector<16xi32>], vector<16xf32>,
        %add3A_580 = vector.broadcast %mul3A_389 : i32 to vector<16xi32>
        %add3A_581 = arith.addi %add3A_580, %shift_right_logical3A_138 : vector<16xi32>
        %add3A_582 = arith.addi %shift_left3A_221, %add3A_392 : vector<16xi32>
        %scatter3A_583 = arith.constant 0 : i32
        %scatter3A_584 = arith.constant 0 : i32
        %scatter3A_585 = tpu.memref_slice %arg5[%rem3A_323, %scatter3A_583, %scatter3A_584] : memref<2x32x128xf32, #tpu.memory_space<vmem>> -> memref<1x32x128xf32, #tpu.memory_space<vmem>>
        %scatter3A_586 = tpu.memref_squeeze %scatter3A_585 : memref<1x32x128xf32, #tpu.memory_space<vmem>> -> memref<32x128xf32, #tpu.memory_space<vmem>>
        tpu.vector_store_idx %scatter3A_586[%add3A_581, %add3A_582], %gather3A_523 : memref<32x128xf32, #tpu.memory_space<vmem>>[vector<16xi32>, vector<16xi32>], vector<16xf32>,
        %add3A_587 = vector.broadcast %mul3A_389 : i32 to vector<16xi32>
        %add3A_588 = arith.addi %add3A_587, %shift_right_logical3A_141 : vector<16xi32>
        %add3A_589 = arith.addi %shift_left3A_227, %add3A_392 : vector<16xi32>
        %scatter3A_590 = arith.constant 0 : i32
        %scatter3A_591 = arith.constant 0 : i32
        %scatter3A_592 = tpu.memref_slice %arg5[%rem3A_323, %scatter3A_590, %scatter3A_591] : memref<2x32x128xf32, #tpu.memory_space<vmem>> -> memref<1x32x128xf32, #tpu.memory_space<vmem>>
        %scatter3A_593 = tpu.memref_squeeze %scatter3A_592 : memref<1x32x128xf32, #tpu.memory_space<vmem>> -> memref<32x128xf32, #tpu.memory_space<vmem>>
        tpu.vector_store_idx %scatter3A_593[%add3A_588, %add3A_589], %gather3A_537 : memref<32x128xf32, #tpu.memory_space<vmem>>[vector<16xi32>, vector<16xi32>], vector<16xf32>,
        %add3A_594 = vector.broadcast %mul3A_389 : i32 to vector<16xi32>
        %add3A_595 = arith.addi %add3A_594, %shift_right_logical3A_144 : vector<16xi32>
        %add3A_596 = arith.addi %shift_left3A_233, %add3A_392 : vector<16xi32>
        %scatter3A_597 = arith.constant 0 : i32
        %scatter3A_598 = arith.constant 0 : i32
        %scatter3A_599 = tpu.memref_slice %arg5[%rem3A_323, %scatter3A_597, %scatter3A_598] : memref<2x32x128xf32, #tpu.memory_space<vmem>> -> memref<1x32x128xf32, #tpu.memory_space<vmem>>
        %scatter3A_600 = tpu.memref_squeeze %scatter3A_599 : memref<1x32x128xf32, #tpu.memory_space<vmem>> -> memref<32x128xf32, #tpu.memory_space<vmem>>
        tpu.vector_store_idx %scatter3A_600[%add3A_595, %add3A_596], %gather3A_551 : memref<32x128xf32, #tpu.memory_space<vmem>>[vector<16xi32>, vector<16xi32>], vector<16xf32>,
        %add3A_601 = vector.broadcast %mul3A_389 : i32 to vector<16xi32>
        %add3A_602 = arith.addi %add3A_601, %shift_right_logical3A_147 : vector<16xi32>
        %add3A_603 = arith.addi %shift_left3A_239, %add3A_392 : vector<16xi32>
        %scatter3A_604 = arith.constant 0 : i32
        %scatter3A_605 = arith.constant 0 : i32
        %scatter3A_606 = tpu.memref_slice %arg5[%rem3A_323, %scatter3A_604, %scatter3A_605] : memref<2x32x128xf32, #tpu.memory_space<vmem>> -> memref<1x32x128xf32, #tpu.memory_space<vmem>>
        %scatter3A_607 = tpu.memref_squeeze %scatter3A_606 : memref<1x32x128xf32, #tpu.memory_space<vmem>> -> memref<32x128xf32, #tpu.memory_space<vmem>>
        tpu.vector_store_idx %scatter3A_607[%add3A_602, %add3A_603], %gather3A_565 : memref<32x128xf32, #tpu.memory_space<vmem>>[vector<16xi32>, vector<16xi32>], vector<16xf32>,
        %add3A_608 = vector.broadcast %mul3A_389 : i32 to vector<16xi32>
        %add3A_609 = arith.addi %add3A_608, %shift_right_logical3A_150 : vector<16xi32>
        %add3A_610 = arith.addi %shift_left3A_245, %add3A_392 : vector<16xi32>
        %scatter3A_611 = arith.constant 0 : i32
        %scatter3A_612 = arith.constant 0 : i32
        %scatter3A_613 = tpu.memref_slice %arg5[%rem3A_323, %scatter3A_611, %scatter3A_612] : memref<2x32x128xf32, #tpu.memory_space<vmem>> -> memref<1x32x128xf32, #tpu.memory_space<vmem>>
        %scatter3A_614 = tpu.memref_squeeze %scatter3A_613 : memref<1x32x128xf32, #tpu.memory_space<vmem>> -> memref<32x128xf32, #tpu.memory_space<vmem>>
        tpu.vector_store_idx %scatter3A_614[%add3A_609, %add3A_610], %gather3A_579 : memref<32x128xf32, #tpu.memory_space<vmem>>[vector<16xi32>, vector<16xi32>], vector<16xf32>,
        %add3A_615 = arith.constant 16 : i32
        %add3A_616 = vector.broadcast %add3A_615 : i32 to vector<16xi32>
        %add3A_617 = arith.addi %iota3A, %add3A_616 : vector<16xi32>
        %add3A_618 = vector.broadcast %mul3A_387 : i32 to vector<16xi32>
        %add3A_619 = arith.addi %add3A_618, %and3A_13 : vector<16xi32>
        %gather3A_620 = arith.constant 0 : i32
        %gather3A_621 = arith.constant 0 : i32
        %gather3A_622 = tpu.memref_slice %arg4[%rem3A_323, %gather3A_620, %gather3A_621] : memref<2x32x128xf32, #tpu.memory_space<vmem>> -> memref<1x32x128xf32, #tpu.memory_space<vmem>>
        %gather3A_623 = tpu.memref_squeeze %gather3A_622 : memref<1x32x128xf32, #tpu.memory_space<vmem>> -> memref<32x128xf32, #tpu.memory_space<vmem>>
        %gather3A_624 = tpu.vector_load_idx %gather3A_623[%add3A_617, %add3A_619] : memref<32x128xf32, #tpu.memory_space<vmem>>[vector<16xi32>, vector<16xi32>], vector<16xf32>,
        %add3A_625 = vector.broadcast %mul3A_387 : i32 to vector<16xi32>
        %add3A_626 = arith.addi %add3A_625, %and3A_19 : vector<16xi32>
        %gather3A_627 = arith.constant 0 : i32
        %gather3A_628 = arith.constant 0 : i32
        %gather3A_629 = tpu.memref_slice %arg4[%rem3A_323, %gather3A_627, %gather3A_628] : memref<2x32x128xf32, #tpu.memory_space<vmem>> -> memref<1x32x128xf32, #tpu.memory_space<vmem>>
        %gather3A_630 = tpu.memref_squeeze %gather3A_629 : memref<1x32x128xf32, #tpu.memory_space<vmem>> -> memref<32x128xf32, #tpu.memory_space<vmem>>
        %gather3A_631 = tpu.vector_load_idx %gather3A_630[%add3A_617, %add3A_626] : memref<32x128xf32, #tpu.memory_space<vmem>>[vector<16xi32>, vector<16xi32>], vector<16xf32>,
        %add3A_632 = vector.broadcast %mul3A_387 : i32 to vector<16xi32>
        %add3A_633 = arith.addi %add3A_632, %and3A_25 : vector<16xi32>
        %gather3A_634 = arith.constant 0 : i32
        %gather3A_635 = arith.constant 0 : i32
        %gather3A_636 = tpu.memref_slice %arg4[%rem3A_323, %gather3A_634, %gather3A_635] : memref<2x32x128xf32, #tpu.memory_space<vmem>> -> memref<1x32x128xf32, #tpu.memory_space<vmem>>
        %gather3A_637 = tpu.memref_squeeze %gather3A_636 : memref<1x32x128xf32, #tpu.memory_space<vmem>> -> memref<32x128xf32, #tpu.memory_space<vmem>>
        %gather3A_638 = tpu.vector_load_idx %gather3A_637[%add3A_617, %add3A_633] : memref<32x128xf32, #tpu.memory_space<vmem>>[vector<16xi32>, vector<16xi32>], vector<16xf32>,
        %add3A_639 = vector.broadcast %mul3A_387 : i32 to vector<16xi32>
        %add3A_640 = arith.addi %add3A_639, %and3A_31 : vector<16xi32>
        %gather3A_641 = arith.constant 0 : i32
        %gather3A_642 = arith.constant 0 : i32
        %gather3A_643 = tpu.memref_slice %arg4[%rem3A_323, %gather3A_641, %gather3A_642] : memref<2x32x128xf32, #tpu.memory_space<vmem>> -> memref<1x32x128xf32, #tpu.memory_space<vmem>>
        %gather3A_644 = tpu.memref_squeeze %gather3A_643 : memref<1x32x128xf32, #tpu.memory_space<vmem>> -> memref<32x128xf32, #tpu.memory_space<vmem>>
        %gather3A_645 = tpu.vector_load_idx %gather3A_644[%add3A_617, %add3A_640] : memref<32x128xf32, #tpu.memory_space<vmem>>[vector<16xi32>, vector<16xi32>], vector<16xf32>,
        %add3A_646 = vector.broadcast %mul3A_387 : i32 to vector<16xi32>
        %add3A_647 = arith.addi %add3A_646, %and3A_37 : vector<16xi32>
        %gather3A_648 = arith.constant 0 : i32
        %gather3A_649 = arith.constant 0 : i32
        %gather3A_650 = tpu.memref_slice %arg4[%rem3A_323, %gather3A_648, %gather3A_649] : memref<2x32x128xf32, #tpu.memory_space<vmem>> -> memref<1x32x128xf32, #tpu.memory_space<vmem>>
        %gather3A_651 = tpu.memref_squeeze %gather3A_650 : memref<1x32x128xf32, #tpu.memory_space<vmem>> -> memref<32x128xf32, #tpu.memory_space<vmem>>
        %gather3A_652 = tpu.vector_load_idx %gather3A_651[%add3A_617, %add3A_647] : memref<32x128xf32, #tpu.memory_space<vmem>>[vector<16xi32>, vector<16xi32>], vector<16xf32>,
        %add3A_653 = vector.broadcast %mul3A_389 : i32 to vector<16xi32>
        %add3A_654 = arith.addi %add3A_653, %shift_right_logical3A_105 : vector<16xi32>
        %add3A_655 = arith.addi %shift_left3A_155, %add3A_617 : vector<16xi32>
        %scatter3A_656 = arith.constant 0 : i32
        %scatter3A_657 = arith.constant 0 : i32
        %scatter3A_658 = tpu.memref_slice %arg5[%rem3A_323, %scatter3A_656, %scatter3A_657] : memref<2x32x128xf32, #tpu.memory_space<vmem>> -> memref<1x32x128xf32, #tpu.memory_space<vmem>>
        %scatter3A_659 = tpu.memref_squeeze %scatter3A_658 : memref<1x32x128xf32, #tpu.memory_space<vmem>> -> memref<32x128xf32, #tpu.memory_space<vmem>>
        tpu.vector_store_idx %scatter3A_659[%add3A_654, %add3A_655], %gather3A_624 : memref<32x128xf32, #tpu.memory_space<vmem>>[vector<16xi32>, vector<16xi32>], vector<16xf32>,
        %add3A_660 = vector.broadcast %mul3A_387 : i32 to vector<16xi32>
        %add3A_661 = arith.addi %add3A_660, %and3A_43 : vector<16xi32>
        %gather3A_662 = arith.constant 0 : i32
        %gather3A_663 = arith.constant 0 : i32
        %gather3A_664 = tpu.memref_slice %arg4[%rem3A_323, %gather3A_662, %gather3A_663] : memref<2x32x128xf32, #tpu.memory_space<vmem>> -> memref<1x32x128xf32, #tpu.memory_space<vmem>>
        %gather3A_665 = tpu.memref_squeeze %gather3A_664 : memref<1x32x128xf32, #tpu.memory_space<vmem>> -> memref<32x128xf32, #tpu.memory_space<vmem>>
        %gather3A_666 = tpu.vector_load_idx %gather3A_665[%add3A_617, %add3A_661] : memref<32x128xf32, #tpu.memory_space<vmem>>[vector<16xi32>, vector<16xi32>], vector<16xf32>,
        %add3A_667 = vector.broadcast %mul3A_389 : i32 to vector<16xi32>
        %add3A_668 = arith.addi %add3A_667, %shift_right_logical3A_108 : vector<16xi32>
        %add3A_669 = arith.addi %shift_left3A_161, %add3A_617 : vector<16xi32>
        %scatter3A_670 = arith.constant 0 : i32
        %scatter3A_671 = arith.constant 0 : i32
        %scatter3A_672 = tpu.memref_slice %arg5[%rem3A_323, %scatter3A_670, %scatter3A_671] : memref<2x32x128xf32, #tpu.memory_space<vmem>> -> memref<1x32x128xf32, #tpu.memory_space<vmem>>
        %scatter3A_673 = tpu.memref_squeeze %scatter3A_672 : memref<1x32x128xf32, #tpu.memory_space<vmem>> -> memref<32x128xf32, #tpu.memory_space<vmem>>
        tpu.vector_store_idx %scatter3A_673[%add3A_668, %add3A_669], %gather3A_631 : memref<32x128xf32, #tpu.memory_space<vmem>>[vector<16xi32>, vector<16xi32>], vector<16xf32>,
        %add3A_674 = vector.broadcast %mul3A_387 : i32 to vector<16xi32>
        %add3A_675 = arith.addi %add3A_674, %and3A_49 : vector<16xi32>
        %gather3A_676 = arith.constant 0 : i32
        %gather3A_677 = arith.constant 0 : i32
        %gather3A_678 = tpu.memref_slice %arg4[%rem3A_323, %gather3A_676, %gather3A_677] : memref<2x32x128xf32, #tpu.memory_space<vmem>> -> memref<1x32x128xf32, #tpu.memory_space<vmem>>
        %gather3A_679 = tpu.memref_squeeze %gather3A_678 : memref<1x32x128xf32, #tpu.memory_space<vmem>> -> memref<32x128xf32, #tpu.memory_space<vmem>>
        %gather3A_680 = tpu.vector_load_idx %gather3A_679[%add3A_617, %add3A_675] : memref<32x128xf32, #tpu.memory_space<vmem>>[vector<16xi32>, vector<16xi32>], vector<16xf32>,
        %add3A_681 = vector.broadcast %mul3A_389 : i32 to vector<16xi32>
        %add3A_682 = arith.addi %add3A_681, %shift_right_logical3A_111 : vector<16xi32>
        %add3A_683 = arith.addi %shift_left3A_167, %add3A_617 : vector<16xi32>
        %scatter3A_684 = arith.constant 0 : i32
        %scatter3A_685 = arith.constant 0 : i32
        %scatter3A_686 = tpu.memref_slice %arg5[%rem3A_323, %scatter3A_684, %scatter3A_685] : memref<2x32x128xf32, #tpu.memory_space<vmem>> -> memref<1x32x128xf32, #tpu.memory_space<vmem>>
        %scatter3A_687 = tpu.memref_squeeze %scatter3A_686 : memref<1x32x128xf32, #tpu.memory_space<vmem>> -> memref<32x128xf32, #tpu.memory_space<vmem>>
        tpu.vector_store_idx %scatter3A_687[%add3A_682, %add3A_683], %gather3A_638 : memref<32x128xf32, #tpu.memory_space<vmem>>[vector<16xi32>, vector<16xi32>], vector<16xf32>,
        %add3A_688 = vector.broadcast %mul3A_387 : i32 to vector<16xi32>
        %add3A_689 = arith.addi %add3A_688, %and3A_55 : vector<16xi32>
        %gather3A_690 = arith.constant 0 : i32
        %gather3A_691 = arith.constant 0 : i32
        %gather3A_692 = tpu.memref_slice %arg4[%rem3A_323, %gather3A_690, %gather3A_691] : memref<2x32x128xf32, #tpu.memory_space<vmem>> -> memref<1x32x128xf32, #tpu.memory_space<vmem>>
        %gather3A_693 = tpu.memref_squeeze %gather3A_692 : memref<1x32x128xf32, #tpu.memory_space<vmem>> -> memref<32x128xf32, #tpu.memory_space<vmem>>
        %gather3A_694 = tpu.vector_load_idx %gather3A_693[%add3A_617, %add3A_689] : memref<32x128xf32, #tpu.memory_space<vmem>>[vector<16xi32>, vector<16xi32>], vector<16xf32>,
        %add3A_695 = vector.broadcast %mul3A_389 : i32 to vector<16xi32>
        %add3A_696 = arith.addi %add3A_695, %shift_right_logical3A_114 : vector<16xi32>
        %add3A_697 = arith.addi %shift_left3A_173, %add3A_617 : vector<16xi32>
        %scatter3A_698 = arith.constant 0 : i32
        %scatter3A_699 = arith.constant 0 : i32
        %scatter3A_700 = tpu.memref_slice %arg5[%rem3A_323, %scatter3A_698, %scatter3A_699] : memref<2x32x128xf32, #tpu.memory_space<vmem>> -> memref<1x32x128xf32, #tpu.memory_space<vmem>>
        %scatter3A_701 = tpu.memref_squeeze %scatter3A_700 : memref<1x32x128xf32, #tpu.memory_space<vmem>> -> memref<32x128xf32, #tpu.memory_space<vmem>>
        tpu.vector_store_idx %scatter3A_701[%add3A_696, %add3A_697], %gather3A_645 : memref<32x128xf32, #tpu.memory_space<vmem>>[vector<16xi32>, vector<16xi32>], vector<16xf32>,
        %add3A_702 = vector.broadcast %mul3A_387 : i32 to vector<16xi32>
        %add3A_703 = arith.addi %add3A_702, %and3A_61 : vector<16xi32>
        %gather3A_704 = arith.constant 0 : i32
        %gather3A_705 = arith.constant 0 : i32
        %gather3A_706 = tpu.memref_slice %arg4[%rem3A_323, %gather3A_704, %gather3A_705] : memref<2x32x128xf32, #tpu.memory_space<vmem>> -> memref<1x32x128xf32, #tpu.memory_space<vmem>>
        %gather3A_707 = tpu.memref_squeeze %gather3A_706 : memref<1x32x128xf32, #tpu.memory_space<vmem>> -> memref<32x128xf32, #tpu.memory_space<vmem>>
        %gather3A_708 = tpu.vector_load_idx %gather3A_707[%add3A_617, %add3A_703] : memref<32x128xf32, #tpu.memory_space<vmem>>[vector<16xi32>, vector<16xi32>], vector<16xf32>,
        %add3A_709 = vector.broadcast %mul3A_389 : i32 to vector<16xi32>
        %add3A_710 = arith.addi %add3A_709, %shift_right_logical3A_117 : vector<16xi32>
        %add3A_711 = arith.addi %shift_left3A_179, %add3A_617 : vector<16xi32>
        %scatter3A_712 = arith.constant 0 : i32
        %scatter3A_713 = arith.constant 0 : i32
        %scatter3A_714 = tpu.memref_slice %arg5[%rem3A_323, %scatter3A_712, %scatter3A_713] : memref<2x32x128xf32, #tpu.memory_space<vmem>> -> memref<1x32x128xf32, #tpu.memory_space<vmem>>
        %scatter3A_715 = tpu.memref_squeeze %scatter3A_714 : memref<1x32x128xf32, #tpu.memory_space<vmem>> -> memref<32x128xf32, #tpu.memory_space<vmem>>
        tpu.vector_store_idx %scatter3A_715[%add3A_710, %add3A_711], %gather3A_652 : memref<32x128xf32, #tpu.memory_space<vmem>>[vector<16xi32>, vector<16xi32>], vector<16xf32>,
        %add3A_716 = vector.broadcast %mul3A_387 : i32 to vector<16xi32>
        %add3A_717 = arith.addi %add3A_716, %and3A_67 : vector<16xi32>
        %gather3A_718 = arith.constant 0 : i32
        %gather3A_719 = arith.constant 0 : i32
        %gather3A_720 = tpu.memref_slice %arg4[%rem3A_323, %gather3A_718, %gather3A_719] : memref<2x32x128xf32, #tpu.memory_space<vmem>> -> memref<1x32x128xf32, #tpu.memory_space<vmem>>
        %gather3A_721 = tpu.memref_squeeze %gather3A_720 : memref<1x32x128xf32, #tpu.memory_space<vmem>> -> memref<32x128xf32, #tpu.memory_space<vmem>>
        %gather3A_722 = tpu.vector_load_idx %gather3A_721[%add3A_617, %add3A_717] : memref<32x128xf32, #tpu.memory_space<vmem>>[vector<16xi32>, vector<16xi32>], vector<16xf32>,
        %add3A_723 = vector.broadcast %mul3A_389 : i32 to vector<16xi32>
        %add3A_724 = arith.addi %add3A_723, %shift_right_logical3A_120 : vector<16xi32>
        %add3A_725 = arith.addi %shift_left3A_185, %add3A_617 : vector<16xi32>
        %scatter3A_726 = arith.constant 0 : i32
        %scatter3A_727 = arith.constant 0 : i32
        %scatter3A_728 = tpu.memref_slice %arg5[%rem3A_323, %scatter3A_726, %scatter3A_727] : memref<2x32x128xf32, #tpu.memory_space<vmem>> -> memref<1x32x128xf32, #tpu.memory_space<vmem>>
        %scatter3A_729 = tpu.memref_squeeze %scatter3A_728 : memref<1x32x128xf32, #tpu.memory_space<vmem>> -> memref<32x128xf32, #tpu.memory_space<vmem>>
        tpu.vector_store_idx %scatter3A_729[%add3A_724, %add3A_725], %gather3A_666 : memref<32x128xf32, #tpu.memory_space<vmem>>[vector<16xi32>, vector<16xi32>], vector<16xf32>,
        %add3A_730 = vector.broadcast %mul3A_387 : i32 to vector<16xi32>
        %add3A_731 = arith.addi %add3A_730, %and3A_73 : vector<16xi32>
        %gather3A_732 = arith.constant 0 : i32
        %gather3A_733 = arith.constant 0 : i32
        %gather3A_734 = tpu.memref_slice %arg4[%rem3A_323, %gather3A_732, %gather3A_733] : memref<2x32x128xf32, #tpu.memory_space<vmem>> -> memref<1x32x128xf32, #tpu.memory_space<vmem>>
        %gather3A_735 = tpu.memref_squeeze %gather3A_734 : memref<1x32x128xf32, #tpu.memory_space<vmem>> -> memref<32x128xf32, #tpu.memory_space<vmem>>
        %gather3A_736 = tpu.vector_load_idx %gather3A_735[%add3A_617, %add3A_731] : memref<32x128xf32, #tpu.memory_space<vmem>>[vector<16xi32>, vector<16xi32>], vector<16xf32>,
        %add3A_737 = vector.broadcast %mul3A_389 : i32 to vector<16xi32>
        %add3A_738 = arith.addi %add3A_737, %shift_right_logical3A_123 : vector<16xi32>
        %add3A_739 = arith.addi %shift_left3A_191, %add3A_617 : vector<16xi32>
        %scatter3A_740 = arith.constant 0 : i32
        %scatter3A_741 = arith.constant 0 : i32
        %scatter3A_742 = tpu.memref_slice %arg5[%rem3A_323, %scatter3A_740, %scatter3A_741] : memref<2x32x128xf32, #tpu.memory_space<vmem>> -> memref<1x32x128xf32, #tpu.memory_space<vmem>>
        %scatter3A_743 = tpu.memref_squeeze %scatter3A_742 : memref<1x32x128xf32, #tpu.memory_space<vmem>> -> memref<32x128xf32, #tpu.memory_space<vmem>>
        tpu.vector_store_idx %scatter3A_743[%add3A_738, %add3A_739], %gather3A_680 : memref<32x128xf32, #tpu.memory_space<vmem>>[vector<16xi32>, vector<16xi32>], vector<16xf32>,
        %add3A_744 = vector.broadcast %mul3A_387 : i32 to vector<16xi32>
        %add3A_745 = arith.addi %add3A_744, %and3A_79 : vector<16xi32>
        %gather3A_746 = arith.constant 0 : i32
        %gather3A_747 = arith.constant 0 : i32
        %gather3A_748 = tpu.memref_slice %arg4[%rem3A_323, %gather3A_746, %gather3A_747] : memref<2x32x128xf32, #tpu.memory_space<vmem>> -> memref<1x32x128xf32, #tpu.memory_space<vmem>>
        %gather3A_749 = tpu.memref_squeeze %gather3A_748 : memref<1x32x128xf32, #tpu.memory_space<vmem>> -> memref<32x128xf32, #tpu.memory_space<vmem>>
        %gather3A_750 = tpu.vector_load_idx %gather3A_749[%add3A_617, %add3A_745] : memref<32x128xf32, #tpu.memory_space<vmem>>[vector<16xi32>, vector<16xi32>], vector<16xf32>,
        %add3A_751 = vector.broadcast %mul3A_389 : i32 to vector<16xi32>
        %add3A_752 = arith.addi %add3A_751, %shift_right_logical3A_126 : vector<16xi32>
        %add3A_753 = arith.addi %shift_left3A_197, %add3A_617 : vector<16xi32>
        %scatter3A_754 = arith.constant 0 : i32
        %scatter3A_755 = arith.constant 0 : i32
        %scatter3A_756 = tpu.memref_slice %arg5[%rem3A_323, %scatter3A_754, %scatter3A_755] : memref<2x32x128xf32, #tpu.memory_space<vmem>> -> memref<1x32x128xf32, #tpu.memory_space<vmem>>
        %scatter3A_757 = tpu.memref_squeeze %scatter3A_756 : memref<1x32x128xf32, #tpu.memory_space<vmem>> -> memref<32x128xf32, #tpu.memory_space<vmem>>
        tpu.vector_store_idx %scatter3A_757[%add3A_752, %add3A_753], %gather3A_694 : memref<32x128xf32, #tpu.memory_space<vmem>>[vector<16xi32>, vector<16xi32>], vector<16xf32>,
        %add3A_758 = vector.broadcast %mul3A_387 : i32 to vector<16xi32>
        %add3A_759 = arith.addi %add3A_758, %and3A_85 : vector<16xi32>
        %gather3A_760 = arith.constant 0 : i32
        %gather3A_761 = arith.constant 0 : i32
        %gather3A_762 = tpu.memref_slice %arg4[%rem3A_323, %gather3A_760, %gather3A_761] : memref<2x32x128xf32, #tpu.memory_space<vmem>> -> memref<1x32x128xf32, #tpu.memory_space<vmem>>
        %gather3A_763 = tpu.memref_squeeze %gather3A_762 : memref<1x32x128xf32, #tpu.memory_space<vmem>> -> memref<32x128xf32, #tpu.memory_space<vmem>>
        %gather3A_764 = tpu.vector_load_idx %gather3A_763[%add3A_617, %add3A_759] : memref<32x128xf32, #tpu.memory_space<vmem>>[vector<16xi32>, vector<16xi32>], vector<16xf32>,
        %add3A_765 = vector.broadcast %mul3A_389 : i32 to vector<16xi32>
        %add3A_766 = arith.addi %add3A_765, %shift_right_logical3A_129 : vector<16xi32>
        %add3A_767 = arith.addi %shift_left3A_203, %add3A_617 : vector<16xi32>
        %scatter3A_768 = arith.constant 0 : i32
        %scatter3A_769 = arith.constant 0 : i32
        %scatter3A_770 = tpu.memref_slice %arg5[%rem3A_323, %scatter3A_768, %scatter3A_769] : memref<2x32x128xf32, #tpu.memory_space<vmem>> -> memref<1x32x128xf32, #tpu.memory_space<vmem>>
        %scatter3A_771 = tpu.memref_squeeze %scatter3A_770 : memref<1x32x128xf32, #tpu.memory_space<vmem>> -> memref<32x128xf32, #tpu.memory_space<vmem>>
        tpu.vector_store_idx %scatter3A_771[%add3A_766, %add3A_767], %gather3A_708 : memref<32x128xf32, #tpu.memory_space<vmem>>[vector<16xi32>, vector<16xi32>], vector<16xf32>,
        %add3A_772 = vector.broadcast %mul3A_387 : i32 to vector<16xi32>
        %add3A_773 = arith.addi %add3A_772, %and3A_91 : vector<16xi32>
        %gather3A_774 = arith.constant 0 : i32
        %gather3A_775 = arith.constant 0 : i32
        %gather3A_776 = tpu.memref_slice %arg4[%rem3A_323, %gather3A_774, %gather3A_775] : memref<2x32x128xf32, #tpu.memory_space<vmem>> -> memref<1x32x128xf32, #tpu.memory_space<vmem>>
        %gather3A_777 = tpu.memref_squeeze %gather3A_776 : memref<1x32x128xf32, #tpu.memory_space<vmem>> -> memref<32x128xf32, #tpu.memory_space<vmem>>
        %gather3A_778 = tpu.vector_load_idx %gather3A_777[%add3A_617, %add3A_773] : memref<32x128xf32, #tpu.memory_space<vmem>>[vector<16xi32>, vector<16xi32>], vector<16xf32>,
        %add3A_779 = vector.broadcast %mul3A_389 : i32 to vector<16xi32>
        %add3A_780 = arith.addi %add3A_779, %shift_right_logical3A_132 : vector<16xi32>
        %add3A_781 = arith.addi %shift_left3A_209, %add3A_617 : vector<16xi32>
        %scatter3A_782 = arith.constant 0 : i32
        %scatter3A_783 = arith.constant 0 : i32
        %scatter3A_784 = tpu.memref_slice %arg5[%rem3A_323, %scatter3A_782, %scatter3A_783] : memref<2x32x128xf32, #tpu.memory_space<vmem>> -> memref<1x32x128xf32, #tpu.memory_space<vmem>>
        %scatter3A_785 = tpu.memref_squeeze %scatter3A_784 : memref<1x32x128xf32, #tpu.memory_space<vmem>> -> memref<32x128xf32, #tpu.memory_space<vmem>>
        tpu.vector_store_idx %scatter3A_785[%add3A_780, %add3A_781], %gather3A_722 : memref<32x128xf32, #tpu.memory_space<vmem>>[vector<16xi32>, vector<16xi32>], vector<16xf32>,
        %add3A_786 = vector.broadcast %mul3A_387 : i32 to vector<16xi32>
        %add3A_787 = arith.addi %add3A_786, %and3A_97 : vector<16xi32>
        %gather3A_788 = arith.constant 0 : i32
        %gather3A_789 = arith.constant 0 : i32
        %gather3A_790 = tpu.memref_slice %arg4[%rem3A_323, %gather3A_788, %gather3A_789] : memref<2x32x128xf32, #tpu.memory_space<vmem>> -> memref<1x32x128xf32, #tpu.memory_space<vmem>>
        %gather3A_791 = tpu.memref_squeeze %gather3A_790 : memref<1x32x128xf32, #tpu.memory_space<vmem>> -> memref<32x128xf32, #tpu.memory_space<vmem>>
        %gather3A_792 = tpu.vector_load_idx %gather3A_791[%add3A_617, %add3A_787] : memref<32x128xf32, #tpu.memory_space<vmem>>[vector<16xi32>, vector<16xi32>], vector<16xf32>,
        %add3A_793 = vector.broadcast %mul3A_389 : i32 to vector<16xi32>
        %add3A_794 = arith.addi %add3A_793, %shift_right_logical3A_135 : vector<16xi32>
        %add3A_795 = arith.addi %shift_left3A_215, %add3A_617 : vector<16xi32>
        %scatter3A_796 = arith.constant 0 : i32
        %scatter3A_797 = arith.constant 0 : i32
        %scatter3A_798 = tpu.memref_slice %arg5[%rem3A_323, %scatter3A_796, %scatter3A_797] : memref<2x32x128xf32, #tpu.memory_space<vmem>> -> memref<1x32x128xf32, #tpu.memory_space<vmem>>
        %scatter3A_799 = tpu.memref_squeeze %scatter3A_798 : memref<1x32x128xf32, #tpu.memory_space<vmem>> -> memref<32x128xf32, #tpu.memory_space<vmem>>
        tpu.vector_store_idx %scatter3A_799[%add3A_794, %add3A_795], %gather3A_736 : memref<32x128xf32, #tpu.memory_space<vmem>>[vector<16xi32>, vector<16xi32>], vector<16xf32>,
        %add3A_800 = vector.broadcast %mul3A_387 : i32 to vector<16xi32>
        %add3A_801 = arith.addi %add3A_800, %and3A_103 : vector<16xi32>
        %gather3A_802 = arith.constant 0 : i32
        %gather3A_803 = arith.constant 0 : i32
        %gather3A_804 = tpu.memref_slice %arg4[%rem3A_323, %gather3A_802, %gather3A_803] : memref<2x32x128xf32, #tpu.memory_space<vmem>> -> memref<1x32x128xf32, #tpu.memory_space<vmem>>
        %gather3A_805 = tpu.memref_squeeze %gather3A_804 : memref<1x32x128xf32, #tpu.memory_space<vmem>> -> memref<32x128xf32, #tpu.memory_space<vmem>>
        %gather3A_806 = tpu.vector_load_idx %gather3A_805[%add3A_617, %add3A_801] : memref<32x128xf32, #tpu.memory_space<vmem>>[vector<16xi32>, vector<16xi32>], vector<16xf32>,
        %add3A_807 = vector.broadcast %mul3A_389 : i32 to vector<16xi32>
        %add3A_808 = arith.addi %add3A_807, %shift_right_logical3A_138 : vector<16xi32>
        %add3A_809 = arith.addi %shift_left3A_221, %add3A_617 : vector<16xi32>
        %scatter3A_810 = arith.constant 0 : i32
        %scatter3A_811 = arith.constant 0 : i32
        %scatter3A_812 = tpu.memref_slice %arg5[%rem3A_323, %scatter3A_810, %scatter3A_811] : memref<2x32x128xf32, #tpu.memory_space<vmem>> -> memref<1x32x128xf32, #tpu.memory_space<vmem>>
        %scatter3A_813 = tpu.memref_squeeze %scatter3A_812 : memref<1x32x128xf32, #tpu.memory_space<vmem>> -> memref<32x128xf32, #tpu.memory_space<vmem>>
        tpu.vector_store_idx %scatter3A_813[%add3A_808, %add3A_809], %gather3A_750 : memref<32x128xf32, #tpu.memory_space<vmem>>[vector<16xi32>, vector<16xi32>], vector<16xf32>,
        %add3A_814 = vector.broadcast %mul3A_389 : i32 to vector<16xi32>
        %add3A_815 = arith.addi %add3A_814, %shift_right_logical3A_141 : vector<16xi32>
        %add3A_816 = arith.addi %shift_left3A_227, %add3A_617 : vector<16xi32>
        %scatter3A_817 = arith.constant 0 : i32
        %scatter3A_818 = arith.constant 0 : i32
        %scatter3A_819 = tpu.memref_slice %arg5[%rem3A_323, %scatter3A_817, %scatter3A_818] : memref<2x32x128xf32, #tpu.memory_space<vmem>> -> memref<1x32x128xf32, #tpu.memory_space<vmem>>
        %scatter3A_820 = tpu.memref_squeeze %scatter3A_819 : memref<1x32x128xf32, #tpu.memory_space<vmem>> -> memref<32x128xf32, #tpu.memory_space<vmem>>
        tpu.vector_store_idx %scatter3A_820[%add3A_815, %add3A_816], %gather3A_764 : memref<32x128xf32, #tpu.memory_space<vmem>>[vector<16xi32>, vector<16xi32>], vector<16xf32>,
        %add3A_821 = vector.broadcast %mul3A_389 : i32 to vector<16xi32>
        %add3A_822 = arith.addi %add3A_821, %shift_right_logical3A_144 : vector<16xi32>
        %add3A_823 = arith.addi %shift_left3A_233, %add3A_617 : vector<16xi32>
        %scatter3A_824 = arith.constant 0 : i32
        %scatter3A_825 = arith.constant 0 : i32
        %scatter3A_826 = tpu.memref_slice %arg5[%rem3A_323, %scatter3A_824, %scatter3A_825] : memref<2x32x128xf32, #tpu.memory_space<vmem>> -> memref<1x32x128xf32, #tpu.memory_space<vmem>>
        %scatter3A_827 = tpu.memref_squeeze %scatter3A_826 : memref<1x32x128xf32, #tpu.memory_space<vmem>> -> memref<32x128xf32, #tpu.memory_space<vmem>>
        tpu.vector_store_idx %scatter3A_827[%add3A_822, %add3A_823], %gather3A_778 : memref<32x128xf32, #tpu.memory_space<vmem>>[vector<16xi32>, vector<16xi32>], vector<16xf32>,
        %add3A_828 = vector.broadcast %mul3A_389 : i32 to vector<16xi32>
        %add3A_829 = arith.addi %add3A_828, %shift_right_logical3A_147 : vector<16xi32>
        %add3A_830 = arith.addi %shift_left3A_239, %add3A_617 : vector<16xi32>
        %scatter3A_831 = arith.constant 0 : i32
        %scatter3A_832 = arith.constant 0 : i32
        %scatter3A_833 = tpu.memref_slice %arg5[%rem3A_323, %scatter3A_831, %scatter3A_832] : memref<2x32x128xf32, #tpu.memory_space<vmem>> -> memref<1x32x128xf32, #tpu.memory_space<vmem>>
        %scatter3A_834 = tpu.memref_squeeze %scatter3A_833 : memref<1x32x128xf32, #tpu.memory_space<vmem>> -> memref<32x128xf32, #tpu.memory_space<vmem>>
        tpu.vector_store_idx %scatter3A_834[%add3A_829, %add3A_830], %gather3A_792 : memref<32x128xf32, #tpu.memory_space<vmem>>[vector<16xi32>, vector<16xi32>], vector<16xf32>,
        %add3A_835 = vector.broadcast %mul3A_389 : i32 to vector<16xi32>
        %add3A_836 = arith.addi %add3A_835, %shift_right_logical3A_150 : vector<16xi32>
        %add3A_837 = arith.addi %shift_left3A_245, %add3A_617 : vector<16xi32>
        %scatter3A_838 = arith.constant 0 : i32
        %scatter3A_839 = arith.constant 0 : i32
        %scatter3A_840 = tpu.memref_slice %arg5[%rem3A_323, %scatter3A_838, %scatter3A_839] : memref<2x32x128xf32, #tpu.memory_space<vmem>> -> memref<1x32x128xf32, #tpu.memory_space<vmem>>
        %scatter3A_841 = tpu.memref_squeeze %scatter3A_840 : memref<1x32x128xf32, #tpu.memory_space<vmem>> -> memref<32x128xf32, #tpu.memory_space<vmem>>
        tpu.vector_store_idx %scatter3A_841[%add3A_836, %add3A_837], %gather3A_806 : memref<32x128xf32, #tpu.memory_space<vmem>>[vector<16xi32>, vector<16xi32>], vector<16xf32>,
      }
      %scan3A_367 = arith.constant 8 : i32
      %add3A_368 = arith.addi %add3A_4, %while3A_321 : i32
      %mul3A_369 = arith.constant 32 : i32
      %mul3A_370 = arith.muli %add3A_368, %mul3A_369 : i32
      %ge3A = arith.constant 2 : i32
      %ge3A_371 = arith.cmpi sge, %while3A_321, %ge3A : i32
      %convert_element_type3A_372 = arith.extui %ge3A_371 : i1 to i32
      %cond3A_373 = arith.constant 0 : i32
      %cond3A_374 = arith.cmpi ne, %convert_element_type3A_372, %cond3A_373 : i32
      scf.if %cond3A_374 {
        %eq3A_385 = arith.constant 0 : i32
        %eq3A_386 = arith.cmpi eq, %rem3A_323, %eq3A_385 : i32
        %convert_element_type3A_387 = arith.extui %eq3A_386 : i1 to i32
        %cond3A_388 = arith.constant 0 : i32
        %cond3A_389 = arith.cmpi ne, %convert_element_type3A_387, %cond3A_388 : i32
        scf.if %cond3A_389 {
          %dma_wait3A_395 = arith.constant 0 : i32
          %dma_wait3A_396 = arith.constant 0 : i32
          %dma_wait3A_397 = arith.constant 0 : i32
          %dma_wait3A_398 = tpu.memref_slice %arg5[%dma_wait3A_395, %dma_wait3A_396, %dma_wait3A_397] : memref<2x32x128xf32, #tpu.memory_space<vmem>> -> memref<1x32x128xf32, #tpu.memory_space<vmem>>
          %dma_wait3A_399 = tpu.memref_squeeze %dma_wait3A_398 : memref<1x32x128xf32, #tpu.memory_space<vmem>> -> memref<32x128xf32, #tpu.memory_space<vmem>>
          %dma_wait3A_400 = arith.constant 0 : i32
          %dma_wait3A_401 = arith.constant 0 : i32
          %dma_wait3A_402 = tpu.memref_slice %arg3[%dma_wait3A_400, %dma_wait3A_401] : memref<250000x128xf32, #tpu.memory_space<hbm>> -> memref<32x128xf32, #tpu.memory_space<hbm>>
          %dma_wait3A_403 = arith.constant 0 : i32
          %dma_wait3A_404 = arith.constant 0 : i32
          %dma_wait3A_405 = tpu.memref_slice %arg3[%dma_wait3A_403, %dma_wait3A_404] : memref<250000x128xf32, #tpu.memory_space<hbm>> -> memref<32x128xf32, #tpu.memory_space<hbm>>
          %dma_wait3A_406 = arith.constant 0 : i32
          %dma_wait3A_407 = arith.constant 0 : i32
          %dma_wait3A_408 = tpu.memref_slice %arg5[%dma_wait3A_395, %dma_wait3A_406, %dma_wait3A_407] : memref<2x32x128xf32, #tpu.memory_space<vmem>> -> memref<1x32x128xf32, #tpu.memory_space<vmem>>
          %dma_wait3A_409 = tpu.memref_squeeze %dma_wait3A_408 : memref<1x32x128xf32, #tpu.memory_space<vmem>> -> memref<32x128xf32, #tpu.memory_space<vmem>>
          tpu.wait_dma2 semaphore(%arg9 : memref<!tpu.dma_semaphore, #tpu.memory_space<semaphore_mem>>) src(%dma_wait3A_409 : memref<32x128xf32, #tpu.memory_space<vmem>>) dst(%dma_wait3A_405 : memref<32x128xf32, #tpu.memory_space<hbm>>)
        } else {
        }
        %eq3A_390 = arith.constant 1 : i32
        %eq3A_391 = arith.cmpi eq, %rem3A_323, %eq3A_390 : i32
        %convert_element_type3A_392 = arith.extui %eq3A_391 : i1 to i32
        %cond3A_393 = arith.constant 0 : i32
        %cond3A_394 = arith.cmpi ne, %convert_element_type3A_392, %cond3A_393 : i32
        scf.if %cond3A_394 {
          %dma_wait3A_395 = arith.constant 1 : i32
          %dma_wait3A_396 = arith.constant 0 : i32
          %dma_wait3A_397 = arith.constant 0 : i32
          %dma_wait3A_398 = tpu.memref_slice %arg5[%dma_wait3A_395, %dma_wait3A_396, %dma_wait3A_397] : memref<2x32x128xf32, #tpu.memory_space<vmem>> -> memref<1x32x128xf32, #tpu.memory_space<vmem>>
          %dma_wait3A_399 = tpu.memref_squeeze %dma_wait3A_398 : memref<1x32x128xf32, #tpu.memory_space<vmem>> -> memref<32x128xf32, #tpu.memory_space<vmem>>
          %dma_wait3A_400 = arith.constant 0 : i32
          %dma_wait3A_401 = arith.constant 0 : i32
          %dma_wait3A_402 = tpu.memref_slice %arg3[%dma_wait3A_400, %dma_wait3A_401] : memref<250000x128xf32, #tpu.memory_space<hbm>> -> memref<32x128xf32, #tpu.memory_space<hbm>>
          %dma_wait3A_403 = arith.constant 0 : i32
          %dma_wait3A_404 = arith.constant 0 : i32
          %dma_wait3A_405 = tpu.memref_slice %arg3[%dma_wait3A_403, %dma_wait3A_404] : memref<250000x128xf32, #tpu.memory_space<hbm>> -> memref<32x128xf32, #tpu.memory_space<hbm>>
          %dma_wait3A_406 = arith.constant 0 : i32
          %dma_wait3A_407 = arith.constant 0 : i32
          %dma_wait3A_408 = tpu.memref_slice %arg5[%dma_wait3A_395, %dma_wait3A_406, %dma_wait3A_407] : memref<2x32x128xf32, #tpu.memory_space<vmem>> -> memref<1x32x128xf32, #tpu.memory_space<vmem>>
          %dma_wait3A_409 = tpu.memref_squeeze %dma_wait3A_408 : memref<1x32x128xf32, #tpu.memory_space<vmem>> -> memref<32x128xf32, #tpu.memory_space<vmem>>
          tpu.wait_dma2 semaphore(%arg10 : memref<!tpu.dma_semaphore, #tpu.memory_space<semaphore_mem>>) src(%dma_wait3A_409 : memref<32x128xf32, #tpu.memory_space<vmem>>) dst(%dma_wait3A_405 : memref<32x128xf32, #tpu.memory_space<hbm>>)
        } else {
        }
      } else {
      }
      %eq3A_375 = arith.constant 0 : i32
      %eq3A_376 = arith.cmpi eq, %rem3A_323, %eq3A_375 : i32
      %convert_element_type3A_377 = arith.extui %eq3A_376 : i1 to i32
      %cond3A_378 = arith.constant 0 : i32
      %cond3A_379 = arith.cmpi ne, %convert_element_type3A_377, %cond3A_378 : i32
      scf.if %cond3A_379 {
        %multiple_of3A_385 = tpu.assume_multiple %mul3A_370, 8 : i32
        %dma_start3A_386 = arith.constant 0 : i32
        %dma_start3A_387 = arith.constant 0 : i32
        %dma_start3A_388 = arith.constant 0 : i32
        %dma_start3A_389 = tpu.memref_slice %arg5[%dma_start3A_386, %dma_start3A_387, %dma_start3A_388] : memref<2x32x128xf32, #tpu.memory_space<vmem>> -> memref<1x32x128xf32, #tpu.memory_space<vmem>>
        %dma_start3A_390 = tpu.memref_squeeze %dma_start3A_389 : memref<1x32x128xf32, #tpu.memory_space<vmem>> -> memref<32x128xf32, #tpu.memory_space<vmem>>
        %dma_start3A_391 = arith.constant 0 : i32
        %dma_start3A_392 = tpu.memref_slice %arg3[%multiple_of3A_385, %dma_start3A_391] : memref<250000x128xf32, #tpu.memory_space<hbm>> -> memref<32x128xf32, #tpu.memory_space<hbm>>
        %dma_start3A_393 = arith.constant 0 : i32
        %dma_start3A_394 = tpu.memref_slice %arg3[%multiple_of3A_385, %dma_start3A_393] : memref<250000x128xf32, #tpu.memory_space<hbm>> -> memref<32x128xf32, #tpu.memory_space<hbm>>
        %dma_start3A_395 = arith.constant 0 : i32
        %dma_start3A_396 = arith.constant 0 : i32
        %dma_start3A_397 = tpu.memref_slice %arg5[%dma_start3A_386, %dma_start3A_395, %dma_start3A_396] : memref<2x32x128xf32, #tpu.memory_space<vmem>> -> memref<1x32x128xf32, #tpu.memory_space<vmem>>
        %dma_start3A_398 = tpu.memref_squeeze %dma_start3A_397 : memref<1x32x128xf32, #tpu.memory_space<vmem>> -> memref<32x128xf32, #tpu.memory_space<vmem>>
        tpu.enqueue_dma source(%dma_start3A_398 : memref<32x128xf32, #tpu.memory_space<vmem>>) target(%dma_start3A_394 : memref<32x128xf32, #tpu.memory_space<hbm>>) target_semaphore(%arg9 : memref<!tpu.dma_semaphore, #tpu.memory_space<semaphore_mem>>)
      } else {
      }
      %eq3A_380 = arith.constant 1 : i32
      %eq3A_381 = arith.cmpi eq, %rem3A_323, %eq3A_380 : i32
      %convert_element_type3A_382 = arith.extui %eq3A_381 : i1 to i32
      %cond3A_383 = arith.constant 0 : i32
      %cond3A_384 = arith.cmpi ne, %convert_element_type3A_382, %cond3A_383 : i32
      scf.if %cond3A_384 {
        %multiple_of3A_385 = tpu.assume_multiple %mul3A_370, 8 : i32
        %dma_start3A_386 = arith.constant 1 : i32
        %dma_start3A_387 = arith.constant 0 : i32
        %dma_start3A_388 = arith.constant 0 : i32
        %dma_start3A_389 = tpu.memref_slice %arg5[%dma_start3A_386, %dma_start3A_387, %dma_start3A_388] : memref<2x32x128xf32, #tpu.memory_space<vmem>> -> memref<1x32x128xf32, #tpu.memory_space<vmem>>
        %dma_start3A_390 = tpu.memref_squeeze %dma_start3A_389 : memref<1x32x128xf32, #tpu.memory_space<vmem>> -> memref<32x128xf32, #tpu.memory_space<vmem>>
        %dma_start3A_391 = arith.constant 0 : i32
        %dma_start3A_392 = tpu.memref_slice %arg3[%multiple_of3A_385, %dma_start3A_391] : memref<250000x128xf32, #tpu.memory_space<hbm>> -> memref<32x128xf32, #tpu.memory_space<hbm>>
        %dma_start3A_393 = arith.constant 0 : i32
        %dma_start3A_394 = tpu.memref_slice %arg3[%multiple_of3A_385, %dma_start3A_393] : memref<250000x128xf32, #tpu.memory_space<hbm>> -> memref<32x128xf32, #tpu.memory_space<hbm>>
        %dma_start3A_395 = arith.constant 0 : i32
        %dma_start3A_396 = arith.constant 0 : i32
        %dma_start3A_397 = tpu.memref_slice %arg5[%dma_start3A_386, %dma_start3A_395, %dma_start3A_396] : memref<2x32x128xf32, #tpu.memory_space<vmem>> -> memref<1x32x128xf32, #tpu.memory_space<vmem>>
        %dma_start3A_398 = tpu.memref_squeeze %dma_start3A_397 : memref<1x32x128xf32, #tpu.memory_space<vmem>> -> memref<32x128xf32, #tpu.memory_space<vmem>>
        tpu.enqueue_dma source(%dma_start3A_398 : memref<32x128xf32, #tpu.memory_space<vmem>>) target(%dma_start3A_394 : memref<32x128xf32, #tpu.memory_space<hbm>>) target_semaphore(%arg10 : memref<!tpu.dma_semaphore, #tpu.memory_space<semaphore_mem>>)
      } else {
      }
    }
    %dma_wait3A = arith.constant 0 : i32
    %dma_wait3A_275 = arith.constant 0 : i32
    %dma_wait3A_276 = arith.constant 0 : i32
    %dma_wait3A_277 = tpu.memref_slice %arg4[%dma_wait3A, %dma_wait3A_275, %dma_wait3A_276] : memref<2x32x128xf32, #tpu.memory_space<vmem>> -> memref<1x32x128xf32, #tpu.memory_space<vmem>>
    %dma_wait3A_278 = tpu.memref_squeeze %dma_wait3A_277 : memref<1x32x128xf32, #tpu.memory_space<vmem>> -> memref<32x128xf32, #tpu.memory_space<vmem>>
    %dma_wait3A_279 = arith.constant 0 : i32
    %dma_wait3A_280 = arith.constant 0 : i32
    %dma_wait3A_281 = tpu.memref_slice %arg2[%dma_wait3A_279, %dma_wait3A_280] : memref<32x1000000xf32, #tpu.memory_space<hbm>> -> memref<32x128xf32, #tpu.memory_space<hbm>>
    %dma_wait3A_282 = arith.constant 0 : i32
    %dma_wait3A_283 = arith.constant 0 : i32
    %dma_wait3A_284 = tpu.memref_slice %arg4[%dma_wait3A, %dma_wait3A_282, %dma_wait3A_283] : memref<2x32x128xf32, #tpu.memory_space<vmem>> -> memref<1x32x128xf32, #tpu.memory_space<vmem>>
    %dma_wait3A_285 = tpu.memref_squeeze %dma_wait3A_284 : memref<1x32x128xf32, #tpu.memory_space<vmem>> -> memref<32x128xf32, #tpu.memory_space<vmem>>
    %dma_wait3A_286 = arith.constant 0 : i32
    %dma_wait3A_287 = arith.constant 0 : i32
    %dma_wait3A_288 = tpu.memref_slice %arg2[%dma_wait3A_286, %dma_wait3A_287] : memref<32x1000000xf32, #tpu.memory_space<hbm>> -> memref<32x128xf32, #tpu.memory_space<hbm>>
    tpu.wait_dma2 semaphore(%arg8 : memref<!tpu.dma_semaphore, #tpu.memory_space<semaphore_mem>>) src(%dma_wait3A_288 : memref<32x128xf32, #tpu.memory_space<hbm>>) dst(%dma_wait3A_285 : memref<32x128xf32, #tpu.memory_space<vmem>>)
    %dma_wait3A_289 = arith.constant 0 : i32
    %dma_wait3A_290 = arith.constant 0 : i32
    %dma_wait3A_291 = arith.constant 0 : i32
    %dma_wait3A_292 = tpu.memref_slice %arg5[%dma_wait3A_289, %dma_wait3A_290, %dma_wait3A_291] : memref<2x32x128xf32, #tpu.memory_space<vmem>> -> memref<1x32x128xf32, #tpu.memory_space<vmem>>
    %dma_wait3A_293 = tpu.memref_squeeze %dma_wait3A_292 : memref<1x32x128xf32, #tpu.memory_space<vmem>> -> memref<32x128xf32, #tpu.memory_space<vmem>>
    %dma_wait3A_294 = arith.constant 0 : i32
    %dma_wait3A_295 = arith.constant 0 : i32
    %dma_wait3A_296 = tpu.memref_slice %arg3[%dma_wait3A_294, %dma_wait3A_295] : memref<250000x128xf32, #tpu.memory_space<hbm>> -> memref<32x128xf32, #tpu.memory_space<hbm>>
    %dma_wait3A_297 = arith.constant 0 : i32
    %dma_wait3A_298 = arith.constant 0 : i32
    %dma_wait3A_299 = tpu.memref_slice %arg3[%dma_wait3A_297, %dma_wait3A_298] : memref<250000x128xf32, #tpu.memory_space<hbm>> -> memref<32x128xf32, #tpu.memory_space<hbm>>
    %dma_wait3A_300 = arith.constant 0 : i32
    %dma_wait3A_301 = arith.constant 0 : i32
    %dma_wait3A_302 = tpu.memref_slice %arg5[%dma_wait3A_289, %dma_wait3A_300, %dma_wait3A_301] : memref<2x32x128xf32, #tpu.memory_space<vmem>> -> memref<1x32x128xf32, #tpu.memory_space<vmem>>
    %dma_wait3A_303 = tpu.memref_squeeze %dma_wait3A_302 : memref<1x32x128xf32, #tpu.memory_space<vmem>> -> memref<32x128xf32, #tpu.memory_space<vmem>>
    tpu.wait_dma2 semaphore(%arg9 : memref<!tpu.dma_semaphore, #tpu.memory_space<semaphore_mem>>) src(%dma_wait3A_303 : memref<32x128xf32, #tpu.memory_space<vmem>>) dst(%dma_wait3A_299 : memref<32x128xf32, #tpu.memory_space<hbm>>)
    %dma_wait3A_304 = arith.constant 1 : i32
    %dma_wait3A_305 = arith.constant 0 : i32
    %dma_wait3A_306 = arith.constant 0 : i32
    %dma_wait3A_307 = tpu.memref_slice %arg5[%dma_wait3A_304, %dma_wait3A_305, %dma_wait3A_306] : memref<2x32x128xf32, #tpu.memory_space<vmem>> -> memref<1x32x128xf32, #tpu.memory_space<vmem>>
    %dma_wait3A_308 = tpu.memref_squeeze %dma_wait3A_307 : memref<1x32x128xf32, #tpu.memory_space<vmem>> -> memref<32x128xf32, #tpu.memory_space<vmem>>
    %dma_wait3A_309 = arith.constant 0 : i32
    %dma_wait3A_310 = arith.constant 0 : i32
    %dma_wait3A_311 = tpu.memref_slice %arg3[%dma_wait3A_309, %dma_wait3A_310] : memref<250000x128xf32, #tpu.memory_space<hbm>> -> memref<32x128xf32, #tpu.memory_space<hbm>>
    %dma_wait3A_312 = arith.constant 0 : i32
    %dma_wait3A_313 = arith.constant 0 : i32
    %dma_wait3A_314 = tpu.memref_slice %arg3[%dma_wait3A_312, %dma_wait3A_313] : memref<250000x128xf32, #tpu.memory_space<hbm>> -> memref<32x128xf32, #tpu.memory_space<hbm>>
    %dma_wait3A_315 = arith.constant 0 : i32
    %dma_wait3A_316 = arith.constant 0 : i32
    %dma_wait3A_317 = tpu.memref_slice %arg5[%dma_wait3A_304, %dma_wait3A_315, %dma_wait3A_316] : memref<2x32x128xf32, #tpu.memory_space<vmem>> -> memref<1x32x128xf32, #tpu.memory_space<vmem>>
    %dma_wait3A_318 = tpu.memref_squeeze %dma_wait3A_317 : memref<1x32x128xf32, #tpu.memory_space<vmem>> -> memref<32x128xf32, #tpu.memory_space<vmem>>
    tpu.wait_dma2 semaphore(%arg10 : memref<!tpu.dma_semaphore, #tpu.memory_space<semaphore_mem>>) src(%dma_wait3A_318 : memref<32x128xf32, #tpu.memory_space<vmem>>) dst(%dma_wait3A_314 : memref<32x128xf32, #tpu.memory_space<hbm>>)
    %eq3A = arith.constant 31 : i32
    %eq3A_319 = arith.cmpi eq, %add3A, %eq3A : i32
    %convert_element_type3A = arith.extui %eq3A_319 : i1 to i32
    %cond3A = arith.constant 0 : i32
    %cond3A_320 = arith.cmpi ne, %convert_element_type3A, %cond3A : i32
    scf.if %cond3A_320 {
      "tpu.region"() ({
        %run_scoped3A = tpu.sem_alloc : memref<!tpu.dma_semaphore, #tpu.memory_space<semaphore_mem>>
        %dma_start3A_326 = arith.constant 0 : i32
        %dma_start3A_327 = arith.constant 999936 : i32
        %dma_start3A_328 = tpu.memref_slice %arg2[%dma_start3A_326, %dma_start3A_327] : memref<32x1000000xf32, #tpu.memory_space<hbm>> -> memref<32x64xf32, #tpu.memory_space<hbm>>
        %dma_start3A_329 = arith.constant 0 : i32
        %dma_start3A_330 = arith.constant 999936 : i32
        %dma_start3A_331 = tpu.memref_slice %arg2[%dma_start3A_329, %dma_start3A_330] : memref<32x1000000xf32, #tpu.memory_space<hbm>> -> memref<32x64xf32, #tpu.memory_space<hbm>>
        tpu.enqueue_dma source(%dma_start3A_331 : memref<32x64xf32, #tpu.memory_space<hbm>>) target(%arg6 : memref<32x64xf32, #tpu.memory_space<vmem>>) target_semaphore(%run_scoped3A : memref<!tpu.dma_semaphore, #tpu.memory_space<semaphore_mem>>)
        %dma_wait3A_332 = arith.constant 0 : i32
        %dma_wait3A_333 = arith.constant 999936 : i32
        %dma_wait3A_334 = tpu.memref_slice %arg2[%dma_wait3A_332, %dma_wait3A_333] : memref<32x1000000xf32, #tpu.memory_space<hbm>> -> memref<32x64xf32, #tpu.memory_space<hbm>>
        %dma_wait3A_335 = arith.constant 0 : i32
        %dma_wait3A_336 = arith.constant 999936 : i32
        %dma_wait3A_337 = tpu.memref_slice %arg2[%dma_wait3A_335, %dma_wait3A_336] : memref<32x1000000xf32, #tpu.memory_space<hbm>> -> memref<32x64xf32, #tpu.memory_space<hbm>>
        tpu.wait_dma2 semaphore(%run_scoped3A : memref<!tpu.dma_semaphore, #tpu.memory_space<semaphore_mem>>) src(%dma_wait3A_337 : memref<32x64xf32, #tpu.memory_space<hbm>>) dst(%arg6 : memref<32x64xf32, #tpu.memory_space<vmem>>)
        tpu.yield
      }) : () -> ()
      %scan3A = arith.constant 0 : i32
      %scan3A_321 = arith.constant 0 : i32
      %scan3A_322 = arith.constant 4 : i32
      %scan3A_323 = arith.addi %scan3A_321, %scan3A_322 : i32
      %scan3A_324 = arith.constant 1 : i32
      scf.for %scan3A_326 = %scan3A_321 to %scan3A_323 step %scan3A_324  : i32 {
        %mul3A_327 = arith.constant 16 : i32
        %mul3A_328 = arith.muli %scan3A_326, %mul3A_327 : i32
        %add3A_329 = arith.constant 0 : i32
        %add3A_330 = vector.broadcast %add3A_329 : i32 to vector<16xi32>
        %add3A_331 = arith.addi %iota3A, %add3A_330 : vector<16xi32>
        %add3A_332 = arith.constant 0 : i32
        %add3A_333 = vector.broadcast %add3A_332 : i32 to vector<16xi32>
        %add3A_334 = arith.addi %iota3A, %add3A_333 : vector<16xi32>
        %and3A_335 = arith.constant 15 : i32
        %and3A_336 = vector.broadcast %and3A_335 : i32 to vector<16xi32>
        %and3A_337 = arith.andi %add3A_334, %and3A_336 : vector<16xi32>
        %add3A_338 = vector.broadcast %mul3A_328 : i32 to vector<16xi32>
        %add3A_339 = arith.addi %add3A_338, %and3A_337 : vector<16xi32>
        %gather3A = tpu.vector_load_idx %arg6[%add3A_331, %add3A_339] : memref<32x64xf32, #tpu.memory_space<vmem>>[vector<16xi32>, vector<16xi32>], vector<16xf32>,
        %add3A_340 = vector.broadcast %mul3A_328 : i32 to vector<16xi32>
        %add3A_341 = arith.addi %add3A_340, %and3A_337 : vector<16xi32>
        %shift_right_logical3A_342 = arith.constant 2 : i32
        %shift_right_logical3A_343 = vector.broadcast %shift_right_logical3A_342 : i32 to vector<16xi32>
        %shift_right_logical3A_344 = arith.shrui %add3A_341, %shift_right_logical3A_343 : vector<16xi32>
        %and3A_345 = arith.constant 3 : i32
        %and3A_346 = vector.broadcast %and3A_345 : i32 to vector<16xi32>
        %and3A_347 = arith.andi %add3A_341, %and3A_346 : vector<16xi32>
        %shift_left3A_348 = arith.constant 5 : i32
        %shift_left3A_349 = vector.broadcast %shift_left3A_348 : i32 to vector<16xi32>
        %shift_left3A_350 = arith.shli %and3A_347, %shift_left3A_349 : vector<16xi32>
        %add3A_351 = arith.addi %shift_left3A_350, %add3A_331 : vector<16xi32>
        tpu.vector_store_idx %arg7[%shift_right_logical3A_344, %add3A_351], %gather3A : memref<16x128xf32, #tpu.memory_space<vmem>>[vector<16xi32>, vector<16xi32>], vector<16xf32>,
        %add3A_352 = arith.constant 1 : i32
        %add3A_353 = vector.broadcast %add3A_352 : i32 to vector<16xi32>
        %add3A_354 = arith.addi %iota3A, %add3A_353 : vector<16xi32>
        %and3A_355 = arith.constant 15 : i32
        %and3A_356 = vector.broadcast %and3A_355 : i32 to vector<16xi32>
        %and3A_357 = arith.andi %add3A_354, %and3A_356 : vector<16xi32>
        %add3A_358 = vector.broadcast %mul3A_328 : i32 to vector<16xi32>
        %add3A_359 = arith.addi %add3A_358, %and3A_357 : vector<16xi32>
        %gather3A_360 = tpu.vector_load_idx %arg6[%add3A_331, %add3A_359] : memref<32x64xf32, #tpu.memory_space<vmem>>[vector<16xi32>, vector<16xi32>], vector<16xf32>,
        %add3A_361 = vector.broadcast %mul3A_328 : i32 to vector<16xi32>
        %add3A_362 = arith.addi %add3A_361, %and3A_357 : vector<16xi32>
        %shift_right_logical3A_363 = arith.constant 2 : i32
        %shift_right_logical3A_364 = vector.broadcast %shift_right_logical3A_363 : i32 to vector<16xi32>
        %shift_right_logical3A_365 = arith.shrui %add3A_362, %shift_right_logical3A_364 : vector<16xi32>
        %and3A_366 = arith.constant 3 : i32
        %and3A_367 = vector.broadcast %and3A_366 : i32 to vector<16xi32>
        %and3A_368 = arith.andi %add3A_362, %and3A_367 : vector<16xi32>
        %shift_left3A_369 = arith.constant 5 : i32
        %shift_left3A_370 = vector.broadcast %shift_left3A_369 : i32 to vector<16xi32>
        %shift_left3A_371 = arith.shli %and3A_368, %shift_left3A_370 : vector<16xi32>
        %add3A_372 = arith.addi %shift_left3A_371, %add3A_331 : vector<16xi32>
        tpu.vector_store_idx %arg7[%shift_right_logical3A_365, %add3A_372], %gather3A_360 : memref<16x128xf32, #tpu.memory_space<vmem>>[vector<16xi32>, vector<16xi32>], vector<16xf32>,
        %add3A_373 = arith.constant 2 : i32
        %add3A_374 = vector.broadcast %add3A_373 : i32 to vector<16xi32>
        %add3A_375 = arith.addi %iota3A, %add3A_374 : vector<16xi32>
        %and3A_376 = arith.constant 15 : i32
        %and3A_377 = vector.broadcast %and3A_376 : i32 to vector<16xi32>
        %and3A_378 = arith.andi %add3A_375, %and3A_377 : vector<16xi32>
        %add3A_379 = vector.broadcast %mul3A_328 : i32 to vector<16xi32>
        %add3A_380 = arith.addi %add3A_379, %and3A_378 : vector<16xi32>
        %gather3A_381 = tpu.vector_load_idx %arg6[%add3A_331, %add3A_380] : memref<32x64xf32, #tpu.memory_space<vmem>>[vector<16xi32>, vector<16xi32>], vector<16xf32>,
        %add3A_382 = vector.broadcast %mul3A_328 : i32 to vector<16xi32>
        %add3A_383 = arith.addi %add3A_382, %and3A_378 : vector<16xi32>
        %shift_right_logical3A_384 = arith.constant 2 : i32
        %shift_right_logical3A_385 = vector.broadcast %shift_right_logical3A_384 : i32 to vector<16xi32>
        %shift_right_logical3A_386 = arith.shrui %add3A_383, %shift_right_logical3A_385 : vector<16xi32>
        %and3A_387 = arith.constant 3 : i32
        %and3A_388 = vector.broadcast %and3A_387 : i32 to vector<16xi32>
        %and3A_389 = arith.andi %add3A_383, %and3A_388 : vector<16xi32>
        %shift_left3A_390 = arith.constant 5 : i32
        %shift_left3A_391 = vector.broadcast %shift_left3A_390 : i32 to vector<16xi32>
        %shift_left3A_392 = arith.shli %and3A_389, %shift_left3A_391 : vector<16xi32>
        %add3A_393 = arith.addi %shift_left3A_392, %add3A_331 : vector<16xi32>
        tpu.vector_store_idx %arg7[%shift_right_logical3A_386, %add3A_393], %gather3A_381 : memref<16x128xf32, #tpu.memory_space<vmem>>[vector<16xi32>, vector<16xi32>], vector<16xf32>,
        %add3A_394 = arith.constant 3 : i32
        %add3A_395 = vector.broadcast %add3A_394 : i32 to vector<16xi32>
        %add3A_396 = arith.addi %iota3A, %add3A_395 : vector<16xi32>
        %and3A_397 = arith.constant 15 : i32
        %and3A_398 = vector.broadcast %and3A_397 : i32 to vector<16xi32>
        %and3A_399 = arith.andi %add3A_396, %and3A_398 : vector<16xi32>
        %add3A_400 = vector.broadcast %mul3A_328 : i32 to vector<16xi32>
        %add3A_401 = arith.addi %add3A_400, %and3A_399 : vector<16xi32>
        %gather3A_402 = tpu.vector_load_idx %arg6[%add3A_331, %add3A_401] : memref<32x64xf32, #tpu.memory_space<vmem>>[vector<16xi32>, vector<16xi32>], vector<16xf32>,
        %add3A_403 = vector.broadcast %mul3A_328 : i32 to vector<16xi32>
        %add3A_404 = arith.addi %add3A_403, %and3A_399 : vector<16xi32>
        %shift_right_logical3A_405 = arith.constant 2 : i32
        %shift_right_logical3A_406 = vector.broadcast %shift_right_logical3A_405 : i32 to vector<16xi32>
        %shift_right_logical3A_407 = arith.shrui %add3A_404, %shift_right_logical3A_406 : vector<16xi32>
        %and3A_408 = arith.constant 3 : i32
        %and3A_409 = vector.broadcast %and3A_408 : i32 to vector<16xi32>
        %and3A_410 = arith.andi %add3A_404, %and3A_409 : vector<16xi32>
        %shift_left3A_411 = arith.constant 5 : i32
        %shift_left3A_412 = vector.broadcast %shift_left3A_411 : i32 to vector<16xi32>
        %shift_left3A_413 = arith.shli %and3A_410, %shift_left3A_412 : vector<16xi32>
        %add3A_414 = arith.addi %shift_left3A_413, %add3A_331 : vector<16xi32>
        tpu.vector_store_idx %arg7[%shift_right_logical3A_407, %add3A_414], %gather3A_402 : memref<16x128xf32, #tpu.memory_space<vmem>>[vector<16xi32>, vector<16xi32>], vector<16xf32>,
        %add3A_415 = arith.constant 4 : i32
        %add3A_416 = vector.broadcast %add3A_415 : i32 to vector<16xi32>
        %add3A_417 = arith.addi %iota3A, %add3A_416 : vector<16xi32>
        %and3A_418 = arith.constant 15 : i32
        %and3A_419 = vector.broadcast %and3A_418 : i32 to vector<16xi32>
        %and3A_420 = arith.andi %add3A_417, %and3A_419 : vector<16xi32>
        %add3A_421 = vector.broadcast %mul3A_328 : i32 to vector<16xi32>
        %add3A_422 = arith.addi %add3A_421, %and3A_420 : vector<16xi32>
        %gather3A_423 = tpu.vector_load_idx %arg6[%add3A_331, %add3A_422] : memref<32x64xf32, #tpu.memory_space<vmem>>[vector<16xi32>, vector<16xi32>], vector<16xf32>,
        %add3A_424 = vector.broadcast %mul3A_328 : i32 to vector<16xi32>
        %add3A_425 = arith.addi %add3A_424, %and3A_420 : vector<16xi32>
        %shift_right_logical3A_426 = arith.constant 2 : i32
        %shift_right_logical3A_427 = vector.broadcast %shift_right_logical3A_426 : i32 to vector<16xi32>
        %shift_right_logical3A_428 = arith.shrui %add3A_425, %shift_right_logical3A_427 : vector<16xi32>
        %and3A_429 = arith.constant 3 : i32
        %and3A_430 = vector.broadcast %and3A_429 : i32 to vector<16xi32>
        %and3A_431 = arith.andi %add3A_425, %and3A_430 : vector<16xi32>
        %shift_left3A_432 = arith.constant 5 : i32
        %shift_left3A_433 = vector.broadcast %shift_left3A_432 : i32 to vector<16xi32>
        %shift_left3A_434 = arith.shli %and3A_431, %shift_left3A_433 : vector<16xi32>
        %add3A_435 = arith.addi %shift_left3A_434, %add3A_331 : vector<16xi32>
        tpu.vector_store_idx %arg7[%shift_right_logical3A_428, %add3A_435], %gather3A_423 : memref<16x128xf32, #tpu.memory_space<vmem>>[vector<16xi32>, vector<16xi32>], vector<16xf32>,
        %add3A_436 = arith.constant 5 : i32
        %add3A_437 = vector.broadcast %add3A_436 : i32 to vector<16xi32>
        %add3A_438 = arith.addi %iota3A, %add3A_437 : vector<16xi32>
        %and3A_439 = arith.constant 15 : i32
        %and3A_440 = vector.broadcast %and3A_439 : i32 to vector<16xi32>
        %and3A_441 = arith.andi %add3A_438, %and3A_440 : vector<16xi32>
        %add3A_442 = vector.broadcast %mul3A_328 : i32 to vector<16xi32>
        %add3A_443 = arith.addi %add3A_442, %and3A_441 : vector<16xi32>
        %gather3A_444 = tpu.vector_load_idx %arg6[%add3A_331, %add3A_443] : memref<32x64xf32, #tpu.memory_space<vmem>>[vector<16xi32>, vector<16xi32>], vector<16xf32>,
        %add3A_445 = vector.broadcast %mul3A_328 : i32 to vector<16xi32>
        %add3A_446 = arith.addi %add3A_445, %and3A_441 : vector<16xi32>
        %shift_right_logical3A_447 = arith.constant 2 : i32
        %shift_right_logical3A_448 = vector.broadcast %shift_right_logical3A_447 : i32 to vector<16xi32>
        %shift_right_logical3A_449 = arith.shrui %add3A_446, %shift_right_logical3A_448 : vector<16xi32>
        %and3A_450 = arith.constant 3 : i32
        %and3A_451 = vector.broadcast %and3A_450 : i32 to vector<16xi32>
        %and3A_452 = arith.andi %add3A_446, %and3A_451 : vector<16xi32>
        %shift_left3A_453 = arith.constant 5 : i32
        %shift_left3A_454 = vector.broadcast %shift_left3A_453 : i32 to vector<16xi32>
        %shift_left3A_455 = arith.shli %and3A_452, %shift_left3A_454 : vector<16xi32>
        %add3A_456 = arith.addi %shift_left3A_455, %add3A_331 : vector<16xi32>
        tpu.vector_store_idx %arg7[%shift_right_logical3A_449, %add3A_456], %gather3A_444 : memref<16x128xf32, #tpu.memory_space<vmem>>[vector<16xi32>, vector<16xi32>], vector<16xf32>,
        %add3A_457 = arith.constant 6 : i32
        %add3A_458 = vector.broadcast %add3A_457 : i32 to vector<16xi32>
        %add3A_459 = arith.addi %iota3A, %add3A_458 : vector<16xi32>
        %and3A_460 = arith.constant 15 : i32
        %and3A_461 = vector.broadcast %and3A_460 : i32 to vector<16xi32>
        %and3A_462 = arith.andi %add3A_459, %and3A_461 : vector<16xi32>
        %add3A_463 = vector.broadcast %mul3A_328 : i32 to vector<16xi32>
        %add3A_464 = arith.addi %add3A_463, %and3A_462 : vector<16xi32>
        %gather3A_465 = tpu.vector_load_idx %arg6[%add3A_331, %add3A_464] : memref<32x64xf32, #tpu.memory_space<vmem>>[vector<16xi32>, vector<16xi32>], vector<16xf32>,
        %add3A_466 = vector.broadcast %mul3A_328 : i32 to vector<16xi32>
        %add3A_467 = arith.addi %add3A_466, %and3A_462 : vector<16xi32>
        %shift_right_logical3A_468 = arith.constant 2 : i32
        %shift_right_logical3A_469 = vector.broadcast %shift_right_logical3A_468 : i32 to vector<16xi32>
        %shift_right_logical3A_470 = arith.shrui %add3A_467, %shift_right_logical3A_469 : vector<16xi32>
        %and3A_471 = arith.constant 3 : i32
        %and3A_472 = vector.broadcast %and3A_471 : i32 to vector<16xi32>
        %and3A_473 = arith.andi %add3A_467, %and3A_472 : vector<16xi32>
        %shift_left3A_474 = arith.constant 5 : i32
        %shift_left3A_475 = vector.broadcast %shift_left3A_474 : i32 to vector<16xi32>
        %shift_left3A_476 = arith.shli %and3A_473, %shift_left3A_475 : vector<16xi32>
        %add3A_477 = arith.addi %shift_left3A_476, %add3A_331 : vector<16xi32>
        tpu.vector_store_idx %arg7[%shift_right_logical3A_470, %add3A_477], %gather3A_465 : memref<16x128xf32, #tpu.memory_space<vmem>>[vector<16xi32>, vector<16xi32>], vector<16xf32>,
        %add3A_478 = arith.constant 7 : i32
        %add3A_479 = vector.broadcast %add3A_478 : i32 to vector<16xi32>
        %add3A_480 = arith.addi %iota3A, %add3A_479 : vector<16xi32>
        %and3A_481 = arith.constant 15 : i32
        %and3A_482 = vector.broadcast %and3A_481 : i32 to vector<16xi32>
        %and3A_483 = arith.andi %add3A_480, %and3A_482 : vector<16xi32>
        %add3A_484 = vector.broadcast %mul3A_328 : i32 to vector<16xi32>
        %add3A_485 = arith.addi %add3A_484, %and3A_483 : vector<16xi32>
        %gather3A_486 = tpu.vector_load_idx %arg6[%add3A_331, %add3A_485] : memref<32x64xf32, #tpu.memory_space<vmem>>[vector<16xi32>, vector<16xi32>], vector<16xf32>,
        %add3A_487 = vector.broadcast %mul3A_328 : i32 to vector<16xi32>
        %add3A_488 = arith.addi %add3A_487, %and3A_483 : vector<16xi32>
        %shift_right_logical3A_489 = arith.constant 2 : i32
        %shift_right_logical3A_490 = vector.broadcast %shift_right_logical3A_489 : i32 to vector<16xi32>
        %shift_right_logical3A_491 = arith.shrui %add3A_488, %shift_right_logical3A_490 : vector<16xi32>
        %and3A_492 = arith.constant 3 : i32
        %and3A_493 = vector.broadcast %and3A_492 : i32 to vector<16xi32>
        %and3A_494 = arith.andi %add3A_488, %and3A_493 : vector<16xi32>
        %shift_left3A_495 = arith.constant 5 : i32
        %shift_left3A_496 = vector.broadcast %shift_left3A_495 : i32 to vector<16xi32>
        %shift_left3A_497 = arith.shli %and3A_494, %shift_left3A_496 : vector<16xi32>
        %add3A_498 = arith.addi %shift_left3A_497, %add3A_331 : vector<16xi32>
        tpu.vector_store_idx %arg7[%shift_right_logical3A_491, %add3A_498], %gather3A_486 : memref<16x128xf32, #tpu.memory_space<vmem>>[vector<16xi32>, vector<16xi32>], vector<16xf32>,
        %add3A_499 = arith.constant 8 : i32
        %add3A_500 = vector.broadcast %add3A_499 : i32 to vector<16xi32>
        %add3A_501 = arith.addi %iota3A, %add3A_500 : vector<16xi32>
        %and3A_502 = arith.constant 15 : i32
        %and3A_503 = vector.broadcast %and3A_502 : i32 to vector<16xi32>
        %and3A_504 = arith.andi %add3A_501, %and3A_503 : vector<16xi32>
        %add3A_505 = vector.broadcast %mul3A_328 : i32 to vector<16xi32>
        %add3A_506 = arith.addi %add3A_505, %and3A_504 : vector<16xi32>
        %gather3A_507 = tpu.vector_load_idx %arg6[%add3A_331, %add3A_506] : memref<32x64xf32, #tpu.memory_space<vmem>>[vector<16xi32>, vector<16xi32>], vector<16xf32>,
        %add3A_508 = vector.broadcast %mul3A_328 : i32 to vector<16xi32>
        %add3A_509 = arith.addi %add3A_508, %and3A_504 : vector<16xi32>
        %shift_right_logical3A_510 = arith.constant 2 : i32
        %shift_right_logical3A_511 = vector.broadcast %shift_right_logical3A_510 : i32 to vector<16xi32>
        %shift_right_logical3A_512 = arith.shrui %add3A_509, %shift_right_logical3A_511 : vector<16xi32>
        %and3A_513 = arith.constant 3 : i32
        %and3A_514 = vector.broadcast %and3A_513 : i32 to vector<16xi32>
        %and3A_515 = arith.andi %add3A_509, %and3A_514 : vector<16xi32>
        %shift_left3A_516 = arith.constant 5 : i32
        %shift_left3A_517 = vector.broadcast %shift_left3A_516 : i32 to vector<16xi32>
        %shift_left3A_518 = arith.shli %and3A_515, %shift_left3A_517 : vector<16xi32>
        %add3A_519 = arith.addi %shift_left3A_518, %add3A_331 : vector<16xi32>
        tpu.vector_store_idx %arg7[%shift_right_logical3A_512, %add3A_519], %gather3A_507 : memref<16x128xf32, #tpu.memory_space<vmem>>[vector<16xi32>, vector<16xi32>], vector<16xf32>,
        %add3A_520 = arith.constant 9 : i32
        %add3A_521 = vector.broadcast %add3A_520 : i32 to vector<16xi32>
        %add3A_522 = arith.addi %iota3A, %add3A_521 : vector<16xi32>
        %and3A_523 = arith.constant 15 : i32
        %and3A_524 = vector.broadcast %and3A_523 : i32 to vector<16xi32>
        %and3A_525 = arith.andi %add3A_522, %and3A_524 : vector<16xi32>
        %add3A_526 = vector.broadcast %mul3A_328 : i32 to vector<16xi32>
        %add3A_527 = arith.addi %add3A_526, %and3A_525 : vector<16xi32>
        %gather3A_528 = tpu.vector_load_idx %arg6[%add3A_331, %add3A_527] : memref<32x64xf32, #tpu.memory_space<vmem>>[vector<16xi32>, vector<16xi32>], vector<16xf32>,
        %add3A_529 = vector.broadcast %mul3A_328 : i32 to vector<16xi32>
        %add3A_530 = arith.addi %add3A_529, %and3A_525 : vector<16xi32>
        %shift_right_logical3A_531 = arith.constant 2 : i32
        %shift_right_logical3A_532 = vector.broadcast %shift_right_logical3A_531 : i32 to vector<16xi32>
        %shift_right_logical3A_533 = arith.shrui %add3A_530, %shift_right_logical3A_532 : vector<16xi32>
        %and3A_534 = arith.constant 3 : i32
        %and3A_535 = vector.broadcast %and3A_534 : i32 to vector<16xi32>
        %and3A_536 = arith.andi %add3A_530, %and3A_535 : vector<16xi32>
        %shift_left3A_537 = arith.constant 5 : i32
        %shift_left3A_538 = vector.broadcast %shift_left3A_537 : i32 to vector<16xi32>
        %shift_left3A_539 = arith.shli %and3A_536, %shift_left3A_538 : vector<16xi32>
        %add3A_540 = arith.addi %shift_left3A_539, %add3A_331 : vector<16xi32>
        tpu.vector_store_idx %arg7[%shift_right_logical3A_533, %add3A_540], %gather3A_528 : memref<16x128xf32, #tpu.memory_space<vmem>>[vector<16xi32>, vector<16xi32>], vector<16xf32>,
        %add3A_541 = arith.constant 10 : i32
        %add3A_542 = vector.broadcast %add3A_541 : i32 to vector<16xi32>
        %add3A_543 = arith.addi %iota3A, %add3A_542 : vector<16xi32>
        %and3A_544 = arith.constant 15 : i32
        %and3A_545 = vector.broadcast %and3A_544 : i32 to vector<16xi32>
        %and3A_546 = arith.andi %add3A_543, %and3A_545 : vector<16xi32>
        %add3A_547 = vector.broadcast %mul3A_328 : i32 to vector<16xi32>
        %add3A_548 = arith.addi %add3A_547, %and3A_546 : vector<16xi32>
        %gather3A_549 = tpu.vector_load_idx %arg6[%add3A_331, %add3A_548] : memref<32x64xf32, #tpu.memory_space<vmem>>[vector<16xi32>, vector<16xi32>], vector<16xf32>,
        %add3A_550 = vector.broadcast %mul3A_328 : i32 to vector<16xi32>
        %add3A_551 = arith.addi %add3A_550, %and3A_546 : vector<16xi32>
        %shift_right_logical3A_552 = arith.constant 2 : i32
        %shift_right_logical3A_553 = vector.broadcast %shift_right_logical3A_552 : i32 to vector<16xi32>
        %shift_right_logical3A_554 = arith.shrui %add3A_551, %shift_right_logical3A_553 : vector<16xi32>
        %and3A_555 = arith.constant 3 : i32
        %and3A_556 = vector.broadcast %and3A_555 : i32 to vector<16xi32>
        %and3A_557 = arith.andi %add3A_551, %and3A_556 : vector<16xi32>
        %shift_left3A_558 = arith.constant 5 : i32
        %shift_left3A_559 = vector.broadcast %shift_left3A_558 : i32 to vector<16xi32>
        %shift_left3A_560 = arith.shli %and3A_557, %shift_left3A_559 : vector<16xi32>
        %add3A_561 = arith.addi %shift_left3A_560, %add3A_331 : vector<16xi32>
        tpu.vector_store_idx %arg7[%shift_right_logical3A_554, %add3A_561], %gather3A_549 : memref<16x128xf32, #tpu.memory_space<vmem>>[vector<16xi32>, vector<16xi32>], vector<16xf32>,
        %add3A_562 = arith.constant 11 : i32
        %add3A_563 = vector.broadcast %add3A_562 : i32 to vector<16xi32>
        %add3A_564 = arith.addi %iota3A, %add3A_563 : vector<16xi32>
        %and3A_565 = arith.constant 15 : i32
        %and3A_566 = vector.broadcast %and3A_565 : i32 to vector<16xi32>
        %and3A_567 = arith.andi %add3A_564, %and3A_566 : vector<16xi32>
        %add3A_568 = vector.broadcast %mul3A_328 : i32 to vector<16xi32>
        %add3A_569 = arith.addi %add3A_568, %and3A_567 : vector<16xi32>
        %gather3A_570 = tpu.vector_load_idx %arg6[%add3A_331, %add3A_569] : memref<32x64xf32, #tpu.memory_space<vmem>>[vector<16xi32>, vector<16xi32>], vector<16xf32>,
        %add3A_571 = vector.broadcast %mul3A_328 : i32 to vector<16xi32>
        %add3A_572 = arith.addi %add3A_571, %and3A_567 : vector<16xi32>
        %shift_right_logical3A_573 = arith.constant 2 : i32
        %shift_right_logical3A_574 = vector.broadcast %shift_right_logical3A_573 : i32 to vector<16xi32>
        %shift_right_logical3A_575 = arith.shrui %add3A_572, %shift_right_logical3A_574 : vector<16xi32>
        %and3A_576 = arith.constant 3 : i32
        %and3A_577 = vector.broadcast %and3A_576 : i32 to vector<16xi32>
        %and3A_578 = arith.andi %add3A_572, %and3A_577 : vector<16xi32>
        %shift_left3A_579 = arith.constant 5 : i32
        %shift_left3A_580 = vector.broadcast %shift_left3A_579 : i32 to vector<16xi32>
        %shift_left3A_581 = arith.shli %and3A_578, %shift_left3A_580 : vector<16xi32>
        %add3A_582 = arith.addi %shift_left3A_581, %add3A_331 : vector<16xi32>
        tpu.vector_store_idx %arg7[%shift_right_logical3A_575, %add3A_582], %gather3A_570 : memref<16x128xf32, #tpu.memory_space<vmem>>[vector<16xi32>, vector<16xi32>], vector<16xf32>,
        %add3A_583 = arith.constant 12 : i32
        %add3A_584 = vector.broadcast %add3A_583 : i32 to vector<16xi32>
        %add3A_585 = arith.addi %iota3A, %add3A_584 : vector<16xi32>
        %and3A_586 = arith.constant 15 : i32
        %and3A_587 = vector.broadcast %and3A_586 : i32 to vector<16xi32>
        %and3A_588 = arith.andi %add3A_585, %and3A_587 : vector<16xi32>
        %add3A_589 = vector.broadcast %mul3A_328 : i32 to vector<16xi32>
        %add3A_590 = arith.addi %add3A_589, %and3A_588 : vector<16xi32>
        %gather3A_591 = tpu.vector_load_idx %arg6[%add3A_331, %add3A_590] : memref<32x64xf32, #tpu.memory_space<vmem>>[vector<16xi32>, vector<16xi32>], vector<16xf32>,
        %add3A_592 = vector.broadcast %mul3A_328 : i32 to vector<16xi32>
        %add3A_593 = arith.addi %add3A_592, %and3A_588 : vector<16xi32>
        %shift_right_logical3A_594 = arith.constant 2 : i32
        %shift_right_logical3A_595 = vector.broadcast %shift_right_logical3A_594 : i32 to vector<16xi32>
        %shift_right_logical3A_596 = arith.shrui %add3A_593, %shift_right_logical3A_595 : vector<16xi32>
        %and3A_597 = arith.constant 3 : i32
        %and3A_598 = vector.broadcast %and3A_597 : i32 to vector<16xi32>
        %and3A_599 = arith.andi %add3A_593, %and3A_598 : vector<16xi32>
        %shift_left3A_600 = arith.constant 5 : i32
        %shift_left3A_601 = vector.broadcast %shift_left3A_600 : i32 to vector<16xi32>
        %shift_left3A_602 = arith.shli %and3A_599, %shift_left3A_601 : vector<16xi32>
        %add3A_603 = arith.addi %shift_left3A_602, %add3A_331 : vector<16xi32>
        tpu.vector_store_idx %arg7[%shift_right_logical3A_596, %add3A_603], %gather3A_591 : memref<16x128xf32, #tpu.memory_space<vmem>>[vector<16xi32>, vector<16xi32>], vector<16xf32>,
        %add3A_604 = arith.constant 13 : i32
        %add3A_605 = vector.broadcast %add3A_604 : i32 to vector<16xi32>
        %add3A_606 = arith.addi %iota3A, %add3A_605 : vector<16xi32>
        %and3A_607 = arith.constant 15 : i32
        %and3A_608 = vector.broadcast %and3A_607 : i32 to vector<16xi32>
        %and3A_609 = arith.andi %add3A_606, %and3A_608 : vector<16xi32>
        %add3A_610 = vector.broadcast %mul3A_328 : i32 to vector<16xi32>
        %add3A_611 = arith.addi %add3A_610, %and3A_609 : vector<16xi32>
        %gather3A_612 = tpu.vector_load_idx %arg6[%add3A_331, %add3A_611] : memref<32x64xf32, #tpu.memory_space<vmem>>[vector<16xi32>, vector<16xi32>], vector<16xf32>,
        %add3A_613 = vector.broadcast %mul3A_328 : i32 to vector<16xi32>
        %add3A_614 = arith.addi %add3A_613, %and3A_609 : vector<16xi32>
        %shift_right_logical3A_615 = arith.constant 2 : i32
        %shift_right_logical3A_616 = vector.broadcast %shift_right_logical3A_615 : i32 to vector<16xi32>
        %shift_right_logical3A_617 = arith.shrui %add3A_614, %shift_right_logical3A_616 : vector<16xi32>
        %and3A_618 = arith.constant 3 : i32
        %and3A_619 = vector.broadcast %and3A_618 : i32 to vector<16xi32>
        %and3A_620 = arith.andi %add3A_614, %and3A_619 : vector<16xi32>
        %shift_left3A_621 = arith.constant 5 : i32
        %shift_left3A_622 = vector.broadcast %shift_left3A_621 : i32 to vector<16xi32>
        %shift_left3A_623 = arith.shli %and3A_620, %shift_left3A_622 : vector<16xi32>
        %add3A_624 = arith.addi %shift_left3A_623, %add3A_331 : vector<16xi32>
        tpu.vector_store_idx %arg7[%shift_right_logical3A_617, %add3A_624], %gather3A_612 : memref<16x128xf32, #tpu.memory_space<vmem>>[vector<16xi32>, vector<16xi32>], vector<16xf32>,
        %add3A_625 = arith.constant 14 : i32
        %add3A_626 = vector.broadcast %add3A_625 : i32 to vector<16xi32>
        %add3A_627 = arith.addi %iota3A, %add3A_626 : vector<16xi32>
        %and3A_628 = arith.constant 15 : i32
        %and3A_629 = vector.broadcast %and3A_628 : i32 to vector<16xi32>
        %and3A_630 = arith.andi %add3A_627, %and3A_629 : vector<16xi32>
        %add3A_631 = vector.broadcast %mul3A_328 : i32 to vector<16xi32>
        %add3A_632 = arith.addi %add3A_631, %and3A_630 : vector<16xi32>
        %gather3A_633 = tpu.vector_load_idx %arg6[%add3A_331, %add3A_632] : memref<32x64xf32, #tpu.memory_space<vmem>>[vector<16xi32>, vector<16xi32>], vector<16xf32>,
        %add3A_634 = vector.broadcast %mul3A_328 : i32 to vector<16xi32>
        %add3A_635 = arith.addi %add3A_634, %and3A_630 : vector<16xi32>
        %shift_right_logical3A_636 = arith.constant 2 : i32
        %shift_right_logical3A_637 = vector.broadcast %shift_right_logical3A_636 : i32 to vector<16xi32>
        %shift_right_logical3A_638 = arith.shrui %add3A_635, %shift_right_logical3A_637 : vector<16xi32>
        %and3A_639 = arith.constant 3 : i32
        %and3A_640 = vector.broadcast %and3A_639 : i32 to vector<16xi32>
        %and3A_641 = arith.andi %add3A_635, %and3A_640 : vector<16xi32>
        %shift_left3A_642 = arith.constant 5 : i32
        %shift_left3A_643 = vector.broadcast %shift_left3A_642 : i32 to vector<16xi32>
        %shift_left3A_644 = arith.shli %and3A_641, %shift_left3A_643 : vector<16xi32>
        %add3A_645 = arith.addi %shift_left3A_644, %add3A_331 : vector<16xi32>
        tpu.vector_store_idx %arg7[%shift_right_logical3A_638, %add3A_645], %gather3A_633 : memref<16x128xf32, #tpu.memory_space<vmem>>[vector<16xi32>, vector<16xi32>], vector<16xf32>,
        %add3A_646 = arith.constant 15 : i32
        %add3A_647 = vector.broadcast %add3A_646 : i32 to vector<16xi32>
        %add3A_648 = arith.addi %iota3A, %add3A_647 : vector<16xi32>
        %and3A_649 = arith.constant 15 : i32
        %and3A_650 = vector.broadcast %and3A_649 : i32 to vector<16xi32>
        %and3A_651 = arith.andi %add3A_648, %and3A_650 : vector<16xi32>
        %add3A_652 = vector.broadcast %mul3A_328 : i32 to vector<16xi32>
        %add3A_653 = arith.addi %add3A_652, %and3A_651 : vector<16xi32>
        %gather3A_654 = tpu.vector_load_idx %arg6[%add3A_331, %add3A_653] : memref<32x64xf32, #tpu.memory_space<vmem>>[vector<16xi32>, vector<16xi32>], vector<16xf32>,
        %add3A_655 = vector.broadcast %mul3A_328 : i32 to vector<16xi32>
        %add3A_656 = arith.addi %add3A_655, %and3A_651 : vector<16xi32>
        %shift_right_logical3A_657 = arith.constant 2 : i32
        %shift_right_logical3A_658 = vector.broadcast %shift_right_logical3A_657 : i32 to vector<16xi32>
        %shift_right_logical3A_659 = arith.shrui %add3A_656, %shift_right_logical3A_658 : vector<16xi32>
        %and3A_660 = arith.constant 3 : i32
        %and3A_661 = vector.broadcast %and3A_660 : i32 to vector<16xi32>
        %and3A_662 = arith.andi %add3A_656, %and3A_661 : vector<16xi32>
        %shift_left3A_663 = arith.constant 5 : i32
        %shift_left3A_664 = vector.broadcast %shift_left3A_663 : i32 to vector<16xi32>
        %shift_left3A_665 = arith.shli %and3A_662, %shift_left3A_664 : vector<16xi32>
        %add3A_666 = arith.addi %shift_left3A_665, %add3A_331 : vector<16xi32>
        tpu.vector_store_idx %arg7[%shift_right_logical3A_659, %add3A_666], %gather3A_654 : memref<16x128xf32, #tpu.memory_space<vmem>>[vector<16xi32>, vector<16xi32>], vector<16xf32>,
        %add3A_667 = arith.constant 16 : i32
        %add3A_668 = vector.broadcast %add3A_667 : i32 to vector<16xi32>
        %add3A_669 = arith.addi %iota3A, %add3A_668 : vector<16xi32>
        %add3A_670 = arith.constant 0 : i32
        %add3A_671 = vector.broadcast %add3A_670 : i32 to vector<16xi32>
        %add3A_672 = arith.addi %iota3A, %add3A_671 : vector<16xi32>
        %and3A_673 = arith.constant 15 : i32
        %and3A_674 = vector.broadcast %and3A_673 : i32 to vector<16xi32>
        %and3A_675 = arith.andi %add3A_672, %and3A_674 : vector<16xi32>
        %add3A_676 = vector.broadcast %mul3A_328 : i32 to vector<16xi32>
        %add3A_677 = arith.addi %add3A_676, %and3A_675 : vector<16xi32>
        %gather3A_678 = tpu.vector_load_idx %arg6[%add3A_669, %add3A_677] : memref<32x64xf32, #tpu.memory_space<vmem>>[vector<16xi32>, vector<16xi32>], vector<16xf32>,
        %add3A_679 = vector.broadcast %mul3A_328 : i32 to vector<16xi32>
        %add3A_680 = arith.addi %add3A_679, %and3A_675 : vector<16xi32>
        %shift_right_logical3A_681 = arith.constant 2 : i32
        %shift_right_logical3A_682 = vector.broadcast %shift_right_logical3A_681 : i32 to vector<16xi32>
        %shift_right_logical3A_683 = arith.shrui %add3A_680, %shift_right_logical3A_682 : vector<16xi32>
        %and3A_684 = arith.constant 3 : i32
        %and3A_685 = vector.broadcast %and3A_684 : i32 to vector<16xi32>
        %and3A_686 = arith.andi %add3A_680, %and3A_685 : vector<16xi32>
        %shift_left3A_687 = arith.constant 5 : i32
        %shift_left3A_688 = vector.broadcast %shift_left3A_687 : i32 to vector<16xi32>
        %shift_left3A_689 = arith.shli %and3A_686, %shift_left3A_688 : vector<16xi32>
        %add3A_690 = arith.addi %shift_left3A_689, %add3A_669 : vector<16xi32>
        tpu.vector_store_idx %arg7[%shift_right_logical3A_683, %add3A_690], %gather3A_678 : memref<16x128xf32, #tpu.memory_space<vmem>>[vector<16xi32>, vector<16xi32>], vector<16xf32>,
        %add3A_691 = arith.constant 1 : i32
        %add3A_692 = vector.broadcast %add3A_691 : i32 to vector<16xi32>
        %add3A_693 = arith.addi %iota3A, %add3A_692 : vector<16xi32>
        %and3A_694 = arith.constant 15 : i32
        %and3A_695 = vector.broadcast %and3A_694 : i32 to vector<16xi32>
        %and3A_696 = arith.andi %add3A_693, %and3A_695 : vector<16xi32>
        %add3A_697 = vector.broadcast %mul3A_328 : i32 to vector<16xi32>
        %add3A_698 = arith.addi %add3A_697, %and3A_696 : vector<16xi32>
        %gather3A_699 = tpu.vector_load_idx %arg6[%add3A_669, %add3A_698] : memref<32x64xf32, #tpu.memory_space<vmem>>[vector<16xi32>, vector<16xi32>], vector<16xf32>,
        %add3A_700 = vector.broadcast %mul3A_328 : i32 to vector<16xi32>
        %add3A_701 = arith.addi %add3A_700, %and3A_696 : vector<16xi32>
        %shift_right_logical3A_702 = arith.constant 2 : i32
        %shift_right_logical3A_703 = vector.broadcast %shift_right_logical3A_702 : i32 to vector<16xi32>
        %shift_right_logical3A_704 = arith.shrui %add3A_701, %shift_right_logical3A_703 : vector<16xi32>
        %and3A_705 = arith.constant 3 : i32
        %and3A_706 = vector.broadcast %and3A_705 : i32 to vector<16xi32>
        %and3A_707 = arith.andi %add3A_701, %and3A_706 : vector<16xi32>
        %shift_left3A_708 = arith.constant 5 : i32
        %shift_left3A_709 = vector.broadcast %shift_left3A_708 : i32 to vector<16xi32>
        %shift_left3A_710 = arith.shli %and3A_707, %shift_left3A_709 : vector<16xi32>
        %add3A_711 = arith.addi %shift_left3A_710, %add3A_669 : vector<16xi32>
        tpu.vector_store_idx %arg7[%shift_right_logical3A_704, %add3A_711], %gather3A_699 : memref<16x128xf32, #tpu.memory_space<vmem>>[vector<16xi32>, vector<16xi32>], vector<16xf32>,
        %add3A_712 = arith.constant 2 : i32
        %add3A_713 = vector.broadcast %add3A_712 : i32 to vector<16xi32>
        %add3A_714 = arith.addi %iota3A, %add3A_713 : vector<16xi32>
        %and3A_715 = arith.constant 15 : i32
        %and3A_716 = vector.broadcast %and3A_715 : i32 to vector<16xi32>
        %and3A_717 = arith.andi %add3A_714, %and3A_716 : vector<16xi32>
        %add3A_718 = vector.broadcast %mul3A_328 : i32 to vector<16xi32>
        %add3A_719 = arith.addi %add3A_718, %and3A_717 : vector<16xi32>
        %gather3A_720 = tpu.vector_load_idx %arg6[%add3A_669, %add3A_719] : memref<32x64xf32, #tpu.memory_space<vmem>>[vector<16xi32>, vector<16xi32>], vector<16xf32>,
        %add3A_721 = vector.broadcast %mul3A_328 : i32 to vector<16xi32>
        %add3A_722 = arith.addi %add3A_721, %and3A_717 : vector<16xi32>
        %shift_right_logical3A_723 = arith.constant 2 : i32
        %shift_right_logical3A_724 = vector.broadcast %shift_right_logical3A_723 : i32 to vector<16xi32>
        %shift_right_logical3A_725 = arith.shrui %add3A_722, %shift_right_logical3A_724 : vector<16xi32>
        %and3A_726 = arith.constant 3 : i32
        %and3A_727 = vector.broadcast %and3A_726 : i32 to vector<16xi32>
        %and3A_728 = arith.andi %add3A_722, %and3A_727 : vector<16xi32>
        %shift_left3A_729 = arith.constant 5 : i32
        %shift_left3A_730 = vector.broadcast %shift_left3A_729 : i32 to vector<16xi32>
        %shift_left3A_731 = arith.shli %and3A_728, %shift_left3A_730 : vector<16xi32>
        %add3A_732 = arith.addi %shift_left3A_731, %add3A_669 : vector<16xi32>
        tpu.vector_store_idx %arg7[%shift_right_logical3A_725, %add3A_732], %gather3A_720 : memref<16x128xf32, #tpu.memory_space<vmem>>[vector<16xi32>, vector<16xi32>], vector<16xf32>,
        %add3A_733 = arith.constant 3 : i32
        %add3A_734 = vector.broadcast %add3A_733 : i32 to vector<16xi32>
        %add3A_735 = arith.addi %iota3A, %add3A_734 : vector<16xi32>
        %and3A_736 = arith.constant 15 : i32
        %and3A_737 = vector.broadcast %and3A_736 : i32 to vector<16xi32>
        %and3A_738 = arith.andi %add3A_735, %and3A_737 : vector<16xi32>
        %add3A_739 = vector.broadcast %mul3A_328 : i32 to vector<16xi32>
        %add3A_740 = arith.addi %add3A_739, %and3A_738 : vector<16xi32>
        %gather3A_741 = tpu.vector_load_idx %arg6[%add3A_669, %add3A_740] : memref<32x64xf32, #tpu.memory_space<vmem>>[vector<16xi32>, vector<16xi32>], vector<16xf32>,
        %add3A_742 = vector.broadcast %mul3A_328 : i32 to vector<16xi32>
        %add3A_743 = arith.addi %add3A_742, %and3A_738 : vector<16xi32>
        %shift_right_logical3A_744 = arith.constant 2 : i32
        %shift_right_logical3A_745 = vector.broadcast %shift_right_logical3A_744 : i32 to vector<16xi32>
        %shift_right_logical3A_746 = arith.shrui %add3A_743, %shift_right_logical3A_745 : vector<16xi32>
        %and3A_747 = arith.constant 3 : i32
        %and3A_748 = vector.broadcast %and3A_747 : i32 to vector<16xi32>
        %and3A_749 = arith.andi %add3A_743, %and3A_748 : vector<16xi32>
        %shift_left3A_750 = arith.constant 5 : i32
        %shift_left3A_751 = vector.broadcast %shift_left3A_750 : i32 to vector<16xi32>
        %shift_left3A_752 = arith.shli %and3A_749, %shift_left3A_751 : vector<16xi32>
        %add3A_753 = arith.addi %shift_left3A_752, %add3A_669 : vector<16xi32>
        tpu.vector_store_idx %arg7[%shift_right_logical3A_746, %add3A_753], %gather3A_741 : memref<16x128xf32, #tpu.memory_space<vmem>>[vector<16xi32>, vector<16xi32>], vector<16xf32>,
        %add3A_754 = arith.constant 4 : i32
        %add3A_755 = vector.broadcast %add3A_754 : i32 to vector<16xi32>
        %add3A_756 = arith.addi %iota3A, %add3A_755 : vector<16xi32>
        %and3A_757 = arith.constant 15 : i32
        %and3A_758 = vector.broadcast %and3A_757 : i32 to vector<16xi32>
        %and3A_759 = arith.andi %add3A_756, %and3A_758 : vector<16xi32>
        %add3A_760 = vector.broadcast %mul3A_328 : i32 to vector<16xi32>
        %add3A_761 = arith.addi %add3A_760, %and3A_759 : vector<16xi32>
        %gather3A_762 = tpu.vector_load_idx %arg6[%add3A_669, %add3A_761] : memref<32x64xf32, #tpu.memory_space<vmem>>[vector<16xi32>, vector<16xi32>], vector<16xf32>,
        %add3A_763 = vector.broadcast %mul3A_328 : i32 to vector<16xi32>
        %add3A_764 = arith.addi %add3A_763, %and3A_759 : vector<16xi32>
        %shift_right_logical3A_765 = arith.constant 2 : i32
        %shift_right_logical3A_766 = vector.broadcast %shift_right_logical3A_765 : i32 to vector<16xi32>
        %shift_right_logical3A_767 = arith.shrui %add3A_764, %shift_right_logical3A_766 : vector<16xi32>
        %and3A_768 = arith.constant 3 : i32
        %and3A_769 = vector.broadcast %and3A_768 : i32 to vector<16xi32>
        %and3A_770 = arith.andi %add3A_764, %and3A_769 : vector<16xi32>
        %shift_left3A_771 = arith.constant 5 : i32
        %shift_left3A_772 = vector.broadcast %shift_left3A_771 : i32 to vector<16xi32>
        %shift_left3A_773 = arith.shli %and3A_770, %shift_left3A_772 : vector<16xi32>
        %add3A_774 = arith.addi %shift_left3A_773, %add3A_669 : vector<16xi32>
        tpu.vector_store_idx %arg7[%shift_right_logical3A_767, %add3A_774], %gather3A_762 : memref<16x128xf32, #tpu.memory_space<vmem>>[vector<16xi32>, vector<16xi32>], vector<16xf32>,
        %add3A_775 = arith.constant 5 : i32
        %add3A_776 = vector.broadcast %add3A_775 : i32 to vector<16xi32>
        %add3A_777 = arith.addi %iota3A, %add3A_776 : vector<16xi32>
        %and3A_778 = arith.constant 15 : i32
        %and3A_779 = vector.broadcast %and3A_778 : i32 to vector<16xi32>
        %and3A_780 = arith.andi %add3A_777, %and3A_779 : vector<16xi32>
        %add3A_781 = vector.broadcast %mul3A_328 : i32 to vector<16xi32>
        %add3A_782 = arith.addi %add3A_781, %and3A_780 : vector<16xi32>
        %gather3A_783 = tpu.vector_load_idx %arg6[%add3A_669, %add3A_782] : memref<32x64xf32, #tpu.memory_space<vmem>>[vector<16xi32>, vector<16xi32>], vector<16xf32>,
        %add3A_784 = vector.broadcast %mul3A_328 : i32 to vector<16xi32>
        %add3A_785 = arith.addi %add3A_784, %and3A_780 : vector<16xi32>
        %shift_right_logical3A_786 = arith.constant 2 : i32
        %shift_right_logical3A_787 = vector.broadcast %shift_right_logical3A_786 : i32 to vector<16xi32>
        %shift_right_logical3A_788 = arith.shrui %add3A_785, %shift_right_logical3A_787 : vector<16xi32>
        %and3A_789 = arith.constant 3 : i32
        %and3A_790 = vector.broadcast %and3A_789 : i32 to vector<16xi32>
        %and3A_791 = arith.andi %add3A_785, %and3A_790 : vector<16xi32>
        %shift_left3A_792 = arith.constant 5 : i32
        %shift_left3A_793 = vector.broadcast %shift_left3A_792 : i32 to vector<16xi32>
        %shift_left3A_794 = arith.shli %and3A_791, %shift_left3A_793 : vector<16xi32>
        %add3A_795 = arith.addi %shift_left3A_794, %add3A_669 : vector<16xi32>
        tpu.vector_store_idx %arg7[%shift_right_logical3A_788, %add3A_795], %gather3A_783 : memref<16x128xf32, #tpu.memory_space<vmem>>[vector<16xi32>, vector<16xi32>], vector<16xf32>,
        %add3A_796 = arith.constant 6 : i32
        %add3A_797 = vector.broadcast %add3A_796 : i32 to vector<16xi32>
        %add3A_798 = arith.addi %iota3A, %add3A_797 : vector<16xi32>
        %and3A_799 = arith.constant 15 : i32
        %and3A_800 = vector.broadcast %and3A_799 : i32 to vector<16xi32>
        %and3A_801 = arith.andi %add3A_798, %and3A_800 : vector<16xi32>
        %add3A_802 = vector.broadcast %mul3A_328 : i32 to vector<16xi32>
        %add3A_803 = arith.addi %add3A_802, %and3A_801 : vector<16xi32>
        %gather3A_804 = tpu.vector_load_idx %arg6[%add3A_669, %add3A_803] : memref<32x64xf32, #tpu.memory_space<vmem>>[vector<16xi32>, vector<16xi32>], vector<16xf32>,
        %add3A_805 = vector.broadcast %mul3A_328 : i32 to vector<16xi32>
        %add3A_806 = arith.addi %add3A_805, %and3A_801 : vector<16xi32>
        %shift_right_logical3A_807 = arith.constant 2 : i32
        %shift_right_logical3A_808 = vector.broadcast %shift_right_logical3A_807 : i32 to vector<16xi32>
        %shift_right_logical3A_809 = arith.shrui %add3A_806, %shift_right_logical3A_808 : vector<16xi32>
        %and3A_810 = arith.constant 3 : i32
        %and3A_811 = vector.broadcast %and3A_810 : i32 to vector<16xi32>
        %and3A_812 = arith.andi %add3A_806, %and3A_811 : vector<16xi32>
        %shift_left3A_813 = arith.constant 5 : i32
        %shift_left3A_814 = vector.broadcast %shift_left3A_813 : i32 to vector<16xi32>
        %shift_left3A_815 = arith.shli %and3A_812, %shift_left3A_814 : vector<16xi32>
        %add3A_816 = arith.addi %shift_left3A_815, %add3A_669 : vector<16xi32>
        tpu.vector_store_idx %arg7[%shift_right_logical3A_809, %add3A_816], %gather3A_804 : memref<16x128xf32, #tpu.memory_space<vmem>>[vector<16xi32>, vector<16xi32>], vector<16xf32>,
        %add3A_817 = arith.constant 7 : i32
        %add3A_818 = vector.broadcast %add3A_817 : i32 to vector<16xi32>
        %add3A_819 = arith.addi %iota3A, %add3A_818 : vector<16xi32>
        %and3A_820 = arith.constant 15 : i32
        %and3A_821 = vector.broadcast %and3A_820 : i32 to vector<16xi32>
        %and3A_822 = arith.andi %add3A_819, %and3A_821 : vector<16xi32>
        %add3A_823 = vector.broadcast %mul3A_328 : i32 to vector<16xi32>
        %add3A_824 = arith.addi %add3A_823, %and3A_822 : vector<16xi32>
        %gather3A_825 = tpu.vector_load_idx %arg6[%add3A_669, %add3A_824] : memref<32x64xf32, #tpu.memory_space<vmem>>[vector<16xi32>, vector<16xi32>], vector<16xf32>,
        %add3A_826 = vector.broadcast %mul3A_328 : i32 to vector<16xi32>
        %add3A_827 = arith.addi %add3A_826, %and3A_822 : vector<16xi32>
        %shift_right_logical3A_828 = arith.constant 2 : i32
        %shift_right_logical3A_829 = vector.broadcast %shift_right_logical3A_828 : i32 to vector<16xi32>
        %shift_right_logical3A_830 = arith.shrui %add3A_827, %shift_right_logical3A_829 : vector<16xi32>
        %and3A_831 = arith.constant 3 : i32
        %and3A_832 = vector.broadcast %and3A_831 : i32 to vector<16xi32>
        %and3A_833 = arith.andi %add3A_827, %and3A_832 : vector<16xi32>
        %shift_left3A_834 = arith.constant 5 : i32
        %shift_left3A_835 = vector.broadcast %shift_left3A_834 : i32 to vector<16xi32>
        %shift_left3A_836 = arith.shli %and3A_833, %shift_left3A_835 : vector<16xi32>
        %add3A_837 = arith.addi %shift_left3A_836, %add3A_669 : vector<16xi32>
        tpu.vector_store_idx %arg7[%shift_right_logical3A_830, %add3A_837], %gather3A_825 : memref<16x128xf32, #tpu.memory_space<vmem>>[vector<16xi32>, vector<16xi32>], vector<16xf32>,
        %add3A_838 = arith.constant 8 : i32
        %add3A_839 = vector.broadcast %add3A_838 : i32 to vector<16xi32>
        %add3A_840 = arith.addi %iota3A, %add3A_839 : vector<16xi32>
        %and3A_841 = arith.constant 15 : i32
        %and3A_842 = vector.broadcast %and3A_841 : i32 to vector<16xi32>
        %and3A_843 = arith.andi %add3A_840, %and3A_842 : vector<16xi32>
        %add3A_844 = vector.broadcast %mul3A_328 : i32 to vector<16xi32>
        %add3A_845 = arith.addi %add3A_844, %and3A_843 : vector<16xi32>
        %gather3A_846 = tpu.vector_load_idx %arg6[%add3A_669, %add3A_845] : memref<32x64xf32, #tpu.memory_space<vmem>>[vector<16xi32>, vector<16xi32>], vector<16xf32>,
        %add3A_847 = vector.broadcast %mul3A_328 : i32 to vector<16xi32>
        %add3A_848 = arith.addi %add3A_847, %and3A_843 : vector<16xi32>
        %shift_right_logical3A_849 = arith.constant 2 : i32
        %shift_right_logical3A_850 = vector.broadcast %shift_right_logical3A_849 : i32 to vector<16xi32>
        %shift_right_logical3A_851 = arith.shrui %add3A_848, %shift_right_logical3A_850 : vector<16xi32>
        %and3A_852 = arith.constant 3 : i32
        %and3A_853 = vector.broadcast %and3A_852 : i32 to vector<16xi32>
        %and3A_854 = arith.andi %add3A_848, %and3A_853 : vector<16xi32>
        %shift_left3A_855 = arith.constant 5 : i32
        %shift_left3A_856 = vector.broadcast %shift_left3A_855 : i32 to vector<16xi32>
        %shift_left3A_857 = arith.shli %and3A_854, %shift_left3A_856 : vector<16xi32>
        %add3A_858 = arith.addi %shift_left3A_857, %add3A_669 : vector<16xi32>
        tpu.vector_store_idx %arg7[%shift_right_logical3A_851, %add3A_858], %gather3A_846 : memref<16x128xf32, #tpu.memory_space<vmem>>[vector<16xi32>, vector<16xi32>], vector<16xf32>,
        %add3A_859 = arith.constant 9 : i32
        %add3A_860 = vector.broadcast %add3A_859 : i32 to vector<16xi32>
        %add3A_861 = arith.addi %iota3A, %add3A_860 : vector<16xi32>
        %and3A_862 = arith.constant 15 : i32
        %and3A_863 = vector.broadcast %and3A_862 : i32 to vector<16xi32>
        %and3A_864 = arith.andi %add3A_861, %and3A_863 : vector<16xi32>
        %add3A_865 = vector.broadcast %mul3A_328 : i32 to vector<16xi32>
        %add3A_866 = arith.addi %add3A_865, %and3A_864 : vector<16xi32>
        %gather3A_867 = tpu.vector_load_idx %arg6[%add3A_669, %add3A_866] : memref<32x64xf32, #tpu.memory_space<vmem>>[vector<16xi32>, vector<16xi32>], vector<16xf32>,
        %add3A_868 = vector.broadcast %mul3A_328 : i32 to vector<16xi32>
        %add3A_869 = arith.addi %add3A_868, %and3A_864 : vector<16xi32>
        %shift_right_logical3A_870 = arith.constant 2 : i32
        %shift_right_logical3A_871 = vector.broadcast %shift_right_logical3A_870 : i32 to vector<16xi32>
        %shift_right_logical3A_872 = arith.shrui %add3A_869, %shift_right_logical3A_871 : vector<16xi32>
        %and3A_873 = arith.constant 3 : i32
        %and3A_874 = vector.broadcast %and3A_873 : i32 to vector<16xi32>
        %and3A_875 = arith.andi %add3A_869, %and3A_874 : vector<16xi32>
        %shift_left3A_876 = arith.constant 5 : i32
        %shift_left3A_877 = vector.broadcast %shift_left3A_876 : i32 to vector<16xi32>
        %shift_left3A_878 = arith.shli %and3A_875, %shift_left3A_877 : vector<16xi32>
        %add3A_879 = arith.addi %shift_left3A_878, %add3A_669 : vector<16xi32>
        tpu.vector_store_idx %arg7[%shift_right_logical3A_872, %add3A_879], %gather3A_867 : memref<16x128xf32, #tpu.memory_space<vmem>>[vector<16xi32>, vector<16xi32>], vector<16xf32>,
        %add3A_880 = arith.constant 10 : i32
        %add3A_881 = vector.broadcast %add3A_880 : i32 to vector<16xi32>
        %add3A_882 = arith.addi %iota3A, %add3A_881 : vector<16xi32>
        %and3A_883 = arith.constant 15 : i32
        %and3A_884 = vector.broadcast %and3A_883 : i32 to vector<16xi32>
        %and3A_885 = arith.andi %add3A_882, %and3A_884 : vector<16xi32>
        %add3A_886 = vector.broadcast %mul3A_328 : i32 to vector<16xi32>
        %add3A_887 = arith.addi %add3A_886, %and3A_885 : vector<16xi32>
        %gather3A_888 = tpu.vector_load_idx %arg6[%add3A_669, %add3A_887] : memref<32x64xf32, #tpu.memory_space<vmem>>[vector<16xi32>, vector<16xi32>], vector<16xf32>,
        %add3A_889 = vector.broadcast %mul3A_328 : i32 to vector<16xi32>
        %add3A_890 = arith.addi %add3A_889, %and3A_885 : vector<16xi32>
        %shift_right_logical3A_891 = arith.constant 2 : i32
        %shift_right_logical3A_892 = vector.broadcast %shift_right_logical3A_891 : i32 to vector<16xi32>
        %shift_right_logical3A_893 = arith.shrui %add3A_890, %shift_right_logical3A_892 : vector<16xi32>
        %and3A_894 = arith.constant 3 : i32
        %and3A_895 = vector.broadcast %and3A_894 : i32 to vector<16xi32>
        %and3A_896 = arith.andi %add3A_890, %and3A_895 : vector<16xi32>
        %shift_left3A_897 = arith.constant 5 : i32
        %shift_left3A_898 = vector.broadcast %shift_left3A_897 : i32 to vector<16xi32>
        %shift_left3A_899 = arith.shli %and3A_896, %shift_left3A_898 : vector<16xi32>
        %add3A_900 = arith.addi %shift_left3A_899, %add3A_669 : vector<16xi32>
        tpu.vector_store_idx %arg7[%shift_right_logical3A_893, %add3A_900], %gather3A_888 : memref<16x128xf32, #tpu.memory_space<vmem>>[vector<16xi32>, vector<16xi32>], vector<16xf32>,
        %add3A_901 = arith.constant 11 : i32
        %add3A_902 = vector.broadcast %add3A_901 : i32 to vector<16xi32>
        %add3A_903 = arith.addi %iota3A, %add3A_902 : vector<16xi32>
        %and3A_904 = arith.constant 15 : i32
        %and3A_905 = vector.broadcast %and3A_904 : i32 to vector<16xi32>
        %and3A_906 = arith.andi %add3A_903, %and3A_905 : vector<16xi32>
        %add3A_907 = vector.broadcast %mul3A_328 : i32 to vector<16xi32>
        %add3A_908 = arith.addi %add3A_907, %and3A_906 : vector<16xi32>
        %gather3A_909 = tpu.vector_load_idx %arg6[%add3A_669, %add3A_908] : memref<32x64xf32, #tpu.memory_space<vmem>>[vector<16xi32>, vector<16xi32>], vector<16xf32>,
        %add3A_910 = vector.broadcast %mul3A_328 : i32 to vector<16xi32>
        %add3A_911 = arith.addi %add3A_910, %and3A_906 : vector<16xi32>
        %shift_right_logical3A_912 = arith.constant 2 : i32
        %shift_right_logical3A_913 = vector.broadcast %shift_right_logical3A_912 : i32 to vector<16xi32>
        %shift_right_logical3A_914 = arith.shrui %add3A_911, %shift_right_logical3A_913 : vector<16xi32>
        %and3A_915 = arith.constant 3 : i32
        %and3A_916 = vector.broadcast %and3A_915 : i32 to vector<16xi32>
        %and3A_917 = arith.andi %add3A_911, %and3A_916 : vector<16xi32>
        %shift_left3A_918 = arith.constant 5 : i32
        %shift_left3A_919 = vector.broadcast %shift_left3A_918 : i32 to vector<16xi32>
        %shift_left3A_920 = arith.shli %and3A_917, %shift_left3A_919 : vector<16xi32>
        %add3A_921 = arith.addi %shift_left3A_920, %add3A_669 : vector<16xi32>
        tpu.vector_store_idx %arg7[%shift_right_logical3A_914, %add3A_921], %gather3A_909 : memref<16x128xf32, #tpu.memory_space<vmem>>[vector<16xi32>, vector<16xi32>], vector<16xf32>,
        %add3A_922 = arith.constant 12 : i32
        %add3A_923 = vector.broadcast %add3A_922 : i32 to vector<16xi32>
        %add3A_924 = arith.addi %iota3A, %add3A_923 : vector<16xi32>
        %and3A_925 = arith.constant 15 : i32
        %and3A_926 = vector.broadcast %and3A_925 : i32 to vector<16xi32>
        %and3A_927 = arith.andi %add3A_924, %and3A_926 : vector<16xi32>
        %add3A_928 = vector.broadcast %mul3A_328 : i32 to vector<16xi32>
        %add3A_929 = arith.addi %add3A_928, %and3A_927 : vector<16xi32>
        %gather3A_930 = tpu.vector_load_idx %arg6[%add3A_669, %add3A_929] : memref<32x64xf32, #tpu.memory_space<vmem>>[vector<16xi32>, vector<16xi32>], vector<16xf32>,
        %add3A_931 = vector.broadcast %mul3A_328 : i32 to vector<16xi32>
        %add3A_932 = arith.addi %add3A_931, %and3A_927 : vector<16xi32>
        %shift_right_logical3A_933 = arith.constant 2 : i32
        %shift_right_logical3A_934 = vector.broadcast %shift_right_logical3A_933 : i32 to vector<16xi32>
        %shift_right_logical3A_935 = arith.shrui %add3A_932, %shift_right_logical3A_934 : vector<16xi32>
        %and3A_936 = arith.constant 3 : i32
        %and3A_937 = vector.broadcast %and3A_936 : i32 to vector<16xi32>
        %and3A_938 = arith.andi %add3A_932, %and3A_937 : vector<16xi32>
        %shift_left3A_939 = arith.constant 5 : i32
        %shift_left3A_940 = vector.broadcast %shift_left3A_939 : i32 to vector<16xi32>
        %shift_left3A_941 = arith.shli %and3A_938, %shift_left3A_940 : vector<16xi32>
        %add3A_942 = arith.addi %shift_left3A_941, %add3A_669 : vector<16xi32>
        tpu.vector_store_idx %arg7[%shift_right_logical3A_935, %add3A_942], %gather3A_930 : memref<16x128xf32, #tpu.memory_space<vmem>>[vector<16xi32>, vector<16xi32>], vector<16xf32>,
        %add3A_943 = arith.constant 13 : i32
        %add3A_944 = vector.broadcast %add3A_943 : i32 to vector<16xi32>
        %add3A_945 = arith.addi %iota3A, %add3A_944 : vector<16xi32>
        %and3A_946 = arith.constant 15 : i32
        %and3A_947 = vector.broadcast %and3A_946 : i32 to vector<16xi32>
        %and3A_948 = arith.andi %add3A_945, %and3A_947 : vector<16xi32>
        %add3A_949 = vector.broadcast %mul3A_328 : i32 to vector<16xi32>
        %add3A_950 = arith.addi %add3A_949, %and3A_948 : vector<16xi32>
        %gather3A_951 = tpu.vector_load_idx %arg6[%add3A_669, %add3A_950] : memref<32x64xf32, #tpu.memory_space<vmem>>[vector<16xi32>, vector<16xi32>], vector<16xf32>,
        %add3A_952 = vector.broadcast %mul3A_328 : i32 to vector<16xi32>
        %add3A_953 = arith.addi %add3A_952, %and3A_948 : vector<16xi32>
        %shift_right_logical3A_954 = arith.constant 2 : i32
        %shift_right_logical3A_955 = vector.broadcast %shift_right_logical3A_954 : i32 to vector<16xi32>
        %shift_right_logical3A_956 = arith.shrui %add3A_953, %shift_right_logical3A_955 : vector<16xi32>
        %and3A_957 = arith.constant 3 : i32
        %and3A_958 = vector.broadcast %and3A_957 : i32 to vector<16xi32>
        %and3A_959 = arith.andi %add3A_953, %and3A_958 : vector<16xi32>
        %shift_left3A_960 = arith.constant 5 : i32
        %shift_left3A_961 = vector.broadcast %shift_left3A_960 : i32 to vector<16xi32>
        %shift_left3A_962 = arith.shli %and3A_959, %shift_left3A_961 : vector<16xi32>
        %add3A_963 = arith.addi %shift_left3A_962, %add3A_669 : vector<16xi32>
        tpu.vector_store_idx %arg7[%shift_right_logical3A_956, %add3A_963], %gather3A_951 : memref<16x128xf32, #tpu.memory_space<vmem>>[vector<16xi32>, vector<16xi32>], vector<16xf32>,
        %add3A_964 = arith.constant 14 : i32
        %add3A_965 = vector.broadcast %add3A_964 : i32 to vector<16xi32>
        %add3A_966 = arith.addi %iota3A, %add3A_965 : vector<16xi32>
        %and3A_967 = arith.constant 15 : i32
        %and3A_968 = vector.broadcast %and3A_967 : i32 to vector<16xi32>
        %and3A_969 = arith.andi %add3A_966, %and3A_968 : vector<16xi32>
        %add3A_970 = vector.broadcast %mul3A_328 : i32 to vector<16xi32>
        %add3A_971 = arith.addi %add3A_970, %and3A_969 : vector<16xi32>
        %gather3A_972 = tpu.vector_load_idx %arg6[%add3A_669, %add3A_971] : memref<32x64xf32, #tpu.memory_space<vmem>>[vector<16xi32>, vector<16xi32>], vector<16xf32>,
        %add3A_973 = vector.broadcast %mul3A_328 : i32 to vector<16xi32>
        %add3A_974 = arith.addi %add3A_973, %and3A_969 : vector<16xi32>
        %shift_right_logical3A_975 = arith.constant 2 : i32
        %shift_right_logical3A_976 = vector.broadcast %shift_right_logical3A_975 : i32 to vector<16xi32>
        %shift_right_logical3A_977 = arith.shrui %add3A_974, %shift_right_logical3A_976 : vector<16xi32>
        %and3A_978 = arith.constant 3 : i32
        %and3A_979 = vector.broadcast %and3A_978 : i32 to vector<16xi32>
        %and3A_980 = arith.andi %add3A_974, %and3A_979 : vector<16xi32>
        %shift_left3A_981 = arith.constant 5 : i32
        %shift_left3A_982 = vector.broadcast %shift_left3A_981 : i32 to vector<16xi32>
        %shift_left3A_983 = arith.shli %and3A_980, %shift_left3A_982 : vector<16xi32>
        %add3A_984 = arith.addi %shift_left3A_983, %add3A_669 : vector<16xi32>
        tpu.vector_store_idx %arg7[%shift_right_logical3A_977, %add3A_984], %gather3A_972 : memref<16x128xf32, #tpu.memory_space<vmem>>[vector<16xi32>, vector<16xi32>], vector<16xf32>,
        %add3A_985 = arith.constant 15 : i32
        %add3A_986 = vector.broadcast %add3A_985 : i32 to vector<16xi32>
        %add3A_987 = arith.addi %iota3A, %add3A_986 : vector<16xi32>
        %and3A_988 = arith.constant 15 : i32
        %and3A_989 = vector.broadcast %and3A_988 : i32 to vector<16xi32>
        %and3A_990 = arith.andi %add3A_987, %and3A_989 : vector<16xi32>
        %add3A_991 = vector.broadcast %mul3A_328 : i32 to vector<16xi32>
        %add3A_992 = arith.addi %add3A_991, %and3A_990 : vector<16xi32>
        %gather3A_993 = tpu.vector_load_idx %arg6[%add3A_669, %add3A_992] : memref<32x64xf32, #tpu.memory_space<vmem>>[vector<16xi32>, vector<16xi32>], vector<16xf32>,
        %add3A_994 = vector.broadcast %mul3A_328 : i32 to vector<16xi32>
        %add3A_995 = arith.addi %add3A_994, %and3A_990 : vector<16xi32>
        %shift_right_logical3A_996 = arith.constant 2 : i32
        %shift_right_logical3A_997 = vector.broadcast %shift_right_logical3A_996 : i32 to vector<16xi32>
        %shift_right_logical3A_998 = arith.shrui %add3A_995, %shift_right_logical3A_997 : vector<16xi32>
        %and3A_999 = arith.constant 3 : i32
        %and3A_1000 = vector.broadcast %and3A_999 : i32 to vector<16xi32>
        %and3A_1001 = arith.andi %add3A_995, %and3A_1000 : vector<16xi32>
        %shift_left3A_1002 = arith.constant 5 : i32
        %shift_left3A_1003 = vector.broadcast %shift_left3A_1002 : i32 to vector<16xi32>
        %shift_left3A_1004 = arith.shli %and3A_1001, %shift_left3A_1003 : vector<16xi32>
        %add3A_1005 = arith.addi %shift_left3A_1004, %add3A_669 : vector<16xi32>
        tpu.vector_store_idx %arg7[%shift_right_logical3A_998, %add3A_1005], %gather3A_993 : memref<16x128xf32, #tpu.memory_space<vmem>>[vector<16xi32>, vector<16xi32>], vector<16xf32>,
      }
      %scan3A_325 = arith.constant 4 : i32
      "tpu.region"() ({
        %run_scoped3A = tpu.sem_alloc : memref<!tpu.dma_semaphore, #tpu.memory_space<semaphore_mem>>
        %dma_start3A_326 = arith.constant 249984 : i32
        %dma_start3A_327 = arith.constant 0 : i32
        %dma_start3A_328 = tpu.memref_slice %arg3[%dma_start3A_326, %dma_start3A_327] : memref<250000x128xf32, #tpu.memory_space<hbm>> -> memref<16x128xf32, #tpu.memory_space<hbm>>
        %dma_start3A_329 = arith.constant 249984 : i32
        %dma_start3A_330 = arith.constant 0 : i32
        %dma_start3A_331 = tpu.memref_slice %arg3[%dma_start3A_329, %dma_start3A_330] : memref<250000x128xf32, #tpu.memory_space<hbm>> -> memref<16x128xf32, #tpu.memory_space<hbm>>
        tpu.enqueue_dma source(%arg7 : memref<16x128xf32, #tpu.memory_space<vmem>>) target(%dma_start3A_331 : memref<16x128xf32, #tpu.memory_space<hbm>>) target_semaphore(%run_scoped3A : memref<!tpu.dma_semaphore, #tpu.memory_space<semaphore_mem>>)
        %dma_wait3A_332 = arith.constant 249984 : i32
        %dma_wait3A_333 = arith.constant 0 : i32
        %dma_wait3A_334 = tpu.memref_slice %arg3[%dma_wait3A_332, %dma_wait3A_333] : memref<250000x128xf32, #tpu.memory_space<hbm>> -> memref<16x128xf32, #tpu.memory_space<hbm>>
        %dma_wait3A_335 = arith.constant 249984 : i32
        %dma_wait3A_336 = arith.constant 0 : i32
        %dma_wait3A_337 = tpu.memref_slice %arg3[%dma_wait3A_335, %dma_wait3A_336] : memref<250000x128xf32, #tpu.memory_space<hbm>> -> memref<16x128xf32, #tpu.memory_space<hbm>>
        tpu.wait_dma2 semaphore(%run_scoped3A : memref<!tpu.dma_semaphore, #tpu.memory_space<semaphore_mem>>) src(%arg7 : memref<16x128xf32, #tpu.memory_space<vmem>>) dst(%dma_wait3A_337 : memref<16x128xf32, #tpu.memory_space<hbm>>)
        tpu.yield
      }) : () -> ()
    } else {
    }
    return
  }
}

</mosaic_0001>

<sc_bundles>
// kernel: kernel.4.cloned.1.call-start
scs
__scs_entry_jumppad:
0x0: {  	(pc) =	sbr.rel $0x88, $3  }
0x1: {  	(tag) =	ssettag $0x0;
	lr =	simm.s32 $0x1  }
0x2: {  	[smem:$0x3F9F] =	sst lr;
	_ =	strace $0xD0000000  }
0x3: {  	_ = 	snop  }
0x4: {  	_ = 	snop  }
0x5: {  	_ = 	snop  }
0x6: {  	_ = 	snop  }
0x7: {  	_ = 	snop  }
__scs_overlays_trampoline_lowered:
0x8: {  	[smem:$0x3FAE] =	sst s0  }
0x9: {  	[smem:$0x3FAF] =	sst s1  }
0xa: {  	[smem:$0x3FB0] =	sst s2  }
0xb: {  	[smem:$0x3FB1] =	sst s3  }
0xc: {  	[smem:$0x3FB2] =	sst s4  }
0xd: {  	[smem:$0x3FB3] =	sst s5  }
0xe: {  	[smem:$0x3FB4] =	sst s6  }
0xf: {  	[smem:$0x3FB5] =	sst s7  }
0x10: {  	[smem:$0x3FB6] =	sst s8  }
0x11: {  	[smem:$0x3FB7] =	sst s9;
	s0 =	simm.s32 @!p0 $0x0  }
0x12: {  	s1 =	sld [smem:$0x3F9D];
	s0 =	simm.s32 @p0 $0x1  }
0x13: {  	[smem:$0x3FB8] =	sst s0;
	s0 =	simm.s32 @!p1 $0x0  }
0x14: {  	s2 =	sld [smem:$0x3F9C];
	s0 =	simm.s32 @p1 $0x1  }
0x15: {  	[smem:$0x3FB9] =	sst s0;
	s0 =	simm.s32 @!p2 $0x0  }
0x16: {  	s3 =	sld [smem:$0x3FDB];
	s0 =	simm.s32 @p2 $0x1  }
0x17: {  	s4 =	simm.s32 $0x1BF5;
	[smem:$0x3FBB] =	sst s0  }
0x18: {  	s0 =	sld [smem:$0x3F9E];
	_ =	swait.ge [sflag:s4], $0x0  }
0x19: {  	s7 =	sld [smem:$0x3F9F]  }
0x1a: {  	s8 =	sadd.s32 $0xFFFFE003, lr  }
0x1b: {  	s9 =	sadd.s32 $0xFFFFFEF7, lr;
	s5 =	simm.s32 $0xFFFFFFFF;
	p2 =	slt.u32 s8, $0xFFFFF086  }
0x1c: {  	p1 =	slt.u32 s9, $0xF7A;
	s5 =	simm.s32 @!p2 $0x0  }
0x1d: {  	s5 =	simm.s32 @p1 $0x1;
	p0 =	seq.s32 s7, s2  }
0x1e: {  	s7 =	smul.u32 @!p0 $0xF7A, s2;
	p2 =	seq.s32 @!p0 s5, $0x0  }
0x1f: {  	s9 =	smul.u32 $0xF7A, s1;
	s8 =	simm.s32 @!p0 $0x1BF5;
	p2 =	por !p2, p0  }
0x20: {  	[sflag:s8] =	ssyncset.s32 @!p0 $0xFFFFF086;
	s6 =	sadd.s32 @!p0 s3, s7;
	s7 =	simm.s32 @!p0 $0x108  }
0x21: {  	s3 =	sadd.s32 s3, s9;
	s6 =	sadd.s32 @!p0 $0x88, s6;
	s7 =	simm.s32 @p2 $0x1082  }
0x22: {  	[simem:s7], [sflag:s8] =	dma.local @!p0 [hbm:s6], $0xF7A  }
0x23: {  	s9 =	sor.u32 $0xD0000000, s2;
	s6 =	simm.s32 $0x108;
	_ =	swait.ge @!p0 [sflag:s8], $0x0  }
0x24: {  	s3 =	sadd.s32 $0x88, s3;
	s6 =	simm.s32 @!p1 $0x1082;
	[sflag:s4] =	ssyncset.s32 $0xFFFFF086  }
0x25: {  	[simem:s6], [sflag:s4] =	dma.local [hbm:s3], $0xF7A  }
0x26: {  	[smem:$0x3F9F] =	sst s1;
	(tag) =	ssettag s2;
	_ =	strace s9  }
0x27: {  	s1 =	sld [smem:$0x3FAF]  }
0x28: {  	s2 =	sld [smem:$0x3FB0]  }
0x29: {  	s4 =	sld [smem:$0x3FB2]  }
0x2a: {  	p0 =	seq.s32 s5, $0x0;
	s5 =	sld [smem:$0x3FB3]  }
0x2b: {  	s6 =	sld [smem:$0x3FB4]  }
0x2c: {  	s7 =	sld [smem:$0x3FB5]  }
0x2d: {  	s3 =	simm.s32 $0x108;
	s8 =	sld [smem:$0x3FB6]  }
0x2e: {  	s3 =	simm.s32 @!p0 $0x1082;
	s9 =	sld [smem:$0x3FB7]  }
0x2f: {  	lr =	sadd.s32 s0, s3;
	s0 =	sld [smem:$0x3FAE]  }
0x30: {  	s3 =	sld [smem:$0x3FB1]  }
0x31: {  	[smem:$0x3FBA] =	sst s10  }
0x32: {  	s10 =	sld [smem:$0x3FB8];
	_ =	sdelay $0x3  }
0x33: {  	p0 =	seq.s32 s10, $0x1;
	s10 =	sld [smem:$0x3FBA];
	_ =	sdelay $0x3  }
0x34: {  	[smem:$0x3FBA] =	sst s10  }
0x35: {  	s10 =	sld [smem:$0x3FB9];
	_ =	sdelay $0x3  }
0x36: {  	p1 =	seq.s32 s10, $0x1;
	s10 =	sld [smem:$0x3FBA];
	_ =	sdelay $0x3  }
0x37: {  	[smem:$0x3FBA] =	sst s10  }
0x38: {  	s10 =	sld [smem:$0x3FBB]  }
0x39: {  	_ = 	snop;
	(pc) =	sbr.ind lr, $3  }
0x3a: {  	_ = 	snop  }
0x3b: {  	_ = 	snop  }
0x3c: {  	p2 =	seq.s32 s10, $0x1;
	s10 =	sld [smem:$0x3FBA]  }
0x3d: {  	_ =	shalt  }
0x3e: {  	_ =	shalt  }
0x3f: {  	_ =	shalt  }
0x40: {  	_ =	shalt  }
0x41: {  	_ =	shalt  }
0x42: {  	_ =	shalt  }
0x43: {  	_ =	shalt  }
0x44: {  	_ =	shalt  }
0x45: {  	_ =	shalt  }
0x46: {  	_ =	shalt  }
0x47: {  	_ =	shalt  }
0x48: {  	_ =	shalt  }
0x49: {  	_ =	shalt  }
0x4a: {  	_ =	shalt  }
0x4b: {  	_ =	shalt  }
0x4c: {  	_ =	shalt  }
0x4d: {  	_ =	shalt  }
0x4e: {  	_ =	shalt  }
0x4f: {  	_ =	shalt  }
0x50: {  	_ =	shalt  }
0x51: {  	_ =	shalt  }
0x52: {  	_ =	shalt  }
0x53: {  	_ =	shalt  }
0x54: {  	_ =	shalt  }
0x55: {  	_ =	shalt  }
0x56: {  	_ =	shalt  }
0x57: {  	_ =	shalt  }
0x58: {  	_ =	shalt  }
0x59: {  	_ =	shalt  }
0x5a: {  	_ =	shalt  }
0x5b: {  	_ =	shalt  }
0x5c: {  	_ =	shalt  }
0x5d: {  	_ =	shalt  }
0x5e: {  	_ =	shalt  }
0x5f: {  	_ =	shalt  }
0x60: {  	_ =	shalt  }
0x61: {  	_ =	shalt  }
0x62: {  	_ =	shalt  }
0x63: {  	_ =	shalt  }
0x64: {  	_ =	shalt  }
0x65: {  	_ =	shalt  }
0x66: {  	_ =	shalt  }
0x67: {  	_ =	shalt  }
0x68: {  	_ =	shalt  }
0x69: {  	_ =	shalt  }
0x6a: {  	_ =	shalt  }
0x6b: {  	_ =	shalt  }
0x6c: {  	_ =	shalt  }
0x6d: {  	_ =	shalt  }
0x6e: {  	_ =	shalt  }
0x6f: {  	_ =	shalt  }
0x70: {  	_ =	shalt  }
0x71: {  	_ =	shalt  }
0x72: {  	_ =	shalt  }
0x73: {  	_ =	shalt  }
0x74: {  	_ =	shalt  }
0x75: {  	_ =	shalt  }
0x76: {  	_ =	shalt  }
0x77: {  	_ =	shalt  }
0x78: {  	_ =	shalt  }
0x79: {  	_ =	shalt  }
0x7a: {  	_ =	shalt  }
0x7b: {  	_ =	shalt  }
0x7c: {  	_ =	shalt  }
0x7d: {  	_ =	shalt  }
0x7e: {  	_ =	shalt  }
0x7f: {  	_ =	shalt  }
0x80: {  	_ =	shalt  }
0x81: {  	_ =	shalt  }
0x82: {  	_ =	shalt  }
0x83: {  	_ =	shalt  }
0x84: {  	_ =	shalt  }
0x85: {  	_ =	shalt  }
0x86: {  	_ =	shalt  }
0x87: {  	_ =	shalt  }
.Lfunc_end0:
.L_simem_size_0:
called_computation_lowered:
.L_overlay_start_0:
0x88: {  	s2 =	sld [smem:$0x3FD9]  }
0x89: {  	s3 =	sld [smem:$0x3FFE];
	_ =	sdelay $0x1  }
0x8a: {  	s1 =	srdreg.scid  }
0x8b: {  	s0 =	sand.u32 $0x1, s1  }
0x8c: {  	s17 =	sshll.u32 s0, $0xA;
	s2 =	sadd.s32 s3, s2  }
0x8d: {  	s2 =	sadd.s32 s2, s17  }
0x8e: {  	[smem:$0x3FC6] =	sst s2  }
0x8f: {  	_ = 	snop  }
0x90: {  	s2 =	sld [smem:$0x3FC8];
	(tm) =	ssettm $0x1  }
0x91: {  	s18 =	sld [smem:$0x3FFB];
	_ =	sdelay $0x3  }
0x92: {  	_ =	strace s18  }
0x93: {  	s3 =	sld [smem:$0x3FFC];
	_ =	sdelay $0x3  }
0x94: {  	_ =	strace s3  }
0x95: {  	s3 =	sld [smem:$0x3FFD];
	_ =	sdelay $0x3  }
0x96: {  	_ =	strace s3  }
0x97: {  	_ =	strace $0x8FFFFFFF  }
0x98: {  	s19 =	sld [smem:$0x3FDB];
	_ =	sdelay $0x1  }
0x99: {  	s4 =	simm.s32 $_scs_section_size  }
0x9a: {  	s5 =	simm.s32 $_size__tile_overlayer_lowered;
	s6 =	simm.s32 $_tile_overlayer_lowered  }
0x9b: {  	s22 =	simm.s32 $0x1BFF;
	s21 =	sshll.u32 s6, $0x1;
	s3 =	sadd.s32 s4, s19  }
0x9c: {  	s7 =	simm.s32 $0x0;
	s20 =	sshll.u32 s5, $0x1;
	s5 =	sadd.s32 s21, s3  }
0x9d: {  	[timem:s7], [sflag:s22] =	dma.local [hbm:s5], s20  }
0x9e: {  	_ =	swait.ge [sflag:s22], s20  }
0x9f: {  	s4 =	ssub.s32 $0x0, s20;
	[sflag:s22] =	ssyncset.done $0x0  }
0xa0: {  	[sflag:s22] =	ssyncadd.s32 s4;
	_ =	sdelay $0x1  }
0xa1: {  	s23 =	simm.s32 $0x1B8B  }
0xa2: {  	_ =	swait.ge [sflag:s23], $0x1  }
0xa3: {  	[sflag:s23] =	ssyncset.done $0x0  }
0xa4: {  	s25 =	simm.s32 $0x1B8E;
	s24 =	sld [smem:$0x3FFE];
	[sflag:s23] =	ssyncadd.s32 $0xFFFFFFFF  }
0xa5: {  	s26 =	simm.s32 $execute0_lowered;
	[smem:$0x3FD2] =	sst s25  }
0xa6: {  	s5 =	sshll.u32 s26, $0x1;
	_ =	strace $0x80000046;
	[dreg:$0x1] =	wrdreg $0xFFFFFFFF  }
0xa7: {  	s28 =	simm.s32 $_size_execute0_lowered;
	s3 =	sadd.s32 s3, s5;
	[dreg:$0x0] =	wrdreg $0x0  }
0xa8: {  	s5 =	sshll.u32 s28, $0x1;
	[dreg:$0x2] =	wrdreg s3  }
0xa9: {  	[dreg:$0x3] =	wrdreg s5  }
0xaa: {  	[dreg:$0x4] =	wrdreg $0xC0  }
0xab: {  	_ =	task [dreg:s7], $0x5FFFF  }
0xac: {  	[dreg:$0x1] =	wrdreg $0xFFFFFFFF  }
0xad: {  	[dreg:$0x0] =	wrdreg $0x60  }
0xae: {  	[dreg:$0x2] =	wrdreg s2  }
0xaf: {  	[dreg:$0x3] =	wrdreg s24  }
0xb0: {  	[dreg:$0x4] =	wrdreg $0x9  }
0xb1: {  	_ =	task.clear_ibuf [dreg:s7], $0x5FFFF;
	_ =	strace $0x90000046  }
0xb2: {  	s29 =	simm.s32 $0x9;
	_ =	strace $0x80000048  }
0xb3: {  	_ =	swait.ge [sflag:s29], $0x1  }
0xb4: {  	[sflag:s29] =	ssyncadd.s32 $0xFFFFFFFF  }
0xb5: {  	_ =	strace $0x90000048  }
0xb6: {  	_ =	sfence  }
0xb7: {  	s30 =	sld [smem:$0x0];
	_ =	sdelay $0x2  }
0xb8: {  	s31 =	sshll.u32 s1, $0xD;
	s1 =	sshrl.u32 s1, $0x2  }
0xb9: {  	s3 =	sand.u32 $0x4000, s31;
	s1 =	sadd.s32 s1, s30  }
0xba: {  	s0 =	sor.u32 s3, s0;
	s1 =	sshll.u32 s1, $0x11  }
0xbb: {  	s0 =	sor.u32 s1, s0  }
0xbc: {  	s0 =	sadd.s32 $0x8F2B, s0  }
0xbd: {  	[sflag:s0] =	ssyncadd.remote.s32 $0x1  }
0xbe: {  	_ =	sfence.sel $0xFFFF  }
0xbf: {  	[dreg:$0x0] =	wrdreg $0xFFFFFFFF;
	(pc) =	sbr.abs _section_cstart, $3  }
0xc0: {  	[dreg:$0x1] =	wrdreg $0xFFFFFFFF  }
0xc1: {  	_ =	task.clear_ibuf [dreg:s7], $0x2FFFF;
	_ =	strace $0x9FFFFFFF  }
0xc2: {  	(tm) =	ssettm $0x7FFFFFFF  }
0xc3: {  	_ =	shalt  }
tec
execute0_lowered:
.L_overlay_start_1:
0x0: {  	(tag) =	ssettag $0x1  }
0x1: {  	v0 =	vimm.s32 $0x780;
	vm0 =	vcmask $0x300  }
0x2: {  	vm1 =	vcmask $0x704;
	vm2 =	vcmask $0xB08;
	vm3 =	vcmask $0xF0C  }
0x3: {  	vm4 =	vcmask $0x1310;
	vm5 =	vcmask $0x1714;
	vm6 =	vcmask $0x1B18  }
0x4: {  	vm12 =	vcmask $0x1F1C;
	vm9 =	vcmask $0x2320;
	vm11 =	vcmask $0x2724  }
0x5: {  	vm8 =	vcmask $0x2B28;
	vm7 =	vcmask $0x2F2C;
	v28 =	vlaneseq.u32  }
0x6: {  	vm10 =	vcmask $0x3330;
	v1 =	vimm.s32 $0x781;
	v2 =	vimm.s32 $0x782  }
0x7: {  	vm13 =	vcmask $0x3734;
	vm14 =	vcmask $0x3B38;
	v24 =	vimm.s32 $0x180  }
0x8: {  	vm15 =	vcmask $0x1304;
	v25 =	vimm.s32 $0x100;
	v0 =	vsel vm0, $0x1, v0  }
0x9: {  	v6 =	vimm.s32 $0x80;
	v9 =	vimm.s32 $0x1C0;
	v0 =	vsel vm1, $0x82, v0  }
0xa: {  	v10 =	vimm.s32 $0x0;
	v13 =	vimm.s32 $0x20006040;
	v0 =	vsel vm2, $0x103, v0  }
0xb: {  	v15 =	vimm.s32 $0x1A0;
	v18 =	vimm.s32 $0x140;
	v0 =	vsel vm3, $0x184, v0  }
0xc: {  	v19 =	vimm.s32 $0xC0A080E0;
	v21 =	vimm.s32 $0xA080E0C0;
	v0 =	vsel vm4, $0x205, v0  }
0xd: {  	v1 =	vsel vm0, $0x2, v1;
	v2 =	vsel vm0, $0x3, v2;
	v0 =	vsel vm5, $0x286, v0  }
0xe: {  	v7 =	vsel vm15, $0x180, v25;
	v8 =	vsel vm15, $0x100, v6;
	v0 =	vsel vm6, $0x307, v0  }
0xf: {  	v9 =	vsel vm0, $0x1E0, v9;
	v13 =	vunpack.c.0.s8.s32 v13;
	v0 =	vsel vm12, $0x388, v0  }
0x10: {  	v15 =	vsel vm0, $0x1C0, v15;
	v18 =	vsel vm0, $0x160, v18;
	v0 =	vsel vm9, $0x409, v0  }
0x11: {  	v19 =	vunpack.c.0.s8.s32 v19;
	v1 =	vsel vm1, $0x83, v1;
	v0 =	vsel vm11, $0x48A, v0  }
0x12: {  	v2 =	vsel vm1, $0x84, v2;
	v15 =	vsel vm1, $0x1E0, v15;
	v0 =	vsel vm8, $0x50B, v0  }
0x13: {  	v18 =	vsel vm1, $0x180, v18;
	v3 =	vsel vm2, $0x104, v1;
	v0 =	vsel vm7, $0x58C, v0  }
0x14: {  	v2 =	vsel vm2, $0x105, v2;
	v13 =	vand.u32 $0xFF, v13;
	v0 =	vsel vm10, $0x60D, v0  }
0x15: {  	v18 =	vsel vm2, $0x1A0, v18;
	v19 =	vand.u32 $0xFF, v19;
	v0 =	vsel vm13, $0x68E, v0  }
0x16: {  	v2 =	vsel vm3, $0x186, v2;
	v62 =	vsel vm14, $0x70F, v0;
	v0 =	vsel vm3, $0x185, v3  }
0x17: {  	v2 =	vsel vm4, $0x207, v2;
	v3 =	vimm.s32 $0x783;
	v0 =	vsel vm4, $0x206, v0  }
0x18: {  	v2 =	vsel vm5, $0x288, v2;
	v3 =	vsel vm0, $0x4, v3;
	v0 =	vsel vm5, $0x287, v0  }
0x19: {  	v2 =	vsel vm6, $0x309, v2;
	v3 =	vsel vm1, $0x85, v3;
	v0 =	vsel vm6, $0x308, v0  }
0x1a: {  	v2 =	vsel vm12, $0x38A, v2;
	v3 =	vsel vm2, $0x106, v3;
	v0 =	vsel vm12, $0x389, v0  }
0x1b: {  	v2 =	vsel vm9, $0x40B, v2;
	v3 =	vsel vm3, $0x187, v3;
	v0 =	vsel vm9, $0x40A, v0  }
0x1c: {  	v2 =	vsel vm11, $0x48C, v2;
	v3 =	vsel vm4, $0x208, v3;
	v0 =	vsel vm11, $0x48B, v0  }
0x1d: {  	v2 =	vsel vm8, $0x50D, v2;
	v3 =	vsel vm5, $0x289, v3;
	v0 =	vsel vm8, $0x50C, v0  }
0x1e: {  	v2 =	vsel vm7, $0x58E, v2;
	v3 =	vsel vm6, $0x30A, v3;
	v0 =	vsel vm7, $0x58D, v0  }
0x1f: {  	v2 =	vsel vm10, $0x60F, v2;
	v3 =	vsel vm12, $0x38B, v3;
	v0 =	vsel vm10, $0x60E, v0  }
0x20: {  	v4 =	vsel vm13, $0x680, v2;
	v5 =	vsel vm9, $0x40C, v3;
	v0 =	vsel vm13, $0x68F, v0  }
0x21: {  	v2 =	vsel vm14, $0x700, v0;
	v0 =	vsel vm11, $0x48D, v5;
	v5 =	vimm.s32 $0x40200060  }
0x22: {  	v18 =	vsel vm3, $0x1C0, v18;
	v3 =	vsel vm14, $0x701, v4;
	v5 =	vunpack.c.0.s8.s32 v5  }
0x23: {  	v4 =	vsel vm15, $0x0, v24;
	v0 =	vsel vm8, $0x50E, v0;
	vm8 =	vcmask $0x1B0C  }
0x24: {  	v0 =	vsel vm7, $0x58F, v0;
	v11 =	vand.u32 $0xFF, v5;
	v5 =	vsel vm15, $0x80, v10  }
0x25: {  	v26 =	vsel vm10, $0x600, v0;
	v9 =	vsel vm15, v11, v9;
	vm15 =	vcmask $0x1708  }
0x26: {  	v0 =	vsel vm15, $0x0, v24;
	v14 =	vsel vm15, $0x180, v25;
	v16 =	vsel vm15, $0x100, v6  }
0x27: {  	v17 =	vsel vm15, $0x80, v10;
	v15 =	vsel vm15, v13, v15;
	vm15 =	vcmask $0x2314  }
0x28: {  	vm7 =	vcmask $0x1F10;
	vm10 =	vcmask $0x3B2C;
	v4 =	vsel vm15, $0x80, v4  }
0x29: {  	v7 =	vsel vm15, $0x0, v7;
	v8 =	vsel vm15, $0x180, v8;
	v20 =	vsel vm15, $0x100, v5  }
0x2a: {  	v5 =	vsel vm15, v19, v9;
	v9 =	vsel vm4, $0x1E0, v18;
	v18 =	vimm.s32 $0x120  }
0x2b: {  	v9 =	vsel vm15, v11, v9;
	vm15 =	vcmask $0x2718;
	v18 =	vsel vm0, $0x140, v18  }
0x2c: {  	v22 =	vsel vm15, $0x0, v14;
	v14 =	vunpack.c.0.s8.s32 v21;
	v18 =	vsel vm1, $0x160, v18  }
0x2d: {  	v0 =	vsel vm15, $0x80, v0;
	v16 =	vsel vm15, $0x180, v16;
	v18 =	vsel vm2, $0x180, v18  }
0x2e: {  	v21 =	vand.u32 $0xFF, v14;
	v14 =	vsel vm3, $0x1A0, v18;
	v18 =	vimm.s32 $0xC0  }
0x2f: {  	v59 =	vsel vm15, v21, v15;
	v14 =	vsel vm4, $0x1C0, v14;
	v15 =	vsel vm0, $0xE0, v18  }
0x30: {  	v17 =	vsel vm15, $0x100, v17;
	v14 =	vsel vm5, $0x1E0, v14;
	v15 =	vsel vm1, $0x100, v15  }
0x31: {  	v18 =	vimm.s32 $0xA0;
	v23 =	vsel vm15, v13, v14;
	v14 =	vsel vm2, $0x120, v15  }
0x32: {  	v15 =	vsel vm0, $0xC0, v18;
	vm15 =	vcmask $0x3324;
	v14 =	vsel vm3, $0x140, v14  }
0x33: {  	v15 =	vsel vm1, $0xE0, v15;
	v54 =	vsel vm15, $0x100, v4;
	v63 =	vsel vm15, $0x80, v7  }
0x34: {  	v18 =	vsel vm15, $0x0, v8;
	v20 =	vsel vm15, $0x180, v20;
	v4 =	vsel vm4, $0x160, v14  }
0x35: {  	v1 =	vsel vm15, v19, v9;
	v14 =	vsel vm2, $0x100, v15;
	v4 =	vsel vm5, $0x180, v4  }
0x36: {  	v8 =	vimm.s32 $0xA0806040;
	v7 =	vsel vm3, $0x120, v14;
	v4 =	vsel vm6, $0x1A0, v4  }
0x37: {  	v9 =	vimm.s32 $0x80604020;
	v7 =	vsel vm4, $0x140, v7;
	v4 =	vsel vm12, $0x1C0, v4  }
0x38: {  	v8 =	vunpack.c.0.s8.s32 v8;
	v7 =	vsel vm5, $0x160, v7;
	v4 =	vsel vm9, $0x1E0, v4  }
0x39: {  	v7 =	vsel vm6, $0x180, v7;
	v4 =	vsel vm15, v11, v4;
	vm15 =	vcmask $0x3728  }
0x3a: {  	v7 =	vsel vm12, $0x1A0, v7;
	v31 =	vsel vm15, $0x100, v0;
	v33 =	vsel vm15, $0x80, v22  }
0x3b: {  	v22 =	vmovc v2;
	v0 =	vsel vm9, $0x1C0, v7;
	v2 =	vsel vm15, $0x0, v16;
	v17 =	vsel vm15, $0x180, v17  }
0x3c: {  	v39 =	vsel vm15, v21, v23;
	v7 =	vimm.s32 $0xE0C0A0;
	v0 =	vsel vm11, $0x1E0, v0  }
0x3d: {  	v7 =	vunpack.c.0.s8.s32 v7;
	v36 =	vsel vm15, v13, v0;
	vm15 =	vcmask $0xF00  }
0x3e: {  	v9 =	vunpack.c.0.s8.s32 v9;
	vm11 =	vcmask $0x2F20;
	v11 =	vsel vm15, $0x180, v25  }
0x3f: {  	v15 =	vmovc v3;
	v13 =	vsel vm15, $0x100, v6;
	v16 =	vsel vm15, $0x80, v10;
	v3 =	vand.u32 $0xFF, v7  }
0x40: {  	v7 =	vand.u32 $0xFF, v8;
	v8 =	vand.u32 $0xFF, v9;
	v9 =	vsel vm8, $0x180, v25  }
0x41: {  	v61 =	vnsel vm15, $0x20, v7;
	v7 =	vnsel vm15, $0x0, v8;
	vm15 =	vcmask $0x1B10  }
0x42: {  	v6 =	vsel vm8, $0x100, v6;
	v8 =	vsel vm13, $0x681, v26;
	v14 =	vsel vm15, v3, v7  }
0x43: {  	v7 =	vsel vm8, $0x0, v24;
	vm15 =	vcmask $0x2B1C;
	v0 =	vsel vm14, $0x702, v8  }
0x44: {  	[tilespmem:$0x1FCB0] =	vst v3;
	v8 =	vsel vm7, $0x0, v11;
	v11 =	vimm.s32 $0x785;
	v3 =	vimm.s32 $0x43220160  }
0x45: {  	[tilespmem:$0x1FCC0] =	vst v0;
	v7 =	vsel vm15, $0x80, v7;
	v0 =	vsel vm11, $0x80, v8;
	v8 =	vsel vm7, $0x180, v13  }
0x46: {  	v6 =	vsel vm15, $0x180, v6;
	v13 =	vimm.s32 $0x47260564;
	v50 =	vsel vm10, $0x100, v7  }
0x47: {  	v7 =	vsel vm15, $0x0, v9;
	v27 =	vsel vm11, $0x0, v8;
	v21 =	vsel vm10, $0x0, v6  }
0x48: {  	[tilespmem:$0x1FCD0] =	vst v0;
	v8 =	vsel vm8, $0x80, v10;
	v0 =	vsel vm10, $0x80, v7;
	v7 =	vimm.s32 $0x784  }
0x49: {  	v9 =	vimm.s32 $0x63422100;
	v10 =	vimm.s32 $0x67462504;
	v7 =	vsel vm0, $0x5, v7  }
0x4a: {  	vm8 =	vcmask $0x2724;
	v9 =	vunpack.c.0.s8.s32 v9;
	v6 =	vsel vm1, $0x86, v7  }
0x4b: {  	v10 =	vunpack.c.0.s8.s32 v10;
	v7 =	vsel vm7, $0x100, v16;
	v6 =	vsel vm2, $0x107, v6  }
0x4c: {  	v23 =	vsel vm11, $0x180, v7;
	v7 =	vsel vm15, $0x100, v8;
	vm15 =	vmmov vm7  }
0x4d: {  	v8 =	vimm.s32 $0x6F4E2D0C;
	vm11 =	vcmask $0x3330;
	v6 =	vsel vm3, $0x188, v6  }
0x4e: {  	v16 =	vsel vm10, $0x180, v7;
	v7 =	vshrl.u32 v28, $0x2;
	v8 =	vunpack.c.0.s8.s32 v8  }
0x4f: {  	v6 =	vsel vm4, $0x209, v6;
	v19 =	vmul.u32 $0x80, v7;
	v7 =	vimm.s32 $0x6B4A2908  }
0x50: {  	v9 =	vsel vm15, v10, v9;
	v6 =	vsel vm5, $0x28A, v6;
	v7 =	vunpack.c.0.s8.s32 v7  }
0x51: {  	vm10 =	vcmask $0x2F2C;
	v10 =	vimm.s32 $0x3624120;
	v6 =	vsel vm6, $0x30B, v6  }
0x52: {  	v10 =	vunpack.c.0.s8.s32 v10;
	v6 =	vsel vm12, $0x38C, v6;
	v7 =	vsel vm7, v8, v7  }
0x53: {  	vm7 =	vcmask $0x2B28;
	v8 =	vsel vm0, $0x6, v11;
	v11 =	vimm.s32 $0x7664524  }
0x54: {  	v6 =	vsel vm9, $0x40D, v6;
	v8 =	vsel vm1, $0x87, v8;
	v24 =	vcombine.low v9, v7  }
0x55: {  	v9 =	vimm.s32 $0x786;
	v6 =	vsel vm8, $0x48E, v6;
	v7 =	vsel vm2, $0x108, v8  }
0x56: {  	v11 =	vunpack.c.0.s8.s32 v11;
	v6 =	vsel vm7, $0x50F, v6;
	v7 =	vsel vm3, $0x189, v7  }
0x57: {  	v8 =	vimm.s32 $0xB6A4928;
	v6 =	vsel vm10, $0x580, v6;
	v7 =	vsel vm4, $0x20A, v7  }
0x58: {  	v9 =	vsel vm0, $0x7, v9;
	v6 =	vsel vm11, $0x601, v6;
	v7 =	vsel vm5, $0x28B, v7  }
0x59: {  	v9 =	vsel vm1, $0x88, v9;
	v6 =	vsel vm13, $0x682, v6;
	v7 =	vsel vm6, $0x30C, v7  }
0x5a: {  	v9 =	vsel vm2, $0x109, v9;
	v38 =	vsel vm14, $0x703, v6;
	v7 =	vsel vm12, $0x38D, v7  }
0x5b: {  	v6 =	vunpack.c.0.s8.s32 v8;
	v8 =	vimm.s32 $0xF6E4D2C;
	v7 =	vsel vm9, $0x40E, v7  }
0x5c: {  	v9 =	vsel vm3, $0x18A, v9;
	v8 =	vunpack.c.0.s8.s32 v8;
	v7 =	vsel vm8, $0x48F, v7  }
0x5d: {  	v3 =	vunpack.c.0.s8.s32 v3;
	v9 =	vsel vm4, $0x20B, v9;
	v7 =	vsel vm7, $0x500, v7  }
0x5e: {  	v6 =	vsel vm15, v8, v6;
	v8 =	vsel vm5, $0x28C, v9;
	v9 =	vsel vm15, v11, v10  }
0x5f: {  	v10 =	vimm.s32 $0x23026140;
	v11 =	vimm.s32 $0x27066544;
	v7 =	vsel vm10, $0x581, v7  }
0x60: {  	v8 =	vsel vm6, $0x30D, v8;
	v26 =	vcombine.low v9, v6;
	v9 =	vimm.s32 $0x2F0E6D4C  }
0x61: {  	v10 =	vunpack.c.0.s8.s32 v10;
	v11 =	vunpack.c.0.s8.s32 v11;
	v7 =	vsel vm11, $0x602, v7  }
0x62: {  	v6 =	vsel vm13, $0x683, v7;
	v7 =	vsel vm12, $0x38E, v8;
	v8 =	vimm.s32 $0x2B0A6948  }
0x63: {  	v9 =	vunpack.c.0.s8.s32 v9;
	v7 =	vsel vm9, $0x40F, v7;
	v8 =	vunpack.c.0.s8.s32 v8  }
0x64: {  	v13 =	vunpack.c.0.s8.s32 v13;
	v40 =	vsel vm14, $0x704, v6;
	v7 =	vsel vm8, $0x480, v7  }
0x65: {  	v7 =	vsel vm7, $0x501, v7;
	v6 =	vsel vm15, v9, v8;
	v8 =	vsel vm15, v11, v10  }
0x66: {  	v9 =	vimm.s32 $0x787;
	v10 =	vimm.s32 $0x4B2A0968;
	v11 =	vimm.s32 $0x4F2E0D6C  }
0x67: {  	v7 =	vsel vm10, $0x582, v7;
	v9 =	vsel vm0, $0x8, v9;
	v10 =	vunpack.c.0.s8.s32 v10  }
0x68: {  	v11 =	vunpack.c.0.s8.s32 v11;
	v7 =	vsel vm11, $0x603, v7;
	v9 =	vsel vm1, $0x89, v9  }
0x69: {  	v28 =	vcombine.low v8, v6;
	v7 =	vsel vm13, $0x684, v7;
	v9 =	vsel vm2, $0x10A, v9  }
0x6a: {  	v8 =	vsel vm15, v13, v3;
	v9 =	vsel vm3, $0x18B, v9;
	v51 =	vsel vm14, $0x705, v7  }
0x6b: {  	v7 =	vsel vm15, v11, v10;
	v10 =	vimm.s32 $0xF85;
	v11 =	vimm.s32 $0x77563514  }
0x6c: {  	v6 =	vsel vm4, $0x20C, v9;
	v30 =	vcombine.low v8, v7;
	v7 =	vimm.s32 $0x788  }
0x6d: {  	v8 =	vimm.s32 $0x789;
	v9 =	vimm.s32 $0x73523110;
	v6 =	vsel vm5, $0x28D, v6  }
0x6e: {  	v10 =	vsel vm0, $0x806, v10;
	v11 =	vunpack.c.0.s8.s32 v11;
	v6 =	vsel vm6, $0x30E, v6  }
0x6f: {  	v7 =	vsel vm0, $0x9, v7;
	v8 =	vsel vm0, $0xA, v8;
	v6 =	vsel vm12, $0x38F, v6  }
0x70: {  	v9 =	vunpack.c.0.s8.s32 v9;
	v7 =	vsel vm1, $0x8A, v7;
	v6 =	vsel vm9, $0x400, v6  }
0x71: {  	v8 =	vsel vm1, $0x8B, v8;
	v7 =	vsel vm2, $0x10B, v7;
	v6 =	vsel vm8, $0x481, v6  }
0x72: {  	v8 =	vsel vm2, $0x10C, v8;
	v7 =	vsel vm3, $0x18C, v7;
	v6 =	vsel vm7, $0x502, v6  }
0x73: {  	v8 =	vsel vm3, $0x18D, v8;
	v7 =	vsel vm4, $0x20D, v7;
	v6 =	vsel vm10, $0x583, v6  }
0x74: {  	v8 =	vsel vm4, $0x20E, v8;
	v7 =	vsel vm5, $0x28E, v7;
	v6 =	vsel vm11, $0x604, v6  }
0x75: {  	v8 =	vsel vm5, $0x28F, v8;
	v7 =	vsel vm6, $0x30F, v7;
	v6 =	vsel vm13, $0x685, v6  }
0x76: {  	v52 =	vsel vm14, $0x706, v6;
	v6 =	vsel vm12, $0x380, v7;
	v7 =	vsel vm6, $0x300, v8  }
0x77: {  	v8 =	vimm.s32 $0x78A;
	v6 =	vsel vm9, $0x401, v6;
	v7 =	vsel vm12, $0x381, v7  }
0x78: {  	v8 =	vsel vm0, $0xB, v8;
	v6 =	vsel vm8, $0x482, v6;
	v7 =	vsel vm9, $0x402, v7  }
0x79: {  	v8 =	vsel vm1, $0x8C, v8;
	v6 =	vsel vm7, $0x503, v6;
	v7 =	vsel vm8, $0x483, v7  }
0x7a: {  	v8 =	vsel vm2, $0x10D, v8;
	v6 =	vsel vm10, $0x584, v6;
	v7 =	vsel vm7, $0x504, v7  }
0x7b: {  	v8 =	vsel vm3, $0x18E, v8;
	v6 =	vsel vm11, $0x605, v6;
	v7 =	vsel vm10, $0x585, v7  }
0x7c: {  	v8 =	vsel vm4, $0x20F, v8;
	v6 =	vsel vm13, $0x686, v6;
	v7 =	vsel vm11, $0x606, v7  }
0x7d: {  	v53 =	vsel vm14, $0x707, v6;
	v6 =	vsel vm13, $0x687, v7;
	v7 =	vsel vm5, $0x280, v8  }
0x7e: {  	v60 =	vsel vm14, $0x708, v6;
	v6 =	vsel vm6, $0x301, v7;
	v7 =	vimm.s32 $0x78B  }
0x7f: {  	v8 =	vimm.s32 $0x78C;
	v6 =	vsel vm12, $0x382, v6;
	v7 =	vsel vm0, $0xC, v7  }
0x80: {  	v8 =	vsel vm0, $0xD, v8;
	v6 =	vsel vm9, $0x403, v6;
	v7 =	vsel vm1, $0x8D, v7  }
0x81: {  	v8 =	vsel vm1, $0x8E, v8;
	v6 =	vsel vm8, $0x484, v6;
	v7 =	vsel vm2, $0x10E, v7  }
0x82: {  	v8 =	vsel vm2, $0x10F, v8;
	v6 =	vsel vm7, $0x505, v6;
	v7 =	vsel vm3, $0x18F, v7  }
0x83: {  	v8 =	vsel vm3, $0x180, v8;
	v6 =	vsel vm10, $0x586, v6;
	v7 =	vsel vm4, $0x200, v7  }
0x84: {  	v8 =	vsel vm4, $0x201, v8;
	v6 =	vsel vm11, $0x607, v6;
	v7 =	vsel vm5, $0x281, v7  }
0x85: {  	v8 =	vsel vm5, $0x282, v8;
	v6 =	vsel vm13, $0x688, v6;
	v7 =	vsel vm6, $0x302, v7  }
0x86: {  	v55 =	vsel vm14, $0x709, v6;
	v6 =	vsel vm12, $0x383, v7;
	v7 =	vsel vm6, $0x303, v8  }
0x87: {  	v8 =	vimm.s32 $0x78D;
	v6 =	vsel vm9, $0x404, v6;
	v7 =	vsel vm12, $0x384, v7  }
0x88: {  	v8 =	vsel vm0, $0xE, v8;
	v6 =	vsel vm8, $0x485, v6;
	v7 =	vsel vm9, $0x405, v7  }
0x89: {  	v8 =	vsel vm1, $0x8F, v8;
	v6 =	vsel vm7, $0x506, v6;
	v7 =	vsel vm8, $0x486, v7  }
0x8a: {  	v8 =	vsel vm2, $0x100, v8;
	v6 =	vsel vm10, $0x587, v6;
	v7 =	vsel vm7, $0x507, v7  }
0x8b: {  	v8 =	vsel vm3, $0x181, v8;
	v6 =	vsel vm11, $0x608, v6;
	v7 =	vsel vm10, $0x588, v7  }
0x8c: {  	v8 =	vsel vm4, $0x202, v8;
	v6 =	vsel vm13, $0x689, v6;
	v7 =	vsel vm11, $0x609, v7  }
0x8d: {  	v56 =	vsel vm14, $0x70A, v6;
	v6 =	vsel vm13, $0x68A, v7;
	v7 =	vsel vm5, $0x283, v8  }
0x8e: {  	v57 =	vsel vm14, $0x70B, v6;
	v6 =	vsel vm6, $0x304, v7;
	v7 =	vimm.s32 $0x78E  }
0x8f: {  	v8 =	vimm.s32 $0xF80;
	v6 =	vsel vm12, $0x385, v6;
	v7 =	vsel vm0, $0xF, v7  }
0x90: {  	v8 =	vsel vm0, $0x801, v8;
	v6 =	vsel vm9, $0x406, v6;
	v7 =	vsel vm1, $0x80, v7  }
0x91: {  	v8 =	vsel vm1, $0x882, v8;
	v6 =	vsel vm8, $0x487, v6;
	v7 =	vsel vm2, $0x101, v7  }
0x92: {  	v8 =	vsel vm2, $0x903, v8;
	v6 =	vsel vm7, $0x508, v6;
	v7 =	vsel vm3, $0x182, v7  }
0x93: {  	v8 =	vsel vm3, $0x984, v8;
	v6 =	vsel vm10, $0x589, v6;
	v7 =	vsel vm4, $0x203, v7  }
0x94: {  	v8 =	vsel vm4, $0xA05, v8;
	v6 =	vsel vm11, $0x60A, v6;
	v7 =	vsel vm5, $0x284, v7  }
0x95: {  	v8 =	vsel vm5, $0xA86, v8;
	v6 =	vsel vm13, $0x68B, v6;
	v7 =	vsel vm6, $0x305, v7  }
0x96: {  	v37 =	vsel vm14, $0x70C, v6;
	v6 =	vsel vm12, $0x386, v7;
	v7 =	vsel vm6, $0xB07, v8  }
0x97: {  	v8 =	vimm.s32 $0xF81;
	v6 =	vsel vm9, $0x407, v6;
	v7 =	vsel vm12, $0xB88, v7  }
0x98: {  	v8 =	vsel vm0, $0x802, v8;
	v6 =	vsel vm8, $0x488, v6;
	v7 =	vsel vm9, $0xC09, v7  }
0x99: {  	v8 =	vsel vm1, $0x883, v8;
	v6 =	vsel vm7, $0x509, v6;
	v7 =	vsel vm8, $0xC8A, v7  }
0x9a: {  	v8 =	vsel vm2, $0x904, v8;
	v6 =	vsel vm10, $0x58A, v6;
	v7 =	vsel vm7, $0xD0B, v7  }
0x9b: {  	v8 =	vsel vm3, $0x985, v8;
	v6 =	vsel vm11, $0x60B, v6;
	v7 =	vsel vm10, $0xD8C, v7  }
0x9c: {  	v8 =	vsel vm4, $0xA06, v8;
	v6 =	vsel vm13, $0x68C, v6;
	v7 =	vsel vm11, $0xE0D, v7  }
0x9d: {  	v12 =	vsel vm14, $0x70D, v6;
	v6 =	vsel vm13, $0xE8E, v7;
	v7 =	vsel vm5, $0xA87, v8  }
0x9e: {  	v46 =	vsel vm14, $0xF0F, v6;
	v6 =	vsel vm6, $0xB08, v7;
	v7 =	vimm.s32 $0xF82  }
0x9f: {  	v9 =	vsel vm15, v11, v9;
	v6 =	vsel vm12, $0xB89, v6;
	v7 =	vsel vm0, $0x803, v7  }
0xa0: {  	v8 =	vimm.s32 $0xF83;
	v6 =	vsel vm9, $0xC0A, v6;
	v7 =	vsel vm1, $0x884, v7  }
0xa1: {  	v8 =	vsel vm0, $0x804, v8;
	v6 =	vsel vm8, $0xC8B, v6;
	v7 =	vsel vm2, $0x905, v7  }
0xa2: {  	v8 =	vsel vm1, $0x885, v8;
	v6 =	vsel vm7, $0xD0C, v6;
	v7 =	vsel vm3, $0x986, v7  }
0xa3: {  	v8 =	vsel vm2, $0x906, v8;
	v6 =	vsel vm10, $0xD8D, v6;
	v7 =	vsel vm4, $0xA07, v7  }
0xa4: {  	v8 =	vsel vm3, $0x987, v8;
	v6 =	vsel vm11, $0xE0E, v6;
	v7 =	vsel vm5, $0xA88, v7  }
0xa5: {  	v8 =	vsel vm4, $0xA08, v8;
	v6 =	vsel vm13, $0xE8F, v6;
	v7 =	vsel vm6, $0xB09, v7  }
0xa6: {  	v8 =	vsel vm5, $0xA89, v8;
	v48 =	vsel vm14, $0xF00, v6;
	v6 =	vsel vm12, $0xB8A, v7  }
0xa7: {  	v11 =	vimm.s32 $0x17765534;
	v7 =	vsel vm6, $0xB0A, v8;
	v6 =	vsel vm9, $0xC0B, v6  }
0xa8: {  	v8 =	vimm.s32 $0xF84;
	v7 =	vsel vm12, $0xB8B, v7;
	v6 =	vsel vm8, $0xC8C, v6  }
0xa9: {  	v8 =	vsel vm0, $0x805, v8;
	v7 =	vsel vm9, $0xC0C, v7;
	v6 =	vsel vm7, $0xD0D, v6  }
0xaa: {  	v8 =	vsel vm1, $0x886, v8;
	v7 =	vsel vm8, $0xC8D, v7;
	v6 =	vsel vm10, $0xD8E, v6  }
0xab: {  	v8 =	vsel vm2, $0x907, v8;
	v7 =	vsel vm7, $0xD0E, v7;
	v6 =	vsel vm11, $0xE0F, v6  }
0xac: {  	v8 =	vsel vm3, $0x988, v8;
	v7 =	vsel vm10, $0xD8F, v7;
	v6 =	vsel vm13, $0xE80, v6  }
0xad: {  	v8 =	vsel vm4, $0xA09, v8;
	v7 =	vsel vm11, $0xE00, v7;
	v32 =	vsel vm14, $0xF01, v6  }
0xae: {  	v6 =	vsel vm13, $0xE81, v7;
	v7 =	vsel vm5, $0xA8A, v8;
	v8 =	vimm.s32 $0x7F5E3D1C  }
0xaf: {  	v41 =	vsel vm14, $0xF02, v6;
	v6 =	vimm.s32 $0x7B5A3918;
	v7 =	vsel vm6, $0xB0B, v7  }
0xb0: {  	v8 =	vunpack.c.0.s8.s32 v8;
	v6 =	vunpack.c.0.s8.s32 v6;
	v7 =	vsel vm12, $0xB8C, v7  }
0xb1: {  	v10 =	vsel vm1, $0x887, v10;
	v11 =	vunpack.c.0.s8.s32 v11;
	v7 =	vsel vm9, $0xC0D, v7  }
0xb2: {  	v7 =	vsel vm8, $0xC8E, v7;
	v6 =	vsel vm15, v8, v6;
	v8 =	vsel vm2, $0x908, v10  }
0xb3: {  	v10 =	vimm.s32 $0xF86;
	v7 =	vsel vm7, $0xD0F, v7;
	v8 =	vsel vm3, $0x989, v8  }
0xb4: {  	v43 =	vcombine.low v9, v6;
	v9 =	vimm.s32 $0x13725130;
	v10 =	vsel vm0, $0x807, v10  }
0xb5: {  	v7 =	vsel vm10, $0xD80, v7;
	v6 =	vsel vm4, $0xA0A, v8;
	v8 =	vimm.s32 $0x1F7E5D3C  }
0xb6: {  	v9 =	vunpack.c.0.s8.s32 v9;
	v10 =	vsel vm1, $0x888, v10;
	v7 =	vsel vm11, $0xE01, v7  }
0xb7: {  	v6 =	vsel vm5, $0xA8B, v6;
	v8 =	vunpack.c.0.s8.s32 v8;
	v7 =	vsel vm13, $0xE82, v7  }
0xb8: {  	v6 =	vsel vm6, $0xB0C, v6;
	v29 =	vsel vm14, $0xF03, v7;
	v7 =	vimm.s32 $0x1B7A5938  }
0xb9: {  	v10 =	vsel vm2, $0x909, v10;
	v6 =	vsel vm12, $0xB8D, v6;
	v7 =	vunpack.c.0.s8.s32 v7  }
0xba: {  	v9 =	vsel vm15, v11, v9;
	v11 =	vimm.s32 $0x37167554;
	v6 =	vsel vm9, $0xC0E, v6  }
0xbb: {  	v6 =	vsel vm8, $0xC8F, v6;
	v7 =	vsel vm15, v8, v7;
	v8 =	vsel vm3, $0x98A, v10  }
0xbc: {  	v11 =	vunpack.c.0.s8.s32 v11;
	v6 =	vsel vm7, $0xD00, v6;
	v8 =	vsel vm4, $0xA0B, v8  }
0xbd: {  	v10 =	vimm.s32 $0x33127150;
	v45 =	vcombine.low v9, v7;
	v7 =	vsel vm5, $0xA8C, v8  }
0xbe: {  	v6 =	vsel vm10, $0xD81, v6;
	v9 =	vimm.s32 $0x3F1E7D5C;
	v7 =	vsel vm6, $0xB0D, v7  }
0xbf: {  	v6 =	vsel vm11, $0xE02, v6;
	v8 =	vimm.s32 $0x3B1A7958;
	v7 =	vsel vm12, $0xB8E, v7  }
0xc0: {  	v9 =	vunpack.c.0.s8.s32 v9;
	v8 =	vunpack.c.0.s8.s32 v8;
	v7 =	vsel vm9, $0xC0F, v7  }
0xc1: {  	v10 =	vunpack.c.0.s8.s32 v10;
	v6 =	vsel vm13, $0xE83, v6;
	v7 =	vsel vm8, $0xC80, v7  }
0xc2: {  	v35 =	vsel vm14, $0xF04, v6;
	v6 =	vsel vm15, v9, v8;
	v7 =	vsel vm7, $0xD01, v7  }
0xc3: {  	v8 =	vsel vm15, v11, v10;
	v9 =	vimm.s32 $0xF87;
	v7 =	vsel vm10, $0xD82, v7  }
0xc4: {  	v47 =	vcombine.low v8, v6;
	v6 =	vsel vm11, $0xE03, v7;
	v7 =	vsel vm0, $0x808, v9  }
0xc5: {  	v8 =	vimm.s32 $0xF88;
	v6 =	vsel vm13, $0xE84, v6;
	v7 =	vsel vm1, $0x889, v7  }
0xc6: {  	v58 =	vsel vm14, $0xF05, v6;
	v6 =	vsel vm2, $0x90A, v7;
	v7 =	vsel vm0, $0x809, v8  }
0xc7: {  	v10 =	vimm.s32 $0x53321170;
	v6 =	vsel vm3, $0x98B, v6;
	v7 =	vsel vm1, $0x88A, v7  }
0xc8: {  	v11 =	vimm.s32 $0x57361574;
	v6 =	vsel vm4, $0xA0C, v6;
	v7 =	vsel vm2, $0x90B, v7  }
0xc9: {  	v10 =	vunpack.c.0.s8.s32 v10;
	v6 =	vsel vm5, $0xA8D, v6;
	v7 =	vsel vm3, $0x98C, v7  }
0xca: {  	v9 =	vimm.s32 $0x5F3E1D7C;
	v6 =	vsel vm6, $0xB0E, v6;
	v7 =	vsel vm4, $0xA0D, v7  }
0xcb: {  	v9 =	vunpack.c.0.s8.s32 v9;
	v6 =	vsel vm12, $0xB8F, v6;
	v7 =	vsel vm5, $0xA8E, v7  }
0xcc: {  	v8 =	vimm.s32 $0x5B3A1978;
	v6 =	vsel vm9, $0xC00, v6;
	v7 =	vsel vm6, $0xB0F, v7  }
0xcd: {  	v8 =	vunpack.c.0.s8.s32 v8;
	v6 =	vsel vm8, $0xC81, v6;
	v7 =	vsel vm12, $0xB80, v7  }
0xce: {  	v11 =	vunpack.c.0.s8.s32 v11;
	v6 =	vsel vm7, $0xD02, v6;
	v7 =	vsel vm9, $0xC01, v7  }
0xcf: {  	v8 =	vsel vm15, v9, v8;
	v6 =	vsel vm10, $0xD83, v6;
	v7 =	vsel vm8, $0xC82, v7  }
0xd0: {  	v9 =	vsel vm15, v11, v10;
	v6 =	vsel vm11, $0xE04, v6;
	v7 =	vsel vm7, $0xD03, v7  }
0xd1: {  	v49 =	vcombine.low v9, v8;
	v6 =	vsel vm13, $0xE85, v6;
	v7 =	vsel vm10, $0xD84, v7  }
0xd2: {  	v44 =	vsel vm14, $0xF06, v6;
	v6 =	vsel vm11, $0xE05, v7;
	v7 =	vimm.s32 $0xF89  }
0xd3: {  	v8 =	vimm.s32 $0xF8A;
	v6 =	vsel vm13, $0xE86, v6;
	v7 =	vsel vm0, $0x80A, v7  }
0xd4: {  	v34 =	vsel vm14, $0xF07, v6;
	v6 =	vsel vm1, $0x88B, v7;
	v7 =	vsel vm0, $0x80B, v8  }
0xd5: {  	v8 =	vimm.s32 $0xF8B;
	v6 =	vsel vm2, $0x90C, v6;
	v7 =	vsel vm1, $0x88C, v7  }
0xd6: {  	v8 =	vsel vm0, $0x80C, v8;
	v6 =	vsel vm3, $0x98D, v6;
	v7 =	vsel vm2, $0x90D, v7  }
0xd7: {  	v8 =	vsel vm1, $0x88D, v8;
	v6 =	vsel vm4, $0xA0E, v6;
	v7 =	vsel vm3, $0x98E, v7  }
0xd8: {  	v8 =	vsel vm2, $0x90E, v8;
	v6 =	vsel vm5, $0xA8F, v6;
	v7 =	vsel vm4, $0xA0F, v7  }
0xd9: {  	v8 =	vsel vm3, $0x98F, v8;
	v6 =	vsel vm6, $0xB00, v6;
	v7 =	vsel vm5, $0xA80, v7  }
0xda: {  	v8 =	vsel vm4, $0xA00, v8;
	v6 =	vsel vm12, $0xB81, v6;
	v7 =	vsel vm6, $0xB01, v7  }
0xdb: {  	v8 =	vsel vm5, $0xA81, v8;
	v6 =	vsel vm9, $0xC02, v6;
	v7 =	vsel vm12, $0xB82, v7  }
0xdc: {  	v8 =	vsel vm6, $0xB02, v8;
	v6 =	vsel vm8, $0xC83, v6;
	v7 =	vsel vm9, $0xC03, v7  }
0xdd: {  	v8 =	vsel vm12, $0xB83, v8;
	v6 =	vsel vm7, $0xD04, v6;
	v7 =	vsel vm8, $0xC84, v7  }
0xde: {  	v8 =	vsel vm9, $0xC04, v8;
	v6 =	vsel vm10, $0xD85, v6;
	v7 =	vsel vm7, $0xD05, v7  }
0xdf: {  	v8 =	vsel vm8, $0xC85, v8;
	v6 =	vsel vm11, $0xE06, v6;
	v7 =	vsel vm10, $0xD86, v7  }
0xe0: {  	v8 =	vsel vm7, $0xD06, v8;
	v6 =	vsel vm13, $0xE87, v6;
	v7 =	vsel vm11, $0xE07, v7  }
0xe1: {  	v10 =	vsel vm14, $0xF08, v6;
	v6 =	vsel vm13, $0xE88, v7;
	v7 =	vsel vm10, $0xD87, v8  }
0xe2: {  	v11 =	vsel vm14, $0xF09, v6;
	v6 =	vsel vm11, $0xE08, v7;
	v7 =	vimm.s32 $0xF8C  }
0xe3: {  	v6 =	vsel vm13, $0xE89, v6;
	v7 =	vsel vm0, $0x80D, v7  }
0xe4: {  	v8 =	vimm.s32 $0xF8D;
	v13 =	vsel vm14, $0xF0A, v6;
	v6 =	vsel vm1, $0x88E, v7  }
0xe5: {  	v7 =	vsel vm0, $0x80E, v8;
	v6 =	vsel vm2, $0x90F, v6  }
0xe6: {  	v7 =	vsel vm1, $0x88F, v7;
	v6 =	vsel vm3, $0x980, v6  }
0xe7: {  	v8 =	vimm.s32 $0xF8E;
	v7 =	vsel vm2, $0x900, v7;
	v6 =	vsel vm4, $0xA01, v6  }
0xe8: {  	v8 =	vsel vm0, $0x80F, v8;
	v7 =	vsel vm3, $0x981, v7;
	v6 =	vsel vm5, $0xA82, v6  }
0xe9: {  	v8 =	vsel vm1, $0x880, v8;
	v7 =	vsel vm4, $0xA02, v7;
	v6 =	vsel vm6, $0xB03, v6  }
0xea: {  	v8 =	vsel vm2, $0x901, v8;
	v7 =	vsel vm5, $0xA83, v7;
	v6 =	vsel vm12, $0xB84, v6  }
0xeb: {  	v8 =	vsel vm3, $0x982, v8;
	v7 =	vsel vm6, $0xB04, v7;
	v6 =	vsel vm9, $0xC05, v6  }
0xec: {  	v8 =	vsel vm4, $0xA03, v8;
	v7 =	vsel vm12, $0xB85, v7;
	v6 =	vsel vm8, $0xC86, v6  }
0xed: {  	v8 =	vsel vm5, $0xA84, v8;
	v7 =	vsel vm9, $0xC06, v7;
	v6 =	vsel vm7, $0xD07, v6  }
0xee: {  	v8 =	vsel vm6, $0xB05, v8;
	v7 =	vsel vm8, $0xC87, v7;
	v6 =	vsel vm10, $0xD88, v6  }
0xef: {  	v8 =	vsel vm12, $0xB86, v8;
	v7 =	vsel vm7, $0xD08, v7;
	v6 =	vsel vm11, $0xE09, v6  }
0xf0: {  	v8 =	vsel vm9, $0xC07, v8;
	v7 =	vsel vm10, $0xD89, v7;
	v6 =	vsel vm13, $0xE8A, v6  }
0xf1: {  	v8 =	vsel vm8, $0xC88, v8;
	v7 =	vsel vm11, $0xE0A, v7;
	v6 =	vsel vm14, $0xF0B, v6  }
0xf2: {  	v8 =	vsel vm7, $0xD09, v8;
	[tilespmem:$0x1FCE0] =	vst v6;
	v6 =	vsel vm13, $0xE8B, v7  }
0xf3: {  	v7 =	vsel vm10, $0xD8A, v8;
	v6 =	vsel vm14, $0xF0C, v6  }
0xf4: {  	[tilespmem:$0x1FCF0] =	vst v6;
	v6 =	vsel vm11, $0xE0B, v7;
	v7 =	vimm.s32 $0xE0C0A080  }
0xf5: {  	v6 =	vsel vm13, $0xE8C, v6;
	v7 =	vunpack.c.0.s8.s32 v7  }
0xf6: {  	v8 =	vimm.s32 $0xC0A08060;
	v6 =	vsel vm14, $0xF0D, v6  }
0xf7: {  	v5 =	vsel vm8, $0x100, v5;
	[tilespmem:$0x1FD00] =	vst v6;
	v6 =	vunpack.c.0.s8.s32 v8;
	v7 =	vand.u32 $0xFF, v7  }
0xf8: {  	v5 =	vsel vm7, $0x120, v5;
	[tilespmem:$0x1FD10] =	vst v7;
	v7 =	vimm.s32 $0x40200000  }
0xf9: {  	v5 =	vsel vm10, $0x140, v5;
	v7 =	vunpack.c.0.s8.s32 v7;
	v6 =	vand.u32 $0xFF, v6  }
0xfa: {  	v5 =	vsel vm11, $0x160, v5;
	v6 =	vsel vm4, $0xE0, v6  }
0xfb: {  	v8 =	vimm.s32 $0x60402000;
	[tilespmem:$0x1FD20] =	vst v7;
	v7 =	vsel vm7, $0x100, v59;
	v6 =	vsel vm5, $0x100, v6  }
0xfc: {  	v25 =	vunpack.c.0.s8.s32 v8;
	v7 =	vsel vm10, $0x120, v7;
	v6 =	vsel vm6, $0x120, v6  }
0xfd: {  	v8 =	vimm.s32 $0x604020;
	v7 =	vsel vm11, $0x140, v7;
	v6 =	vsel vm12, $0x140, v6  }
0xfe: {  	s0 =	rddreg [dreg:$0x0];
	v5 =	vsel vm13, $0x180, v5;
	v8 =	vunpack.c.0.s8.s32 v8;
	[tilespmem:$0x1FD30] =	vst v6;
	v6 =	vsel vm13, $0x160, v7  }
0xff: {  	s10 =	rddreg [dreg:$0x1];
	s3 =	simm.s32 $0x0;
	v42 =	vsel vm14, $0x1A0, v5;
	v5 =	vsel vm14, $0x180, v6  }
0x100: {  	[smem:$0x7FF] =	sst s3;
	v6 =	vand.u32 $0xFF, v8;
	[tilespmem:$0x1FD40] =	vst v5  }
0x101: {  	s1 =	rddreg [dreg:$0x2];
	_ =	strace $0x80000047;
	[tilespmem:$0x1FD50] =	vst v6  }
0x102: {  	[tilespmem:$0x1FD70] =	vst v25  }
0x103: {  	[tilespmem:$0x1FD90] =	vst v16  }
0x104: {  	[tilespmem:$0x1FDA0] =	vst v19  }
0x105: {  	[tilespmem:$0x1FDB0] =	vst v20  }
0x106: {  	[tilespmem:$0x1FDC0] =	vst v21  }
0x107: {  	[tilespmem:$0x1FDD0] =	vst v23  }
0x108: {  	[tilespmem:$0x1FDE0] =	vst v63  }
0x109: {  	[tilespmem:$0x1FDF0] =	vst v2  }
0x10a: {  	[tilespmem:$0x1FE00] =	vst v17  }
0x10b: {  	v8 =	vmov v35;
	v35 =	vmov v31;
	v31 =	vmov v18;
	[tilespmem:$0x1FE10] =	vst v62  }
0x10c: {  	[tilespmem:$0x1FE20] =	vst v31  }
0x10d: {  	[tilespmem:$0x1FE30] =	vst v35  }
0x10e: {  	[tilespmem:$0x1FE40] =	vst v33  }
0x10f: {  	[tilespmem:$0x1FE50] =	vst v54  }
0x110: {  	v39 =	vsel vm14, $0x100, v39;
	v7 =	vsel vm4, $0xC0, v61;
	[tilespmem:$0x1FE60] =	vst v42  }
0x111: {  	v4 =	vsel vm13, $0x80, v4;
	v7 =	vsel vm5, $0xE0, v7;
	[tilespmem:$0x1FEA0] =	vst v39  }
0x112: {  	v5 =	vsel vm6, $0x100, v7;
	v7 =	vsel vm12, $0x100, v14;
	v14 =	vmovc v40;
	v40 =	vsel vm14, $0xA0, v4;
	[tilespmem:$0x1FEB0] =	vst v27  }
0x113: {  	v3 =	vsel vm14, $0x80, v36;
	[tilespmem:$0x1FEC0] =	vst v40  }
0x114: {  	[tilespmem:$0x1FED0] =	vst v3  }
0x115: {  	[tilespmem:$0x1FF10] =	vst v32  }
0x116: {  	[tilespmem:$0x1FF20] =	vst v10  }
0x117: {  	[tilespmem:$0x1FF50] =	vst v11  }
0x118: {  	[tilespmem:$0x1FF60] =	vst v14  }
0x119: {  	[tilespmem:$0x1FF70] =	vst v51  }
0x11a: {  	[tilespmem:$0x1FF80] =	vst v8  }
0x11b: {  	v18 =	vmov v41;
	[tilespmem:$0x1FF90] =	vst v52  }
0x11c: {  	v9 =	vimm.s32 $0x80E0C0A0;
	[tilespmem:$0x1FFB0] =	vst v18  }
0x11d: {  	v9 =	vunpack.c.0.s8.s32 v9;
	[tilespmem:$0x1FFC0] =	vst v34  }
0x11e: {  	v5 =	vsel vm12, $0x120, v5;
	[tilespmem:$0x1FFD0] =	vst v53  }
0x11f: {  	[tilespmem:$0x1FFE0] =	vst v13;
	v5 =	vsel vm9, $0x140, v5  }
0x120: {  	s4 =	srdreg.scid;
	v6 =	vand.u32 $0xFF, v9;
	[tilespmem:$0x1FFF0] =	vst v37;
	v5 =	vsel vm8, $0x160, v5  }
0x121: {  	s2 =	stileid.u32;
	s12 =	simm.s32 $0x400;
	s13 =	simm.s32 $0x7A1400;
	v9 =	vmovc v58;
	[tilespmem:$0x1FD60] =	vst v6;
	v6 =	vsel vm13, $0x100, v1;
	v1 =	vlaneseq.u32;
	v5 =	vsel vm7, $0x180, v5  }
0x122: {  	s14 =	simm.s32 $0x1;
	s15 =	simm.s32 $0x3;
	s16 =	simm.s32 $0x2;
	v58 =	vmovc v44;
	[tilespmem:$0x1FF30] =	vst v9;
	v61 =	vsel vm14, $0x120, v6;
	v6 =	vsel vm9, $0x120, v7;
	v5 =	vsel vm10, $0x1A0, v5  }
0x123: {  	s17 =	simm.s32 $0x3000;
	s19 =	simm.s32 $0x4;
	s20 =	simm.s32 $0x5000;
	[tilespmem:$0x1FFA0] =	vst v58;
	v6 =	vsel vm8, $0x140, v6;
	v4 =	vsel vm11, $0x1C0, v5  }
0x124: {  	s21 =	simm.s32 $0x2000;
	s5 =	sand.u32 $0x1, s4;
	s30 =	sshll.u32 s2, $0x1;
	v7 =	vmov v29;
	[tilespmem:$0x1FE80] =	vst v61;
	v6 =	vsel vm7, $0x160, v6;
	v4 =	vsel vm13, $0x1E0, v4  }
0x125: {  	s22 =	simm.s32 $0x0;
	s4 =	sadd.s32 $0x800, s10;
	s18 =	sor.u32 s5, s30;
	[tilespmem:$0x1FF40] =	vst v7;
	v5 =	vsel vm10, $0x180, v6;
	v6 =	vmul.u32 $0x81, v1;
	v1 =	vmov v50  }
0x126: {  	p0 =	slt.u32 s2, $0x2;
	s7 =	ssub.s32 $0x2, s5;
	s6 =	smul.u32 $0xF4, s18;
	v5 =	vsel vm11, $0x1A0, v5;
	[tilespmem:$0x1FE70] =	vst v1  }
.Ltmp0:
0x127: {  	s31 =	smin.u32 s18, $0x4;
	s8 =	sshrl.u32 s7, $0x1;
	v59 =	vsel vm14, $0x0, v4;
	[tilespmem:$0x1FF00] =	vst v6;
	v4 =	vmov v0;
	v0 =	vsel vm13, $0x1C0, v5;
	(pc) =	sbr.rel .LBB2_1-.Ltmp0, $4  }
0x128: {  	s11 =	ssub.s32 s7, s8;
	s5 =	sadd.s32 s31, s6;
	s6 =	simm.s32 $0xF5;
	[tilespmem:$0x1FEE0] =	vst v59;
	v29 =	vsel vm14, $0x1E0, v0;
	v0 =	vand.u32 $0xFF, v25  }
0x129: {  	s10 =	sadd.s32 $0x3D1000, s10;
	s11 =	smax.u32 s11, $0x1;
	s6 =	simm.s32 @!p0 $0xF4;
	[tilespmem:$0x1FE90] =	vst v4  }
0x12a: {  	s9 =	sshll.u32 s5, $0x7;
	p0 =	sne.s32 s18, $0x1F;
	s18 =	simm.s32 $0x4000;
	[tilespmem:$0x1FD80] =	vst v0  }
0x12b: {  	s7 =	sadd.s32 $0xFFFFFFFF, s6;
	s8 =	sadd.s32 s0, s9;
	s9 =	sadd.s32 $0xF4200, s0;
	v41 =	vmovc v38;
	vm9 =	vcmask $0x2B1C;
	v44 =	vor.u32 $0x800, v6;
	v25 =	vmovc v34;
	[tilespmem:$0x1FEF0] =	vst v29;
	v0 =	vmov v12  }
.LBB2_16:
0x12c: {  	v2 =	vld [tilespmem:$0x1FC60];
	_ =	sdelay $0x2  }
0x12d: {  	v1 =	vmov s23  }
0x12e: {  	v1 =	vshll.u32 v1, $0x5  }
0x12f: {  	v2 =	vor.u32 v2, v1  }
0x130: {  	[tilespmem:v8+s20+$0x0] =	vst.idx.msk $0xffff, v6;
	v2 =	vand.u32 $0x780, v2  }
0x131: {  	v6 =	vld.idx.msk [tilespmem:v7+s18+$0x0], $0xffff;
	v7 =	vor.u32 v24, v2  }
0x132: {  	v8 =	vor.u32 s23, v62;
	_ =	sdelay $0x2  }
0x133: {  	v9 =	vor.u32 v29, v1  }
0x134: {  	[tilespmem:v7+s20+$0x0] =	vst.idx.msk $0xffff, v6;
	v6 =	vand.u32 $0x780, v9  }
0x135: {  	v7 =	vld.idx.msk [tilespmem:v8+s18+$0x0], $0xffff;
	v8 =	vor.u32 v26, v6  }
0x136: {  	v9 =	vor.u32 s23, v54;
	_ =	sdelay $0x2  }
0x137: {  	v10 =	vor.u32 v50, v1  }
0x138: {  	v11 =	vld [tilespmem:$0x1FC70];
	[tilespmem:v8+s20+$0x0] =	vst.idx.msk $0xffff, v7;
	v7 =	vand.u32 $0x780, v10  }
0x139: {  	v8 =	vld.idx.msk [tilespmem:v9+s18+$0x0], $0xffff;
	v9 =	vor.u32 v28, v7  }
0x13a: {  	v10 =	vor.u32 s23, v15;
	_ =	sdelay $0x2  }
0x13b: {  	v11 =	vor.u32 v11, v1  }
0x13c: {  	v29 =	vand.u32 $0x780, v11;
	[tilespmem:v9+s20+$0x0] =	vst.idx.msk $0xffff, v8  }
0x13d: {  	v9 =	vld.idx.msk [tilespmem:v10+s18+$0x0], $0xffff;
	v10 =	vor.u32 v30, v29  }
0x13e: {  	v11 =	vor.u32 s23, v38;
	_ =	sdelay $0x2  }
0x13f: {  	v12 =	vor.u32 v59, v1  }
0x140: {  	v8 =	vand.u32 $0x780, v12;
	[tilespmem:v10+s20+$0x0] =	vst.idx.msk $0xffff, v9  }
0x141: {  	v10 =	vor.u32 v24, v8;
	v9 =	vld.idx.msk [tilespmem:v11+s18+$0x0], $0xffff  }
0x142: {  	v11 =	vor.u32 s23, v41;
	_ =	sdelay $0x2  }
0x143: {  	v12 =	vor.u32 v32, v1  }
0x144: {  	[tilespmem:v10+s20+$0x0] =	vst.idx.msk $0xffff, v9;
	v9 =	vand.u32 $0x780, v12  }
0x145: {  	v10 =	vld.idx.msk [tilespmem:v11+s18+$0x0], $0xffff;
	v11 =	vor.u32 v26, v9  }
0x146: {  	v12 =	vor.u32 s23, v14;
	_ =	sdelay $0x2  }
0x147: {  	v13 =	vor.u32 v3, v1  }
0x148: {  	[tilespmem:v11+s20+$0x0] =	vst.idx.msk $0xffff, v10;
	v10 =	vand.u32 $0x780, v13  }
0x149: {  	v11 =	vld.idx.msk [tilespmem:v12+s18+$0x0], $0xffff;
	v12 =	vor.u32 v28, v10  }
0x14a: {  	v13 =	vor.u32 s23, v51;
	_ =	sdelay $0x2  }
0x14b: {  	v16 =	vor.u32 v40, v1  }
0x14c: {  	[tilespmem:v12+s20+$0x0] =	vst.idx.msk $0xffff, v11;
	v11 =	vand.u32 $0x780, v16  }
0x14d: {  	v12 =	vld.idx.msk [tilespmem:v13+s18+$0x0], $0xffff;
	v13 =	vor.u32 v30, v11  }
0x14e: {  	v17 =	vor.u32 s23, v27;
	_ =	sdelay $0x2  }
0x14f: {  	v16 =	vor.u32 v34, v1  }
0x150: {  	v51 =	vand.u32 $0x780, v16;
	[tilespmem:v13+s20+$0x0] =	vst.idx.msk $0xffff, v12  }
0x151: {  	v12 =	vor.u32 v24, v51;
	v13 =	vld.idx.msk [tilespmem:v17+s18+$0x0], $0xffff  }
0x152: {  	v16 =	vor.u32 s23, v55;
	_ =	sdelay $0x2  }
0x153: {  	v17 =	vor.u32 v36, v1  }
0x154: {  	[tilespmem:v12+s20+$0x0] =	vst.idx.msk $0xffff, v13;
	v13 =	vand.u32 $0x780, v17  }
0x155: {  	v12 =	vld.idx.msk [tilespmem:v16+s18+$0x0], $0xffff;
	v16 =	vor.u32 v26, v13  }
0x156: {  	v17 =	vor.u32 s23, v33;
	_ =	sdelay $0x2  }
0x157: {  	v18 =	vor.u32 v39, v1  }
0x158: {  	v50 =	vmov v33;
	v33 =	vand.u32 $0x780, v18;
	[tilespmem:v16+s20+$0x0] =	vst.idx.msk $0xffff, v12  }
0x159: {  	v16 =	vld.idx.msk [tilespmem:v17+s18+$0x0], $0xffff;
	v17 =	vor.u32 v28, v33  }
0x15a: {  	v18 =	vor.u32 s23, v57;
	_ =	sdelay $0x2  }
0x15b: {  	v19 =	vor.u32 v61, v1  }
0x15c: {  	[tilespmem:v17+s20+$0x0] =	vst.idx.msk $0xffff, v16;
	v16 =	vand.u32 $0x780, v19  }
0x15d: {  	v17 =	vld.idx.msk [tilespmem:v18+s18+$0x0], $0xffff;
	v18 =	vor.u32 v30, v16  }
0x15e: {  	v19 =	vor.u32 s23, v56;
	_ =	sdelay $0x2  }
0x15f: {  	v12 =	vor.u32 v4, v1  }
0x160: {  	v61 =	vand.u32 $0x780, v12;
	[tilespmem:v18+s20+$0x0] =	vst.idx.msk $0xffff, v17  }
0x161: {  	v18 =	vor.u32 v24, v61;
	v17 =	vld.idx.msk [tilespmem:v19+s18+$0x0], $0xffff  }
0x162: {  	v19 =	vor.u32 s23, v31;
	_ =	sdelay $0x2  }
0x163: {  	v20 =	vor.u32 v46, v1  }
0x164: {  	[tilespmem:v18+s20+$0x0] =	vst.idx.msk $0xffff, v17;
	v17 =	vand.u32 $0x780, v20  }
0x165: {  	v18 =	vld.idx.msk [tilespmem:v19+s18+$0x0], $0xffff;
	v19 =	vor.u32 v26, v17  }
0x166: {  	v20 =	vor.u32 s23, v35;
	_ =	sdelay $0x2  }
0x167: {  	v21 =	vor.u32 v37, v1  }
0x168: {  	v37 =	vand.u32 $0x780, v21;
	[tilespmem:v19+s20+$0x0] =	vst.idx.msk $0xffff, v18  }
0x169: {  	v19 =	vld.idx.msk [tilespmem:v20+s18+$0x0], $0xffff;
	v20 =	vor.u32 v28, v37  }
0x16a: {  	v21 =	vor.u32 s23, v0;
	_ =	sdelay $0x2  }
0x16b: {  	v1 =	vor.u32 v5, v1  }
0x16c: {  	v1 =	vand.u32 $0x780, v1;
	[tilespmem:v20+s20+$0x0] =	vst.idx.msk $0xffff, v19  }
0x16d: {  	v20 =	vor.u32 v30, v1;
	v19 =	vld.idx.msk [tilespmem:v21+s18+$0x0], $0xffff  }
0x16e: {  	v21 =	vor.u32 s23, v44;
	_ =	sdelay $0x3  }
0x16f: {  	[tilespmem:v20+s20+$0x0] =	vst.idx.msk $0xffff, v19  }
0x170: {  	v2 =	vor.u32 v43, v2;
	v19 =	vld.idx.msk [tilespmem:v21+s18+$0x0], $0xffff  }
0x171: {  	v20 =	vor.u32 s23, v42;
	_ =	sdelay $0x3  }
0x172: {  	[tilespmem:v2+s20+$0x0] =	vst.idx.msk $0xffff, v19  }
0x173: {  	v6 =	vor.u32 v45, v6;
	v2 =	vld.idx.msk [tilespmem:v20+s18+$0x0], $0xffff  }
0x174: {  	v19 =	vor.u32 s23, v52  }
0x175: {  	v32 =	vld [tilespmem:$0x1FF10];
	_ =	sdelay $0x2  }
0x176: {  	[tilespmem:v6+s20+$0x0] =	vst.idx.msk $0xffff, v2  }
0x177: {  	v6 =	vor.u32 v47, v7;
	v2 =	vld.idx.msk [tilespmem:v19+s18+$0x0], $0xffff  }
0x178: {  	v7 =	vor.u32 s23, v32;
	_ =	sdelay $0x3  }
0x179: {  	[tilespmem:v6+s20+$0x0] =	vst.idx.msk $0xffff, v2  }
0x17a: {  	v6 =	vor.u32 v49, v29;
	v2 =	vld.idx.msk [tilespmem:v7+s18+$0x0], $0xffff  }
0x17b: {  	v7 =	vor.u32 s23, v53;
	_ =	sdelay $0x3  }
0x17c: {  	[tilespmem:v6+s20+$0x0] =	vst.idx.msk $0xffff, v2  }
0x17d: {  	v2 =	vld.idx.msk [tilespmem:v7+s18+$0x0], $0xffff  }
0x17e: {  	v7 =	vld [tilespmem:$0x1FF40];
	_ =	sdelay $0x3  }
0x17f: {  	v59 =	vmov v0;
	v0 =	vor.u32 v43, v8  }
0x180: {  	v6 =	vor.u32 s23, v7;
	_ =	sdelay $0x3  }
0x181: {  	[tilespmem:v0+s20+$0x0] =	vst.idx.msk $0xffff, v2  }
0x182: {  	v0 =	vor.u32 v45, v9;
	v2 =	vld.idx.msk [tilespmem:v6+s18+$0x0], $0xffff  }
0x183: {  	v6 =	vor.u32 s23, v48  }
0x184: {  	v9 =	vld [tilespmem:$0x1FF30];
	_ =	sdelay $0x2  }
0x185: {  	[tilespmem:v0+s20+$0x0] =	vst.idx.msk $0xffff, v2  }
0x186: {  	v0 =	vor.u32 v47, v10;
	v2 =	vld.idx.msk [tilespmem:v6+s18+$0x0], $0xffff  }
0x187: {  	v6 =	vor.u32 s23, v9;
	_ =	sdelay $0x3  }
0x188: {  	[tilespmem:v0+s20+$0x0] =	vst.idx.msk $0xffff, v2  }
0x189: {  	v5 =	vor.u32 v49, v11;
	v2 =	vld.idx.msk [tilespmem:v6+s18+$0x0], $0xffff  }
0x18a: {  	v6 =	vor.u32 s23, v58;
	_ =	sdelay $0x3  }
0x18b: {  	[tilespmem:v5+s20+$0x0] =	vst.idx.msk $0xffff, v2  }
0x18c: {  	v5 =	vor.u32 v43, v51;
	v2 =	vld.idx.msk [tilespmem:v6+s18+$0x0], $0xffff  }
0x18d: {  	v6 =	vor.u32 s23, v60  }
0x18e: {  	v10 =	vld [tilespmem:$0x1FF20];
	_ =	sdelay $0x2  }
0x18f: {  	[tilespmem:v5+s20+$0x0] =	vst.idx.msk $0xffff, v2  }
0x190: {  	v5 =	vor.u32 v45, v13;
	v2 =	vld.idx.msk [tilespmem:v6+s18+$0x0], $0xffff  }
0x191: {  	v6 =	vor.u32 s23, v10  }
0x192: {  	v11 =	vld [tilespmem:$0x1FF50];
	_ =	sdelay $0x2  }
0x193: {  	[tilespmem:v5+s20+$0x0] =	vst.idx.msk $0xffff, v2  }
0x194: {  	v5 =	vor.u32 v47, v33;
	v2 =	vld.idx.msk [tilespmem:v6+s18+$0x0], $0xffff  }
0x195: {  	v6 =	vor.u32 s23, v11;
	_ =	sdelay $0x3  }
0x196: {  	[tilespmem:v5+s20+$0x0] =	vst.idx.msk $0xffff, v2  }
0x197: {  	v5 =	vor.u32 v49, v16;
	v2 =	vld.idx.msk [tilespmem:v6+s18+$0x0], $0xffff  }
0x198: {  	v6 =	vor.u32 s23, v63;
	_ =	sdelay $0x3  }
0x199: {  	[tilespmem:v5+s20+$0x0] =	vst.idx.msk $0xffff, v2  }
0x19a: {  	v4 =	vor.u32 v43, v61;
	v2 =	vld.idx.msk [tilespmem:v6+s18+$0x0], $0xffff  }
0x19b: {  	v5 =	vor.u32 s23, v25;
	_ =	sdelay $0x3  }
0x19c: {  	[tilespmem:v4+s20+$0x0] =	vst.idx.msk $0xffff, v2  }
0x19d: {  	v4 =	vor.u32 v45, v17;
	v2 =	vld.idx.msk [tilespmem:v5+s18+$0x0], $0xffff  }
0x19e: {  	v5 =	vor.u32 s23, v22;
	_ =	sdelay $0x3  }
0x19f: {  	[tilespmem:v4+s20+$0x0] =	vst.idx.msk $0xffff, v2  }
0x1a0: {  	v4 =	vor.u32 v47, v37;
	v2 =	vld.idx.msk [tilespmem:v5+s18+$0x0], $0xffff  }
0x1a1: {  	v5 =	vor.u32 s23, v23;
	_ =	sdelay $0x3  }
0x1a2: {  	[tilespmem:v4+s20+$0x0] =	vst.idx.msk $0xffff, v2  }
0x1a3: {  	v1 =	vor.u32 v49, v1;
	v2 =	vld.idx.msk [tilespmem:v5+s18+$0x0], $0xffff;
	_ =	sdelay $0x4  }
0x1a4: {  	[tilespmem:v1+s20+$0x0] =	vst.idx.msk $0xffff, v2  }
0x1a5: {  	[hbm4b:s10+s3] =	stream.linear.scatter [tilespmem:s20], [sflag:$0x4], $0x800, $0x38;
	[tilespmem:$0x5800] =	vst v63  }
0x1a6: {  	_ =	swait.ge [sflag:s19], $0x800  }
0x1a7: {  	v13 =	vmov v63;
	v63 =	vld [tilespmem:$0x1FDE0]  }
0x1a8: {  	v20 =	vld [tilespmem:$0x1FDB0]  }
0x1a9: {  	v2 =	vld [tilespmem:$0x1FDF0]  }
0x1aa: {  	v21 =	vld [tilespmem:$0x1FDC0]  }
0x1ab: {  	v23 =	vld [tilespmem:$0x1FDD0]  }
0x1ac: {  	v16 =	vld [tilespmem:$0x1FD90]  }
0x1ad: {  	v19 =	vld [tilespmem:$0x1FDA0]  }
0x1ae: {  	v14 =	vld [tilespmem:$0x1FF60]  }
0x1af: {  	v51 =	vld [tilespmem:$0x1FF70]  }
0x1b0: {  	v0 =	vmov v60;
	v6 =	vld [tilespmem:$0x1FF00]  }
0x1b1: {  	v12 =	vmov v52;
	v52 =	vld [tilespmem:$0x1FF90]  }
0x1b2: {  	v46 =	vmovc v42;
	v8 =	vmovc v48;
	v55 =	vmov v57;
	v57 =	vmov v31;
	v18 =	vmov v53;
	[sflag:s19] =	ssyncset.done $0x0;
	v53 =	vld [tilespmem:$0x1FFD0]  }
0x1b3: {  	v48 =	vmovc v12;
	v60 =	vmovc v50;
	v25 =	vmov v0;
	v0 =	vmov v59;
	v22 =	vmov v54;
	v37 =	vld [tilespmem:$0x1FFF0];
	[sflag:s19] =	ssyncadd.s32 $0xFFFFF800  }
.LBB2_17:
0x1b4: {  	s22 =	sadd.s32 $0x1, s22  }
0x1b5: {  	p1 =	sne.s32 s22, s11  }
.Ltmp1:
0x1b6: {  	_ = 	snop;
	(pc) =	sbr.rel @!p1 .LBB2_18-.Ltmp1, $1  }
0x1b7: {  	_ =	sdelay $0x3  }
.LBB2_1:
.Ltmp2:
0x1b8: {  	(pc) =	sbr.rel .LBB2_2-.Ltmp2, $3  }
0x1b9: {  	_ =	sdelay $0x1  }
0x1ba: {  	[tilespmem:s3], [sflag:$0x1] =	stream.strided.gather [hbm4b:s8+s12], $0x1000, s13, s12, $0x38;
	[tilespmem:$0x5800] =	vst v63  }
0x1bb: {  	s23 =	simm.s32 $0x0  }
.LBB2_8:
0x1bc: {  	_ =	swait.ge [sflag:s15], $0x1000  }
0x1bd: {  	v42 =	vld [tilespmem:$0x1FE60]  }
0x1be: {  	v61 =	vld [tilespmem:$0x1FE80]  }
0x1bf: {  	v39 =	vld [tilespmem:$0x1FEA0]  }
0x1c0: {  	v40 =	vld [tilespmem:$0x1FEC0]  }
0x1c1: {  	v3 =	vld [tilespmem:$0x1FED0]  }
0x1c2: {  	[sflag:s15] =	ssyncset.done $0x0;
	v50 =	vld [tilespmem:$0x1FEE0]  }
0x1c3: {  	v44 =	vmov v12;
	v29 =	vld [tilespmem:$0x1FEF0];
	[sflag:s15] =	ssyncadd.s32 $0xFFFFF000  }
.LBB2_10:
0x1c4: {  	s24 =	sshll.u32 s25, $0x9  }
0x1c5: {  	s24 =	sand.u32 $0x1FFFFE00, s24  }
0x1c6: {  	s25 =	sadd.s32 s4, s24  }
.LBB2_11:
0x1c7: {  	[hbm4b:s25+s3] =	stream.linear.scatter [tilespmem:s17], [sflag:$0x3], $0x1000, $0x38;
	[tilespmem:$0x5800] =	vst v63  }
.LBB2_12:
0x1c8: {  	p1 =	sne.s32 s23, s6  }
.Ltmp3:
0x1c9: {  	_ = 	snop;
	(pc) =	sbr.rel @!p1 .LBB2_13-.Ltmp3, $1  }
0x1ca: {  	_ =	sdelay $0x3  }
.LBB2_2:
0x1cb: {  	s25 =	smov.u32 s23;
	s23 =	sadd.s32 $0x1, s23  }
0x1cc: {  	s24 =	smov.u32 s7;
	p1 =	slt.s32 s23, s7  }
0x1cd: {  	s24 =	smov.u32 @p1 s23  }
0x1ce: {  	_ =	swait.ge [sflag:s14], $0x1000;
	s26 =	sadd.s32 s5, s24  }
0x1cf: {  	[sflag:s14] =	ssyncset.done $0x0;
	s26 =	sshll.u32 s26, $0x7  }
0x1d0: {  	s28 =	sshll.u32 s23, $0xC;
	[sflag:s14] =	ssyncadd.s32 $0xFFFFF000;
	s26 =	sand.u32 $0x1FFFFF80, s26  }
0x1d1: {  	s28 =	sand.u32 $0x1000, s28;
	s24 =	sand.u32 $0x1, s25;
	s26 =	sadd.s32 s0, s26  }
0x1d2: {  	v50 =	vmov v14;
	v54 =	vmov v60;
	v61 =	vmov v37;
	v39 =	vld [tilespmem:$0x1FCE0];
	[tilespmem:s28], [sflag:$0x1] =	stream.strided.gather [hbm4b:s26+s12], $0x1000, s13, s12, $0x38  }
0x1d3: {  	v40 =	vmovc v44;
	v42 =	vmovc v18;
	v44 =	vmov v7;
	v29 =	vmov v8;
	v35 =	vmov v9;
	v34 =	vld [tilespmem:$0x1FCF0];
	s26 =	sshll.u32 s24, $0xC  }
0x1d4: {  	s29 =	simm.s32 $0x0;
	s30 =	simm.s32 $0x0;
	v36 =	vmovc v58;
	v3 =	vmovc v25;
	v33 =	vmov v10;
	v27 =	vmov v11;
	v31 =	vmov v13;
	v37 =	vld [tilespmem:$0x1FD00];
	s28 =	sor.u32 $0x2000, s26  }
.LBB2_3:
0x1d5: {  	v1 =	vld [tilespmem:$0x1FCC0]  }
0x1d6: {  	v4 =	vor.u32 s30, v6;
	_ =	sdelay $0x1  }
0x1d7: {  	v7 =	vmov s29;
	v5 =	vor.u32 s30, v62  }
0x1d8: {  	v38 =	vmov v6;
	v6 =	vor.u32 s30, v22;
	v7 =	vshll.u32 v7, $0x7  }
0x1d9: {  	v8 =	vor.u32 s30, v15;
	v10 =	vor.u32 v19, v7;
	v9 =	vor.u32 s30, v1;
	v1 =	vld [tilespmem:$0x1FE00]  }
0x1da: {  	v4 =	vld.idx.msk [tilespmem:v4+s26+$0x0], $0xffff;
	v11 =	vor.u32 v24, v10  }
0x1db: {  	v13 =	vor.u32 v16, v7  }
0x1dc: {  	v12 =	vor.u32 s30, v41;
	v14 =	vor.u32 v26, v13;
	v5 =	vld.idx.msk [tilespmem:v5+s26+$0x0], $0xffff  }
0x1dd: {  	v6 =	vld.idx.msk [tilespmem:v6+s26+$0x0], $0xffff  }
0x1de: {  	v16 =	vor.u32 s30, v50;
	v8 =	vld.idx.msk [tilespmem:v8+s26+$0x0], $0xffff;
	v17 =	vor.u32 v1, v7  }
0x1df: {  	v9 =	vld.idx.msk [tilespmem:v9+s26+$0x0], $0xffff;
	[tilespmem:v11+s28+$0x0] =	vst.idx.msk $0xffff, v4;
	v11 =	vor.u32 v20, v7;
	v18 =	vor.u32 v28, v17  }
0x1e0: {  	v4 =	vor.u32 s30, v51;
	v19 =	vor.u32 v30, v11  }
0x1e1: {  	v12 =	vld.idx.msk [tilespmem:v12+s26+$0x0], $0xffff;
	[tilespmem:v14+s28+$0x0] =	vst.idx.msk $0xffff, v5;
	v5 =	vor.u32 s30, v52;
	v14 =	vor.u32 v23, v7  }
0x1e2: {  	v1 =	vld [tilespmem:$0x1FE20];
	v20 =	vor.u32 v24, v14;
	_ =	sdelay $0x1  }
0x1e3: {  	v16 =	vld.idx.msk [tilespmem:v16+s26+$0x0], $0xffff;
	[tilespmem:v18+s28+$0x0] =	vst.idx.msk $0xffff, v6  }
0x1e4: {  	v4 =	vld.idx.msk [tilespmem:v4+s26+$0x0], $0xffff;
	[tilespmem:v19+s28+$0x0] =	vst.idx.msk $0xffff, v8  }
0x1e5: {  	v6 =	vor.u32 s30, v53;
	v18 =	vor.u32 v21, v7;
	v5 =	vld.idx.msk [tilespmem:v5+s26+$0x0], $0xffff  }
0x1e6: {  	v21 =	vor.u32 v26, v18;
	[tilespmem:v20+s28+$0x0] =	vst.idx.msk $0xffff, v9;
	v20 =	vor.u32 v1, v7;
	v1 =	vld [tilespmem:$0x1FEB0];
	_ =	sdelay $0x3  }
0x1e7: {  	v25 =	vmov v15;
	v8 =	vor.u32 s30, v54;
	v19 =	vor.u32 v2, v7;
	v6 =	vld.idx.msk [tilespmem:v6+s26+$0x0], $0xffff  }
0x1e8: {  	v15 =	vmov v22;
	v22 =	vor.u32 v28, v19;
	[tilespmem:v21+s28+$0x0] =	vst.idx.msk $0xffff, v12;
	v21 =	vor.u32 v1, v7;
	v1 =	vld [tilespmem:$0x1FE90];
	_ =	sdelay $0x3  }
0x1e9: {  	v62 =	vor.u32 s30, v55;
	v8 =	vld.idx.msk [tilespmem:v8+s26+$0x0], $0xffff  }
0x1ea: {  	v23 =	vor.u32 v30, v20;
	[tilespmem:v22+s28+$0x0] =	vst.idx.msk $0xffff, v16;
	v22 =	vor.u32 v1, v7;
	v1 =	vld [tilespmem:$0x1FE40];
	_ =	sdelay $0x2  }
0x1eb: {  	v12 =	vor.u32 s30, v56;
	v58 =	vor.u32 v24, v21  }
0x1ec: {  	v16 =	vor.u32 s30, v57;
	v9 =	vld.idx.msk [tilespmem:v62+s26+$0x0], $0xffff  }
0x1ed: {  	[tilespmem:v23+s28+$0x0] =	vst.idx.msk $0xffff, v4;
	v59 =	vor.u32 v26, v22;
	v23 =	vor.u32 v1, v7;
	v1 =	vld [tilespmem:$0x1FCD0]  }
0x1ee: {  	v4 =	vor.u32 s30, v61  }
0x1ef: {  	v2 =	vld [tilespmem:$0x1FE30];
	v60 =	vor.u32 v28, v23  }
0x1f0: {  	v12 =	vld.idx.msk [tilespmem:v12+s26+$0x0], $0xffff;
	[tilespmem:v58+s28+$0x0] =	vst.idx.msk $0xffff, v5  }
0x1f1: {  	v16 =	vld.idx.msk [tilespmem:v16+s26+$0x0], $0xffff  }
0x1f2: {  	v58 =	vor.u32 v63, v7;
	[tilespmem:v59+s28+$0x0] =	vst.idx.msk $0xffff, v6;
	v63 =	vor.u32 v1, v7;
	v1 =	vld [tilespmem:$0x1FE70]  }
0x1f3: {  	v4 =	vld.idx.msk [tilespmem:v4+s26+$0x0], $0xffff  }
0x1f4: {  	[tilespmem:v60+s28+$0x0] =	vst.idx.msk $0xffff, v8;
	v60 =	vld [tilespmem:$0x1FE50]  }
0x1f5: {  	v5 =	vor.u32 s30, v0  }
0x1f6: {  	v62 =	vor.u32 v30, v58  }
0x1f7: {  	v6 =	vor.u32 v24, v63;
	v59 =	vor.u32 v1, v7  }
0x1f8: {  	v2 =	vor.u32 v2, v7;
	v1 =	vor.u32 v26, v59  }
0x1f9: {  	v8 =	vor.u32 v28, v2;
	v7 =	vor.u32 v60, v7  }
0x1fa: {  	v5 =	vld.idx.msk [tilespmem:v5+s26+$0x0], $0xffff;
	v60 =	vor.u32 v30, v7  }
0x1fb: {  	[tilespmem:v62+s28+$0x0] =	vst.idx.msk $0xffff, v9;
	v9 =	vor.u32 s30, v40  }
0x1fc: {  	[tilespmem:v6+s28+$0x0] =	vst.idx.msk $0xffff, v12  }
0x1fd: {  	v6 =	vor.u32 s30, v46;
	[tilespmem:v1+s28+$0x0] =	vst.idx.msk $0xffff, v16  }
0x1fe: {  	v1 =	vor.u32 s30, v48;
	[tilespmem:v8+s28+$0x0] =	vst.idx.msk $0xffff, v4  }
0x1ff: {  	v4 =	vor.u32 s30, v32;
	[tilespmem:v60+s28+$0x0] =	vst.idx.msk $0xffff, v5  }
0x200: {  	v5 =	vor.u32 s30, v42;
	v8 =	vld.idx.msk [tilespmem:v9+s26+$0x0], $0xffff;
	v9 =	vor.u32 v43, v10  }
0x201: {  	v60 =	vor.u32 s30, v44  }
0x202: {  	v6 =	vld.idx.msk [tilespmem:v6+s26+$0x0], $0xffff  }
0x203: {  	v12 =	vor.u32 v45, v13;
	v1 =	vld.idx.msk [tilespmem:v1+s26+$0x0], $0xffff  }
0x204: {  	v13 =	vor.u32 s30, v29;
	v16 =	vor.u32 v47, v17;
	v4 =	vld.idx.msk [tilespmem:v4+s26+$0x0], $0xffff  }
0x205: {  	v5 =	vld.idx.msk [tilespmem:v5+s26+$0x0], $0xffff;
	[tilespmem:v9+s28+$0x0] =	vst.idx.msk $0xffff, v8  }
0x206: {  	v8 =	vor.u32 s30, v35;
	v9 =	vld.idx.msk [tilespmem:v60+s26+$0x0], $0xffff;
	v60 =	vor.u32 v49, v11;
	_ =	sdelay $0x1  }
0x207: {  	[tilespmem:v12+s28+$0x0] =	vst.idx.msk $0xffff, v6;
	v6 =	vor.u32 s30, v36;
	v12 =	vor.u32 v43, v14  }
0x208: {  	v11 =	vld.idx.msk [tilespmem:v13+s26+$0x0], $0xffff;
	[tilespmem:v16+s28+$0x0] =	vst.idx.msk $0xffff, v1;
	v1 =	vor.u32 s30, v3;
	v13 =	vor.u32 v45, v18;
	_ =	sdelay $0x1  }
0x209: {  	v8 =	vld.idx.msk [tilespmem:v8+s26+$0x0], $0xffff;
	[tilespmem:v60+s28+$0x0] =	vst.idx.msk $0xffff, v4;
	v4 =	vor.u32 s30, v33;
	v60 =	vor.u32 v47, v19;
	_ =	sdelay $0x1  }
0x20a: {  	v6 =	vld.idx.msk [tilespmem:v6+s26+$0x0], $0xffff;
	[tilespmem:v12+s28+$0x0] =	vst.idx.msk $0xffff, v5;
	v5 =	vor.u32 s30, v27;
	v12 =	vor.u32 v49, v20  }
0x20b: {  	v1 =	vld.idx.msk [tilespmem:v1+s26+$0x0], $0xffff;
	[tilespmem:v13+s28+$0x0] =	vst.idx.msk $0xffff, v9;
	v9 =	vor.u32 s30, v31;
	v13 =	vor.u32 v43, v21;
	_ =	sdelay $0x1  }
0x20c: {  	v10 =	vor.u32 s30, v39;
	v4 =	vld.idx.msk [tilespmem:v4+s26+$0x0], $0xffff;
	[tilespmem:v60+s28+$0x0] =	vst.idx.msk $0xffff, v11;
	v60 =	vor.u32 v45, v22  }
0x20d: {  	v62 =	vld [tilespmem:$0x1FE10]  }
0x20e: {  	v5 =	vld.idx.msk [tilespmem:v5+s26+$0x0], $0xffff;
	[tilespmem:v12+s28+$0x0] =	vst.idx.msk $0xffff, v8;
	v8 =	vor.u32 s30, v34;
	v12 =	vor.u32 v47, v23  }
0x20f: {  	v9 =	vld.idx.msk [tilespmem:v9+s26+$0x0], $0xffff;
	[tilespmem:v13+s28+$0x0] =	vst.idx.msk $0xffff, v6;
	v6 =	vor.u32 s30, v37  }
0x210: {  	v16 =	vld [tilespmem:$0x1FD90];
	v13 =	vor.u32 v49, v58  }
0x211: {  	v10 =	vld.idx.msk [tilespmem:v10+s26+$0x0], $0xffff;
	[tilespmem:v60+s28+$0x0] =	vst.idx.msk $0xffff, v1;
	v1 =	vor.u32 v43, v63  }
0x212: {  	v19 =	vld [tilespmem:$0x1FDA0];
	v60 =	vor.u32 v45, v59  }
0x213: {  	v2 =	vor.u32 v47, v2;
	v8 =	vld.idx.msk [tilespmem:v8+s26+$0x0], $0xffff;
	[tilespmem:v12+s28+$0x0] =	vst.idx.msk $0xffff, v4  }
0x214: {  	p1 =	sne.s32 s30, $0x70;
	v4 =	vld.idx.msk [tilespmem:v6+s26+$0x0], $0xffff;
	v6 =	vor.u32 v49, v7  }
.Ltmp4:
0x215: {  	v20 =	vld [tilespmem:$0x1FDB0];
	[tilespmem:v13+s28+$0x0] =	vst.idx.msk $0xffff, v5;
	(pc) =	sbr.rel @p1 .LBB2_3-.Ltmp4, $4  }
0x216: {  	v21 =	vld [tilespmem:$0x1FDC0];
	[tilespmem:v1+s28+$0x0] =	vst.idx.msk $0xffff, v9  }
0x217: {  	v23 =	vld [tilespmem:$0x1FDD0];
	[tilespmem:v60+s28+$0x0] =	vst.idx.msk $0xffff, v10  }
0x218: {  	v63 =	vld [tilespmem:$0x1FDE0];
	[tilespmem:v2+s28+$0x0] =	vst.idx.msk $0xffff, v8  }
0x219: {  	s29 =	sadd.s32 $0x4, s29;
	v22 =	vmov v15;
	v15 =	vmov v25;
	s30 =	sadd.s32 $0x10, s30;
	v2 =	vld [tilespmem:$0x1FDF0];
	[tilespmem:v6+s28+$0x0] =	vst.idx.msk $0xffff, v4;
	v6 =	vmov v38  }
0x21a: {  	p2 =	slt.u32 s25, $0x2  }
.Ltmp5:
0x21b: {  	_ = 	snop;
	(pc) =	sbr.rel @p2 .LBB2_9-.Ltmp5, $4  }
0x21c: {  	_ = 	snop  }
0x21d: {  	v12 =	vmov v40;
	v13 =	vmov v31;
	v11 =	vmov v27  }
0x21e: {  	v10 =	vmovc v33;
	v58 =	vmovc v36;
	v18 =	vmov v42;
	v60 =	vmov v54;
	v14 =	vmov v50  }
0x21f: {  	s25 =	sadd.s32 s5, s25;
	p1 =	seq.s32 s24, $0x1;
	v37 =	vmovc v61;
	v7 =	vmovc v44;
	v8 =	vmov v29;
	v9 =	vmov v35;
	v25 =	vmov v3  }
.Ltmp6:
0x220: {  	(pc) =	sbr.rel @p1 .LBB2_8-.Ltmp6, $1  }
0x221: {  	_ =	sdelay $0x3  }
0x222: {  	_ =	swait.ge [sflag:s16], $0x1000  }
0x223: {  	v42 =	vld [tilespmem:$0x1FE60]  }
0x224: {  	v61 =	vld [tilespmem:$0x1FE80]  }
.Ltmp7:
0x225: {  	v39 =	vld [tilespmem:$0x1FEA0];
	(pc) =	sbr.rel .LBB2_7-.Ltmp7, $4  }
0x226: {  	v40 =	vld [tilespmem:$0x1FEC0]  }
0x227: {  	v3 =	vld [tilespmem:$0x1FED0]  }
0x228: {  	[sflag:s16] =	ssyncset.done $0x0;
	v50 =	vld [tilespmem:$0x1FEE0]  }
0x229: {  	v44 =	vmov v12;
	v29 =	vld [tilespmem:$0x1FEF0];
	[sflag:s16] =	ssyncadd.s32 $0xFFFFF000  }
.LBB2_9:
0x22a: {  	v42 =	vld [tilespmem:$0x1FE60]  }
0x22b: {  	v61 =	vld [tilespmem:$0x1FE80]  }
.Ltmp8:
0x22c: {  	v39 =	vld [tilespmem:$0x1FEA0];
	(pc) =	sbr.rel @p1 .LBB2_10-.Ltmp8, $4  }
0x22d: {  	v40 =	vld [tilespmem:$0x1FEC0]  }
0x22e: {  	v3 =	vld [tilespmem:$0x1FED0]  }
0x22f: {  	v50 =	vld [tilespmem:$0x1FEE0]  }
0x230: {  	v29 =	vld [tilespmem:$0x1FEF0];
	v44 =	vmov v12  }
.LBB2_7:
0x231: {  	p1 =	seq.s32 s24, $0x0  }
.Ltmp9:
0x232: {  	_ = 	snop;
	(pc) =	sbr.rel @p1 .LBB2_12-.Ltmp9, $4  }
.Ltmp10:
0x233: {  	s25 =	sshll.u32 s25, $0x9;
	(pc) =	sbr.rel @!p1 .LBB2_11-.Ltmp10, $4  }
0x234: {  	s25 =	sand.u32 $0x1FFFFE00, s25  }
0x235: {  	s25 =	sadd.s32 s4, s25  }
0x236: {  	[hbm4b:s25+s3] =	stream.linear.scatter [tilespmem:s21], [sflag:$0x2], $0x1000, $0x38;
	[tilespmem:$0x5800] =	vst v63  }
0x237: {  	_ = 	snop  }
.LBB2_13:
0x238: {  	_ =	swait.ge [sflag:s14], $0x1000  }
0x239: {  	[sflag:s14] =	ssyncset.done $0x0  }
0x23a: {  	[sflag:s14] =	ssyncadd.s32 $0xFFFFF000  }
0x23b: {  	_ =	swait.ge [sflag:s16], $0x1000  }
.Ltmp11:
0x23c: {  	[sflag:s16] =	ssyncset.done $0x0;
	(pc) =	sbr.rel @p0 .LBB2_17-.Ltmp11, $4  }
0x23d: {  	[sflag:s16] =	ssyncadd.s32 $0xFFFFF000  }
0x23e: {  	_ =	swait.ge [sflag:s15], $0x1000  }
0x23f: {  	[sflag:s15] =	ssyncset.done $0x0  }
0x240: {  	v38 =	vld [tilespmem:$0x1FCC0];
	[sflag:s15] =	ssyncadd.s32 $0xFFFFF000  }
0x241: {  	s23 =	simm.s32 $0x0  }
0x242: {  	v4 =	vlaneseq.u32;
	v1 =	vor.u32 s23, v6  }
0x243: {  	[tilespmem:s18], [sflag:$0x4] =	stream.strided.gather [hbm4b:s9+s12], $0x1000, s13, s12, $0x38;
	v2 =	vmov s23;
	v4 =	vmul.u32 $0x20, v4;
	[tilespmem:$0x5800] =	vst v63  }
0x244: {  	_ =	swait.ge [sflag:s19], $0x1000;
	v8 =	vshll.u32 v2, $0x5  }
0x245: {  	[sflag:s19] =	ssyncset.done $0x0;
	v2 =	vor.u32 v4, v8  }
0x246: {  	[sflag:s19] =	ssyncadd.s32 $0xFFFFF000;
	v2 =	vand.u32 $0x780, v2  }
0x247: {  	[tilespmem:$0x1FC80] =	vst v2;
	v2 =	vor.u32 v24, v2;
	v1 =	vld.idx.msk [tilespmem:v1+s18+$0x0], $0xffff  }
0x248: {  	[tilespmem:$0x1FC60] =	vst v4;
	v4 =	vor.u32 s23, v62;
	_ =	sdelay $0x2  }
0x249: {  	v5 =	vor.u32 v29, v8  }
0x24a: {  	[tilespmem:v2+s20+$0x0] =	vst.idx.msk $0xffff, v1;
	v2 =	vand.u32 $0x780, v5  }
0x24b: {  	[tilespmem:$0x1FC90] =	vst v2;
	v1 =	vld.idx.msk [tilespmem:v4+s18+$0x0], $0xffff;
	v2 =	vor.u32 v26, v2  }
0x24c: {  	v20 =	vimm.s32 $0x160  }
0x24d: {  	v5 =	vsel vm1, $0x180, v20  }
0x24e: {  	v4 =	vor.u32 s23, v22;
	v5 =	vsel vm2, $0x1A0, v5  }
0x24f: {  	v5 =	vsel vm3, $0x1C0, v5  }
0x250: {  	[tilespmem:v2+s20+$0x0] =	vst.idx.msk $0xffff, v1;
	v1 =	vsel vm4, $0x1E0, v5;
	v5 =	vld [tilespmem:$0x1FD20]  }
0x251: {  	v9 =	vor.u32 v50, v8  }
0x252: {  	v6 =	vld [tilespmem:$0x1FD30];
	v7 =	vand.u32 $0x780, v9  }
0x253: {  	v2 =	vld.idx.msk [tilespmem:v4+s18+$0x0], $0xffff;
	v4 =	vor.u32 v28, v7  }
0x254: {  	vm8 =	vcmask $0x1F14  }
0x255: {  	v1 =	vsel vm8, v5, v1;
	v5 =	vor.u32 s23, v15;
	_ =	sdelay $0x1  }
0x256: {  	v1 =	vcombine.low v6, v1  }
0x257: {  	v23 =	vimm.s32 $0x180;
	v25 =	vld [tilespmem:$0x1FD10];
	[tilespmem:v4+s20+$0x0] =	vst.idx.msk $0xffff, v2  }
0x258: {  	v11 =	vsel vm1, $0x1A0, v23;
	[tilespmem:$0x1FC70] =	vst v1;
	v1 =	vor.u32 v1, v8  }
0x259: {  	v10 =	vand.u32 $0x780, v1;
	v1 =	vsel vm2, $0x1C0, v11;
	v11 =	vld.idx.msk [tilespmem:v5+s18+$0x0], $0xffff  }
0x25a: {  	v5 =	vld [tilespmem:$0x1FCB0]  }
0x25b: {  	v6 =	vld [tilespmem:$0x1FD70]  }
0x25c: {  	v12 =	vsel vm4, $0x100, v25  }
0x25d: {  	v2 =	vsel vm5, $0x120, v12  }
0x25e: {  	vm8 =	vcmask $0xB00;
	v12 =	vor.u32 s23, v38;
	v2 =	vsel vm6, $0x140, v2  }
0x25f: {  	v4 =	vor.u32 v30, v10;
	v1 =	vsel vm3, $0x1E0, v1;
	v5 =	vnsel vm8, $0x80, v5  }
0x260: {  	v2 =	vsel vm12, $0x160, v2;
	v1 =	vsel vm15, v6, v1;
	v13 =	vsel vm3, $0x100, v5  }
0x261: {  	v2 =	vcombine.low v2, v1;
	v1 =	vsel vm4, $0x120, v13  }
0x262: {  	v1 =	vsel vm5, $0x140, v1  }
0x263: {  	v31 =	vld [tilespmem:$0x1FD50];
	v59 =	vmov v2;
	v2 =	vor.u32 v2, v8;
	v1 =	vsel vm6, $0x160, v1  }
0x264: {  	[tilespmem:v4+s20+$0x0] =	vst.idx.msk $0xffff, v11;
	v11 =	vand.u32 $0x780, v2;
	vm8 =	vcmask $0x2320;
	v1 =	vsel vm12, $0x180, v1  }
0x265: {  	v2 =	vld.idx.msk [tilespmem:v12+s18+$0x0], $0xffff;
	v4 =	vor.u32 v24, v11;
	v1 =	vsel vm8, $0x1A0, v1;
	vm8 =	vcmask $0x2724  }
0x266: {  	v12 =	vor.u32 s23, v41;
	v1 =	vsel vm8, $0x1C0, v1  }
0x267: {  	vm8 =	vcmask $0x3B2C;
	v1 =	vsel vm7, $0x1E0, v1  }
0x268: {  	v1 =	vsel vm8, v31, v1  }
0x269: {  	v32 =	vmov v1;
	v1 =	vor.u32 v1, v8  }
0x26a: {  	[tilespmem:v4+s20+$0x0] =	vst.idx.msk $0xffff, v2;
	v6 =	vand.u32 $0x780, v1  }
0x26b: {  	v2 =	vld.idx.msk [tilespmem:v12+s18+$0x0], $0xffff;
	v4 =	vor.u32 v26, v6  }
0x26c: {  	v12 =	vor.u32 s23, v14;
	_ =	sdelay $0x2  }
0x26d: {  	v13 =	vor.u32 v3, v8  }
0x26e: {  	[tilespmem:v4+s20+$0x0] =	vst.idx.msk $0xffff, v2;
	v2 =	vand.u32 $0x780, v13  }
0x26f: {  	v1 =	vimm.s32 $0x100;
	v4 =	vld.idx.msk [tilespmem:v12+s18+$0x0], $0xffff;
	v12 =	vor.u32 v28, v2  }
0x270: {  	v63 =	vmov v37;
	v37 =	vld [tilespmem:$0x1FD80];
	v16 =	vsel vm1, $0x120, v1;
	v13 =	vor.u32 s23, v51  }
0x271: {  	v16 =	vsel vm2, $0x140, v16  }
0x272: {  	v16 =	vsel vm3, $0x160, v16  }
0x273: {  	v17 =	vor.u32 v40, v8;
	v16 =	vsel vm4, $0x180, v16  }
0x274: {  	[tilespmem:v12+s20+$0x0] =	vst.idx.msk $0xffff, v4;
	v12 =	vand.u32 $0x780, v17;
	v4 =	vsel vm5, $0x1A0, v16  }
0x275: {  	v18 =	vsel vm15, v25, v37;
	v13 =	vld.idx.msk [tilespmem:v13+s18+$0x0], $0xffff;
	v16 =	vor.u32 v30, v12;
	v4 =	vsel vm6, $0x1C0, v4  }
0x276: {  	v19 =	vsel vm0, $0x120, v1;
	v17 =	vor.u32 s23, v52;
	v4 =	vsel vm12, $0x1E0, v4  }
0x277: {  	v5 =	vmov v0;
	v0 =	vcombine.low v4, v18;
	v4 =	vsel vm1, $0x140, v19  }
0x278: {  	v4 =	vsel vm2, $0x160, v4  }
0x279: {  	v1 =	vld [tilespmem:$0x1FD60];
	v18 =	vor.u32 v0, v8;
	v4 =	vsel vm3, $0x180, v4  }
0x27a: {  	[tilespmem:v16+s20+$0x0] =	vst.idx.msk $0xffff, v13;
	v13 =	vand.u32 $0x780, v18;
	v4 =	vsel vm4, $0x1A0, v4  }
0x27b: {  	v21 =	vmov v53;
	v16 =	vld.idx.msk [tilespmem:v17+s18+$0x0], $0xffff;
	v17 =	vor.u32 v24, v13;
	v4 =	vsel vm5, $0x1C0, v4  }
0x27c: {  	v33 =	vor.u32 s23, v21;
	v4 =	vsel vm6, $0x1E0, v4  }
0x27d: {  	v4 =	vsel vm9, v31, v4  }
0x27e: {  	v4 =	vsel vm8, v1, v4  }
0x27f: {  	v36 =	vmov v4;
	v4 =	vor.u32 v4, v8  }
0x280: {  	[tilespmem:v17+s20+$0x0] =	vst.idx.msk $0xffff, v16;
	v16 =	vand.u32 $0x780, v4  }
0x281: {  	v35 =	vmov v60;
	v4 =	vld.idx.msk [tilespmem:v33+s18+$0x0], $0xffff;
	v17 =	vor.u32 v26, v16  }
0x282: {  	v33 =	vmov v35;
	v35 =	vor.u32 s23, v35;
	_ =	sdelay $0x2  }
0x283: {  	v60 =	vmov v46;
	v46 =	vor.u32 v39, v8  }
0x284: {  	[tilespmem:v17+s20+$0x0] =	vst.idx.msk $0xffff, v4;
	v17 =	vand.u32 $0x780, v46  }
0x285: {  	v27 =	vmov v52;
	[tilespmem:$0x1FCA0] =	vst v7;
	v7 =	vmov v55;
	v4 =	vld.idx.msk [tilespmem:v35+s18+$0x0], $0xffff;
	v52 =	vor.u32 v28, v17  }
0x286: {  	v20 =	vsel vm0, $0x180, v20;
	v54 =	vor.u32 s23, v7  }
0x287: {  	v20 =	vsel vm1, $0x1A0, v20  }
0x288: {  	v20 =	vsel vm2, $0x1C0, v20  }
0x289: {  	v58 =	vor.u32 v61, v8;
	v20 =	vsel vm3, $0x1E0, v20  }
0x28a: {  	v18 =	vand.u32 $0x780, v58;
	vm8 =	vcmask $0x2F20;
	[tilespmem:v52+s20+$0x0] =	vst.idx.msk $0xffff, v4;
	v4 =	vsel vm15, v37, v20  }
0x28b: {  	v35 =	vor.u32 v30, v18;
	v19 =	vld.idx.msk [tilespmem:v54+s18+$0x0], $0xffff;
	v4 =	vsel vm8, v25, v4  }
0x28c: {  	v37 =	vor.u32 s23, v56;
	v4 =	vsel vm11, $0x100, v4  }
0x28d: {  	v4 =	vsel vm13, $0x120, v4  }
0x28e: {  	v34 =	vmov v0;
	v46 =	vsel vm0, $0x1A0, v23;
	v0 =	vsel vm14, $0x140, v4  }
0x28f: {  	v54 =	vmov v22;
	v22 =	vsel vm1, $0x1C0, v46;
	v52 =	vor.u32 v0, v8  }
0x290: {  	vm8 =	vcmask $0x1B0C;
	v22 =	vsel vm2, $0x1E0, v22;
	[tilespmem:v35+s20+$0x0] =	vst.idx.msk $0xffff, v19;
	v19 =	vand.u32 $0x780, v52  }
0x291: {  	v53 =	vmovc v57;
	v55 =	vmov v21;
	v22 =	vsel vm8, v31, v22;
	v21 =	vld.idx.msk [tilespmem:v37+s18+$0x0], $0xffff;
	v35 =	vor.u32 v24, v19  }
0x292: {  	v58 =	vsel vm9, v1, v22;
	v37 =	vor.u32 s23, v53  }
0x293: {  	v20 =	vsel vm10, $0x100, v58  }
0x294: {  	v20 =	vsel vm11, $0x120, v20  }
0x295: {  	v20 =	vsel vm13, $0x140, v20  }
0x296: {  	v4 =	vmov v0;
	v0 =	vsel vm14, $0x160, v20;
	[tilespmem:v35+s20+$0x0] =	vst.idx.msk $0xffff, v21  }
0x297: {  	v20 =	vor.u32 v0, v8;
	v21 =	vld.idx.msk [tilespmem:v37+s18+$0x0], $0xffff  }
0x298: {  	v20 =	vand.u32 $0x780, v20;
	v37 =	vld [tilespmem:$0x1FD40]  }
0x299: {  	v52 =	vor.u32 v26, v20  }
0x29a: {  	v31 =	vmov v53;
	v53 =	vor.u32 s23, v63;
	_ =	sdelay $0x2  }
0x29b: {  	v1 =	vor.u32 v37, v8  }
0x29c: {  	[tilespmem:v52+s20+$0x0] =	vst.idx.msk $0xffff, v21;
	v1 =	vand.u32 $0x780, v1  }
0x29d: {  	v21 =	vld.idx.msk [tilespmem:v53+s18+$0x0], $0xffff;
	v58 =	vor.u32 v28, v1  }
0x29e: {  	v35 =	vmov v63;
	v63 =	vor.u32 s23, v5;
	_ =	sdelay $0x2  }
0x29f: {  	v8 =	vor.u32 v42, v8  }
0x2a0: {  	v8 =	vand.u32 $0x780, v8;
	[tilespmem:v58+s20+$0x0] =	vst.idx.msk $0xffff, v21  }
0x2a1: {  	v46 =	vmovc v0;
	v0 =	vmov v5;
	v5 =	vmov v42;
	v42 =	vor.u32 v30, v8;
	v21 =	vld.idx.msk [tilespmem:v63+s18+$0x0], $0xffff  }
0x2a2: {  	v57 =	vmov v7;
	v7 =	vld [tilespmem:$0x1FC80];
	v52 =	vor.u32 s23, v44;
	_ =	sdelay $0x3  }
0x2a3: {  	[tilespmem:v42+s20+$0x0] =	vst.idx.msk $0xffff, v21  }
0x2a4: {  	v53 =	vor.u32 v43, v7;
	v21 =	vld.idx.msk [tilespmem:v52+s18+$0x0], $0xffff  }
0x2a5: {  	v7 =	vld [tilespmem:$0x1FC90];
	v58 =	vor.u32 s23, v60;
	_ =	sdelay $0x3  }
0x2a6: {  	[tilespmem:v53+s20+$0x0] =	vst.idx.msk $0xffff, v21  }
0x2a7: {  	v7 =	vor.u32 v45, v7;
	v21 =	vld.idx.msk [tilespmem:v58+s18+$0x0], $0xffff  }
0x2a8: {  	v9 =	vld [tilespmem:$0x1FCA0];
	v42 =	vmov v60;
	v60 =	vor.u32 s23, v48;
	_ =	sdelay $0x3  }
0x2a9: {  	v63 =	vld [tilespmem:$0x1FF10];
	[tilespmem:v7+s20+$0x0] =	vst.idx.msk $0xffff, v21  }
0x2aa: {  	v9 =	vor.u32 v47, v9;
	v7 =	vld.idx.msk [tilespmem:v60+s18+$0x0], $0xffff;
	_ =	sdelay $0x3  }
0x2ab: {  	v21 =	vor.u32 s23, v63  }
0x2ac: {  	[tilespmem:v9+s20+$0x0] =	vst.idx.msk $0xffff, v7;
	v9 =	vor.u32 v49, v10;
	v10 =	vld [tilespmem:$0x1FFB0];
	_ =	sdelay $0x3  }
0x2ad: {  	v7 =	vld.idx.msk [tilespmem:v21+s18+$0x0], $0xffff  }
0x2ae: {  	v53 =	vmov v10;
	v10 =	vor.u32 s23, v10;
	_ =	sdelay $0x3  }
0x2af: {  	[tilespmem:v9+s20+$0x0] =	vst.idx.msk $0xffff, v7  }
0x2b0: {  	v7 =	vld.idx.msk [tilespmem:v10+s18+$0x0], $0xffff  }
0x2b1: {  	v10 =	vld [tilespmem:$0x1FF40];
	_ =	sdelay $0x3  }
0x2b2: {  	v9 =	vor.u32 v43, v11  }
0x2b3: {  	v10 =	vor.u32 s23, v10;
	_ =	sdelay $0x3  }
0x2b4: {  	[tilespmem:v9+s20+$0x0] =	vst.idx.msk $0xffff, v7;
	v9 =	vld [tilespmem:$0x1FF80]  }
0x2b5: {  	v6 =	vor.u32 v45, v6;
	v7 =	vld.idx.msk [tilespmem:v10+s18+$0x0], $0xffff;
	_ =	sdelay $0x3  }
0x2b6: {  	v52 =	vmov v48;
	v48 =	vmov v9;
	v9 =	vor.u32 s23, v9  }
0x2b7: {  	[tilespmem:v6+s20+$0x0] =	vst.idx.msk $0xffff, v7;
	v7 =	vld [tilespmem:$0x1FF30];
	_ =	sdelay $0x3  }
0x2b8: {  	v2 =	vor.u32 v47, v2;
	v6 =	vld.idx.msk [tilespmem:v9+s18+$0x0], $0xffff  }
0x2b9: {  	v7 =	vor.u32 s23, v7;
	_ =	sdelay $0x3  }
0x2ba: {  	[tilespmem:v2+s20+$0x0] =	vst.idx.msk $0xffff, v6  }
0x2bb: {  	v2 =	vld.idx.msk [tilespmem:v7+s18+$0x0], $0xffff  }
0x2bc: {  	v7 =	vld [tilespmem:$0x1FFA0];
	_ =	sdelay $0x3  }
0x2bd: {  	v6 =	vor.u32 v49, v12  }
0x2be: {  	v58 =	vmov v7;
	v7 =	vor.u32 s23, v7;
	_ =	sdelay $0x3  }
0x2bf: {  	[tilespmem:v6+s20+$0x0] =	vst.idx.msk $0xffff, v2  }
0x2c0: {  	v2 =	vld.idx.msk [tilespmem:v7+s18+$0x0], $0xffff  }
0x2c1: {  	v7 =	vld [tilespmem:$0x1FFC0];
	_ =	sdelay $0x3  }
0x2c2: {  	v6 =	vor.u32 v43, v13  }
0x2c3: {  	v60 =	vmov v7;
	v7 =	vor.u32 s23, v7;
	_ =	sdelay $0x3  }
0x2c4: {  	[tilespmem:v6+s20+$0x0] =	vst.idx.msk $0xffff, v2  }
0x2c5: {  	v2 =	vld.idx.msk [tilespmem:v7+s18+$0x0], $0xffff  }
0x2c6: {  	v7 =	vld [tilespmem:$0x1FF20];
	_ =	sdelay $0x3  }
0x2c7: {  	v6 =	vor.u32 v45, v16  }
0x2c8: {  	v7 =	vor.u32 s23, v7;
	_ =	sdelay $0x3  }
0x2c9: {  	[tilespmem:v6+s20+$0x0] =	vst.idx.msk $0xffff, v2  }
0x2ca: {  	v2 =	vld.idx.msk [tilespmem:v7+s18+$0x0], $0xffff  }
0x2cb: {  	v7 =	vld [tilespmem:$0x1FF50];
	_ =	sdelay $0x3  }
0x2cc: {  	v6 =	vor.u32 v47, v17  }
0x2cd: {  	v7 =	vor.u32 s23, v7;
	_ =	sdelay $0x3  }
0x2ce: {  	[tilespmem:v6+s20+$0x0] =	vst.idx.msk $0xffff, v2  }
0x2cf: {  	v2 =	vld.idx.msk [tilespmem:v7+s18+$0x0], $0xffff  }
0x2d0: {  	v7 =	vld [tilespmem:$0x1FFE0];
	_ =	sdelay $0x3  }
0x2d1: {  	v6 =	vor.u32 v49, v18  }
0x2d2: {  	v63 =	vmov v7;
	v7 =	vor.u32 s23, v7  }
0x2d3: {  	v25 =	vld [tilespmem:$0x1FCE0];
	_ =	sdelay $0x2  }
0x2d4: {  	[tilespmem:v6+s20+$0x0] =	vst.idx.msk $0xffff, v2  }
0x2d5: {  	v6 =	vor.u32 v43, v19;
	v2 =	vld.idx.msk [tilespmem:v7+s18+$0x0], $0xffff  }
0x2d6: {  	v7 =	vor.u32 s23, v25;
	_ =	sdelay $0x3  }
0x2d7: {  	[tilespmem:v6+s20+$0x0] =	vst.idx.msk $0xffff, v2  }
0x2d8: {  	v2 =	vld.idx.msk [tilespmem:v7+s18+$0x0], $0xffff  }
0x2d9: {  	v7 =	vld [tilespmem:$0x1FCF0];
	_ =	sdelay $0x3  }
0x2da: {  	v6 =	vor.u32 v45, v20  }
0x2db: {  	v7 =	vor.u32 s23, v7;
	_ =	sdelay $0x3  }
0x2dc: {  	[tilespmem:v6+s20+$0x0] =	vst.idx.msk $0xffff, v2;
	v6 =	vld [tilespmem:$0x1FD00]  }
0x2dd: {  	v1 =	vor.u32 v47, v1;
	v2 =	vld.idx.msk [tilespmem:v7+s18+$0x0], $0xffff;
	_ =	sdelay $0x4  }
0x2de: {  	v6 =	vor.u32 s23, v6;
	[tilespmem:v1+s20+$0x0] =	vst.idx.msk $0xffff, v2;
	v1 =	vld [tilespmem:$0x1FF00];
	_ =	sdelay $0x3  }
0x2df: {  	s23 =	simm.s32 $0x10  }
0x2e0: {  	s24 =	simm.s32 $0x20;
	v8 =	vor.u32 v49, v8;
	v6 =	vld.idx.msk [tilespmem:v6+s18+$0x0], $0xffff;
	v7 =	vor.u32 s23, v1  }
.LBB2_15:
0x2e1: {  	v1 =	vmov s23  }
0x2e2: {  	v11 =	vshll.u32 v1, $0x5;
	v1 =	vld [tilespmem:$0x1FC60];
	_ =	sdelay $0x4  }
0x2e3: {  	v1 =	vor.u32 v1, v11  }
0x2e4: {  	[tilespmem:v8+s20+$0x0] =	vst.idx.msk $0xffff, v6;
	v6 =	vand.u32 $0x780, v1  }
0x2e5: {  	v2 =	vld.idx.msk [tilespmem:v7+s18+$0x0], $0xffff;
	v1 =	vor.u32 v24, v6  }
0x2e6: {  	v7 =	vor.u32 s23, v62;
	_ =	sdelay $0x3  }
0x2e7: {  	[tilespmem:v1+s20+$0x0] =	vst.idx.msk $0xffff, v2;
	v1 =	vor.u32 v29, v11  }
0x2e8: {  	v2 =	vld.idx.msk [tilespmem:v7+s18+$0x0], $0xffff;
	v7 =	vand.u32 $0x780, v1  }
0x2e9: {  	v1 =	vor.u32 v26, v7  }
0x2ea: {  	v8 =	vor.u32 s23, v54;
	_ =	sdelay $0x3  }
0x2eb: {  	[tilespmem:v1+s20+$0x0] =	vst.idx.msk $0xffff, v2;
	v1 =	vor.u32 v50, v11  }
0x2ec: {  	v2 =	vld.idx.msk [tilespmem:v8+s18+$0x0], $0xffff;
	v8 =	vand.u32 $0x780, v1  }
0x2ed: {  	v1 =	vor.u32 v28, v8;
	_ =	sdelay $0x4  }
0x2ee: {  	[tilespmem:v1+s20+$0x0] =	vst.idx.msk $0xffff, v2;
	v1 =	vld [tilespmem:$0x1FC70]  }
0x2ef: {  	v9 =	vor.u32 s23, v15;
	_ =	sdelay $0x3  }
0x2f0: {  	v1 =	vor.u32 v1, v11  }
0x2f1: {  	v2 =	vld.idx.msk [tilespmem:v9+s18+$0x0], $0xffff;
	v9 =	vand.u32 $0x780, v1  }
0x2f2: {  	v1 =	vor.u32 v30, v9  }
0x2f3: {  	v10 =	vor.u32 s23, v38;
	_ =	sdelay $0x3  }
0x2f4: {  	[tilespmem:v1+s20+$0x0] =	vst.idx.msk $0xffff, v2;
	v1 =	vor.u32 v59, v11  }
0x2f5: {  	v2 =	vld.idx.msk [tilespmem:v10+s18+$0x0], $0xffff;
	v10 =	vand.u32 $0x780, v1  }
0x2f6: {  	v1 =	vor.u32 v24, v10  }
0x2f7: {  	v12 =	vor.u32 s23, v41;
	_ =	sdelay $0x3  }
0x2f8: {  	[tilespmem:v1+s20+$0x0] =	vst.idx.msk $0xffff, v2;
	v1 =	vor.u32 v32, v11  }
0x2f9: {  	v2 =	vld.idx.msk [tilespmem:v12+s18+$0x0], $0xffff;
	v12 =	vand.u32 $0x780, v1  }
0x2fa: {  	v1 =	vor.u32 v26, v12  }
0x2fb: {  	v13 =	vor.u32 s23, v14;
	_ =	sdelay $0x3  }
0x2fc: {  	[tilespmem:v1+s20+$0x0] =	vst.idx.msk $0xffff, v2;
	v1 =	vor.u32 v3, v11  }
0x2fd: {  	v2 =	vld.idx.msk [tilespmem:v13+s18+$0x0], $0xffff;
	v13 =	vand.u32 $0x780, v1  }
0x2fe: {  	v1 =	vor.u32 v28, v13  }
0x2ff: {  	v16 =	vor.u32 s23, v51;
	_ =	sdelay $0x3  }
0x300: {  	[tilespmem:v1+s20+$0x0] =	vst.idx.msk $0xffff, v2;
	v1 =	vor.u32 v40, v11  }
0x301: {  	v2 =	vld.idx.msk [tilespmem:v16+s18+$0x0], $0xffff;
	v16 =	vand.u32 $0x780, v1  }
0x302: {  	v1 =	vor.u32 v30, v16  }
0x303: {  	v17 =	vor.u32 s23, v27;
	_ =	sdelay $0x3  }
0x304: {  	[tilespmem:v1+s20+$0x0] =	vst.idx.msk $0xffff, v2;
	v1 =	vor.u32 v34, v11  }
0x305: {  	v2 =	vld.idx.msk [tilespmem:v17+s18+$0x0], $0xffff;
	v17 =	vand.u32 $0x780, v1  }
0x306: {  	v1 =	vor.u32 v24, v17  }
0x307: {  	v18 =	vor.u32 s23, v55;
	_ =	sdelay $0x3  }
0x308: {  	[tilespmem:v1+s20+$0x0] =	vst.idx.msk $0xffff, v2;
	v1 =	vor.u32 v36, v11  }
0x309: {  	v2 =	vld.idx.msk [tilespmem:v18+s18+$0x0], $0xffff;
	v18 =	vand.u32 $0x780, v1  }
0x30a: {  	v1 =	vor.u32 v26, v18  }
0x30b: {  	v19 =	vor.u32 s23, v33;
	_ =	sdelay $0x3  }
0x30c: {  	[tilespmem:v1+s20+$0x0] =	vst.idx.msk $0xffff, v2;
	v1 =	vor.u32 v39, v11  }
0x30d: {  	v2 =	vld.idx.msk [tilespmem:v19+s18+$0x0], $0xffff;
	v19 =	vand.u32 $0x780, v1  }
0x30e: {  	v1 =	vor.u32 v28, v19  }
0x30f: {  	v20 =	vor.u32 s23, v57;
	_ =	sdelay $0x3  }
0x310: {  	[tilespmem:v1+s20+$0x0] =	vst.idx.msk $0xffff, v2;
	v1 =	vor.u32 v61, v11  }
0x311: {  	v2 =	vld.idx.msk [tilespmem:v20+s18+$0x0], $0xffff;
	v20 =	vand.u32 $0x780, v1  }
0x312: {  	v1 =	vor.u32 v30, v20  }
0x313: {  	v21 =	vor.u32 s23, v56;
	_ =	sdelay $0x3  }
0x314: {  	[tilespmem:v1+s20+$0x0] =	vst.idx.msk $0xffff, v2;
	v1 =	vor.u32 v4, v11  }
0x315: {  	v2 =	vld.idx.msk [tilespmem:v21+s18+$0x0], $0xffff;
	v21 =	vand.u32 $0x780, v1  }
0x316: {  	v1 =	vor.u32 v24, v21  }
0x317: {  	v22 =	vor.u32 s23, v31;
	_ =	sdelay $0x3  }
0x318: {  	[tilespmem:v1+s20+$0x0] =	vst.idx.msk $0xffff, v2;
	v1 =	vor.u32 v46, v11  }
0x319: {  	v2 =	vld.idx.msk [tilespmem:v22+s18+$0x0], $0xffff;
	v22 =	vand.u32 $0x780, v1  }
0x31a: {  	v1 =	vor.u32 v26, v22  }
0x31b: {  	v23 =	vor.u32 s23, v35;
	_ =	sdelay $0x3  }
0x31c: {  	[tilespmem:v1+s20+$0x0] =	vst.idx.msk $0xffff, v2;
	v1 =	vor.u32 v37, v11  }
0x31d: {  	v2 =	vld.idx.msk [tilespmem:v23+s18+$0x0], $0xffff;
	v23 =	vand.u32 $0x780, v1  }
0x31e: {  	v1 =	vor.u32 v28, v23;
	_ =	sdelay $0x1  }
0x31f: {  	v62 =	vor.u32 s23, v0;
	_ =	sdelay $0x2  }
0x320: {  	[tilespmem:v1+s20+$0x0] =	vst.idx.msk $0xffff, v2;
	v1 =	vor.u32 v5, v11  }
0x321: {  	v11 =	vand.u32 $0x780, v1  }
0x322: {  	v2 =	vld.idx.msk [tilespmem:v62+s18+$0x0], $0xffff;
	v1 =	vor.u32 v30, v11  }
0x323: {  	v62 =	vor.u32 s23, v44;
	_ =	sdelay $0x3  }
0x324: {  	[tilespmem:v1+s20+$0x0] =	vst.idx.msk $0xffff, v2  }
0x325: {  	v2 =	vor.u32 v43, v6;
	v1 =	vld.idx.msk [tilespmem:v62+s18+$0x0], $0xffff  }
0x326: {  	v6 =	vor.u32 s23, v42;
	_ =	sdelay $0x3  }
0x327: {  	[tilespmem:v2+s20+$0x0] =	vst.idx.msk $0xffff, v1  }
0x328: {  	v2 =	vor.u32 v45, v7;
	v1 =	vld.idx.msk [tilespmem:v6+s18+$0x0], $0xffff  }
0x329: {  	v6 =	vor.u32 s23, v52;
	_ =	sdelay $0x3  }
0x32a: {  	[tilespmem:v2+s20+$0x0] =	vst.idx.msk $0xffff, v1  }
0x32b: {  	v1 =	vld.idx.msk [tilespmem:v6+s18+$0x0], $0xffff  }
0x32c: {  	v6 =	vld [tilespmem:$0x1FF10];
	_ =	sdelay $0x3  }
0x32d: {  	v2 =	vor.u32 v47, v8  }
0x32e: {  	v6 =	vor.u32 s23, v6;
	_ =	sdelay $0x3  }
0x32f: {  	[tilespmem:v2+s20+$0x0] =	vst.idx.msk $0xffff, v1  }
0x330: {  	v2 =	vor.u32 v49, v9;
	v1 =	vld.idx.msk [tilespmem:v6+s18+$0x0], $0xffff  }
0x331: {  	v6 =	vor.u32 s23, v53;
	_ =	sdelay $0x3  }
0x332: {  	[tilespmem:v2+s20+$0x0] =	vst.idx.msk $0xffff, v1  }
0x333: {  	v1 =	vld.idx.msk [tilespmem:v6+s18+$0x0], $0xffff  }
0x334: {  	v6 =	vld [tilespmem:$0x1FF40];
	_ =	sdelay $0x3  }
0x335: {  	v2 =	vor.u32 v43, v10  }
0x336: {  	v6 =	vor.u32 s23, v6;
	_ =	sdelay $0x3  }
0x337: {  	[tilespmem:v2+s20+$0x0] =	vst.idx.msk $0xffff, v1  }
0x338: {  	v2 =	vor.u32 v45, v12;
	v1 =	vld.idx.msk [tilespmem:v6+s18+$0x0], $0xffff  }
0x339: {  	v6 =	vor.u32 s23, v48;
	_ =	sdelay $0x3  }
0x33a: {  	[tilespmem:v2+s20+$0x0] =	vst.idx.msk $0xffff, v1  }
0x33b: {  	v1 =	vld.idx.msk [tilespmem:v6+s18+$0x0], $0xffff  }
0x33c: {  	v6 =	vld [tilespmem:$0x1FF30];
	_ =	sdelay $0x3  }
0x33d: {  	v2 =	vor.u32 v47, v13  }
0x33e: {  	v6 =	vor.u32 s23, v6;
	_ =	sdelay $0x3  }
0x33f: {  	[tilespmem:v2+s20+$0x0] =	vst.idx.msk $0xffff, v1  }
0x340: {  	v2 =	vor.u32 v49, v16;
	v1 =	vld.idx.msk [tilespmem:v6+s18+$0x0], $0xffff  }
0x341: {  	v6 =	vor.u32 s23, v58;
	_ =	sdelay $0x3  }
0x342: {  	[tilespmem:v2+s20+$0x0] =	vst.idx.msk $0xffff, v1  }
0x343: {  	v2 =	vor.u32 v43, v17;
	v1 =	vld.idx.msk [tilespmem:v6+s18+$0x0], $0xffff  }
0x344: {  	v6 =	vor.u32 s23, v60;
	_ =	sdelay $0x3  }
0x345: {  	[tilespmem:v2+s20+$0x0] =	vst.idx.msk $0xffff, v1  }
0x346: {  	v1 =	vld.idx.msk [tilespmem:v6+s18+$0x0], $0xffff  }
0x347: {  	v6 =	vld [tilespmem:$0x1FF20];
	_ =	sdelay $0x3  }
0x348: {  	v2 =	vor.u32 v45, v18  }
0x349: {  	v6 =	vor.u32 s23, v6;
	_ =	sdelay $0x3  }
0x34a: {  	[tilespmem:v2+s20+$0x0] =	vst.idx.msk $0xffff, v1  }
0x34b: {  	v1 =	vld.idx.msk [tilespmem:v6+s18+$0x0], $0xffff  }
0x34c: {  	v6 =	vld [tilespmem:$0x1FF50];
	_ =	sdelay $0x3  }
0x34d: {  	v2 =	vor.u32 v47, v19  }
0x34e: {  	v6 =	vor.u32 s23, v6;
	_ =	sdelay $0x3  }
0x34f: {  	[tilespmem:v2+s20+$0x0] =	vst.idx.msk $0xffff, v1  }
0x350: {  	v2 =	vor.u32 v49, v20;
	v1 =	vld.idx.msk [tilespmem:v6+s18+$0x0], $0xffff  }
0x351: {  	v6 =	vor.u32 s23, v63;
	_ =	sdelay $0x3  }
0x352: {  	[tilespmem:v2+s20+$0x0] =	vst.idx.msk $0xffff, v1  }
0x353: {  	v2 =	vor.u32 v43, v21;
	v1 =	vld.idx.msk [tilespmem:v6+s18+$0x0], $0xffff;
	_ =	sdelay $0x3  }
0x354: {  	v6 =	vor.u32 s23, v25  }
0x355: {  	[tilespmem:v2+s20+$0x0] =	vst.idx.msk $0xffff, v1;
	v2 =	vor.u32 v45, v22;
	v22 =	vld [tilespmem:$0x1FCF0];
	_ =	sdelay $0x3  }
0x356: {  	v1 =	vld.idx.msk [tilespmem:v6+s18+$0x0], $0xffff  }
0x357: {  	v6 =	vor.u32 s23, v22;
	_ =	sdelay $0x3  }
0x358: {  	[tilespmem:v2+s20+$0x0] =	vst.idx.msk $0xffff, v1;
	v2 =	vor.u32 v47, v23;
	v23 =	vld [tilespmem:$0x1FD00]  }
0x359: {  	v1 =	vld.idx.msk [tilespmem:v6+s18+$0x0], $0xffff;
	_ =	sdelay $0x4  }
0x35a: {  	p1 =	sne.s32 s24, $0x30;
	v6 =	vor.u32 s23, v23;
	[tilespmem:v2+s20+$0x0] =	vst.idx.msk $0xffff, v1;
	v1 =	vld [tilespmem:$0x1FF00]  }
.Ltmp12:
0x35b: {  	_ = 	snop;
	(pc) =	sbr.rel @p1 .LBB2_15-.Ltmp12, $3  }
0x35c: {  	_ =	sdelay $0x1  }
0x35d: {  	v62 =	vld [tilespmem:$0x1FE10];
	s23 =	smov.u32 s24  }
0x35e: {  	v8 =	vor.u32 v49, v11;
	s24 =	sadd.s32 $0x10, s24;
	v6 =	vld.idx.msk [tilespmem:v6+s18+$0x0], $0xffff;
	v7 =	vor.u32 s23, v1  }
.Ltmp13:
0x35f: {  	_ = 	snop;
	(pc) =	sbr.rel .LBB2_16-.Ltmp13, $1  }
0x360: {  	_ =	sdelay $0x3  }
.LBB2_18:
0x361: {  	_ =	sfence.sel $0x180000  }
0x362: {  	[bflag:$0x0] =	sbarrier.arrive $0xFFFF  }
0x363: {  	p0 =	sne.s32 s2, $0x0;
	_ =	strace $0x90000047  }
0x364: {  	s0 =	sadd.s32 @!p0 $0x100000, s1;
	[bflag:$0x2] =	sbarrier.arrive $0xFFFF  }
0x365: {  	[sflag:s0] =	ssyncadd.tile.s32 @!p0 $0x1;
	_ =	shalt  }
.Lfunc_end2:
_tile_overlayer_lowered:
.L_overlay_start_2:
0x366: {  	(tag) =	ssettag $0x2  }
0x367: {  	s0 =	rddreg [dreg:$0x0];
	s2 =	stileid.u32  }
0x368: {  	s1 =	rddreg [dreg:$0x1];
	p0 =	sne.s32 s2, $0x0  }
0x369: {  	s3 =	rddreg [dreg:$0x2];
	[bflag:$0x3] =	sbarrier.arrive $0xFFFF;
	s2 =	simm.s32 @!p0 $0x1C04  }
0x36a: {  	[timem:s3], [sflag:s2] =	dma.local @!p0 [hbm:s0], s1  }
0x36b: {  	s0 =	simm.s32 @!p0 $0x4  }
0x36c: {  	_ =	swait.ge @!p0 [sflag:s0], s1  }
0x36d: {  	s1 =	ssub.s32 @!p0 $0x0, s1;
	[sflag:s0] =	ssyncset.done @!p0 $0x0  }
0x36e: {  	[sflag:s0] =	ssyncadd.s32 @!p0 s1  }
0x36f: {  	[bflag:$0x3] =	sbarrier.arrive $0xFFFF  }
0x370: {  	_ =	shalt  }

// kernel: kernel.7.cloned.1.call-start
scs
__scs_entry_jumppad:
0x0: {  	(pc) =	sbr.rel $0x88, $3  }
0x1: {  	(tag) =	ssettag $0x0;
	lr =	simm.s32 $0x1  }
0x2: {  	[smem:$0x3F9F] =	sst lr;
	_ =	strace $0xD0000000  }
0x3: {  	_ = 	snop  }
0x4: {  	_ = 	snop  }
0x5: {  	_ = 	snop  }
0x6: {  	_ = 	snop  }
0x7: {  	_ = 	snop  }
__scs_overlays_trampoline_lowered:
0x8: {  	[smem:$0x3FAE] =	sst s0  }
0x9: {  	[smem:$0x3FAF] =	sst s1  }
0xa: {  	[smem:$0x3FB0] =	sst s2  }
0xb: {  	[smem:$0x3FB1] =	sst s3  }
0xc: {  	[smem:$0x3FB2] =	sst s4  }
0xd: {  	[smem:$0x3FB3] =	sst s5  }
0xe: {  	[smem:$0x3FB4] =	sst s6  }
0xf: {  	[smem:$0x3FB5] =	sst s7  }
0x10: {  	[smem:$0x3FB6] =	sst s8  }
0x11: {  	[smem:$0x3FB7] =	sst s9;
	s0 =	simm.s32 @!p0 $0x0  }
0x12: {  	s1 =	sld [smem:$0x3F9D];
	s0 =	simm.s32 @p0 $0x1  }
0x13: {  	[smem:$0x3FB8] =	sst s0;
	s0 =	simm.s32 @!p1 $0x0  }
0x14: {  	s2 =	sld [smem:$0x3F9C];
	s0 =	simm.s32 @p1 $0x1  }
0x15: {  	[smem:$0x3FB9] =	sst s0;
	s0 =	simm.s32 @!p2 $0x0  }
0x16: {  	s3 =	sld [smem:$0x3FDB];
	s0 =	simm.s32 @p2 $0x1  }
0x17: {  	s4 =	simm.s32 $0x1BF5;
	[smem:$0x3FBB] =	sst s0  }
0x18: {  	s0 =	sld [smem:$0x3F9E];
	_ =	swait.ge [sflag:s4], $0x0  }
0x19: {  	s7 =	sld [smem:$0x3F9F]  }
0x1a: {  	s8 =	sadd.s32 $0xFFFFE003, lr  }
0x1b: {  	s9 =	sadd.s32 $0xFFFFFEF7, lr;
	s5 =	simm.s32 $0xFFFFFFFF;
	p2 =	slt.u32 s8, $0xFFFFF086  }
0x1c: {  	p1 =	slt.u32 s9, $0xF7A;
	s5 =	simm.s32 @!p2 $0x0  }
0x1d: {  	s5 =	simm.s32 @p1 $0x1;
	p0 =	seq.s32 s7, s2  }
0x1e: {  	s7 =	smul.u32 @!p0 $0xF7A, s2;
	p2 =	seq.s32 @!p0 s5, $0x0  }
0x1f: {  	s9 =	smul.u32 $0xF7A, s1;
	s8 =	simm.s32 @!p0 $0x1BF5;
	p2 =	por !p2, p0  }
0x20: {  	[sflag:s8] =	ssyncset.s32 @!p0 $0xFFFFF086;
	s6 =	sadd.s32 @!p0 s3, s7;
	s7 =	simm.s32 @!p0 $0x108  }
0x21: {  	s3 =	sadd.s32 s3, s9;
	s6 =	sadd.s32 @!p0 $0x88, s6;
	s7 =	simm.s32 @p2 $0x1082  }
0x22: {  	[simem:s7], [sflag:s8] =	dma.local @!p0 [hbm:s6], $0xF7A  }
0x23: {  	s9 =	sor.u32 $0xD0000000, s2;
	s6 =	simm.s32 $0x108;
	_ =	swait.ge @!p0 [sflag:s8], $0x0  }
0x24: {  	s3 =	sadd.s32 $0x88, s3;
	s6 =	simm.s32 @!p1 $0x1082;
	[sflag:s4] =	ssyncset.s32 $0xFFFFF086  }
0x25: {  	[simem:s6], [sflag:s4] =	dma.local [hbm:s3], $0xF7A  }
0x26: {  	[smem:$0x3F9F] =	sst s1;
	(tag) =	ssettag s2;
	_ =	strace s9  }
0x27: {  	s1 =	sld [smem:$0x3FAF]  }
0x28: {  	s2 =	sld [smem:$0x3FB0]  }
0x29: {  	s4 =	sld [smem:$0x3FB2]  }
0x2a: {  	p0 =	seq.s32 s5, $0x0;
	s5 =	sld [smem:$0x3FB3]  }
0x2b: {  	s6 =	sld [smem:$0x3FB4]  }
0x2c: {  	s7 =	sld [smem:$0x3FB5]  }
0x2d: {  	s3 =	simm.s32 $0x108;
	s8 =	sld [smem:$0x3FB6]  }
0x2e: {  	s3 =	simm.s32 @!p0 $0x1082;
	s9 =	sld [smem:$0x3FB7]  }
0x2f: {  	lr =	sadd.s32 s0, s3;
	s0 =	sld [smem:$0x3FAE]  }
0x30: {  	s3 =	sld [smem:$0x3FB1]  }
0x31: {  	[smem:$0x3FBA] =	sst s10  }
0x32: {  	s10 =	sld [smem:$0x3FB8];
	_ =	sdelay $0x3  }
0x33: {  	p0 =	seq.s32 s10, $0x1;
	s10 =	sld [smem:$0x3FBA];
	_ =	sdelay $0x3  }
0x34: {  	[smem:$0x3FBA] =	sst s10  }
0x35: {  	s10 =	sld [smem:$0x3FB9];
	_ =	sdelay $0x3  }
0x36: {  	p1 =	seq.s32 s10, $0x1;
	s10 =	sld [smem:$0x3FBA];
	_ =	sdelay $0x3  }
0x37: {  	[smem:$0x3FBA] =	sst s10  }
0x38: {  	s10 =	sld [smem:$0x3FBB]  }
0x39: {  	_ = 	snop;
	(pc) =	sbr.ind lr, $3  }
0x3a: {  	_ = 	snop  }
0x3b: {  	_ = 	snop  }
0x3c: {  	p2 =	seq.s32 s10, $0x1;
	s10 =	sld [smem:$0x3FBA]  }
0x3d: {  	_ =	shalt  }
0x3e: {  	_ =	shalt  }
0x3f: {  	_ =	shalt  }
0x40: {  	_ =	shalt  }
0x41: {  	_ =	shalt  }
0x42: {  	_ =	shalt  }
0x43: {  	_ =	shalt  }
0x44: {  	_ =	shalt  }
0x45: {  	_ =	shalt  }
0x46: {  	_ =	shalt  }
0x47: {  	_ =	shalt  }
0x48: {  	_ =	shalt  }
0x49: {  	_ =	shalt  }
0x4a: {  	_ =	shalt  }
0x4b: {  	_ =	shalt  }
0x4c: {  	_ =	shalt  }
0x4d: {  	_ =	shalt  }
0x4e: {  	_ =	shalt  }
0x4f: {  	_ =	shalt  }
0x50: {  	_ =	shalt  }
0x51: {  	_ =	shalt  }
0x52: {  	_ =	shalt  }
0x53: {  	_ =	shalt  }
0x54: {  	_ =	shalt  }
0x55: {  	_ =	shalt  }
0x56: {  	_ =	shalt  }
0x57: {  	_ =	shalt  }
0x58: {  	_ =	shalt  }
0x59: {  	_ =	shalt  }
0x5a: {  	_ =	shalt  }
0x5b: {  	_ =	shalt  }
0x5c: {  	_ =	shalt  }
0x5d: {  	_ =	shalt  }
0x5e: {  	_ =	shalt  }
0x5f: {  	_ =	shalt  }
0x60: {  	_ =	shalt  }
0x61: {  	_ =	shalt  }
0x62: {  	_ =	shalt  }
0x63: {  	_ =	shalt  }
0x64: {  	_ =	shalt  }
0x65: {  	_ =	shalt  }
0x66: {  	_ =	shalt  }
0x67: {  	_ =	shalt  }
0x68: {  	_ =	shalt  }
0x69: {  	_ =	shalt  }
0x6a: {  	_ =	shalt  }
0x6b: {  	_ =	shalt  }
0x6c: {  	_ =	shalt  }
0x6d: {  	_ =	shalt  }
0x6e: {  	_ =	shalt  }
0x6f: {  	_ =	shalt  }
0x70: {  	_ =	shalt  }
0x71: {  	_ =	shalt  }
0x72: {  	_ =	shalt  }
0x73: {  	_ =	shalt  }
0x74: {  	_ =	shalt  }
0x75: {  	_ =	shalt  }
0x76: {  	_ =	shalt  }
0x77: {  	_ =	shalt  }
0x78: {  	_ =	shalt  }
0x79: {  	_ =	shalt  }
0x7a: {  	_ =	shalt  }
0x7b: {  	_ =	shalt  }
0x7c: {  	_ =	shalt  }
0x7d: {  	_ =	shalt  }
0x7e: {  	_ =	shalt  }
0x7f: {  	_ =	shalt  }
0x80: {  	_ =	shalt  }
0x81: {  	_ =	shalt  }
0x82: {  	_ =	shalt  }
0x83: {  	_ =	shalt  }
0x84: {  	_ =	shalt  }
0x85: {  	_ =	shalt  }
0x86: {  	_ =	shalt  }
0x87: {  	_ =	shalt  }
.Lfunc_end0:
.L_simem_size_0:
called_computation.1_lowered:
.L_overlay_start_0:
0x88: {  	s2 =	sld [smem:$0x3FD9]  }
0x89: {  	s3 =	sld [smem:$0x3FFE];
	_ =	sdelay $0x1  }
0x8a: {  	s1 =	srdreg.scid  }
0x8b: {  	s0 =	sand.u32 $0x1, s1  }
0x8c: {  	s17 =	sshll.u32 s0, $0xA;
	s2 =	sadd.s32 s3, s2  }
0x8d: {  	s2 =	sadd.s32 s2, s17  }
0x8e: {  	[smem:$0x3FC6] =	sst s2  }
0x8f: {  	_ = 	snop  }
0x90: {  	s2 =	sld [smem:$0x3FC9]  }
0x91: {  	s18 =	sld [smem:$0x3FD0];
	(tm) =	ssettm $0x1  }
0x92: {  	s4 =	sld [smem:$0x3FFB];
	_ =	sdelay $0x3  }
0x93: {  	_ =	strace s4  }
0x94: {  	s4 =	sld [smem:$0x3FFC];
	_ =	sdelay $0x3  }
0x95: {  	_ =	strace s4  }
0x96: {  	s4 =	sld [smem:$0x3FFD];
	_ =	sdelay $0x3  }
0x97: {  	_ =	strace s4  }
0x98: {  	_ =	strace $0x8FFFFFFF  }
0x99: {  	s19 =	sld [smem:$0x3FDB];
	_ =	sdelay $0x1  }
0x9a: {  	s5 =	simm.s32 $_scs_section_size  }
0x9b: {  	s6 =	simm.s32 $_size__tile_overlayer_lowered;
	s7 =	simm.s32 $_tile_overlayer_lowered  }
0x9c: {  	s22 =	simm.s32 $0x1BFF;
	s21 =	sshll.u32 s7, $0x1;
	s4 =	sadd.s32 s5, s19  }
0x9d: {  	s8 =	simm.s32 $0x0;
	s20 =	sshll.u32 s6, $0x1;
	s6 =	sadd.s32 s21, s4  }
0x9e: {  	[timem:s8], [sflag:s22] =	dma.local [hbm:s6], s20  }
0x9f: {  	_ =	swait.ge [sflag:s22], s20  }
0xa0: {  	s5 =	ssub.s32 $0x0, s20;
	[sflag:s22] =	ssyncset.done $0x0  }
0xa1: {  	[sflag:s22] =	ssyncadd.s32 s5;
	_ =	sdelay $0x1  }
0xa2: {  	s23 =	simm.s32 $0x1B8B  }
0xa3: {  	_ =	swait.ge [sflag:s23], $0x1  }
0xa4: {  	[sflag:s23] =	ssyncset.done $0x0  }
0xa5: {  	s25 =	simm.s32 $0x1B8E;
	s24 =	sld [smem:$0x3FFE];
	[sflag:s23] =	ssyncadd.s32 $0xFFFFFFFF  }
0xa6: {  	s26 =	simm.s32 $execute0_lowered;
	[smem:$0x3FD2] =	sst s25  }
0xa7: {  	s6 =	sshll.u32 s26, $0x1;
	_ =	strace $0x80000049;
	[dreg:$0x1] =	wrdreg $0xFFFFFFFF  }
0xa8: {  	s28 =	simm.s32 $_size_execute0_lowered;
	s4 =	sadd.s32 s4, s6;
	[dreg:$0x0] =	wrdreg $0x0  }
0xa9: {  	s6 =	sshll.u32 s28, $0x1;
	[dreg:$0x2] =	wrdreg s4  }
0xaa: {  	[dreg:$0x3] =	wrdreg s6  }
0xab: {  	[dreg:$0x4] =	wrdreg $0xC0  }
0xac: {  	_ =	task [dreg:s8], $0x5FFFF  }
0xad: {  	[dreg:$0x1] =	wrdreg $0xFFFFFFFF  }
0xae: {  	[dreg:$0x0] =	wrdreg $0x60  }
0xaf: {  	[dreg:$0x2] =	wrdreg s2  }
0xb0: {  	[dreg:$0x3] =	wrdreg s24  }
0xb1: {  	[dreg:$0x4] =	wrdreg s18  }
0xb2: {  	[dreg:$0x5] =	wrdreg $0x9  }
0xb3: {  	_ =	task.clear_ibuf [dreg:s8], $0x6FFFF;
	_ =	strace $0x90000049  }
0xb4: {  	s29 =	simm.s32 $0x9;
	_ =	strace $0x8000004B  }
0xb5: {  	_ =	swait.ge [sflag:s29], $0x1  }
0xb6: {  	[sflag:s29] =	ssyncadd.s32 $0xFFFFFFFF  }
0xb7: {  	_ =	strace $0x9000004B  }
0xb8: {  	_ =	sfence  }
0xb9: {  	s30 =	sld [smem:$0x0];
	_ =	sdelay $0x2  }
0xba: {  	s31 =	sshll.u32 s1, $0xD;
	s1 =	sshrl.u32 s1, $0x2  }
0xbb: {  	s3 =	sand.u32 $0x4000, s31;
	s1 =	sadd.s32 s1, s30  }
0xbc: {  	s0 =	sor.u32 s3, s0;
	s1 =	sshll.u32 s1, $0x11  }
0xbd: {  	s0 =	sor.u32 s1, s0  }
0xbe: {  	s0 =	sadd.s32 $0x8F2B, s0  }
0xbf: {  	[sflag:s0] =	ssyncadd.remote.s32 $0x1  }
0xc0: {  	_ =	sfence.sel $0xFFFF  }
0xc1: {  	[dreg:$0x0] =	wrdreg $0xFFFFFFFF;
	(pc) =	sbr.abs _section_cstart, $3  }
0xc2: {  	[dreg:$0x1] =	wrdreg $0xFFFFFFFF  }
0xc3: {  	_ =	task.clear_ibuf [dreg:s8], $0x2FFFF;
	_ =	strace $0x9FFFFFFF  }
0xc4: {  	(tm) =	ssettm $0x7FFFFFFF  }
0xc5: {  	_ =	shalt  }
tec
execute0_lowered:
.L_overlay_start_1:
0x0: {  	(tag) =	ssettag $0x1  }
0x1: {  	v0 =	vimm.s32 $0x60402000  }
0x2: {  	v1 =	vimm.s32 $0xE0C0A080;
	vm5 =	vcmask $0x1F10;
	vm9 =	vcmask $0x704  }
0x3: {  	v15 =	vimm.s32 $0x100;
	vm8 =	vcmask $0xB08;
	vm7 =	vcmask $0xF0C  }
0x4: {  	vm6 =	vcmask $0x1310;
	vm4 =	vcmask $0x1714;
	v6 =	vimm.s32 $0x160  }
0x5: {  	vm3 =	vcmask $0x1B18;
	vm2 =	vcmask $0x1F1C;
	v7 =	vimm.s32 $0x40200000  }
0x6: {  	v8 =	vimm.s32 $0x40200060;
	v9 =	vimm.s32 $0x1C0;
	vm10 =	vcmask $0x300  }
0x7: {  	vm0 =	vcmask $0x1F14;
	v10 =	vimm.s32 $0xC0A080E0;
	vm1 =	vcmask $0x1304  }
0x8: {  	vm11 =	vcmask $0x2314;
	vm12 =	vcmask $0x1708;
	vm13 =	vcmask $0x2F20  }
0x9: {  	vm14 =	vcmask $0xB00;
	vm15 =	vcmask $0x3B2C;
	v21 =	vimm.s32 $0x784  }
0xa: {  	v22 =	vimm.s32 $0x785;
	v23 =	vimm.s32 $0x786;
	v24 =	vimm.s32 $0x787  }
0xb: {  	v25 =	vimm.s32 $0x788;
	v26 =	vimm.s32 $0x789;
	v27 =	vimm.s32 $0x78A  }
0xc: {  	v28 =	vimm.s32 $0x78B;
	v29 =	vimm.s32 $0x78C;
	v30 =	vimm.s32 $0x78D  }
0xd: {  	v31 =	vimm.s32 $0x78E;
	v32 =	vimm.s32 $0xF80;
	v33 =	vimm.s32 $0xF81  }
0xe: {  	v34 =	vimm.s32 $0xF82;
	v35 =	vimm.s32 $0xF83;
	v36 =	vimm.s32 $0xF84  }
0xf: {  	v37 =	vimm.s32 $0xF85;
	v38 =	vimm.s32 $0xF86;
	v39 =	vimm.s32 $0xF87  }
0x10: {  	v40 =	vimm.s32 $0xF88;
	v41 =	vimm.s32 $0xF89;
	v42 =	vimm.s32 $0xF8A  }
0x11: {  	v43 =	vimm.s32 $0xF8B;
	v44 =	vimm.s32 $0xF8C;
	v45 =	vimm.s32 $0xF8D  }
0x12: {  	v46 =	vimm.s32 $0xF8E;
	v47 =	vimm.s32 $0xC0A08060;
	v0 =	vunpack.c.0.s8.s32 v0  }
0x13: {  	v1 =	vunpack.c.0.s8.s32 v1;
	v3 =	vsel vm9, $0x180, v6;
	v7 =	vunpack.c.0.s8.s32 v7  }
0x14: {  	v8 =	vunpack.c.0.s8.s32 v8;
	v9 =	vsel vm10, $0x1E0, v9;
	v6 =	vsel vm10, $0x180, v6  }
0x15: {  	v21 =	vsel vm10, $0x5, v21;
	v22 =	vsel vm10, $0x6, v22;
	v23 =	vsel vm10, $0x7, v23  }
0x16: {  	v24 =	vsel vm10, $0x8, v24;
	v25 =	vsel vm10, $0x9, v25;
	v26 =	vsel vm10, $0xA, v26  }
0x17: {  	v27 =	vsel vm10, $0xB, v27;
	v28 =	vsel vm10, $0xC, v28;
	v29 =	vsel vm10, $0xD, v29  }
0x18: {  	v30 =	vsel vm10, $0xE, v30;
	v31 =	vsel vm10, $0xF, v31;
	v32 =	vsel vm10, $0x801, v32  }
0x19: {  	v33 =	vsel vm10, $0x802, v33;
	v34 =	vsel vm10, $0x803, v34;
	v35 =	vsel vm10, $0x804, v35  }
0x1a: {  	v36 =	vsel vm10, $0x805, v36;
	v37 =	vsel vm10, $0x806, v37;
	v38 =	vsel vm10, $0x807, v38  }
0x1b: {  	v39 =	vsel vm10, $0x808, v39;
	v40 =	vsel vm10, $0x809, v40;
	v41 =	vsel vm10, $0x80A, v41  }
0x1c: {  	v42 =	vsel vm10, $0x80B, v42;
	v43 =	vsel vm10, $0x80C, v43;
	v44 =	vsel vm10, $0x80D, v44  }
0x1d: {  	v45 =	vsel vm10, $0x80E, v45;
	v46 =	vsel vm10, $0x80F, v46;
	v47 =	vunpack.c.0.s8.s32 v47  }
0x1e: {  	v3 =	vsel vm8, $0x1A0, v3;
	v6 =	vsel vm9, $0x1A0, v6;
	v21 =	vsel vm9, $0x86, v21  }
0x1f: {  	v22 =	vsel vm9, $0x87, v22;
	v23 =	vsel vm9, $0x88, v23;
	v24 =	vsel vm9, $0x89, v24  }
0x20: {  	v25 =	vsel vm9, $0x8A, v25;
	v26 =	vsel vm9, $0x8B, v26;
	v27 =	vsel vm9, $0x8C, v27  }
0x21: {  	v28 =	vsel vm9, $0x8D, v28;
	v29 =	vsel vm9, $0x8E, v29;
	v30 =	vsel vm9, $0x8F, v30  }
0x22: {  	v31 =	vsel vm9, $0x80, v31;
	v32 =	vsel vm9, $0x882, v32;
	v33 =	vsel vm9, $0x883, v33  }
0x23: {  	v34 =	vsel vm9, $0x884, v34;
	v35 =	vsel vm9, $0x885, v35;
	v36 =	vsel vm9, $0x886, v36  }
0x24: {  	v37 =	vsel vm9, $0x887, v37;
	v38 =	vsel vm9, $0x888, v38;
	v39 =	vsel vm9, $0x889, v39  }
0x25: {  	v40 =	vsel vm9, $0x88A, v40;
	v41 =	vsel vm9, $0x88B, v41;
	v42 =	vsel vm9, $0x88C, v42  }
0x26: {  	v43 =	vsel vm9, $0x88D, v43;
	v44 =	vsel vm9, $0x88E, v44;
	v45 =	vsel vm9, $0x88F, v45  }
0x27: {  	v46 =	vsel vm9, $0x880, v46;
	v5 =	vand.u32 $0xFF, v0;
	v13 =	vand.u32 $0xFF, v1  }
0x28: {  	v1 =	vimm.s32 $0x180;
	v3 =	vsel vm7, $0x1C0, v3;
	v14 =	vand.u32 $0xFF, v8  }
0x29: {  	v8 =	vunpack.c.0.s8.s32 v10;
	v10 =	vimm.s32 $0x140;
	v21 =	vsel vm8, $0x107, v21  }
0x2a: {  	v22 =	vsel vm8, $0x108, v22;
	v23 =	vsel vm8, $0x109, v23;
	v24 =	vsel vm8, $0x10A, v24  }
0x2b: {  	v25 =	vsel vm8, $0x10B, v25;
	v26 =	vsel vm8, $0x10C, v26;
	v27 =	vsel vm8, $0x10D, v27  }
0x2c: {  	v28 =	vsel vm8, $0x10E, v28;
	v29 =	vsel vm8, $0x10F, v29;
	v30 =	vsel vm8, $0x100, v30  }
0x2d: {  	v31 =	vsel vm8, $0x101, v31;
	v32 =	vsel vm8, $0x903, v32;
	v33 =	vsel vm8, $0x904, v33  }
0x2e: {  	v34 =	vsel vm8, $0x905, v34;
	v35 =	vsel vm8, $0x906, v35;
	v36 =	vsel vm8, $0x907, v36  }
0x2f: {  	v37 =	vsel vm8, $0x908, v37;
	v38 =	vsel vm8, $0x909, v38;
	v39 =	vsel vm8, $0x90A, v39  }
0x30: {  	v40 =	vsel vm8, $0x90B, v40;
	v41 =	vsel vm8, $0x90C, v41;
	v42 =	vsel vm8, $0x90D, v42  }
0x31: {  	v43 =	vsel vm8, $0x90E, v43;
	v44 =	vsel vm8, $0x90F, v44;
	v45 =	vsel vm8, $0x900, v45  }
0x32: {  	v46 =	vsel vm8, $0x901, v46;
	v47 =	vand.u32 $0xFF, v47;
	v4 =	vsel vm5, v13, v5  }
0x33: {  	v2 =	vsel vm9, $0x1A0, v1;
	v3 =	vsel vm6, $0x1E0, v3;
	v1 =	vsel vm10, $0x1A0, v1  }
0x34: {  	v21 =	vsel vm7, $0x188, v21;
	v22 =	vsel vm7, $0x189, v22;
	v23 =	vsel vm7, $0x18A, v23  }
0x35: {  	v24 =	vsel vm7, $0x18B, v24;
	v25 =	vsel vm7, $0x18C, v25;
	v26 =	vsel vm7, $0x18D, v26  }
0x36: {  	v27 =	vsel vm7, $0x18E, v27;
	v28 =	vsel vm7, $0x18F, v28;
	v29 =	vsel vm7, $0x180, v29  }
0x37: {  	v30 =	vsel vm7, $0x181, v30;
	v31 =	vsel vm7, $0x182, v31;
	v32 =	vsel vm7, $0x984, v32  }
0x38: {  	v33 =	vsel vm7, $0x985, v33;
	v34 =	vsel vm7, $0x986, v34;
	v35 =	vsel vm7, $0x987, v35  }
0x39: {  	v36 =	vsel vm7, $0x988, v36;
	v37 =	vsel vm7, $0x989, v37;
	v38 =	vsel vm7, $0x98A, v38  }
0x3a: {  	v39 =	vsel vm7, $0x98B, v39;
	v40 =	vsel vm7, $0x98C, v40;
	v41 =	vsel vm7, $0x98D, v41  }
0x3b: {  	v42 =	vsel vm7, $0x98E, v42;
	v43 =	vsel vm7, $0x98F, v43;
	v44 =	vsel vm7, $0x980, v44  }
0x3c: {  	v45 =	vsel vm7, $0x981, v45;
	v46 =	vsel vm7, $0x982, v46;
	v47 =	vsel vm6, $0xE0, v47  }
0x3d: {  	v2 =	vsel vm8, $0x1C0, v2;
	v1 =	vsel vm9, $0x1C0, v1;
	v21 =	vsel vm6, $0x209, v21  }
0x3e: {  	v22 =	vsel vm6, $0x20A, v22;
	v23 =	vsel vm6, $0x20B, v23;
	v24 =	vsel vm6, $0x20C, v24  }
0x3f: {  	v25 =	vsel vm6, $0x20D, v25;
	v26 =	vsel vm6, $0x20E, v26;
	v27 =	vsel vm6, $0x20F, v27  }
0x40: {  	v28 =	vsel vm6, $0x200, v28;
	v29 =	vsel vm6, $0x201, v29;
	v30 =	vsel vm6, $0x202, v30  }
0x41: {  	v31 =	vsel vm6, $0x203, v31;
	v32 =	vsel vm6, $0xA05, v32;
	v33 =	vsel vm6, $0xA06, v33  }
0x42: {  	v34 =	vsel vm6, $0xA07, v34;
	v35 =	vsel vm6, $0xA08, v35;
	v36 =	vsel vm6, $0xA09, v36  }
0x43: {  	v37 =	vsel vm6, $0xA0A, v37;
	v38 =	vsel vm6, $0xA0B, v38;
	v39 =	vsel vm6, $0xA0C, v39  }
0x44: {  	v40 =	vsel vm6, $0xA0D, v40;
	v41 =	vsel vm6, $0xA0E, v41;
	v42 =	vsel vm6, $0xA0F, v42  }
0x45: {  	v43 =	vsel vm6, $0xA00, v43;
	v44 =	vsel vm6, $0xA01, v44;
	v45 =	vsel vm6, $0xA02, v45  }
0x46: {  	v46 =	vsel vm6, $0xA03, v46;
	v47 =	vsel vm4, $0x100, v47;
	v2 =	vsel vm7, $0x1E0, v2  }
0x47: {  	v1 =	vsel vm8, $0x1E0, v1;
	v21 =	vsel vm4, $0x28A, v21;
	v22 =	vsel vm4, $0x28B, v22  }
0x48: {  	v23 =	vsel vm4, $0x28C, v23;
	v24 =	vsel vm4, $0x28D, v24;
	v25 =	vsel vm4, $0x28E, v25  }
0x49: {  	v26 =	vsel vm4, $0x28F, v26;
	v27 =	vsel vm4, $0x280, v27;
	v28 =	vsel vm4, $0x281, v28  }
0x4a: {  	v29 =	vsel vm4, $0x282, v29;
	v30 =	vsel vm4, $0x283, v30;
	v31 =	vsel vm4, $0x284, v31  }
0x4b: {  	v32 =	vsel vm4, $0xA86, v32;
	v33 =	vsel vm4, $0xA87, v33;
	v34 =	vsel vm4, $0xA88, v34  }
0x4c: {  	v35 =	vsel vm4, $0xA89, v35;
	v36 =	vsel vm4, $0xA8A, v36;
	v37 =	vsel vm4, $0xA8B, v37  }
0x4d: {  	v38 =	vsel vm4, $0xA8C, v38;
	v39 =	vsel vm4, $0xA8D, v39;
	v40 =	vsel vm4, $0xA8E, v40  }
0x4e: {  	v41 =	vsel vm4, $0xA8F, v41;
	v42 =	vsel vm4, $0xA80, v42;
	v43 =	vsel vm4, $0xA81, v43  }
0x4f: {  	v44 =	vsel vm4, $0xA82, v44;
	v45 =	vsel vm4, $0xA83, v45;
	v46 =	vsel vm4, $0xA84, v46  }
0x50: {  	v47 =	vsel vm3, $0x120, v47;
	v0 =	vsel vm5, v0, v2;
	v21 =	vsel vm3, $0x30B, v21  }
0x51: {  	v22 =	vsel vm3, $0x30C, v22;
	v23 =	vsel vm3, $0x30D, v23;
	v24 =	vsel vm3, $0x30E, v24  }
0x52: {  	v25 =	vsel vm3, $0x30F, v25;
	v26 =	vsel vm3, $0x300, v26;
	v27 =	vsel vm3, $0x301, v27  }
0x53: {  	v28 =	vsel vm3, $0x302, v28;
	v49 =	vsel vm3, $0x303, v29;
	v50 =	vsel vm3, $0x304, v30  }
0x54: {  	v31 =	vsel vm3, $0x305, v31;
	v32 =	vsel vm3, $0xB07, v32;
	v33 =	vsel vm3, $0xB08, v33  }
0x55: {  	v34 =	vsel vm3, $0xB09, v34;
	v35 =	vsel vm3, $0xB0A, v35;
	v36 =	vsel vm3, $0xB0B, v36  }
0x56: {  	v37 =	vsel vm3, $0xB0C, v37;
	v38 =	vsel vm3, $0xB0D, v38;
	v39 =	vsel vm3, $0xB0E, v39  }
0x57: {  	v40 =	vsel vm3, $0xB0F, v40;
	v41 =	vsel vm3, $0xB00, v41;
	v42 =	vsel vm3, $0xB01, v42  }
0x58: {  	v43 =	vsel vm3, $0xB02, v43;
	v44 =	vsel vm3, $0xB03, v44;
	v45 =	vsel vm3, $0xB04, v45  }
0x59: {  	v46 =	vsel vm3, $0xB05, v46;
	[tilespmem:$0x1FF70] =	vst v0;
	v0 =	vsel vm0, v7, v3;
	v7 =	vand.u32 $0xFF, v8  }
0x5a: {  	v8 =	vimm.s32 $0x1A0;
	vm0 =	vcmask $0x2B28;
	v63 =	vsel vm2, $0x385, v50  }
0x5b: {  	v31 =	vsel vm2, $0x386, v31;
	v32 =	vsel vm2, $0xB88, v32;
	v33 =	vsel vm2, $0xB89, v33  }
0x5c: {  	v34 =	vsel vm2, $0xB8A, v34;
	v35 =	vsel vm2, $0xB8B, v35;
	v36 =	vsel vm2, $0xB8C, v36  }
0x5d: {  	v37 =	vsel vm2, $0xB8D, v37;
	v38 =	vsel vm2, $0xB8E, v38;
	v39 =	vsel vm2, $0xB8F, v39  }
0x5e: {  	v40 =	vsel vm2, $0xB80, v40;
	v41 =	vsel vm2, $0xB81, v41;
	v42 =	vsel vm2, $0xB82, v42  }
0x5f: {  	v43 =	vsel vm2, $0xB83, v43;
	[tilespmem:$0x1FF90] =	vst v0;
	v0 =	vsel vm1, v14, v9;
	v9 =	vimm.s32 $0x20006040  }
0x60: {  	v44 =	vsel vm2, $0xB84, v44;
	v8 =	vsel vm10, $0x1C0, v8;
	v9 =	vunpack.c.0.s8.s32 v9  }
0x61: {  	v12 =	vsel vm11, v7, v0;
	v0 =	vsel vm9, $0x1E0, v8;
	v8 =	vimm.s32 $0x604020  }
0x62: {  	v45 =	vsel vm2, $0xB85, v45;
	v8 =	vunpack.c.0.s8.s32 v8;
	v16 =	vand.u32 $0xFF, v9  }
0x63: {  	vm1 =	vcmask $0x2724;
	v9 =	vimm.s32 $0xA080E0C0;
	v0 =	vsel vm12, v16, v0  }
0x64: {  	v9 =	vunpack.c.0.s8.s32 v9;
	v17 =	vand.u32 $0xFF, v8;
	vm12 =	vcmask $0x1B0C  }
0x65: {  	v12 =	vsel vm1, $0x100, v12;
	v8 =	vimm.s32 $0x80E0C0A0;
	v1 =	vsel vm12, v17, v1  }
0x66: {  	vm12 =	vcmask $0x2718;
	v8 =	vunpack.c.0.s8.s32 v8;
	v9 =	vand.u32 $0xFF, v9  }
0x67: {  	v46 =	vsel vm2, $0xB86, v46;
	v12 =	vsel vm0, $0x120, v12;
	v11 =	vsel vm12, v9, v0  }
0x68: {  	v0 =	vsel vm8, $0x1C0, v6;
	v6 =	vsel vm10, $0x160, v10;
	v18 =	vand.u32 $0xFF, v8  }
0x69: {  	v0 =	vsel vm7, $0x1E0, v0;
	v6 =	vsel vm9, $0x180, v6;
	v11 =	vsel vm0, $0x100, v11  }
0x6a: {  	v0 =	vsel vm5, v5, v0;
	v5 =	vsel vm8, $0x1A0, v6;
	vm5 =	vcmask $0x2B1C  }
0x6b: {  	v8 =	vsel vm13, v13, v0;
	v0 =	vsel vm7, $0x1C0, v5;
	v5 =	vimm.s32 $0x120  }
0x6c: {  	v10 =	vsel vm5, v18, v1;
	v13 =	vsel vm6, $0x100, v13;
	vm13 =	vcmask $0x3330  }
0x6d: {  	v0 =	vsel vm6, $0x1E0, v0;
	v5 =	vsel vm10, $0x140, v5;
	v13 =	vsel vm4, $0x120, v13  }
0x6e: {  	v8 =	vsel vm13, $0x100, v8;
	v0 =	vsel vm11, v14, v0;
	v1 =	vsel vm9, $0x160, v5  }
0x6f: {  	vm11 =	vcmask $0x3324;
	v5 =	vsel vm10, $0x120, v15;
	v15 =	vsel vm9, $0x120, v15  }
0x70: {  	v48 =	vsel vm3, $0x140, v13;
	v1 =	vsel vm8, $0x180, v1;
	v6 =	vsel vm11, v7, v0  }
0x71: {  	v15 =	vsel vm8, $0x140, v15;
	v0 =	vsel vm7, $0x1A0, v1;
	v1 =	vsel vm9, $0x140, v5  }
0x72: {  	v5 =	vimm.s32 $0xC0;
	v15 =	vsel vm7, $0x160, v15;
	v0 =	vsel vm6, $0x1C0, v0  }
0x73: {  	v1 =	vsel vm8, $0x160, v1;
	v5 =	vsel vm10, $0xE0, v5;
	v15 =	vsel vm6, $0x180, v15  }
0x74: {  	v0 =	vsel vm4, $0x1E0, v0;
	v1 =	vsel vm7, $0x180, v1;
	v5 =	vsel vm9, $0x100, v5  }
0x75: {  	v15 =	vsel vm4, $0x1A0, v15;
	v0 =	vsel vm12, v16, v0;
	v1 =	vsel vm6, $0x1A0, v1  }
0x76: {  	vm12 =	vcmask $0x3728;
	v7 =	vsel vm8, $0x120, v5;
	v15 =	vsel vm3, $0x1C0, v15  }
0x77: {  	v1 =	vsel vm4, $0x1C0, v1;
	v5 =	vsel vm12, v9, v0;
	v9 =	vimm.s32 $0xE0C0A0  }
0x78: {  	v13 =	vsel vm2, $0x1E0, v15;
	v0 =	vsel vm3, $0x1E0, v1;
	v1 =	vsel vm7, $0x140, v7  }
0x79: {  	v7 =	vimm.s32 $0xA0;
	v9 =	vunpack.c.0.s8.s32 v9;
	v13 =	vcombine.low v13, v4  }
0x7a: {  	v1 =	vsel vm6, $0x160, v1;
	v7 =	vsel vm10, $0xC0, v7;
	v0 =	vsel vm5, v17, v0  }
0x7b: {  	vm5 =	vcmask $0x2320;
	v1 =	vsel vm4, $0x180, v1;
	v7 =	vsel vm9, $0xE0, v7  }
0x7c: {  	v19 =	vand.u32 $0xFF, v9;
	v0 =	vsel vm15, v18, v0;
	v31 =	vsel vm5, $0x407, v31  }
0x7d: {  	v32 =	vsel vm5, $0xC09, v32;
	v33 =	vsel vm5, $0xC0A, v33;
	v34 =	vsel vm5, $0xC0B, v34  }
0x7e: {  	v35 =	vsel vm5, $0xC0C, v35;
	v36 =	vsel vm5, $0xC0D, v36;
	v37 =	vsel vm5, $0xC0E, v37  }
0x7f: {  	v38 =	vsel vm5, $0xC0F, v38;
	v39 =	vsel vm5, $0xC00, v39;
	v40 =	vsel vm5, $0xC01, v40  }
0x80: {  	v41 =	vsel vm5, $0xC02, v41;
	v42 =	vsel vm5, $0xC03, v42;
	v43 =	vsel vm5, $0xC04, v43  }
0x81: {  	v44 =	vsel vm5, $0xC05, v44;
	v45 =	vsel vm5, $0xC06, v45;
	v46 =	vsel vm5, $0xC07, v46  }
0x82: {  	v1 =	vsel vm3, $0x1A0, v1;
	v7 =	vsel vm8, $0x100, v7;
	v9 =	vnsel vm14, $0x80, v19  }
0x83: {  	v31 =	vsel vm1, $0x488, v31;
	v32 =	vsel vm1, $0xC8A, v32;
	v33 =	vsel vm1, $0xC8B, v33  }
0x84: {  	v34 =	vsel vm1, $0xC8C, v34;
	v35 =	vsel vm1, $0xC8D, v35;
	v36 =	vsel vm1, $0xC8E, v36  }
0x85: {  	v37 =	vsel vm1, $0xC8F, v37;
	v38 =	vsel vm1, $0xC80, v38;
	v39 =	vsel vm1, $0xC81, v39  }
0x86: {  	v40 =	vsel vm1, $0xC82, v40;
	v41 =	vsel vm1, $0xC83, v41;
	v42 =	vsel vm1, $0xC84, v42  }
0x87: {  	v43 =	vsel vm1, $0xC85, v43;
	v44 =	vsel vm1, $0xC86, v44;
	v45 =	vsel vm1, $0xC87, v45  }
0x88: {  	v46 =	vsel vm1, $0xC88, v46;
	vm14 =	vcmask $0x3734;
	v1 =	vsel vm2, $0x1C0, v1  }
0x89: {  	v7 =	vsel vm7, $0x120, v7;
	v9 =	vsel vm7, $0x100, v9;
	v31 =	vsel vm0, $0x509, v31  }
0x8a: {  	v32 =	vsel vm0, $0xD0B, v32;
	v33 =	vsel vm0, $0xD0C, v33;
	v34 =	vsel vm0, $0xD0D, v34  }
0x8b: {  	v35 =	vsel vm0, $0xD0E, v35;
	v36 =	vsel vm0, $0xD0F, v36;
	v37 =	vsel vm0, $0xD00, v37  }
0x8c: {  	v38 =	vsel vm0, $0xD01, v38;
	v39 =	vsel vm0, $0xD02, v39;
	v40 =	vsel vm0, $0xD03, v40  }
0x8d: {  	v41 =	vsel vm0, $0xD04, v41;
	v42 =	vsel vm0, $0xD05, v42;
	v43 =	vsel vm0, $0xD06, v43  }
0x8e: {  	v44 =	vsel vm0, $0xD07, v44;
	v45 =	vsel vm0, $0xD08, v45;
	v46 =	vsel vm0, $0xD09, v46  }
0x8f: {  	v7 =	vsel vm6, $0x140, v7;
	v1 =	vsel vm5, $0x1E0, v1;
	v20 =	vsel vm6, $0x120, v9  }
0x90: {  	v7 =	vsel vm4, $0x160, v7;
	v9 =	vsel vm11, v14, v1;
	v14 =	vimm.s32 $0x80604020  }
0x91: {  	vm11 =	vcmask $0xF00;
	v1 =	vsel vm3, $0x180, v7;
	v7 =	vsel vm4, $0x140, v20  }
0x92: {  	v20 =	vimm.s32 $0xA0806040;
	v14 =	vunpack.c.0.s8.s32 v14;
	v7 =	vsel vm3, $0x160, v7  }
0x93: {  	v50 =	vsel vm14, $0x80, v9;
	v1 =	vsel vm2, $0x1A0, v1;
	v7 =	vsel vm2, $0x180, v7  }
0x94: {  	v1 =	vsel vm5, $0x1C0, v1;
	v14 =	vand.u32 $0xFF, v14;
	v7 =	vsel vm5, $0x1A0, v7  }
0x95: {  	v1 =	vsel vm1, $0x1E0, v1;
	v14 =	vnsel vm11, $0x0, v14;
	v18 =	vsel vm1, $0x1C0, v7  }
0x96: {  	v7 =	vsel vm12, v16, v1;
	v16 =	vunpack.c.0.s8.s32 v20;
	vm12 =	vcmask $0x1B10  }
0x97: {  	v20 =	vimm.s32 $0x783;
	v1 =	vsel vm0, $0x1E0, v18;
	v14 =	vsel vm12, v19, v14  }
0x98: {  	v18 =	vimm.s32 $0x781;
	v19 =	vimm.s32 $0x782;
	v20 =	vsel vm10, $0x4, v20  }
0x99: {  	[tilespmem:$0x1FEC0] =	vst v0;
	vm12 =	vcmask $0x2F2C;
	v0 =	vsel vm15, v17, v1;
	v16 =	vand.u32 $0xFF, v16  }
0x9a: {  	v17 =	vimm.s32 $0x780;
	v18 =	vsel vm10, $0x2, v18;
	v19 =	vsel vm10, $0x3, v19  }
0x9b: {  	v20 =	vsel vm9, $0x85, v20;
	v1 =	vsel vm2, $0x160, v48;
	v14 =	vsel vm2, $0x100, v14  }
0x9c: {  	v12 =	vsel vm12, $0x140, v12;
	v11 =	vsel vm12, $0x120, v11;
	v10 =	vsel vm12, $0x100, v10  }
0x9d: {  	v31 =	vsel vm12, $0x58A, v31;
	v32 =	vsel vm12, $0xD8C, v32;
	v33 =	vsel vm12, $0xD8D, v33  }
0x9e: {  	v34 =	vsel vm12, $0xD8E, v34;
	v35 =	vsel vm12, $0xD8F, v35;
	v36 =	vsel vm12, $0xD80, v36  }
0x9f: {  	v37 =	vsel vm12, $0xD81, v37;
	v38 =	vsel vm12, $0xD82, v38;
	v39 =	vsel vm12, $0xD83, v39  }
0xa0: {  	v40 =	vsel vm12, $0xD84, v40;
	v41 =	vsel vm12, $0xD85, v41;
	v42 =	vsel vm12, $0xD86, v42  }
0xa1: {  	v43 =	vsel vm12, $0xD87, v43;
	v44 =	vsel vm12, $0xD88, v44;
	v45 =	vsel vm12, $0xD89, v45  }
0xa2: {  	v46 =	vsel vm12, $0xD8A, v46;
	v48 =	vsel vm14, $0x120, v8;
	vm15 =	vcmask $0x3B38  }
0xa3: {  	v16 =	vnsel vm11, $0x20, v16;
	v17 =	vsel vm10, $0x1, v17;
	v18 =	vsel vm9, $0x83, v18  }
0xa4: {  	v19 =	vsel vm9, $0x84, v19;
	v20 =	vsel vm8, $0x106, v20;
	[tilespmem:$0x1FF80] =	vst v1;
	v1 =	vsel vm2, $0x140, v47  }
0xa5: {  	v14 =	vsel vm5, $0x120, v14;
	v47 =	vsel vm5, $0x406, v63;
	v12 =	vsel vm13, $0x160, v12  }
0xa6: {  	v11 =	vsel vm13, $0x140, v11;
	v10 =	vsel vm13, $0x120, v10;
	v31 =	vsel vm13, $0x60B, v31  }
0xa7: {  	v32 =	vsel vm13, $0xE0D, v32;
	v33 =	vsel vm13, $0xE0E, v33;
	v34 =	vsel vm13, $0xE0F, v34  }
0xa8: {  	v35 =	vsel vm13, $0xE00, v35;
	v36 =	vsel vm13, $0xE01, v36;
	v37 =	vsel vm13, $0xE02, v37  }
0xa9: {  	v38 =	vsel vm13, $0xE03, v38;
	v39 =	vsel vm13, $0xE04, v39;
	v40 =	vsel vm13, $0xE05, v40  }
0xaa: {  	v41 =	vsel vm13, $0xE06, v41;
	v42 =	vsel vm13, $0xE07, v42;
	v43 =	vsel vm13, $0xE08, v43  }
0xab: {  	v44 =	vsel vm13, $0xE09, v44;
	v45 =	vsel vm13, $0xE0A, v45;
	v46 =	vsel vm13, $0xE0B, v46  }
0xac: {  	v5 =	vsel vm15, $0x100, v5;
	v9 =	vsel vm15, $0xA0, v50;
	v4 =	vsel vm15, $0x80, v7  }
0xad: {  	v17 =	vsel vm9, $0x82, v17;
	v18 =	vsel vm8, $0x104, v18;
	v19 =	vsel vm8, $0x105, v19  }
0xae: {  	v20 =	vsel vm7, $0x187, v20;
	v16 =	vsel vm6, $0xC0, v16;
	v14 =	vsel vm1, $0x140, v14  }
0xaf: {  	v47 =	vsel vm1, $0x487, v47;
	v12 =	vsel vm14, $0x180, v12;
	v11 =	vsel vm14, $0x160, v11  }
0xb0: {  	v10 =	vsel vm14, $0x140, v10;
	v3 =	vsel vm14, $0x68C, v31;
	v29 =	vsel vm14, $0xE8E, v32  }
0xb1: {  	[tilespmem:$0x1FFA0] =	vst v1;
	v30 =	vsel vm14, $0xE8F, v33;
	v1 =	vsel vm14, $0xE80, v34;
	v32 =	vsel vm14, $0xE83, v37  }
0xb2: {  	v34 =	vsel vm14, $0xE84, v38;
	v31 =	vsel vm14, $0xE88, v42;
	v17 =	vsel vm8, $0x103, v17  }
0xb3: {  	v18 =	vsel vm7, $0x185, v18;
	v19 =	vsel vm7, $0x186, v19;
	v20 =	vsel vm6, $0x208, v20  }
0xb4: {  	v16 =	vsel vm4, $0xE0, v16;
	v14 =	vsel vm0, $0x160, v14;
	v47 =	vsel vm0, $0x508, v47  }
0xb5: {  	[tilespmem:$0x1FF40] =	vst v1;
	v1 =	vsel vm14, $0xE81, v35;
	v35 =	vsel vm14, $0xE85, v39;
	v39 =	vsel vm15, $0xF09, v31  }
0xb6: {  	v17 =	vsel vm7, $0x184, v17;
	v18 =	vsel vm6, $0x206, v18;
	v19 =	vsel vm6, $0x207, v19  }
0xb7: {  	v20 =	vsel vm4, $0x289, v20;
	v16 =	vsel vm3, $0x100, v16;
	v14 =	vsel vm12, $0x180, v14  }
0xb8: {  	v47 =	vsel vm12, $0x589, v47;
	[tilespmem:$0x1FF50] =	vst v1;
	v1 =	vsel vm14, $0xE82, v36;
	v17 =	vsel vm6, $0x205, v17  }
0xb9: {  	v18 =	vsel vm4, $0x287, v18;
	v19 =	vsel vm4, $0x288, v19;
	v20 =	vsel vm3, $0x30A, v20  }
0xba: {  	v15 =	vsel vm2, $0x120, v16;
	v14 =	vsel vm13, $0x1A0, v14;
	v47 =	vsel vm13, $0x60A, v47  }
0xbb: {  	[tilespmem:$0x1FF60] =	vst v1;
	v1 =	vsel vm15, $0x1A0, v12;
	v17 =	vsel vm4, $0x286, v17;
	v18 =	vsel vm3, $0x308, v18  }
0xbc: {  	v19 =	vsel vm3, $0x309, v19;
	v15 =	vsel vm5, $0x140, v15;
	v51 =	vsel vm14, $0x1C0, v14  }
0xbd: {  	v47 =	vsel vm14, $0x68B, v47;
	v14 =	vsel vm15, $0x180, v11;
	v17 =	vsel vm3, $0x307, v17  }
0xbe: {  	v15 =	vsel vm1, $0x160, v15;
	v8 =	vsel vm15, $0x1E0, v51;
	v16 =	vsel vm2, $0x388, v17  }
0xbf: {  	v17 =	vsel vm2, $0x389, v18;
	v18 =	vsel vm2, $0x38A, v19;
	v19 =	vsel vm2, $0x38B, v20  }
0xc0: {  	v20 =	vsel vm2, $0x38C, v21;
	v21 =	vsel vm2, $0x38D, v22;
	v22 =	vsel vm2, $0x38E, v23  }
0xc1: {  	v23 =	vsel vm2, $0x38F, v24;
	v24 =	vsel vm2, $0x380, v25;
	v25 =	vsel vm2, $0x381, v26  }
0xc2: {  	v26 =	vsel vm2, $0x382, v27;
	v27 =	vsel vm2, $0x383, v28;
	v28 =	vsel vm2, $0x384, v49  }
0xc3: {  	v15 =	vsel vm0, $0x180, v15;
	v49 =	vsel vm14, $0x100, v6;
	v25 =	vsel vm5, $0x402, v25  }
0xc4: {  	v26 =	vsel vm5, $0x403, v26;
	v27 =	vsel vm5, $0x404, v27;
	v28 =	vsel vm5, $0x405, v28  }
0xc5: {  	v25 =	vsel vm1, $0x483, v25;
	v26 =	vsel vm1, $0x484, v26;
	v27 =	vsel vm1, $0x485, v27  }
0xc6: {  	v28 =	vsel vm1, $0x486, v28;
	v25 =	vsel vm0, $0x504, v25;
	v26 =	vsel vm0, $0x505, v26  }
0xc7: {  	v27 =	vsel vm0, $0x506, v27;
	v28 =	vsel vm0, $0x507, v28;
	v25 =	vsel vm12, $0x585, v25  }
0xc8: {  	v26 =	vsel vm12, $0x586, v26;
	v27 =	vsel vm12, $0x587, v27;
	v25 =	vsel vm13, $0x606, v25  }
0xc9: {  	v28 =	vsel vm12, $0x588, v28;
	v26 =	vsel vm13, $0x607, v26;
	v61 =	vsel vm14, $0x687, v25  }
0xca: {  	[tilespmem:$0x1FED0] =	vst v1;
	v27 =	vsel vm13, $0x608, v27;
	v62 =	vsel vm14, $0x688, v26;
	v1 =	vsel vm15, $0x708, v61  }
0xcb: {  	v28 =	vsel vm13, $0x609, v28;
	v63 =	vsel vm14, $0x689, v27;
	[tilespmem:$0x1FEE0] =	vst v1;
	v1 =	vsel vm15, $0x709, v62  }
0xcc: {  	v6 =	vlaneseq.u32;
	v2 =	vsel vm14, $0x68A, v28;
	[tilespmem:$0x1FEF0] =	vst v1;
	v1 =	vsel vm15, $0x70A, v63  }
0xcd: {  	s6 =	rddreg [dreg:$0x0];
	v16 =	vsel vm5, $0x409, v16;
	v17 =	vsel vm5, $0x40A, v17;
	[tilespmem:$0x1FF00] =	vst v1;
	v1 =	vsel vm15, $0x70B, v2  }
0xce: {  	s5 =	rddreg [dreg:$0x1];
	s3 =	srdreg.scid;
	v18 =	vsel vm5, $0x40B, v18;
	v19 =	vsel vm5, $0x40C, v19;
	[tilespmem:$0x1FF10] =	vst v1;
	v1 =	vsel vm15, $0x70C, v47  }
0xcf: {  	s1 =	rddreg [dreg:$0x2];
	s4 =	sand.u32 $0x1, s3;
	s3 =	simm.s32 $0x0;
	v20 =	vsel vm5, $0x40D, v20;
	v21 =	vsel vm5, $0x40E, v21;
	[tilespmem:$0x1FF20] =	vst v1;
	v1 =	vsel vm15, $0x70D, v3  }
0xd0: {  	[smem:$0x7FF] =	sst s3;
	v22 =	vsel vm5, $0x40F, v22;
	v23 =	vsel vm5, $0x400, v23;
	v24 =	vsel vm5, $0x401, v24;
	[tilespmem:$0x1FF30] =	vst v1  }
0xd1: {  	s0 =	rddreg [dreg:$0x3];
	v15 =	vsel vm12, $0x1A0, v15;
	v16 =	vsel vm1, $0x48A, v16;
	v17 =	vsel vm1, $0x48B, v17;
	_ =	strace $0x8000004A  }
0xd2: {  	v18 =	vsel vm1, $0x48C, v18;
	v19 =	vsel vm1, $0x48D, v19;
	v20 =	vsel vm1, $0x48E, v20;
	v1 =	vld [tilespmem:$0x1FF40]  }
0xd3: {  	v21 =	vsel vm1, $0x48F, v21;
	v22 =	vsel vm1, $0x480, v22;
	v23 =	vsel vm1, $0x481, v23  }
0xd4: {  	v24 =	vsel vm1, $0x482, v24;
	v15 =	vsel vm13, $0x1C0, v15;
	v16 =	vsel vm0, $0x50B, v16  }
0xd5: {  	v17 =	vsel vm0, $0x50C, v17;
	v18 =	vsel vm0, $0x50D, v18;
	v19 =	vsel vm0, $0x50E, v19  }
0xd6: {  	v20 =	vsel vm0, $0x50F, v20;
	v21 =	vsel vm0, $0x500, v21;
	v22 =	vsel vm0, $0x501, v22  }
0xd7: {  	v23 =	vsel vm0, $0x502, v23;
	v24 =	vsel vm0, $0x503, v24;
	v47 =	vsel vm15, $0xF01, v1;
	v1 =	vld [tilespmem:$0x1FF50]  }
0xd8: {  	v15 =	vsel vm14, $0x1E0, v15;
	v16 =	vsel vm12, $0x58C, v16;
	v17 =	vsel vm12, $0x58D, v17  }
0xd9: {  	v18 =	vsel vm12, $0x58E, v18;
	v19 =	vsel vm12, $0x58F, v19;
	v20 =	vsel vm12, $0x580, v20  }
0xda: {  	v21 =	vsel vm12, $0x581, v21;
	v22 =	vsel vm12, $0x582, v22;
	v23 =	vsel vm12, $0x583, v23  }
0xdb: {  	v24 =	vsel vm12, $0x584, v24;
	v7 =	vsel vm15, $0x0, v15;
	v20 =	vsel vm13, $0x601, v20  }
0xdc: {  	v56 =	vsel vm14, $0x682, v20;
	v20 =	vsel vm15, $0x140, v48;
	v48 =	vsel vm15, $0xF02, v1;
	v1 =	vld [tilespmem:$0x1FF60]  }
0xdd: {  	v16 =	vsel vm13, $0x60D, v16;
	v17 =	vsel vm13, $0x60E, v17;
	v18 =	vsel vm13, $0x60F, v18  }
0xde: {  	v19 =	vsel vm13, $0x600, v19;
	v21 =	vsel vm13, $0x602, v21;
	v22 =	vsel vm13, $0x603, v22  }
0xdf: {  	v23 =	vsel vm13, $0x604, v23;
	v24 =	vsel vm13, $0x605, v24;
	v52 =	vsel vm14, $0x68E, v16  }
0xe0: {  	v53 =	vsel vm14, $0x68F, v17;
	v54 =	vsel vm14, $0x680, v18;
	v55 =	vsel vm14, $0x681, v19;
	v2 =	vld [tilespmem:$0x1FF80]  }
0xe1: {  	v57 =	vsel vm14, $0x683, v21;
	v21 =	vsel vm15, $0x701, v54;
	v54 =	vsel vm15, $0xF03, v1;
	v1 =	vld [tilespmem:$0x1FF70]  }
0xe2: {  	v58 =	vsel vm14, $0x684, v22;
	v59 =	vsel vm14, $0x685, v23;
	v60 =	vsel vm14, $0x686, v24  }
0xe3: {  	v18 =	vsel vm14, $0xE86, v40;
	v28 =	vsel vm14, $0xE87, v41;
	v16 =	vsel vm14, $0xE89, v43  }
0xe4: {  	v24 =	vsel vm14, $0xE8A, v44;
	v25 =	vsel vm14, $0xE8B, v45;
	v27 =	vsel vm14, $0xE8C, v46  }
0xe5: {  	v19 =	vsel vm15, $0x160, v10;
	v17 =	vsel vm15, $0x120, v49;
	v10 =	vmul.u32 $0x81, v6;
	v3 =	vld [tilespmem:$0x1FFA0]  }
0xe6: {  	s2 =	stileid.u32;
	v46 =	vsel vm15, $0xF00, v30;
	v40 =	vsel vm15, $0xF0A, v16;
	v16 =	vcombine.low v2, v1;
	v1 =	vld [tilespmem:$0x1FF90]  }
0xe7: {  	s11 =	simm.s32 $0x400;
	s12 =	simm.s32 $0x8000;
	s13 =	simm.s32 $0x4;
	v49 =	vsel vm15, $0xF05, v34;
	v34 =	vsel vm15, $0xF06, v35;
	v30 =	vor.u32 $0x10, v6  }
0xe8: {  	s14 =	simm.s32 $0x6400;
	s15 =	simm.s32 $0x1;
	s16 =	simm.s32 $0x2;
	v11 =	vsel vm15, $0x70F, v52;
	v12 =	vsel vm15, $0x700, v53;
	v22 =	vsel vm15, $0x702, v55  }
0xe9: {  	s17 =	simm.s32 $0x3;
	s18 =	simm.s32 $0x0;
	s7 =	sshll.u32 s2, $0xB;
	v23 =	vsel vm15, $0x703, v56;
	v26 =	vsel vm15, $0x704, v57;
	v33 =	vsel vm15, $0x705, v58;
	[tilespmem:$0x1FFD0] =	vst v8  }
0xea: {  	s5 =	sadd.s32 $0x800, s5;
	s8 =	sshll.u32 s4, $0xA;
	s9 =	ssub.s32 $0x2, s4;
	v38 =	vsel vm15, $0x706, v59;
	v37 =	vsel vm15, $0x707, v60;
	v57 =	vsel vm15, $0xF0F, v29;
	[tilespmem:$0x1FFE0] =	vst v4  }
0xeb: {  	s4 =	sor.u32 s8, s7;
	s31 =	sshrl.u32 s9, $0x1;
	s7 =	sadd.s32 $0x1000, s1;
	v53 =	vsel vm15, $0xF04, v32;
	v15 =	vsel vm15, $0xF07, v18;
	[tilespmem:$0x1FFF0] =	vst v0;
	v1 =	vcombine.low v3, v1  }
0xec: {  	s8 =	sshrl.u32 s4, $0x3;
	s10 =	ssub.s32 s9, s31;
	s9 =	sadd.s32 $0x3000, s1;
	v18 =	vsel vm15, $0xF08, v28;
	v41 =	vsel vm15, $0xF0B, v24;
	v44 =	vsel vm15, $0xF0C, v25;
	[tilespmem:$0x1FFB0] =	vst v16  }
0xed: {  	s6 =	sadd.s32 s6, s8;
	s8 =	sadd.s32 $0x2000, s1;
	s10 =	smax.u32 s10, $0x1;
	v45 =	vsel vm15, $0xF0D, v27;
	v25 =	vor.u32 $0x800, v10;
	v2 =	vmul.u32 $0x20, v6;
	[tilespmem:$0x1FFC0] =	vst v1  }
.LBB2_1:
0xee: {  	[tilespmem:s3], [sflag:$0x4] =	stream.strided.gather [hbm4b:s6+s11], $0x6400, s12, s11, $0x38;
	[tilespmem:$0x18400] =	vst v63  }
0xef: {  	_ =	swait.ge [sflag:s13], $0x6400  }
0xf0: {  	[sflag:s13] =	ssyncset.done $0x0  }
0xf1: {  	p0 =	por $0x0, $0x0;
	s19 =	simm.s32 $0x0;
	[sflag:s13] =	ssyncadd.s32 $0xFFFF9C00  }
0xf2: {  	[tilespmem:s14], [sflag:$0x1] =	stream.indirect.gather [hbm4b:s5+s11], $0x20, s3, s11, $0xb8;
	[tilespmem:$0x18400] =	vst v63  }
.LBB2_3:
0xf3: {  	s21 =	smov.u32 s19;
	s19 =	sadd.s32 $0x1, s19  }
0xf4: {  	s20 =	simm.s32 $0x1;
	_ =	swait.ge [sflag:s15], $0x8000;
	p1 =	seq.s32 s19, $0x19  }
0xf5: {  	s22 =	sshll.u32 s19, $0xF;
	s23 =	sshll.u32 s19, $0xC;
	[sflag:s15] =	ssyncset.done $0x0  }
0xf6: {  	s20 =	simm.s32 @!p0 $0x0;
	s22 =	sand.u32 $0x8000, s22;
	s23 =	simm.s32 @p1 $0x0  }
0xf7: {  	[sflag:s15] =	ssyncadd.s32 $0xFFFF8000;
	s22 =	sor.u32 $0x6400, s22;
	s23 =	sshrl.u32 s23, $0x2  }
0xf8: {  	[tilespmem:s22], [sflag:$0x1] =	stream.indirect.gather [hbm4b:s5+s11], $0x20, s23, s11, $0xb8;
	[tilespmem:$0x18400] =	vst v63  }
0xf9: {  	s21 =	sshll.u32 s21, $0x3;
	s20 =	sshll.u32 s20, $0xA;
	s22 =	simm.s32 $0x0  }
.LBB2_4:
0xfa: {  	s23 =	sadd.s32 s21, s22  }
0xfb: {  	p2 =	slt.u32 s23, $0x2  }
0xfc: {  	s24 =	sand.u32 @!p2 $0x1, s22  }
0xfd: {  	p3 =	seq.s32 @!p2 s24, $0x1  }
0xfe: {  	s24 =	simm.s32 @!p2 $0x3;
	p3 =	por !p3, p2  }
0xff: {  	s24 =	simm.s32 @p3 $0x2  }
0x100: {  	_ =	swait.ge @!p2 [sflag:s24], $0x400  }
0x101: {  	[sflag:s24] =	ssyncset.done @!p2 $0x0  }
0x102: {  	[sflag:s24] =	ssyncadd.s32 @!p2 $0xFFFFFC00  }
0x103: {  	_ =	swait.ge @!p2 [sflag:s24], $0x400  }
0x104: {  	[sflag:s24] =	ssyncset.done @!p2 $0x0  }
0x105: {  	[sflag:s24] =	ssyncadd.s32 @!p2 $0xFFFFFC00  }
0x106: {  	_ =	swait.ge @!p2 [sflag:s24], $0x400  }
0x107: {  	[sflag:s24] =	ssyncset.done @!p2 $0x0  }
0x108: {  	[sflag:s24] =	ssyncadd.s32 @!p2 $0xFFFFFC00  }
0x109: {  	s25 =	sshll.u32 s22, $0xC;
	_ =	swait.ge @!p2 [sflag:s24], $0x400  }
0x10a: {  	s25 =	sand.u32 $0x1000, s25;
	[sflag:s24] =	ssyncset.done @!p2 $0x0  }
0x10b: {  	[sflag:s24] =	ssyncadd.s32 @!p2 $0xFFFFFC00;
	s24 =	sor.u32 $0x16400, s25;
	s25 =	simm.s32 $0x0  }
.LBB2_5:
0x10c: {  	s26 =	sadd.s32 s25, s20  }
0x10d: {  	v50 =	vmov s26  }
0x10e: {  	v50 =	vshll.u32 v50, $0x5  }
0x10f: {  	v51 =	vor.u32 v2, v50  }
0x110: {  	v29 =	vmov v53;
	v52 =	vor.u32 v6, v51;
	v53 =	vor.u32 v8, v50  }
0x111: {  	v35 =	vor.u32 v6, v53  }
0x112: {  	v3 =	vmov v2;
	v55 =	vor.u32 v7, v50;
	v2 =	vmov v48  }
0x113: {  	v48 =	vmovc v47;
	v47 =	vmovc v46;
	v46 =	vmov v57;
	v56 =	vor.u32 v6, v55;
	v57 =	vor.u32 v1, v50  }
0x114: {  	v59 =	vor.u32 v16, v50;
	v58 =	vor.u32 v6, v57  }
0x115: {  	v61 =	vor.u32 s25, v10;
	v62 =	vor.u32 v0, v50;
	v60 =	vor.u32 v6, v59;
	v52 =	vld.idx.msk [tilespmem:v52+s14+$0x0], $0xffff  }
0x116: {  	v27 =	vmov v54;
	v0 =	vor.u32 s25, v11;
	v63 =	vor.u32 v6, v62;
	v54 =	vld.idx.msk [tilespmem:v35+s14+$0x0], $0xffff  }
0x117: {  	v31 =	vmov v11;
	v1 =	vor.u32 v4, v50;
	v11 =	vld [tilespmem:$0x1FEC0]  }
0x118: {  	v24 =	vmovc v9;
	v9 =	vor.u32 v9, v50;
	v8 =	vor.u32 s25, v12;
	v4 =	vor.u32 v6, v1;
	v56 =	vld.idx.msk [tilespmem:v56+s14+$0x0], $0xffff  }
0x119: {  	v36 =	vor.u32 v6, v9;
	v58 =	vld.idx.msk [tilespmem:v58+s14+$0x0], $0xffff  }
0x11a: {  	v42 =	vor.u32 s25, v21;
	v28 =	vmov v10;
	v10 =	vor.u32 v13, v50;
	v60 =	vld.idx.msk [tilespmem:v60+s14+$0x0], $0xffff;
	[tilespmem:v61+s24+$0x0] =	vst.idx.msk $0xffff, v52  }
0x11b: {  	v43 =	vor.u32 s25, v22;
	v61 =	vld.idx.msk [tilespmem:v63+s14+$0x0], $0xffff;
	[tilespmem:v0+s24+$0x0] =	vst.idx.msk $0xffff, v54;
	v0 =	vor.u32 v6, v10  }
0x11c: {  	v32 =	vmov v12;
	v12 =	vor.u32 v5, v50;
	v11 =	vor.u32 v11, v50  }
0x11d: {  	v35 =	vmov v23;
	v4 =	vld.idx.msk [tilespmem:v4+s14+$0x0], $0xffff;
	[tilespmem:v8+s24+$0x0] =	vst.idx.msk $0xffff, v56;
	v8 =	vor.u32 v6, v11;
	v56 =	vor.u32 s25, v23  }
0x11e: {  	v63 =	vor.u32 s25, v26;
	v23 =	vmovc v5;
	v5 =	vor.u32 v17, v50;
	v52 =	vld.idx.msk [tilespmem:v36+s14+$0x0], $0xffff;
	v36 =	vor.u32 v6, v12  }
0x11f: {  	v16 =	vld [tilespmem:$0x1FEE0];
	[tilespmem:v42+s24+$0x0] =	vst.idx.msk $0xffff, v58;
	v54 =	vor.u32 v6, v5  }
0x120: {  	v0 =	vld.idx.msk [tilespmem:v0+s14+$0x0], $0xffff;
	[tilespmem:v43+s24+$0x0] =	vst.idx.msk $0xffff, v60;
	v60 =	vor.u32 s25, v33;
	_ =	sdelay $0x1  }
0x121: {  	v8 =	vld.idx.msk [tilespmem:v8+s14+$0x0], $0xffff;
	[tilespmem:v56+s24+$0x0] =	vst.idx.msk $0xffff, v61  }
0x122: {  	v58 =	vld.idx.msk [tilespmem:v36+s14+$0x0], $0xffff;
	[tilespmem:v63+s24+$0x0] =	vst.idx.msk $0xffff, v4  }
0x123: {  	v54 =	vld.idx.msk [tilespmem:v54+s14+$0x0], $0xffff  }
0x124: {  	[tilespmem:v60+s24+$0x0] =	vst.idx.msk $0xffff, v52;
	v60 =	vor.u32 s25, v16;
	v16 =	vld [tilespmem:$0x1FED0]  }
0x125: {  	v42 =	vmovc v40;
	v40 =	vmov v18;
	v18 =	vmov v15;
	v15 =	vmov v34  }
0x126: {  	v34 =	vmovc v22;
	v22 =	vmovc v17;
	v17 =	vmov v13;
	v13 =	vor.u32 v20, v50;
	v43 =	vmov v41  }
0x127: {  	v41 =	vmovc v39;
	v39 =	vmovc v37;
	v56 =	vor.u32 v6, v13;
	v61 =	vor.u32 s25, v38;
	v36 =	vmov v26  }
0x128: {  	v26 =	vmovc v7;
	v7 =	vor.u32 v19, v50;
	v63 =	vor.u32 s25, v37;
	v37 =	vmovc v33;
	v33 =	vmov v21  }
0x129: {  	v21 =	vmovc v20;
	v20 =	vmovc v19;
	v19 =	vmov v14;
	v14 =	vor.u32 v14, v50;
	v50 =	vor.u32 v16, v50;
	v16 =	vld [tilespmem:$0x1FEF0];
	_ =	sdelay $0x3  }
0x12a: {  	v4 =	vor.u32 v6, v7;
	v56 =	vld.idx.msk [tilespmem:v56+s14+$0x0], $0xffff  }
0x12b: {  	[tilespmem:v61+s24+$0x0] =	vst.idx.msk $0xffff, v0;
	v61 =	vor.u32 s25, v16;
	v16 =	vld [tilespmem:$0x1FF10];
	_ =	sdelay $0x3  }
0x12c: {  	v52 =	vor.u32 v6, v14;
	v4 =	vld.idx.msk [tilespmem:v4+s14+$0x0], $0xffff  }
0x12d: {  	[tilespmem:v63+s24+$0x0] =	vst.idx.msk $0xffff, v8;
	v63 =	vor.u32 s25, v16;
	v16 =	vld [tilespmem:$0x1FF20];
	_ =	sdelay $0x1  }
0x12e: {  	v8 =	vld [tilespmem:$0x1FF00];
	_ =	sdelay $0x1  }
0x12f: {  	v52 =	vld.idx.msk [tilespmem:v52+s14+$0x0], $0xffff  }
0x130: {  	[tilespmem:v60+s24+$0x0] =	vst.idx.msk $0xffff, v58;
	v0 =	vor.u32 v6, v50;
	v58 =	vor.u32 s25, v16;
	v16 =	vld [tilespmem:$0x1FF30];
	_ =	sdelay $0x1  }
0x131: {  	v8 =	vor.u32 s25, v8;
	_ =	sdelay $0x2  }
0x132: {  	v0 =	vld.idx.msk [tilespmem:v0+s14+$0x0], $0xffff;
	v60 =	vor.u32 s25, v16  }
0x133: {  	v51 =	vor.u32 v30, v51;
	[tilespmem:v61+s24+$0x0] =	vst.idx.msk $0xffff, v54  }
0x134: {  	[tilespmem:v8+s24+$0x0] =	vst.idx.msk $0xffff, v56;
	v8 =	vor.u32 v30, v53  }
0x135: {  	[tilespmem:v63+s24+$0x0] =	vst.idx.msk $0xffff, v4;
	v4 =	vor.u32 v30, v55  }
0x136: {  	v61 =	vor.u32 v30, v57;
	[tilespmem:v58+s24+$0x0] =	vst.idx.msk $0xffff, v52  }
0x137: {  	[tilespmem:v60+s24+$0x0] =	vst.idx.msk $0xffff, v0  }
0x138: {  	v57 =	vmov v46;
	v53 =	vor.u32 s25, v25;
	v0 =	vor.u32 v30, v59;
	v51 =	vld.idx.msk [tilespmem:v51+s14+$0x0], $0xffff  }
0x139: {  	v63 =	vor.u32 v30, v62;
	v60 =	vor.u32 s25, v57;
	v8 =	vld.idx.msk [tilespmem:v8+s14+$0x0], $0xffff  }
0x13a: {  	v46 =	vmov v47;
	v4 =	vld.idx.msk [tilespmem:v4+s14+$0x0], $0xffff  }
0x13b: {  	v1 =	vor.u32 v30, v1;
	v52 =	vld.idx.msk [tilespmem:v61+s14+$0x0], $0xffff;
	v61 =	vor.u32 s25, v46  }
0x13c: {  	v47 =	vmov v48  }
0x13d: {  	v9 =	vor.u32 v30, v9;
	v62 =	vor.u32 s25, v47;
	v0 =	vld.idx.msk [tilespmem:v0+s14+$0x0], $0xffff;
	[tilespmem:v53+s24+$0x0] =	vst.idx.msk $0xffff, v51  }
0x13e: {  	v48 =	vmov v2;
	v51 =	vld.idx.msk [tilespmem:v63+s14+$0x0], $0xffff;
	[tilespmem:v60+s24+$0x0] =	vst.idx.msk $0xffff, v8;
	v8 =	vor.u32 v30, v10  }
0x13f: {  	v10 =	vor.u32 s25, v48  }
0x140: {  	v1 =	vld.idx.msk [tilespmem:v1+s14+$0x0], $0xffff;
	[tilespmem:v61+s24+$0x0] =	vst.idx.msk $0xffff, v4;
	v4 =	vor.u32 v30, v11;
	v11 =	vor.u32 s25, v27  }
0x141: {  	v12 =	vor.u32 v30, v12  }
0x142: {  	v9 =	vld.idx.msk [tilespmem:v9+s14+$0x0], $0xffff;
	[tilespmem:v62+s24+$0x0] =	vst.idx.msk $0xffff, v52  }
0x143: {  	v63 =	vor.u32 s25, v29;
	v8 =	vld.idx.msk [tilespmem:v8+s14+$0x0], $0xffff  }
0x144: {  	[tilespmem:v10+s24+$0x0] =	vst.idx.msk $0xffff, v0;
	v0 =	vor.u32 v30, v5;
	v5 =	vor.u32 s25, v49;
	v10 =	vor.u32 v30, v13  }
0x145: {  	v13 =	vmovc v17;
	v17 =	vmov v22;
	v22 =	vmov v34;
	v34 =	vmov v15;
	v4 =	vld.idx.msk [tilespmem:v4+s14+$0x0], $0xffff;
	[tilespmem:v11+s24+$0x0] =	vst.idx.msk $0xffff, v51  }
0x146: {  	v11 =	vld.idx.msk [tilespmem:v12+s14+$0x0], $0xffff;
	v12 =	vor.u32 s25, v34  }
0x147: {  	v15 =	vmov v18  }
0x148: {  	[tilespmem:v63+s24+$0x0] =	vst.idx.msk $0xffff, v1;
	v1 =	vor.u32 v30, v7;
	v7 =	vor.u32 s25, v15  }
0x149: {  	v18 =	vmov v40;
	v0 =	vld.idx.msk [tilespmem:v0+s14+$0x0], $0xffff;
	[tilespmem:v5+s24+$0x0] =	vst.idx.msk $0xffff, v9;
	v5 =	vor.u32 v30, v14  }
0x14a: {  	v14 =	vmovc v19;
	v19 =	vmovc v20;
	v20 =	vmov v21;
	v21 =	vmov v33;
	v9 =	vld.idx.msk [tilespmem:v10+s14+$0x0], $0xffff;
	v10 =	vor.u32 s25, v18  }
0x14b: {  	v33 =	vmovc v37;
	v37 =	vmov v39;
	v39 =	vmov v41;
	[tilespmem:v12+s24+$0x0] =	vst.idx.msk $0xffff, v8;
	v8 =	vor.u32 v30, v50  }
0x14c: {  	v12 =	vor.u32 s25, v39  }
0x14d: {  	v1 =	vld.idx.msk [tilespmem:v1+s14+$0x0], $0xffff;
	[tilespmem:v7+s24+$0x0] =	vst.idx.msk $0xffff, v4;
	v4 =	vor.u32 s25, v42  }
0x14e: {  	v7 =	vor.u32 s25, v43  }
0x14f: {  	v5 =	vld.idx.msk [tilespmem:v5+s14+$0x0], $0xffff;
	[tilespmem:v10+s24+$0x0] =	vst.idx.msk $0xffff, v11;
	v10 =	vor.u32 s25, v44  }
0x150: {  	p2 =	sne.s32 s25, $0x70;
	v11 =	vor.u32 s25, v45;
	v8 =	vld.idx.msk [tilespmem:v8+s14+$0x0], $0xffff  }
.Ltmp0:
0x151: {  	v16 =	vld [tilespmem:$0x1FFB0];
	[tilespmem:v12+s24+$0x0] =	vst.idx.msk $0xffff, v0;
	(pc) =	sbr.rel @p2 .LBB2_5-.Ltmp0, $4  }
0x152: {  	v0 =	vld [tilespmem:$0x1FFF0];
	[tilespmem:v4+s24+$0x0] =	vst.idx.msk $0xffff, v9  }
0x153: {  	v2 =	vmov v3;
	v54 =	vmov v27;
	v53 =	vmov v29;
	v4 =	vld [tilespmem:$0x1FFE0];
	[tilespmem:v7+s24+$0x0] =	vst.idx.msk $0xffff, v1  }
0x154: {  	v40 =	vmovc v42;
	v41 =	vmovc v43;
	v12 =	vmov v32;
	v9 =	vmov v24;
	v1 =	vld [tilespmem:$0x1FFC0];
	v7 =	vmov v26;
	[tilespmem:v10+s24+$0x0] =	vst.idx.msk $0xffff, v5  }
0x155: {  	s25 =	sadd.s32 $0x10, s25;
	v26 =	vmovc v36;
	v10 =	vmovc v28;
	v5 =	vmov v23;
	v23 =	vmov v35;
	[tilespmem:v11+s24+$0x0] =	vst.idx.msk $0xffff, v8;
	v11 =	vmov v31;
	v8 =	vld [tilespmem:$0x1FFD0]  }
0x156: {  	s23 =	sshll.u32 s23, $0x11  }
0x157: {  	s24 =	sand.u32 $0x1, s22;
	s23 =	sor.u32 s4, s23  }
0x158: {  	p2 =	seq.s32 s24, $0x1;
	s23 =	sshrl.u32 s23, $0x3  }
0x159: {  	s25 =	simm.s32 @p2 $0x0;
	s26 =	simm.s32 @p2 $0x17400;
	s24 =	sadd.s32 s1, s23  }
0x15a: {  	[hbm4b:s24+s25] =	stream.linear.scatter @p2 [tilespmem:s26], [sflag:$0x3], $0x400, $0x38;
	[tilespmem:$0x18400] =	vst v63  }
0x15b: {  	s28 =	simm.s32 @p2 $0x17800;
	s26 =	sadd.s32 s23, s7  }
0x15c: {  	[hbm4b:s26+s25] =	stream.linear.scatter @p2 [tilespmem:s28], [sflag:$0x3], $0x400, $0x38;
	[tilespmem:$0x18400] =	vst v63  }
0x15d: {  	s29 =	simm.s32 @p2 $0x17C00;
	s28 =	sadd.s32 s23, s8  }
0x15e: {  	[hbm4b:s28+s25] =	stream.linear.scatter @p2 [tilespmem:s29], [sflag:$0x3], $0x400, $0x38;
	[tilespmem:$0x18400] =	vst v63  }
0x15f: {  	s23 =	sadd.s32 s23, s9;
	s29 =	simm.s32 @p2 $0x18000  }
0x160: {  	[hbm4b:s23+s25] =	stream.linear.scatter @p2 [tilespmem:s29], [sflag:$0x3], $0x400, $0x38;
	[tilespmem:$0x18400] =	vst v63  }
0x161: {  	s25 =	simm.s32 @!p2 $0x0;
	s29 =	simm.s32 @!p2 $0x16400  }
0x162: {  	[hbm4b:s24+s25] =	stream.linear.scatter @!p2 [tilespmem:s29], [sflag:$0x2], $0x400, $0x38;
	[tilespmem:$0x18400] =	vst v63  }
0x163: {  	s24 =	simm.s32 @!p2 $0x16800  }
0x164: {  	[hbm4b:s26+s25] =	stream.linear.scatter @!p2 [tilespmem:s24], [sflag:$0x2], $0x400, $0x38;
	[tilespmem:$0x18400] =	vst v63  }
0x165: {  	s24 =	simm.s32 @!p2 $0x16C00  }
0x166: {  	[hbm4b:s28+s25] =	stream.linear.scatter @!p2 [tilespmem:s24], [sflag:$0x2], $0x400, $0x38;
	[tilespmem:$0x18400] =	vst v63  }
0x167: {  	s22 =	sadd.s32 $0x1, s22;
	s24 =	simm.s32 @!p2 $0x17000  }
0x168: {  	[hbm4b:s23+s25] =	stream.linear.scatter @!p2 [tilespmem:s24], [sflag:$0x2], $0x400, $0x38;
	[tilespmem:$0x18400] =	vst v63  }
0x169: {  	p2 =	seq.s32 s22, $0x8  }
.Ltmp1:
0x16a: {  	_ = 	snop;
	(pc) =	sbr.rel @!p2 .LBB2_4-.Ltmp1, $2  }
0x16b: {  	_ =	sdelay $0x2  }
0x16c: {  	s20 =	sadd.s32 $0x80, s20  }
.Ltmp2:
0x16d: {  	(pc) =	sbr.rel @!p1 .LBB2_3-.Ltmp2, $2  }
0x16e: {  	_ =	sdelay $0x2  }
0x16f: {  	p0 =	por !p0, !p0  }
0x170: {  	_ =	swait.ge [sflag:s15], $0x8000  }
0x171: {  	[sflag:s15] =	ssyncset.done $0x0  }
0x172: {  	[sflag:s15] =	ssyncadd.s32 $0xFFFF8000  }
0x173: {  	_ =	swait.ge [sflag:s16], $0x400  }
0x174: {  	[sflag:s16] =	ssyncset.done $0x0  }
0x175: {  	[sflag:s16] =	ssyncadd.s32 $0xFFFFFC00  }
0x176: {  	_ =	swait.ge [sflag:s16], $0x400  }
0x177: {  	[sflag:s16] =	ssyncset.done $0x0  }
0x178: {  	[sflag:s16] =	ssyncadd.s32 $0xFFFFFC00  }
0x179: {  	_ =	swait.ge [sflag:s16], $0x400  }
0x17a: {  	[sflag:s16] =	ssyncset.done $0x0  }
0x17b: {  	[sflag:s16] =	ssyncadd.s32 $0xFFFFFC00  }
0x17c: {  	_ =	swait.ge [sflag:s16], $0x400  }
0x17d: {  	[sflag:s16] =	ssyncset.done $0x0  }
0x17e: {  	[sflag:s16] =	ssyncadd.s32 $0xFFFFFC00  }
0x17f: {  	_ =	swait.ge [sflag:s17], $0x400  }
0x180: {  	[sflag:s17] =	ssyncset.done $0x0  }
0x181: {  	[sflag:s17] =	ssyncadd.s32 $0xFFFFFC00  }
0x182: {  	_ =	swait.ge [sflag:s17], $0x400  }
0x183: {  	[sflag:s17] =	ssyncset.done $0x0  }
0x184: {  	s18 =	sadd.s32 $0x1, s18;
	[sflag:s17] =	ssyncadd.s32 $0xFFFFFC00  }
0x185: {  	p0 =	sne.s32 s18, s10;
	_ =	swait.ge [sflag:s17], $0x400  }
.Ltmp3:
0x186: {  	[sflag:s17] =	ssyncset.done $0x0;
	(pc) =	sbr.rel @p0 .LBB2_1-.Ltmp3, $4  }
0x187: {  	[sflag:s17] =	ssyncadd.s32 $0xFFFFFC00  }
0x188: {  	_ =	swait.ge [sflag:s17], $0x400  }
0x189: {  	[sflag:s17] =	ssyncset.done $0x0  }
0x18a: {  	[sflag:s17] =	ssyncadd.s32 $0xFFFFFC00  }
0x18b: {  	_ =	sfence.sel $0x180000  }
0x18c: {  	[bflag:$0x0] =	sbarrier.arrive $0xFFFF  }
0x18d: {  	p0 =	sne.s32 s2, $0x0;
	_ =	strace $0x9000004A  }
0x18e: {  	s0 =	sadd.s32 @!p0 $0x100000, s0;
	[bflag:$0x2] =	sbarrier.arrive $0xFFFF  }
0x18f: {  	[sflag:s0] =	ssyncadd.tile.s32 @!p0 $0x1;
	_ =	shalt  }
.Lfunc_end2:
_tile_overlayer_lowered:
.L_overlay_start_2:
0x190: {  	(tag) =	ssettag $0x2  }
0x191: {  	s0 =	rddreg [dreg:$0x0];
	s2 =	stileid.u32  }
0x192: {  	s1 =	rddreg [dreg:$0x1];
	p0 =	sne.s32 s2, $0x0  }
0x193: {  	s3 =	rddreg [dreg:$0x2];
	[bflag:$0x3] =	sbarrier.arrive $0xFFFF;
	s2 =	simm.s32 @!p0 $0x1C04  }
0x194: {  	[timem:s3], [sflag:s2] =	dma.local @!p0 [hbm:s0], s1  }
0x195: {  	s0 =	simm.s32 @!p0 $0x4  }
0x196: {  	_ =	swait.ge @!p0 [sflag:s0], s1  }
0x197: {  	s1 =	ssub.s32 @!p0 $0x0, s1;
	[sflag:s0] =	ssyncset.done @!p0 $0x0  }
0x198: {  	[sflag:s0] =	ssyncadd.s32 @!p0 s1  }
0x199: {  	[bflag:$0x3] =	sbarrier.arrive $0xFFFF  }
0x19a: {  	_ =	shalt  }

</sc_bundles>
